<compile_context>
chip_gen: v7x
topology: tpu7x:2x2x1
jax: 0.10.2.dev20260603
libtpu: 0.0.44.dev20260713+nightly
codegen_flags: <defaults>
</compile_context>

<pallas_src>
import functools

import jax
import jax.numpy as jnp
from jax import lax
from jax.experimental import pallas as pl
from jax.experimental.pallas import tpu as pltpu
from jax.experimental.pallas import tpu_sc as plsc

NUM_CLASSES = 100000
FEAT_DIM = 64
BATCH = 1024
ALPHA = 0.5
BETA = 0.05
MARGIN = 15.0

NC, NS = 2, 16
NW = NC * NS
B_PER_W = BATCH // NW

def _worker_id():
    return lax.axis_index("s") * NC + lax.axis_index("c")


@functools.cache
def _sc_gather_kernel():
    @functools.partial(
        pl.kernel,
        out_type=jax.ShapeDtypeStruct((BATCH, FEAT_DIM), jnp.float32),
        mesh=plsc.VectorSubcoreMesh(core_axis_name="c", subcore_axis_name="s",
                                    num_cores=NC, num_subcores=NS),
        scratch_types=[
            pltpu.VMEM((B_PER_W,), jnp.int32),
            pltpu.VMEM((B_PER_W, FEAT_DIM), jnp.float32),
            pltpu.SemaphoreType.DMA,
        ],
    )
    def _sc_gather(table_hbm, idx_hbm, out_hbm, idx_s, rows_v, sem):
        base = _worker_id() * B_PER_W
        pltpu.sync_copy(idx_hbm.at[pl.ds(base, B_PER_W)], idx_s)
        handles = []
        for g in range(B_PER_W // 16):
            vec = idx_s[pl.ds(g * 16, 16)]
            for l in range(16):
                handles.append(pltpu.async_copy(
                    table_hbm.at[pl.ds(vec[l], 1)],
                    rows_v.at[pl.ds(g * 16 + l, 1)], sem))
        for h in handles:
            h.wait()
        pltpu.sync_copy(rows_v, out_hbm.at[pl.ds(base, B_PER_W)])

    return _sc_gather


@functools.cache
def _sc_scatter_kernel():
    @functools.partial(
        pl.kernel,
        out_type=(),
        mesh=plsc.VectorSubcoreMesh(core_axis_name="c", subcore_axis_name="s",
                                    num_cores=NC, num_subcores=NS),
        scratch_types=[
            pltpu.VMEM((B_PER_W,), jnp.int32),
            pltpu.VMEM((B_PER_W,), jnp.int32),
            pltpu.VMEM((B_PER_W, FEAT_DIM), jnp.float32),
            pltpu.SemaphoreType.DMA,
            pltpu.SemaphoreType.DMA,
        ],
    )
    def _sc_scatter(rows_hbm, win_hbm, lab_hbm, table_ref,
                    win_s, lab_s, rows_v, sem1, sem2):
        base = _worker_id() * B_PER_W
        pltpu.sync_copy(win_hbm.at[pl.ds(base, B_PER_W)], win_s)
        pltpu.sync_copy(lab_hbm.at[pl.ds(base, B_PER_W)], lab_s)
        handles = []
        for g in range(B_PER_W // 16):
            vec = win_s[pl.ds(g * 16, 16)]
            for l in range(16):
                handles.append(pltpu.async_copy(
                    rows_hbm.at[pl.ds(vec[l], 1)],
                    rows_v.at[pl.ds(g * 16 + l, 1)], sem1))
        for h in handles:
            h.wait()
        handles = []
        for g in range(B_PER_W // 16):
            vec = lab_s[pl.ds(g * 16, 16)]
            for l in range(16):
                handles.append(pltpu.async_copy(
                    rows_v.at[pl.ds(g * 16 + l, 1)],
                    table_ref.at[pl.ds(vec[l], 1)], sem2))
        for h in handles:
            h.wait()

    return _sc_scatter


def _dense_body(feat_ref, cent_ref, cent_t_ref, labc_ref, labr_ref,
                rows_ref, win_ref, loss_ref):
    c = cent_ref[...]
    ct = cent_t_ref[...]
    f = feat_ref[...]
    labc = labc_ref[...]
    labr = labr_ref[...]

    sq_col = jnp.sum(c * c, axis=1, keepdims=True)
    sq_row = jnp.sum(ct * ct, axis=0, keepdims=True)
    g = lax.dot_general(c, ct, (((1,), (0,)), ((), ())),
                        preferred_element_type=jnp.float32,
                        precision=lax.Precision.HIGHEST)
    d2 = jnp.maximum(sq_col + sq_row - 2.0 * g, 0.0)
    dist = jnp.sqrt(d2)

    neq = (labc != labr)
    mask = jnp.where(neq & (dist <= MARGIN), 1.0, 0.0)

    nd = -dist
    min_v = jnp.min(nd * mask, axis=1, keepdims=True)
    numer = jnp.exp(nd - min_v) * mask
    numer = jnp.where(mask == 0.0, 0.0, numer)
    z = jnp.sum(numer, axis=1, keepdims=True) + 1e-06
    w = numer / z

    s = jnp.sum(w, axis=1, keepdims=True)
    wc = lax.dot_general(w, c, (((1,), (0,)), ((), ())),
                         preferred_element_type=jnp.float32,
                         precision=lax.Precision.HIGHEST)
    delta2 = c * s - wc
    delta2 = jnp.where(jnp.sum(mask) < 1.0, 0.0, delta2)

    rows_ref[...] = c - ALPHA * (c - f) - BETA * delta2

    jiota = lax.broadcasted_iota(jnp.int32, (BATCH, BATCH), 1)
    win_ref[...] = jnp.max(jnp.where(labc == labr, jiota, -1),
                           axis=1, keepdims=True)

    diff = c - f
    loss = jnp.mean(jnp.clip(diff * diff, 1e-12, 1e12))
    loss_ref[...] = jnp.broadcast_to(loss, (1, 1))


_dense = pl.pallas_call(
    _dense_body,
    out_shape=(
        jax.ShapeDtypeStruct((BATCH, FEAT_DIM), jnp.float32),
        jax.ShapeDtypeStruct((BATCH, 1), jnp.int32),
        jax.ShapeDtypeStruct((1, 1), jnp.float32),
    ),
    compiler_params=pltpu.CompilerParams(
        vmem_limit_bytes=100 * 1024 * 1024),
)


def kernel(features, labels, centers_table):
    labels = labels.astype(jnp.int32)
    centers = _sc_gather_kernel()(centers_table, labels)
    rows, winner, loss = _dense(
        features, centers, centers.T,
        labels.reshape(BATCH, 1), labels.reshape(1, BATCH))
    table_ref = jax.new_ref(centers_table)
    _sc_scatter_kernel()(rows, winner.reshape(BATCH), labels, table_ref)
    new_table = table_ref[...]
    return loss[0, 0], new_table

# --- scband reference (transcript-rebuilt; emitter-appended) ---
"""Pipeline reference for scband-center-loss-83090437308894 (READ-ONLY COPY).

The authoritative reference and input builder live on the scoring server;
editing this copy changes nothing except your own understanding.
"""

import jax, jax.numpy as jnp
import numpy as np

NUM_CLASSES = 100000
FEAT_DIM = 64
BATCH = 1024
SCALE = 1.0
ALPHA = 0.5
BETA = 0.05
MARGIN = 15.0


def softmax_weights(dist, mask):
    min_v = jnp.min(dist * mask, axis=1, keepdims=True)
    diff = dist - min_v
    numerator = jnp.exp(diff) * mask
    numerator = jnp.where(mask == 0, 0.0, numerator)
    Z = jnp.sum(numerator, axis=1, keepdims=True) + 1e-06
    W = numerator / Z
    return W


def setup_inputs(seed: int = 0) -> dict:
    key = jax.random.key(seed)
    k1, k2, k3 = jax.random.split(key, 3)
    features = jax.random.normal(k1, (BATCH, FEAT_DIM), dtype=jnp.float32)
    labels = jax.random.randint(k2, (BATCH,), 0, NUM_CLASSES)
    # learned buffer: class centers table
    centers_table = jax.random.normal(k3, (NUM_CLASSES, FEAT_DIM), dtype=jnp.float32)
    return {"features": features, "labels": labels, "centers_table": centers_table}


def reference(features, labels, centers_table):
    labels = labels.astype(jnp.int32)
    # gather centers for batch labels; detached in torch -> stop_gradient
    centers = jax.lax.stop_gradient(jnp.take(centers_table, labels, axis=0))
    delta1 = centers - features
    center_diff = centers[:, None, :] - centers[None, :, :]
    mask = (labels[None, :] != labels[:, None]).astype(jnp.float32)
    center_dist = jnp.linalg.norm(center_diff, axis=2)
    mask = mask * (center_dist <= MARGIN).astype(jnp.float32)
    # hard_mining = False branch
    weight = softmax_weights(-center_dist, mask)
    delta2 = (center_diff * weight[:, :, None]).sum(axis=1)
    # mask.sum() < 1 fallback, done branchlessly for jit-compat
    delta2 = jnp.where(mask.sum() < 1, jnp.zeros_like(delta2), delta2)
    dist = jnp.square(centers - features)
    # in-place buffer update: scatter-overwrite of updated centers
    new_centers_rows = centers - ALPHA * delta1 - BETA * delta2
    new_centers_table = centers_table.at[labels].set(new_centers_rows)
    loss = jnp.clip(dist, 1e-12, 1e12).mean()
    return loss * SCALE, new_centers_table

if __name__ == "__main__":
    import jax
    _d = setup_inputs()
    print(jax.jit(kernel)(*tuple(_d.values())))

</pallas_src>

<mosaic_0001>
#map = affine_map<(d0, d1) -> (0, 0)>
#map1 = affine_map<(d0, d1) -> (0)>
module attributes {stable_mosaic.version = 14 : i64} {
  func.func @new_body(%arg0: i32, %arg1: i32, %arg2: memref<1024x64xf32, #tpu.memory_space<hbm>>, %arg3: memref<1024xi32, #tpu.memory_space<hbm>>, %arg4: memref<1024xi32, #tpu.memory_space<hbm>>, %arg5: memref<100000x64xf32, #tpu.memory_space<hbm>>, %arg6: memref<100000x64xf32, #tpu.memory_space<hbm>>, %arg7: memref<32xi32, #tpu.memory_space<vmem>>, %arg8: memref<32xi32, #tpu.memory_space<vmem>>, %arg9: memref<32x64xf32, #tpu.memory_space<vmem>>, %arg10: memref<!tpu.dma_semaphore, #tpu.memory_space<semaphore_mem>>, %arg11: memref<!tpu.dma_semaphore, #tpu.memory_space<semaphore_mem>>) attributes {dimension_semantics = [#tpu.dimension_semantics<core_parallel>, #tpu.dimension_semantics<subcore_parallel>], iteration_bounds = array<i64: 2, 16>, scalar_prefetch = 0 : i64, scratch_operands = 5 : i64, tpu.core_type = #tpu.core_type<sc_vector_subcore>, window_params = [{transform_indices = #map}, {transform_indices = #map1}, {transform_indices = #map1}, {transform_indices = #map}, {transform_indices = #map}]} {
    %mul3A = arith.constant 2 : i32
    %mul3A_0 = arith.muli %arg1, %mul3A : i32
    %add3A = arith.addi %mul3A_0, %arg0 : i32
    %mul3A_1 = arith.constant 32 : i32
    %mul3A_2 = arith.muli %add3A, %mul3A_1 : i32
    "tpu.region"() ({
      %run_scoped3A = tpu.sem_alloc : memref<!tpu.dma_semaphore, #tpu.memory_space<semaphore_mem>>
      %dma_start3A_1418 = tpu.memref_slice %arg3[%mul3A_2] : memref<1024xi32, #tpu.memory_space<hbm>> -> memref<32xi32, #tpu.memory_space<hbm>>
      %dma_start3A_1419 = tpu.memref_slice %arg3[%mul3A_2] : memref<1024xi32, #tpu.memory_space<hbm>> -> memref<32xi32, #tpu.memory_space<hbm>>
      tpu.enqueue_dma source(%dma_start3A_1419 : memref<32xi32, #tpu.memory_space<hbm>>) target(%arg7 : memref<32xi32, #tpu.memory_space<vmem>>) target_semaphore(%run_scoped3A : memref<!tpu.dma_semaphore, #tpu.memory_space<semaphore_mem>>)
      %dma_wait3A_1420 = tpu.memref_slice %arg3[%mul3A_2] : memref<1024xi32, #tpu.memory_space<hbm>> -> memref<32xi32, #tpu.memory_space<hbm>>
      %dma_wait3A_1421 = tpu.memref_slice %arg3[%mul3A_2] : memref<1024xi32, #tpu.memory_space<hbm>> -> memref<32xi32, #tpu.memory_space<hbm>>
      tpu.wait_dma2 semaphore(%run_scoped3A : memref<!tpu.dma_semaphore, #tpu.memory_space<semaphore_mem>>) src(%dma_wait3A_1421 : memref<32xi32, #tpu.memory_space<hbm>>) dst(%arg7 : memref<32xi32, #tpu.memory_space<vmem>>)
      tpu.yield
    }) : () -> ()
    "tpu.region"() ({
      %run_scoped3A = tpu.sem_alloc : memref<!tpu.dma_semaphore, #tpu.memory_space<semaphore_mem>>
      %dma_start3A_1418 = tpu.memref_slice %arg4[%mul3A_2] : memref<1024xi32, #tpu.memory_space<hbm>> -> memref<32xi32, #tpu.memory_space<hbm>>
      %dma_start3A_1419 = tpu.memref_slice %arg4[%mul3A_2] : memref<1024xi32, #tpu.memory_space<hbm>> -> memref<32xi32, #tpu.memory_space<hbm>>
      tpu.enqueue_dma source(%dma_start3A_1419 : memref<32xi32, #tpu.memory_space<hbm>>) target(%arg8 : memref<32xi32, #tpu.memory_space<vmem>>) target_semaphore(%run_scoped3A : memref<!tpu.dma_semaphore, #tpu.memory_space<semaphore_mem>>)
      %dma_wait3A_1420 = tpu.memref_slice %arg4[%mul3A_2] : memref<1024xi32, #tpu.memory_space<hbm>> -> memref<32xi32, #tpu.memory_space<hbm>>
      %dma_wait3A_1421 = tpu.memref_slice %arg4[%mul3A_2] : memref<1024xi32, #tpu.memory_space<hbm>> -> memref<32xi32, #tpu.memory_space<hbm>>
      tpu.wait_dma2 semaphore(%run_scoped3A : memref<!tpu.dma_semaphore, #tpu.memory_space<semaphore_mem>>) src(%dma_wait3A_1421 : memref<32xi32, #tpu.memory_space<hbm>>) dst(%arg8 : memref<32xi32, #tpu.memory_space<vmem>>)
      tpu.yield
    }) : () -> ()
    %get3A = arith.constant 0 : index
    %get3A_3 = tpu.vector_load %arg7[%get3A] {strides = array<i32>} : memref<32xi32, #tpu.memory_space<vmem>>, vector<16xi32>,
    %get3A_4 = vector.shape_cast %get3A_3 : vector<16xi32> to vector<16xi32>
    %slice3A = vector.extract_strided_slice %get3A_4 {offsets = [0], sizes = [1], strides = [1]} : vector<16xi32> to vector<1xi32>
    %squeeze3A = vector.extract %slice3A[0] : i32 from vector<1xi32>
    %dma_start3A = arith.constant 0 : i32
    %dma_start3A_5 = arith.constant 0 : i32
    %dma_start3A_6 = tpu.memref_slice %arg9[%dma_start3A, %dma_start3A_5] : memref<32x64xf32, #tpu.memory_space<vmem>> -> memref<1x64xf32, #tpu.memory_space<vmem>>
    %dma_start3A_7 = arith.constant 0 : i32
    %dma_start3A_8 = tpu.memref_slice %arg2[%squeeze3A, %dma_start3A_7] : memref<1024x64xf32, #tpu.memory_space<hbm>> -> memref<1x64xf32, #tpu.memory_space<hbm>>
    %dma_start3A_9 = arith.constant 0 : i32
    %dma_start3A_10 = arith.constant 0 : i32
    %dma_start3A_11 = tpu.memref_slice %arg9[%dma_start3A_9, %dma_start3A_10] : memref<32x64xf32, #tpu.memory_space<vmem>> -> memref<1x64xf32, #tpu.memory_space<vmem>>
    %dma_start3A_12 = arith.constant 0 : i32
    %dma_start3A_13 = tpu.memref_slice %arg2[%squeeze3A, %dma_start3A_12] : memref<1024x64xf32, #tpu.memory_space<hbm>> -> memref<1x64xf32, #tpu.memory_space<hbm>>
    tpu.enqueue_dma source(%dma_start3A_13 : memref<1x64xf32, #tpu.memory_space<hbm>>) target(%dma_start3A_11 : memref<1x64xf32, #tpu.memory_space<vmem>>) target_semaphore(%arg10 : memref<!tpu.dma_semaphore, #tpu.memory_space<semaphore_mem>>)
    %slice3A_14 = vector.extract_strided_slice %get3A_4 {offsets = [1], sizes = [1], strides = [1]} : vector<16xi32> to vector<1xi32>
    %squeeze3A_15 = vector.extract %slice3A_14[0] : i32 from vector<1xi32>
    %dma_start3A_16 = arith.constant 1 : i32
    %dma_start3A_17 = arith.constant 0 : i32
    %dma_start3A_18 = tpu.memref_slice %arg9[%dma_start3A_16, %dma_start3A_17] : memref<32x64xf32, #tpu.memory_space<vmem>> -> memref<1x64xf32, #tpu.memory_space<vmem>>
    %dma_start3A_19 = arith.constant 0 : i32
    %dma_start3A_20 = tpu.memref_slice %arg2[%squeeze3A_15, %dma_start3A_19] : memref<1024x64xf32, #tpu.memory_space<hbm>> -> memref<1x64xf32, #tpu.memory_space<hbm>>
    %dma_start3A_21 = arith.constant 1 : i32
    %dma_start3A_22 = arith.constant 0 : i32
    %dma_start3A_23 = tpu.memref_slice %arg9[%dma_start3A_21, %dma_start3A_22] : memref<32x64xf32, #tpu.memory_space<vmem>> -> memref<1x64xf32, #tpu.memory_space<vmem>>
    %dma_start3A_24 = arith.constant 0 : i32
    %dma_start3A_25 = tpu.memref_slice %arg2[%squeeze3A_15, %dma_start3A_24] : memref<1024x64xf32, #tpu.memory_space<hbm>> -> memref<1x64xf32, #tpu.memory_space<hbm>>
    tpu.enqueue_dma source(%dma_start3A_25 : memref<1x64xf32, #tpu.memory_space<hbm>>) target(%dma_start3A_23 : memref<1x64xf32, #tpu.memory_space<vmem>>) target_semaphore(%arg10 : memref<!tpu.dma_semaphore, #tpu.memory_space<semaphore_mem>>)
    %slice3A_26 = vector.extract_strided_slice %get3A_4 {offsets = [2], sizes = [1], strides = [1]} : vector<16xi32> to vector<1xi32>
    %squeeze3A_27 = vector.extract %slice3A_26[0] : i32 from vector<1xi32>
    %dma_start3A_28 = arith.constant 2 : i32
    %dma_start3A_29 = arith.constant 0 : i32
    %dma_start3A_30 = tpu.memref_slice %arg9[%dma_start3A_28, %dma_start3A_29] : memref<32x64xf32, #tpu.memory_space<vmem>> -> memref<1x64xf32, #tpu.memory_space<vmem>>
    %dma_start3A_31 = arith.constant 0 : i32
    %dma_start3A_32 = tpu.memref_slice %arg2[%squeeze3A_27, %dma_start3A_31] : memref<1024x64xf32, #tpu.memory_space<hbm>> -> memref<1x64xf32, #tpu.memory_space<hbm>>
    %dma_start3A_33 = arith.constant 2 : i32
    %dma_start3A_34 = arith.constant 0 : i32
    %dma_start3A_35 = tpu.memref_slice %arg9[%dma_start3A_33, %dma_start3A_34] : memref<32x64xf32, #tpu.memory_space<vmem>> -> memref<1x64xf32, #tpu.memory_space<vmem>>
    %dma_start3A_36 = arith.constant 0 : i32
    %dma_start3A_37 = tpu.memref_slice %arg2[%squeeze3A_27, %dma_start3A_36] : memref<1024x64xf32, #tpu.memory_space<hbm>> -> memref<1x64xf32, #tpu.memory_space<hbm>>
    tpu.enqueue_dma source(%dma_start3A_37 : memref<1x64xf32, #tpu.memory_space<hbm>>) target(%dma_start3A_35 : memref<1x64xf32, #tpu.memory_space<vmem>>) target_semaphore(%arg10 : memref<!tpu.dma_semaphore, #tpu.memory_space<semaphore_mem>>)
    %slice3A_38 = vector.extract_strided_slice %get3A_4 {offsets = [3], sizes = [1], strides = [1]} : vector<16xi32> to vector<1xi32>
    %squeeze3A_39 = vector.extract %slice3A_38[0] : i32 from vector<1xi32>
    %dma_start3A_40 = arith.constant 3 : i32
    %dma_start3A_41 = arith.constant 0 : i32
    %dma_start3A_42 = tpu.memref_slice %arg9[%dma_start3A_40, %dma_start3A_41] : memref<32x64xf32, #tpu.memory_space<vmem>> -> memref<1x64xf32, #tpu.memory_space<vmem>>
    %dma_start3A_43 = arith.constant 0 : i32
    %dma_start3A_44 = tpu.memref_slice %arg2[%squeeze3A_39, %dma_start3A_43] : memref<1024x64xf32, #tpu.memory_space<hbm>> -> memref<1x64xf32, #tpu.memory_space<hbm>>
    %dma_start3A_45 = arith.constant 3 : i32
    %dma_start3A_46 = arith.constant 0 : i32
    %dma_start3A_47 = tpu.memref_slice %arg9[%dma_start3A_45, %dma_start3A_46] : memref<32x64xf32, #tpu.memory_space<vmem>> -> memref<1x64xf32, #tpu.memory_space<vmem>>
    %dma_start3A_48 = arith.constant 0 : i32
    %dma_start3A_49 = tpu.memref_slice %arg2[%squeeze3A_39, %dma_start3A_48] : memref<1024x64xf32, #tpu.memory_space<hbm>> -> memref<1x64xf32, #tpu.memory_space<hbm>>
    tpu.enqueue_dma source(%dma_start3A_49 : memref<1x64xf32, #tpu.memory_space<hbm>>) target(%dma_start3A_47 : memref<1x64xf32, #tpu.memory_space<vmem>>) target_semaphore(%arg10 : memref<!tpu.dma_semaphore, #tpu.memory_space<semaphore_mem>>)
    %slice3A_50 = vector.extract_strided_slice %get3A_4 {offsets = [4], sizes = [1], strides = [1]} : vector<16xi32> to vector<1xi32>
    %squeeze3A_51 = vector.extract %slice3A_50[0] : i32 from vector<1xi32>
    %dma_start3A_52 = arith.constant 4 : i32
    %dma_start3A_53 = arith.constant 0 : i32
    %dma_start3A_54 = tpu.memref_slice %arg9[%dma_start3A_52, %dma_start3A_53] : memref<32x64xf32, #tpu.memory_space<vmem>> -> memref<1x64xf32, #tpu.memory_space<vmem>>
    %dma_start3A_55 = arith.constant 0 : i32
    %dma_start3A_56 = tpu.memref_slice %arg2[%squeeze3A_51, %dma_start3A_55] : memref<1024x64xf32, #tpu.memory_space<hbm>> -> memref<1x64xf32, #tpu.memory_space<hbm>>
    %dma_start3A_57 = arith.constant 4 : i32
    %dma_start3A_58 = arith.constant 0 : i32
    %dma_start3A_59 = tpu.memref_slice %arg9[%dma_start3A_57, %dma_start3A_58] : memref<32x64xf32, #tpu.memory_space<vmem>> -> memref<1x64xf32, #tpu.memory_space<vmem>>
    %dma_start3A_60 = arith.constant 0 : i32
    %dma_start3A_61 = tpu.memref_slice %arg2[%squeeze3A_51, %dma_start3A_60] : memref<1024x64xf32, #tpu.memory_space<hbm>> -> memref<1x64xf32, #tpu.memory_space<hbm>>
    tpu.enqueue_dma source(%dma_start3A_61 : memref<1x64xf32, #tpu.memory_space<hbm>>) target(%dma_start3A_59 : memref<1x64xf32, #tpu.memory_space<vmem>>) target_semaphore(%arg10 : memref<!tpu.dma_semaphore, #tpu.memory_space<semaphore_mem>>)
    %slice3A_62 = vector.extract_strided_slice %get3A_4 {offsets = [5], sizes = [1], strides = [1]} : vector<16xi32> to vector<1xi32>
    %squeeze3A_63 = vector.extract %slice3A_62[0] : i32 from vector<1xi32>
    %dma_start3A_64 = arith.constant 5 : i32
    %dma_start3A_65 = arith.constant 0 : i32
    %dma_start3A_66 = tpu.memref_slice %arg9[%dma_start3A_64, %dma_start3A_65] : memref<32x64xf32, #tpu.memory_space<vmem>> -> memref<1x64xf32, #tpu.memory_space<vmem>>
    %dma_start3A_67 = arith.constant 0 : i32
    %dma_start3A_68 = tpu.memref_slice %arg2[%squeeze3A_63, %dma_start3A_67] : memref<1024x64xf32, #tpu.memory_space<hbm>> -> memref<1x64xf32, #tpu.memory_space<hbm>>
    %dma_start3A_69 = arith.constant 5 : i32
    %dma_start3A_70 = arith.constant 0 : i32
    %dma_start3A_71 = tpu.memref_slice %arg9[%dma_start3A_69, %dma_start3A_70] : memref<32x64xf32, #tpu.memory_space<vmem>> -> memref<1x64xf32, #tpu.memory_space<vmem>>
    %dma_start3A_72 = arith.constant 0 : i32
    %dma_start3A_73 = tpu.memref_slice %arg2[%squeeze3A_63, %dma_start3A_72] : memref<1024x64xf32, #tpu.memory_space<hbm>> -> memref<1x64xf32, #tpu.memory_space<hbm>>
    tpu.enqueue_dma source(%dma_start3A_73 : memref<1x64xf32, #tpu.memory_space<hbm>>) target(%dma_start3A_71 : memref<1x64xf32, #tpu.memory_space<vmem>>) target_semaphore(%arg10 : memref<!tpu.dma_semaphore, #tpu.memory_space<semaphore_mem>>)
    %slice3A_74 = vector.extract_strided_slice %get3A_4 {offsets = [6], sizes = [1], strides = [1]} : vector<16xi32> to vector<1xi32>
    %squeeze3A_75 = vector.extract %slice3A_74[0] : i32 from vector<1xi32>
    %dma_start3A_76 = arith.constant 6 : i32
    %dma_start3A_77 = arith.constant 0 : i32
    %dma_start3A_78 = tpu.memref_slice %arg9[%dma_start3A_76, %dma_start3A_77] : memref<32x64xf32, #tpu.memory_space<vmem>> -> memref<1x64xf32, #tpu.memory_space<vmem>>
    %dma_start3A_79 = arith.constant 0 : i32
    %dma_start3A_80 = tpu.memref_slice %arg2[%squeeze3A_75, %dma_start3A_79] : memref<1024x64xf32, #tpu.memory_space<hbm>> -> memref<1x64xf32, #tpu.memory_space<hbm>>
    %dma_start3A_81 = arith.constant 6 : i32
    %dma_start3A_82 = arith.constant 0 : i32
    %dma_start3A_83 = tpu.memref_slice %arg9[%dma_start3A_81, %dma_start3A_82] : memref<32x64xf32, #tpu.memory_space<vmem>> -> memref<1x64xf32, #tpu.memory_space<vmem>>
    %dma_start3A_84 = arith.constant 0 : i32
    %dma_start3A_85 = tpu.memref_slice %arg2[%squeeze3A_75, %dma_start3A_84] : memref<1024x64xf32, #tpu.memory_space<hbm>> -> memref<1x64xf32, #tpu.memory_space<hbm>>
    tpu.enqueue_dma source(%dma_start3A_85 : memref<1x64xf32, #tpu.memory_space<hbm>>) target(%dma_start3A_83 : memref<1x64xf32, #tpu.memory_space<vmem>>) target_semaphore(%arg10 : memref<!tpu.dma_semaphore, #tpu.memory_space<semaphore_mem>>)
    %slice3A_86 = vector.extract_strided_slice %get3A_4 {offsets = [7], sizes = [1], strides = [1]} : vector<16xi32> to vector<1xi32>
    %squeeze3A_87 = vector.extract %slice3A_86[0] : i32 from vector<1xi32>
    %dma_start3A_88 = arith.constant 7 : i32
    %dma_start3A_89 = arith.constant 0 : i32
    %dma_start3A_90 = tpu.memref_slice %arg9[%dma_start3A_88, %dma_start3A_89] : memref<32x64xf32, #tpu.memory_space<vmem>> -> memref<1x64xf32, #tpu.memory_space<vmem>>
    %dma_start3A_91 = arith.constant 0 : i32
    %dma_start3A_92 = tpu.memref_slice %arg2[%squeeze3A_87, %dma_start3A_91] : memref<1024x64xf32, #tpu.memory_space<hbm>> -> memref<1x64xf32, #tpu.memory_space<hbm>>
    %dma_start3A_93 = arith.constant 7 : i32
    %dma_start3A_94 = arith.constant 0 : i32
    %dma_start3A_95 = tpu.memref_slice %arg9[%dma_start3A_93, %dma_start3A_94] : memref<32x64xf32, #tpu.memory_space<vmem>> -> memref<1x64xf32, #tpu.memory_space<vmem>>
    %dma_start3A_96 = arith.constant 0 : i32
    %dma_start3A_97 = tpu.memref_slice %arg2[%squeeze3A_87, %dma_start3A_96] : memref<1024x64xf32, #tpu.memory_space<hbm>> -> memref<1x64xf32, #tpu.memory_space<hbm>>
    tpu.enqueue_dma source(%dma_start3A_97 : memref<1x64xf32, #tpu.memory_space<hbm>>) target(%dma_start3A_95 : memref<1x64xf32, #tpu.memory_space<vmem>>) target_semaphore(%arg10 : memref<!tpu.dma_semaphore, #tpu.memory_space<semaphore_mem>>)
    %slice3A_98 = vector.extract_strided_slice %get3A_4 {offsets = [8], sizes = [1], strides = [1]} : vector<16xi32> to vector<1xi32>
    %squeeze3A_99 = vector.extract %slice3A_98[0] : i32 from vector<1xi32>
    %dma_start3A_100 = arith.constant 8 : i32
    %dma_start3A_101 = arith.constant 0 : i32
    %dma_start3A_102 = tpu.memref_slice %arg9[%dma_start3A_100, %dma_start3A_101] : memref<32x64xf32, #tpu.memory_space<vmem>> -> memref<1x64xf32, #tpu.memory_space<vmem>>
    %dma_start3A_103 = arith.constant 0 : i32
    %dma_start3A_104 = tpu.memref_slice %arg2[%squeeze3A_99, %dma_start3A_103] : memref<1024x64xf32, #tpu.memory_space<hbm>> -> memref<1x64xf32, #tpu.memory_space<hbm>>
    %dma_start3A_105 = arith.constant 8 : i32
    %dma_start3A_106 = arith.constant 0 : i32
    %dma_start3A_107 = tpu.memref_slice %arg9[%dma_start3A_105, %dma_start3A_106] : memref<32x64xf32, #tpu.memory_space<vmem>> -> memref<1x64xf32, #tpu.memory_space<vmem>>
    %dma_start3A_108 = arith.constant 0 : i32
    %dma_start3A_109 = tpu.memref_slice %arg2[%squeeze3A_99, %dma_start3A_108] : memref<1024x64xf32, #tpu.memory_space<hbm>> -> memref<1x64xf32, #tpu.memory_space<hbm>>
    tpu.enqueue_dma source(%dma_start3A_109 : memref<1x64xf32, #tpu.memory_space<hbm>>) target(%dma_start3A_107 : memref<1x64xf32, #tpu.memory_space<vmem>>) target_semaphore(%arg10 : memref<!tpu.dma_semaphore, #tpu.memory_space<semaphore_mem>>)
    %slice3A_110 = vector.extract_strided_slice %get3A_4 {offsets = [9], sizes = [1], strides = [1]} : vector<16xi32> to vector<1xi32>
    %squeeze3A_111 = vector.extract %slice3A_110[0] : i32 from vector<1xi32>
    %dma_start3A_112 = arith.constant 9 : i32
    %dma_start3A_113 = arith.constant 0 : i32
    %dma_start3A_114 = tpu.memref_slice %arg9[%dma_start3A_112, %dma_start3A_113] : memref<32x64xf32, #tpu.memory_space<vmem>> -> memref<1x64xf32, #tpu.memory_space<vmem>>
    %dma_start3A_115 = arith.constant 0 : i32
    %dma_start3A_116 = tpu.memref_slice %arg2[%squeeze3A_111, %dma_start3A_115] : memref<1024x64xf32, #tpu.memory_space<hbm>> -> memref<1x64xf32, #tpu.memory_space<hbm>>
    %dma_start3A_117 = arith.constant 9 : i32
    %dma_start3A_118 = arith.constant 0 : i32
    %dma_start3A_119 = tpu.memref_slice %arg9[%dma_start3A_117, %dma_start3A_118] : memref<32x64xf32, #tpu.memory_space<vmem>> -> memref<1x64xf32, #tpu.memory_space<vmem>>
    %dma_start3A_120 = arith.constant 0 : i32
    %dma_start3A_121 = tpu.memref_slice %arg2[%squeeze3A_111, %dma_start3A_120] : memref<1024x64xf32, #tpu.memory_space<hbm>> -> memref<1x64xf32, #tpu.memory_space<hbm>>
    tpu.enqueue_dma source(%dma_start3A_121 : memref<1x64xf32, #tpu.memory_space<hbm>>) target(%dma_start3A_119 : memref<1x64xf32, #tpu.memory_space<vmem>>) target_semaphore(%arg10 : memref<!tpu.dma_semaphore, #tpu.memory_space<semaphore_mem>>)
    %slice3A_122 = vector.extract_strided_slice %get3A_4 {offsets = [10], sizes = [1], strides = [1]} : vector<16xi32> to vector<1xi32>
    %squeeze3A_123 = vector.extract %slice3A_122[0] : i32 from vector<1xi32>
    %dma_start3A_124 = arith.constant 10 : i32
    %dma_start3A_125 = arith.constant 0 : i32
    %dma_start3A_126 = tpu.memref_slice %arg9[%dma_start3A_124, %dma_start3A_125] : memref<32x64xf32, #tpu.memory_space<vmem>> -> memref<1x64xf32, #tpu.memory_space<vmem>>
    %dma_start3A_127 = arith.constant 0 : i32
    %dma_start3A_128 = tpu.memref_slice %arg2[%squeeze3A_123, %dma_start3A_127] : memref<1024x64xf32, #tpu.memory_space<hbm>> -> memref<1x64xf32, #tpu.memory_space<hbm>>
    %dma_start3A_129 = arith.constant 10 : i32
    %dma_start3A_130 = arith.constant 0 : i32
    %dma_start3A_131 = tpu.memref_slice %arg9[%dma_start3A_129, %dma_start3A_130] : memref<32x64xf32, #tpu.memory_space<vmem>> -> memref<1x64xf32, #tpu.memory_space<vmem>>
    %dma_start3A_132 = arith.constant 0 : i32
    %dma_start3A_133 = tpu.memref_slice %arg2[%squeeze3A_123, %dma_start3A_132] : memref<1024x64xf32, #tpu.memory_space<hbm>> -> memref<1x64xf32, #tpu.memory_space<hbm>>
    tpu.enqueue_dma source(%dma_start3A_133 : memref<1x64xf32, #tpu.memory_space<hbm>>) target(%dma_start3A_131 : memref<1x64xf32, #tpu.memory_space<vmem>>) target_semaphore(%arg10 : memref<!tpu.dma_semaphore, #tpu.memory_space<semaphore_mem>>)
    %slice3A_134 = vector.extract_strided_slice %get3A_4 {offsets = [11], sizes = [1], strides = [1]} : vector<16xi32> to vector<1xi32>
    %squeeze3A_135 = vector.extract %slice3A_134[0] : i32 from vector<1xi32>
    %dma_start3A_136 = arith.constant 11 : i32
    %dma_start3A_137 = arith.constant 0 : i32
    %dma_start3A_138 = tpu.memref_slice %arg9[%dma_start3A_136, %dma_start3A_137] : memref<32x64xf32, #tpu.memory_space<vmem>> -> memref<1x64xf32, #tpu.memory_space<vmem>>
    %dma_start3A_139 = arith.constant 0 : i32
    %dma_start3A_140 = tpu.memref_slice %arg2[%squeeze3A_135, %dma_start3A_139] : memref<1024x64xf32, #tpu.memory_space<hbm>> -> memref<1x64xf32, #tpu.memory_space<hbm>>
    %dma_start3A_141 = arith.constant 11 : i32
    %dma_start3A_142 = arith.constant 0 : i32
    %dma_start3A_143 = tpu.memref_slice %arg9[%dma_start3A_141, %dma_start3A_142] : memref<32x64xf32, #tpu.memory_space<vmem>> -> memref<1x64xf32, #tpu.memory_space<vmem>>
    %dma_start3A_144 = arith.constant 0 : i32
    %dma_start3A_145 = tpu.memref_slice %arg2[%squeeze3A_135, %dma_start3A_144] : memref<1024x64xf32, #tpu.memory_space<hbm>> -> memref<1x64xf32, #tpu.memory_space<hbm>>
    tpu.enqueue_dma source(%dma_start3A_145 : memref<1x64xf32, #tpu.memory_space<hbm>>) target(%dma_start3A_143 : memref<1x64xf32, #tpu.memory_space<vmem>>) target_semaphore(%arg10 : memref<!tpu.dma_semaphore, #tpu.memory_space<semaphore_mem>>)
    %slice3A_146 = vector.extract_strided_slice %get3A_4 {offsets = [12], sizes = [1], strides = [1]} : vector<16xi32> to vector<1xi32>
    %squeeze3A_147 = vector.extract %slice3A_146[0] : i32 from vector<1xi32>
    %dma_start3A_148 = arith.constant 12 : i32
    %dma_start3A_149 = arith.constant 0 : i32
    %dma_start3A_150 = tpu.memref_slice %arg9[%dma_start3A_148, %dma_start3A_149] : memref<32x64xf32, #tpu.memory_space<vmem>> -> memref<1x64xf32, #tpu.memory_space<vmem>>
    %dma_start3A_151 = arith.constant 0 : i32
    %dma_start3A_152 = tpu.memref_slice %arg2[%squeeze3A_147, %dma_start3A_151] : memref<1024x64xf32, #tpu.memory_space<hbm>> -> memref<1x64xf32, #tpu.memory_space<hbm>>
    %dma_start3A_153 = arith.constant 12 : i32
    %dma_start3A_154 = arith.constant 0 : i32
    %dma_start3A_155 = tpu.memref_slice %arg9[%dma_start3A_153, %dma_start3A_154] : memref<32x64xf32, #tpu.memory_space<vmem>> -> memref<1x64xf32, #tpu.memory_space<vmem>>
    %dma_start3A_156 = arith.constant 0 : i32
    %dma_start3A_157 = tpu.memref_slice %arg2[%squeeze3A_147, %dma_start3A_156] : memref<1024x64xf32, #tpu.memory_space<hbm>> -> memref<1x64xf32, #tpu.memory_space<hbm>>
    tpu.enqueue_dma source(%dma_start3A_157 : memref<1x64xf32, #tpu.memory_space<hbm>>) target(%dma_start3A_155 : memref<1x64xf32, #tpu.memory_space<vmem>>) target_semaphore(%arg10 : memref<!tpu.dma_semaphore, #tpu.memory_space<semaphore_mem>>)
    %slice3A_158 = vector.extract_strided_slice %get3A_4 {offsets = [13], sizes = [1], strides = [1]} : vector<16xi32> to vector<1xi32>
    %squeeze3A_159 = vector.extract %slice3A_158[0] : i32 from vector<1xi32>
    %dma_start3A_160 = arith.constant 13 : i32
    %dma_start3A_161 = arith.constant 0 : i32
    %dma_start3A_162 = tpu.memref_slice %arg9[%dma_start3A_160, %dma_start3A_161] : memref<32x64xf32, #tpu.memory_space<vmem>> -> memref<1x64xf32, #tpu.memory_space<vmem>>
    %dma_start3A_163 = arith.constant 0 : i32
    %dma_start3A_164 = tpu.memref_slice %arg2[%squeeze3A_159, %dma_start3A_163] : memref<1024x64xf32, #tpu.memory_space<hbm>> -> memref<1x64xf32, #tpu.memory_space<hbm>>
    %dma_start3A_165 = arith.constant 13 : i32
    %dma_start3A_166 = arith.constant 0 : i32
    %dma_start3A_167 = tpu.memref_slice %arg9[%dma_start3A_165, %dma_start3A_166] : memref<32x64xf32, #tpu.memory_space<vmem>> -> memref<1x64xf32, #tpu.memory_space<vmem>>
    %dma_start3A_168 = arith.constant 0 : i32
    %dma_start3A_169 = tpu.memref_slice %arg2[%squeeze3A_159, %dma_start3A_168] : memref<1024x64xf32, #tpu.memory_space<hbm>> -> memref<1x64xf32, #tpu.memory_space<hbm>>
    tpu.enqueue_dma source(%dma_start3A_169 : memref<1x64xf32, #tpu.memory_space<hbm>>) target(%dma_start3A_167 : memref<1x64xf32, #tpu.memory_space<vmem>>) target_semaphore(%arg10 : memref<!tpu.dma_semaphore, #tpu.memory_space<semaphore_mem>>)
    %slice3A_170 = vector.extract_strided_slice %get3A_4 {offsets = [14], sizes = [1], strides = [1]} : vector<16xi32> to vector<1xi32>
    %squeeze3A_171 = vector.extract %slice3A_170[0] : i32 from vector<1xi32>
    %dma_start3A_172 = arith.constant 14 : i32
    %dma_start3A_173 = arith.constant 0 : i32
    %dma_start3A_174 = tpu.memref_slice %arg9[%dma_start3A_172, %dma_start3A_173] : memref<32x64xf32, #tpu.memory_space<vmem>> -> memref<1x64xf32, #tpu.memory_space<vmem>>
    %dma_start3A_175 = arith.constant 0 : i32
    %dma_start3A_176 = tpu.memref_slice %arg2[%squeeze3A_171, %dma_start3A_175] : memref<1024x64xf32, #tpu.memory_space<hbm>> -> memref<1x64xf32, #tpu.memory_space<hbm>>
    %dma_start3A_177 = arith.constant 14 : i32
    %dma_start3A_178 = arith.constant 0 : i32
    %dma_start3A_179 = tpu.memref_slice %arg9[%dma_start3A_177, %dma_start3A_178] : memref<32x64xf32, #tpu.memory_space<vmem>> -> memref<1x64xf32, #tpu.memory_space<vmem>>
    %dma_start3A_180 = arith.constant 0 : i32
    %dma_start3A_181 = tpu.memref_slice %arg2[%squeeze3A_171, %dma_start3A_180] : memref<1024x64xf32, #tpu.memory_space<hbm>> -> memref<1x64xf32, #tpu.memory_space<hbm>>
    tpu.enqueue_dma source(%dma_start3A_181 : memref<1x64xf32, #tpu.memory_space<hbm>>) target(%dma_start3A_179 : memref<1x64xf32, #tpu.memory_space<vmem>>) target_semaphore(%arg10 : memref<!tpu.dma_semaphore, #tpu.memory_space<semaphore_mem>>)
    %slice3A_182 = vector.extract_strided_slice %get3A_4 {offsets = [15], sizes = [1], strides = [1]} : vector<16xi32> to vector<1xi32>
    %squeeze3A_183 = vector.extract %slice3A_182[0] : i32 from vector<1xi32>
    %dma_start3A_184 = arith.constant 15 : i32
    %dma_start3A_185 = arith.constant 0 : i32
    %dma_start3A_186 = tpu.memref_slice %arg9[%dma_start3A_184, %dma_start3A_185] : memref<32x64xf32, #tpu.memory_space<vmem>> -> memref<1x64xf32, #tpu.memory_space<vmem>>
    %dma_start3A_187 = arith.constant 0 : i32
    %dma_start3A_188 = tpu.memref_slice %arg2[%squeeze3A_183, %dma_start3A_187] : memref<1024x64xf32, #tpu.memory_space<hbm>> -> memref<1x64xf32, #tpu.memory_space<hbm>>
    %dma_start3A_189 = arith.constant 15 : i32
    %dma_start3A_190 = arith.constant 0 : i32
    %dma_start3A_191 = tpu.memref_slice %arg9[%dma_start3A_189, %dma_start3A_190] : memref<32x64xf32, #tpu.memory_space<vmem>> -> memref<1x64xf32, #tpu.memory_space<vmem>>
    %dma_start3A_192 = arith.constant 0 : i32
    %dma_start3A_193 = tpu.memref_slice %arg2[%squeeze3A_183, %dma_start3A_192] : memref<1024x64xf32, #tpu.memory_space<hbm>> -> memref<1x64xf32, #tpu.memory_space<hbm>>
    tpu.enqueue_dma source(%dma_start3A_193 : memref<1x64xf32, #tpu.memory_space<hbm>>) target(%dma_start3A_191 : memref<1x64xf32, #tpu.memory_space<vmem>>) target_semaphore(%arg10 : memref<!tpu.dma_semaphore, #tpu.memory_space<semaphore_mem>>)
    %get3A_194 = arith.constant 16 : index
    %get3A_195 = tpu.vector_load %arg7[%get3A_194] {strides = array<i32>} : memref<32xi32, #tpu.memory_space<vmem>>, vector<16xi32>,
    %get3A_196 = vector.shape_cast %get3A_195 : vector<16xi32> to vector<16xi32>
    %slice3A_197 = vector.extract_strided_slice %get3A_196 {offsets = [0], sizes = [1], strides = [1]} : vector<16xi32> to vector<1xi32>
    %squeeze3A_198 = vector.extract %slice3A_197[0] : i32 from vector<1xi32>
    %dma_start3A_199 = arith.constant 16 : i32
    %dma_start3A_200 = arith.constant 0 : i32
    %dma_start3A_201 = tpu.memref_slice %arg9[%dma_start3A_199, %dma_start3A_200] : memref<32x64xf32, #tpu.memory_space<vmem>> -> memref<1x64xf32, #tpu.memory_space<vmem>>
    %dma_start3A_202 = arith.constant 0 : i32
    %dma_start3A_203 = tpu.memref_slice %arg2[%squeeze3A_198, %dma_start3A_202] : memref<1024x64xf32, #tpu.memory_space<hbm>> -> memref<1x64xf32, #tpu.memory_space<hbm>>
    %dma_start3A_204 = arith.constant 16 : i32
    %dma_start3A_205 = arith.constant 0 : i32
    %dma_start3A_206 = tpu.memref_slice %arg9[%dma_start3A_204, %dma_start3A_205] : memref<32x64xf32, #tpu.memory_space<vmem>> -> memref<1x64xf32, #tpu.memory_space<vmem>>
    %dma_start3A_207 = arith.constant 0 : i32
    %dma_start3A_208 = tpu.memref_slice %arg2[%squeeze3A_198, %dma_start3A_207] : memref<1024x64xf32, #tpu.memory_space<hbm>> -> memref<1x64xf32, #tpu.memory_space<hbm>>
    tpu.enqueue_dma source(%dma_start3A_208 : memref<1x64xf32, #tpu.memory_space<hbm>>) target(%dma_start3A_206 : memref<1x64xf32, #tpu.memory_space<vmem>>) target_semaphore(%arg10 : memref<!tpu.dma_semaphore, #tpu.memory_space<semaphore_mem>>)
    %slice3A_209 = vector.extract_strided_slice %get3A_196 {offsets = [1], sizes = [1], strides = [1]} : vector<16xi32> to vector<1xi32>
    %squeeze3A_210 = vector.extract %slice3A_209[0] : i32 from vector<1xi32>
    %dma_start3A_211 = arith.constant 17 : i32
    %dma_start3A_212 = arith.constant 0 : i32
    %dma_start3A_213 = tpu.memref_slice %arg9[%dma_start3A_211, %dma_start3A_212] : memref<32x64xf32, #tpu.memory_space<vmem>> -> memref<1x64xf32, #tpu.memory_space<vmem>>
    %dma_start3A_214 = arith.constant 0 : i32
    %dma_start3A_215 = tpu.memref_slice %arg2[%squeeze3A_210, %dma_start3A_214] : memref<1024x64xf32, #tpu.memory_space<hbm>> -> memref<1x64xf32, #tpu.memory_space<hbm>>
    %dma_start3A_216 = arith.constant 17 : i32
    %dma_start3A_217 = arith.constant 0 : i32
    %dma_start3A_218 = tpu.memref_slice %arg9[%dma_start3A_216, %dma_start3A_217] : memref<32x64xf32, #tpu.memory_space<vmem>> -> memref<1x64xf32, #tpu.memory_space<vmem>>
    %dma_start3A_219 = arith.constant 0 : i32
    %dma_start3A_220 = tpu.memref_slice %arg2[%squeeze3A_210, %dma_start3A_219] : memref<1024x64xf32, #tpu.memory_space<hbm>> -> memref<1x64xf32, #tpu.memory_space<hbm>>
    tpu.enqueue_dma source(%dma_start3A_220 : memref<1x64xf32, #tpu.memory_space<hbm>>) target(%dma_start3A_218 : memref<1x64xf32, #tpu.memory_space<vmem>>) target_semaphore(%arg10 : memref<!tpu.dma_semaphore, #tpu.memory_space<semaphore_mem>>)
    %slice3A_221 = vector.extract_strided_slice %get3A_196 {offsets = [2], sizes = [1], strides = [1]} : vector<16xi32> to vector<1xi32>
    %squeeze3A_222 = vector.extract %slice3A_221[0] : i32 from vector<1xi32>
    %dma_start3A_223 = arith.constant 18 : i32
    %dma_start3A_224 = arith.constant 0 : i32
    %dma_start3A_225 = tpu.memref_slice %arg9[%dma_start3A_223, %dma_start3A_224] : memref<32x64xf32, #tpu.memory_space<vmem>> -> memref<1x64xf32, #tpu.memory_space<vmem>>
    %dma_start3A_226 = arith.constant 0 : i32
    %dma_start3A_227 = tpu.memref_slice %arg2[%squeeze3A_222, %dma_start3A_226] : memref<1024x64xf32, #tpu.memory_space<hbm>> -> memref<1x64xf32, #tpu.memory_space<hbm>>
    %dma_start3A_228 = arith.constant 18 : i32
    %dma_start3A_229 = arith.constant 0 : i32
    %dma_start3A_230 = tpu.memref_slice %arg9[%dma_start3A_228, %dma_start3A_229] : memref<32x64xf32, #tpu.memory_space<vmem>> -> memref<1x64xf32, #tpu.memory_space<vmem>>
    %dma_start3A_231 = arith.constant 0 : i32
    %dma_start3A_232 = tpu.memref_slice %arg2[%squeeze3A_222, %dma_start3A_231] : memref<1024x64xf32, #tpu.memory_space<hbm>> -> memref<1x64xf32, #tpu.memory_space<hbm>>
    tpu.enqueue_dma source(%dma_start3A_232 : memref<1x64xf32, #tpu.memory_space<hbm>>) target(%dma_start3A_230 : memref<1x64xf32, #tpu.memory_space<vmem>>) target_semaphore(%arg10 : memref<!tpu.dma_semaphore, #tpu.memory_space<semaphore_mem>>)
    %slice3A_233 = vector.extract_strided_slice %get3A_196 {offsets = [3], sizes = [1], strides = [1]} : vector<16xi32> to vector<1xi32>
    %squeeze3A_234 = vector.extract %slice3A_233[0] : i32 from vector<1xi32>
    %dma_start3A_235 = arith.constant 19 : i32
    %dma_start3A_236 = arith.constant 0 : i32
    %dma_start3A_237 = tpu.memref_slice %arg9[%dma_start3A_235, %dma_start3A_236] : memref<32x64xf32, #tpu.memory_space<vmem>> -> memref<1x64xf32, #tpu.memory_space<vmem>>
    %dma_start3A_238 = arith.constant 0 : i32
    %dma_start3A_239 = tpu.memref_slice %arg2[%squeeze3A_234, %dma_start3A_238] : memref<1024x64xf32, #tpu.memory_space<hbm>> -> memref<1x64xf32, #tpu.memory_space<hbm>>
    %dma_start3A_240 = arith.constant 19 : i32
    %dma_start3A_241 = arith.constant 0 : i32
    %dma_start3A_242 = tpu.memref_slice %arg9[%dma_start3A_240, %dma_start3A_241] : memref<32x64xf32, #tpu.memory_space<vmem>> -> memref<1x64xf32, #tpu.memory_space<vmem>>
    %dma_start3A_243 = arith.constant 0 : i32
    %dma_start3A_244 = tpu.memref_slice %arg2[%squeeze3A_234, %dma_start3A_243] : memref<1024x64xf32, #tpu.memory_space<hbm>> -> memref<1x64xf32, #tpu.memory_space<hbm>>
    tpu.enqueue_dma source(%dma_start3A_244 : memref<1x64xf32, #tpu.memory_space<hbm>>) target(%dma_start3A_242 : memref<1x64xf32, #tpu.memory_space<vmem>>) target_semaphore(%arg10 : memref<!tpu.dma_semaphore, #tpu.memory_space<semaphore_mem>>)
    %slice3A_245 = vector.extract_strided_slice %get3A_196 {offsets = [4], sizes = [1], strides = [1]} : vector<16xi32> to vector<1xi32>
    %squeeze3A_246 = vector.extract %slice3A_245[0] : i32 from vector<1xi32>
    %dma_start3A_247 = arith.constant 20 : i32
    %dma_start3A_248 = arith.constant 0 : i32
    %dma_start3A_249 = tpu.memref_slice %arg9[%dma_start3A_247, %dma_start3A_248] : memref<32x64xf32, #tpu.memory_space<vmem>> -> memref<1x64xf32, #tpu.memory_space<vmem>>
    %dma_start3A_250 = arith.constant 0 : i32
    %dma_start3A_251 = tpu.memref_slice %arg2[%squeeze3A_246, %dma_start3A_250] : memref<1024x64xf32, #tpu.memory_space<hbm>> -> memref<1x64xf32, #tpu.memory_space<hbm>>
    %dma_start3A_252 = arith.constant 20 : i32
    %dma_start3A_253 = arith.constant 0 : i32
    %dma_start3A_254 = tpu.memref_slice %arg9[%dma_start3A_252, %dma_start3A_253] : memref<32x64xf32, #tpu.memory_space<vmem>> -> memref<1x64xf32, #tpu.memory_space<vmem>>
    %dma_start3A_255 = arith.constant 0 : i32
    %dma_start3A_256 = tpu.memref_slice %arg2[%squeeze3A_246, %dma_start3A_255] : memref<1024x64xf32, #tpu.memory_space<hbm>> -> memref<1x64xf32, #tpu.memory_space<hbm>>
    tpu.enqueue_dma source(%dma_start3A_256 : memref<1x64xf32, #tpu.memory_space<hbm>>) target(%dma_start3A_254 : memref<1x64xf32, #tpu.memory_space<vmem>>) target_semaphore(%arg10 : memref<!tpu.dma_semaphore, #tpu.memory_space<semaphore_mem>>)
    %slice3A_257 = vector.extract_strided_slice %get3A_196 {offsets = [5], sizes = [1], strides = [1]} : vector<16xi32> to vector<1xi32>
    %squeeze3A_258 = vector.extract %slice3A_257[0] : i32 from vector<1xi32>
    %dma_start3A_259 = arith.constant 21 : i32
    %dma_start3A_260 = arith.constant 0 : i32
    %dma_start3A_261 = tpu.memref_slice %arg9[%dma_start3A_259, %dma_start3A_260] : memref<32x64xf32, #tpu.memory_space<vmem>> -> memref<1x64xf32, #tpu.memory_space<vmem>>
    %dma_start3A_262 = arith.constant 0 : i32
    %dma_start3A_263 = tpu.memref_slice %arg2[%squeeze3A_258, %dma_start3A_262] : memref<1024x64xf32, #tpu.memory_space<hbm>> -> memref<1x64xf32, #tpu.memory_space<hbm>>
    %dma_start3A_264 = arith.constant 21 : i32
    %dma_start3A_265 = arith.constant 0 : i32
    %dma_start3A_266 = tpu.memref_slice %arg9[%dma_start3A_264, %dma_start3A_265] : memref<32x64xf32, #tpu.memory_space<vmem>> -> memref<1x64xf32, #tpu.memory_space<vmem>>
    %dma_start3A_267 = arith.constant 0 : i32
    %dma_start3A_268 = tpu.memref_slice %arg2[%squeeze3A_258, %dma_start3A_267] : memref<1024x64xf32, #tpu.memory_space<hbm>> -> memref<1x64xf32, #tpu.memory_space<hbm>>
    tpu.enqueue_dma source(%dma_start3A_268 : memref<1x64xf32, #tpu.memory_space<hbm>>) target(%dma_start3A_266 : memref<1x64xf32, #tpu.memory_space<vmem>>) target_semaphore(%arg10 : memref<!tpu.dma_semaphore, #tpu.memory_space<semaphore_mem>>)
    %slice3A_269 = vector.extract_strided_slice %get3A_196 {offsets = [6], sizes = [1], strides = [1]} : vector<16xi32> to vector<1xi32>
    %squeeze3A_270 = vector.extract %slice3A_269[0] : i32 from vector<1xi32>
    %dma_start3A_271 = arith.constant 22 : i32
    %dma_start3A_272 = arith.constant 0 : i32
    %dma_start3A_273 = tpu.memref_slice %arg9[%dma_start3A_271, %dma_start3A_272] : memref<32x64xf32, #tpu.memory_space<vmem>> -> memref<1x64xf32, #tpu.memory_space<vmem>>
    %dma_start3A_274 = arith.constant 0 : i32
    %dma_start3A_275 = tpu.memref_slice %arg2[%squeeze3A_270, %dma_start3A_274] : memref<1024x64xf32, #tpu.memory_space<hbm>> -> memref<1x64xf32, #tpu.memory_space<hbm>>
    %dma_start3A_276 = arith.constant 22 : i32
    %dma_start3A_277 = arith.constant 0 : i32
    %dma_start3A_278 = tpu.memref_slice %arg9[%dma_start3A_276, %dma_start3A_277] : memref<32x64xf32, #tpu.memory_space<vmem>> -> memref<1x64xf32, #tpu.memory_space<vmem>>
    %dma_start3A_279 = arith.constant 0 : i32
    %dma_start3A_280 = tpu.memref_slice %arg2[%squeeze3A_270, %dma_start3A_279] : memref<1024x64xf32, #tpu.memory_space<hbm>> -> memref<1x64xf32, #tpu.memory_space<hbm>>
    tpu.enqueue_dma source(%dma_start3A_280 : memref<1x64xf32, #tpu.memory_space<hbm>>) target(%dma_start3A_278 : memref<1x64xf32, #tpu.memory_space<vmem>>) target_semaphore(%arg10 : memref<!tpu.dma_semaphore, #tpu.memory_space<semaphore_mem>>)
    %slice3A_281 = vector.extract_strided_slice %get3A_196 {offsets = [7], sizes = [1], strides = [1]} : vector<16xi32> to vector<1xi32>
    %squeeze3A_282 = vector.extract %slice3A_281[0] : i32 from vector<1xi32>
    %dma_start3A_283 = arith.constant 23 : i32
    %dma_start3A_284 = arith.constant 0 : i32
    %dma_start3A_285 = tpu.memref_slice %arg9[%dma_start3A_283, %dma_start3A_284] : memref<32x64xf32, #tpu.memory_space<vmem>> -> memref<1x64xf32, #tpu.memory_space<vmem>>
    %dma_start3A_286 = arith.constant 0 : i32
    %dma_start3A_287 = tpu.memref_slice %arg2[%squeeze3A_282, %dma_start3A_286] : memref<1024x64xf32, #tpu.memory_space<hbm>> -> memref<1x64xf32, #tpu.memory_space<hbm>>
    %dma_start3A_288 = arith.constant 23 : i32
    %dma_start3A_289 = arith.constant 0 : i32
    %dma_start3A_290 = tpu.memref_slice %arg9[%dma_start3A_288, %dma_start3A_289] : memref<32x64xf32, #tpu.memory_space<vmem>> -> memref<1x64xf32, #tpu.memory_space<vmem>>
    %dma_start3A_291 = arith.constant 0 : i32
    %dma_start3A_292 = tpu.memref_slice %arg2[%squeeze3A_282, %dma_start3A_291] : memref<1024x64xf32, #tpu.memory_space<hbm>> -> memref<1x64xf32, #tpu.memory_space<hbm>>
    tpu.enqueue_dma source(%dma_start3A_292 : memref<1x64xf32, #tpu.memory_space<hbm>>) target(%dma_start3A_290 : memref<1x64xf32, #tpu.memory_space<vmem>>) target_semaphore(%arg10 : memref<!tpu.dma_semaphore, #tpu.memory_space<semaphore_mem>>)
    %slice3A_293 = vector.extract_strided_slice %get3A_196 {offsets = [8], sizes = [1], strides = [1]} : vector<16xi32> to vector<1xi32>
    %squeeze3A_294 = vector.extract %slice3A_293[0] : i32 from vector<1xi32>
    %dma_start3A_295 = arith.constant 24 : i32
    %dma_start3A_296 = arith.constant 0 : i32
    %dma_start3A_297 = tpu.memref_slice %arg9[%dma_start3A_295, %dma_start3A_296] : memref<32x64xf32, #tpu.memory_space<vmem>> -> memref<1x64xf32, #tpu.memory_space<vmem>>
    %dma_start3A_298 = arith.constant 0 : i32
    %dma_start3A_299 = tpu.memref_slice %arg2[%squeeze3A_294, %dma_start3A_298] : memref<1024x64xf32, #tpu.memory_space<hbm>> -> memref<1x64xf32, #tpu.memory_space<hbm>>
    %dma_start3A_300 = arith.constant 24 : i32
    %dma_start3A_301 = arith.constant 0 : i32
    %dma_start3A_302 = tpu.memref_slice %arg9[%dma_start3A_300, %dma_start3A_301] : memref<32x64xf32, #tpu.memory_space<vmem>> -> memref<1x64xf32, #tpu.memory_space<vmem>>
    %dma_start3A_303 = arith.constant 0 : i32
    %dma_start3A_304 = tpu.memref_slice %arg2[%squeeze3A_294, %dma_start3A_303] : memref<1024x64xf32, #tpu.memory_space<hbm>> -> memref<1x64xf32, #tpu.memory_space<hbm>>
    tpu.enqueue_dma source(%dma_start3A_304 : memref<1x64xf32, #tpu.memory_space<hbm>>) target(%dma_start3A_302 : memref<1x64xf32, #tpu.memory_space<vmem>>) target_semaphore(%arg10 : memref<!tpu.dma_semaphore, #tpu.memory_space<semaphore_mem>>)
    %slice3A_305 = vector.extract_strided_slice %get3A_196 {offsets = [9], sizes = [1], strides = [1]} : vector<16xi32> to vector<1xi32>
    %squeeze3A_306 = vector.extract %slice3A_305[0] : i32 from vector<1xi32>
    %dma_start3A_307 = arith.constant 25 : i32
    %dma_start3A_308 = arith.constant 0 : i32
    %dma_start3A_309 = tpu.memref_slice %arg9[%dma_start3A_307, %dma_start3A_308] : memref<32x64xf32, #tpu.memory_space<vmem>> -> memref<1x64xf32, #tpu.memory_space<vmem>>
    %dma_start3A_310 = arith.constant 0 : i32
    %dma_start3A_311 = tpu.memref_slice %arg2[%squeeze3A_306, %dma_start3A_310] : memref<1024x64xf32, #tpu.memory_space<hbm>> -> memref<1x64xf32, #tpu.memory_space<hbm>>
    %dma_start3A_312 = arith.constant 25 : i32
    %dma_start3A_313 = arith.constant 0 : i32
    %dma_start3A_314 = tpu.memref_slice %arg9[%dma_start3A_312, %dma_start3A_313] : memref<32x64xf32, #tpu.memory_space<vmem>> -> memref<1x64xf32, #tpu.memory_space<vmem>>
    %dma_start3A_315 = arith.constant 0 : i32
    %dma_start3A_316 = tpu.memref_slice %arg2[%squeeze3A_306, %dma_start3A_315] : memref<1024x64xf32, #tpu.memory_space<hbm>> -> memref<1x64xf32, #tpu.memory_space<hbm>>
    tpu.enqueue_dma source(%dma_start3A_316 : memref<1x64xf32, #tpu.memory_space<hbm>>) target(%dma_start3A_314 : memref<1x64xf32, #tpu.memory_space<vmem>>) target_semaphore(%arg10 : memref<!tpu.dma_semaphore, #tpu.memory_space<semaphore_mem>>)
    %slice3A_317 = vector.extract_strided_slice %get3A_196 {offsets = [10], sizes = [1], strides = [1]} : vector<16xi32> to vector<1xi32>
    %squeeze3A_318 = vector.extract %slice3A_317[0] : i32 from vector<1xi32>
    %dma_start3A_319 = arith.constant 26 : i32
    %dma_start3A_320 = arith.constant 0 : i32
    %dma_start3A_321 = tpu.memref_slice %arg9[%dma_start3A_319, %dma_start3A_320] : memref<32x64xf32, #tpu.memory_space<vmem>> -> memref<1x64xf32, #tpu.memory_space<vmem>>
    %dma_start3A_322 = arith.constant 0 : i32
    %dma_start3A_323 = tpu.memref_slice %arg2[%squeeze3A_318, %dma_start3A_322] : memref<1024x64xf32, #tpu.memory_space<hbm>> -> memref<1x64xf32, #tpu.memory_space<hbm>>
    %dma_start3A_324 = arith.constant 26 : i32
    %dma_start3A_325 = arith.constant 0 : i32
    %dma_start3A_326 = tpu.memref_slice %arg9[%dma_start3A_324, %dma_start3A_325] : memref<32x64xf32, #tpu.memory_space<vmem>> -> memref<1x64xf32, #tpu.memory_space<vmem>>
    %dma_start3A_327 = arith.constant 0 : i32
    %dma_start3A_328 = tpu.memref_slice %arg2[%squeeze3A_318, %dma_start3A_327] : memref<1024x64xf32, #tpu.memory_space<hbm>> -> memref<1x64xf32, #tpu.memory_space<hbm>>
    tpu.enqueue_dma source(%dma_start3A_328 : memref<1x64xf32, #tpu.memory_space<hbm>>) target(%dma_start3A_326 : memref<1x64xf32, #tpu.memory_space<vmem>>) target_semaphore(%arg10 : memref<!tpu.dma_semaphore, #tpu.memory_space<semaphore_mem>>)
    %slice3A_329 = vector.extract_strided_slice %get3A_196 {offsets = [11], sizes = [1], strides = [1]} : vector<16xi32> to vector<1xi32>
    %squeeze3A_330 = vector.extract %slice3A_329[0] : i32 from vector<1xi32>
    %dma_start3A_331 = arith.constant 27 : i32
    %dma_start3A_332 = arith.constant 0 : i32
    %dma_start3A_333 = tpu.memref_slice %arg9[%dma_start3A_331, %dma_start3A_332] : memref<32x64xf32, #tpu.memory_space<vmem>> -> memref<1x64xf32, #tpu.memory_space<vmem>>
    %dma_start3A_334 = arith.constant 0 : i32
    %dma_start3A_335 = tpu.memref_slice %arg2[%squeeze3A_330, %dma_start3A_334] : memref<1024x64xf32, #tpu.memory_space<hbm>> -> memref<1x64xf32, #tpu.memory_space<hbm>>
    %dma_start3A_336 = arith.constant 27 : i32
    %dma_start3A_337 = arith.constant 0 : i32
    %dma_start3A_338 = tpu.memref_slice %arg9[%dma_start3A_336, %dma_start3A_337] : memref<32x64xf32, #tpu.memory_space<vmem>> -> memref<1x64xf32, #tpu.memory_space<vmem>>
    %dma_start3A_339 = arith.constant 0 : i32
    %dma_start3A_340 = tpu.memref_slice %arg2[%squeeze3A_330, %dma_start3A_339] : memref<1024x64xf32, #tpu.memory_space<hbm>> -> memref<1x64xf32, #tpu.memory_space<hbm>>
    tpu.enqueue_dma source(%dma_start3A_340 : memref<1x64xf32, #tpu.memory_space<hbm>>) target(%dma_start3A_338 : memref<1x64xf32, #tpu.memory_space<vmem>>) target_semaphore(%arg10 : memref<!tpu.dma_semaphore, #tpu.memory_space<semaphore_mem>>)
    %slice3A_341 = vector.extract_strided_slice %get3A_196 {offsets = [12], sizes = [1], strides = [1]} : vector<16xi32> to vector<1xi32>
    %squeeze3A_342 = vector.extract %slice3A_341[0] : i32 from vector<1xi32>
    %dma_start3A_343 = arith.constant 28 : i32
    %dma_start3A_344 = arith.constant 0 : i32
    %dma_start3A_345 = tpu.memref_slice %arg9[%dma_start3A_343, %dma_start3A_344] : memref<32x64xf32, #tpu.memory_space<vmem>> -> memref<1x64xf32, #tpu.memory_space<vmem>>
    %dma_start3A_346 = arith.constant 0 : i32
    %dma_start3A_347 = tpu.memref_slice %arg2[%squeeze3A_342, %dma_start3A_346] : memref<1024x64xf32, #tpu.memory_space<hbm>> -> memref<1x64xf32, #tpu.memory_space<hbm>>
    %dma_start3A_348 = arith.constant 28 : i32
    %dma_start3A_349 = arith.constant 0 : i32
    %dma_start3A_350 = tpu.memref_slice %arg9[%dma_start3A_348, %dma_start3A_349] : memref<32x64xf32, #tpu.memory_space<vmem>> -> memref<1x64xf32, #tpu.memory_space<vmem>>
    %dma_start3A_351 = arith.constant 0 : i32
    %dma_start3A_352 = tpu.memref_slice %arg2[%squeeze3A_342, %dma_start3A_351] : memref<1024x64xf32, #tpu.memory_space<hbm>> -> memref<1x64xf32, #tpu.memory_space<hbm>>
    tpu.enqueue_dma source(%dma_start3A_352 : memref<1x64xf32, #tpu.memory_space<hbm>>) target(%dma_start3A_350 : memref<1x64xf32, #tpu.memory_space<vmem>>) target_semaphore(%arg10 : memref<!tpu.dma_semaphore, #tpu.memory_space<semaphore_mem>>)
    %slice3A_353 = vector.extract_strided_slice %get3A_196 {offsets = [13], sizes = [1], strides = [1]} : vector<16xi32> to vector<1xi32>
    %squeeze3A_354 = vector.extract %slice3A_353[0] : i32 from vector<1xi32>
    %dma_start3A_355 = arith.constant 29 : i32
    %dma_start3A_356 = arith.constant 0 : i32
    %dma_start3A_357 = tpu.memref_slice %arg9[%dma_start3A_355, %dma_start3A_356] : memref<32x64xf32, #tpu.memory_space<vmem>> -> memref<1x64xf32, #tpu.memory_space<vmem>>
    %dma_start3A_358 = arith.constant 0 : i32
    %dma_start3A_359 = tpu.memref_slice %arg2[%squeeze3A_354, %dma_start3A_358] : memref<1024x64xf32, #tpu.memory_space<hbm>> -> memref<1x64xf32, #tpu.memory_space<hbm>>
    %dma_start3A_360 = arith.constant 29 : i32
    %dma_start3A_361 = arith.constant 0 : i32
    %dma_start3A_362 = tpu.memref_slice %arg9[%dma_start3A_360, %dma_start3A_361] : memref<32x64xf32, #tpu.memory_space<vmem>> -> memref<1x64xf32, #tpu.memory_space<vmem>>
    %dma_start3A_363 = arith.constant 0 : i32
    %dma_start3A_364 = tpu.memref_slice %arg2[%squeeze3A_354, %dma_start3A_363] : memref<1024x64xf32, #tpu.memory_space<hbm>> -> memref<1x64xf32, #tpu.memory_space<hbm>>
    tpu.enqueue_dma source(%dma_start3A_364 : memref<1x64xf32, #tpu.memory_space<hbm>>) target(%dma_start3A_362 : memref<1x64xf32, #tpu.memory_space<vmem>>) target_semaphore(%arg10 : memref<!tpu.dma_semaphore, #tpu.memory_space<semaphore_mem>>)
    %slice3A_365 = vector.extract_strided_slice %get3A_196 {offsets = [14], sizes = [1], strides = [1]} : vector<16xi32> to vector<1xi32>
    %squeeze3A_366 = vector.extract %slice3A_365[0] : i32 from vector<1xi32>
    %dma_start3A_367 = arith.constant 30 : i32
    %dma_start3A_368 = arith.constant 0 : i32
    %dma_start3A_369 = tpu.memref_slice %arg9[%dma_start3A_367, %dma_start3A_368] : memref<32x64xf32, #tpu.memory_space<vmem>> -> memref<1x64xf32, #tpu.memory_space<vmem>>
    %dma_start3A_370 = arith.constant 0 : i32
    %dma_start3A_371 = tpu.memref_slice %arg2[%squeeze3A_366, %dma_start3A_370] : memref<1024x64xf32, #tpu.memory_space<hbm>> -> memref<1x64xf32, #tpu.memory_space<hbm>>
    %dma_start3A_372 = arith.constant 30 : i32
    %dma_start3A_373 = arith.constant 0 : i32
    %dma_start3A_374 = tpu.memref_slice %arg9[%dma_start3A_372, %dma_start3A_373] : memref<32x64xf32, #tpu.memory_space<vmem>> -> memref<1x64xf32, #tpu.memory_space<vmem>>
    %dma_start3A_375 = arith.constant 0 : i32
    %dma_start3A_376 = tpu.memref_slice %arg2[%squeeze3A_366, %dma_start3A_375] : memref<1024x64xf32, #tpu.memory_space<hbm>> -> memref<1x64xf32, #tpu.memory_space<hbm>>
    tpu.enqueue_dma source(%dma_start3A_376 : memref<1x64xf32, #tpu.memory_space<hbm>>) target(%dma_start3A_374 : memref<1x64xf32, #tpu.memory_space<vmem>>) target_semaphore(%arg10 : memref<!tpu.dma_semaphore, #tpu.memory_space<semaphore_mem>>)
    %slice3A_377 = vector.extract_strided_slice %get3A_196 {offsets = [15], sizes = [1], strides = [1]} : vector<16xi32> to vector<1xi32>
    %squeeze3A_378 = vector.extract %slice3A_377[0] : i32 from vector<1xi32>
    %dma_start3A_379 = arith.constant 31 : i32
    %dma_start3A_380 = arith.constant 0 : i32
    %dma_start3A_381 = tpu.memref_slice %arg9[%dma_start3A_379, %dma_start3A_380] : memref<32x64xf32, #tpu.memory_space<vmem>> -> memref<1x64xf32, #tpu.memory_space<vmem>>
    %dma_start3A_382 = arith.constant 0 : i32
    %dma_start3A_383 = tpu.memref_slice %arg2[%squeeze3A_378, %dma_start3A_382] : memref<1024x64xf32, #tpu.memory_space<hbm>> -> memref<1x64xf32, #tpu.memory_space<hbm>>
    %dma_start3A_384 = arith.constant 31 : i32
    %dma_start3A_385 = arith.constant 0 : i32
    %dma_start3A_386 = tpu.memref_slice %arg9[%dma_start3A_384, %dma_start3A_385] : memref<32x64xf32, #tpu.memory_space<vmem>> -> memref<1x64xf32, #tpu.memory_space<vmem>>
    %dma_start3A_387 = arith.constant 0 : i32
    %dma_start3A_388 = tpu.memref_slice %arg2[%squeeze3A_378, %dma_start3A_387] : memref<1024x64xf32, #tpu.memory_space<hbm>> -> memref<1x64xf32, #tpu.memory_space<hbm>>
    tpu.enqueue_dma source(%dma_start3A_388 : memref<1x64xf32, #tpu.memory_space<hbm>>) target(%dma_start3A_386 : memref<1x64xf32, #tpu.memory_space<vmem>>) target_semaphore(%arg10 : memref<!tpu.dma_semaphore, #tpu.memory_space<semaphore_mem>>)
    %dma_wait3A = arith.constant 0 : i32
    %dma_wait3A_389 = arith.constant 0 : i32
    %dma_wait3A_390 = tpu.memref_slice %arg9[%dma_wait3A, %dma_wait3A_389] : memref<32x64xf32, #tpu.memory_space<vmem>> -> memref<1x64xf32, #tpu.memory_space<vmem>>
    %dma_wait3A_391 = arith.constant 0 : i32
    %dma_wait3A_392 = tpu.memref_slice %arg2[%squeeze3A, %dma_wait3A_391] : memref<1024x64xf32, #tpu.memory_space<hbm>> -> memref<1x64xf32, #tpu.memory_space<hbm>>
    %dma_wait3A_393 = arith.constant 0 : i32
    %dma_wait3A_394 = arith.constant 0 : i32
    %dma_wait3A_395 = tpu.memref_slice %arg9[%dma_wait3A_393, %dma_wait3A_394] : memref<32x64xf32, #tpu.memory_space<vmem>> -> memref<1x64xf32, #tpu.memory_space<vmem>>
    %dma_wait3A_396 = arith.constant 0 : i32
    %dma_wait3A_397 = tpu.memref_slice %arg2[%squeeze3A, %dma_wait3A_396] : memref<1024x64xf32, #tpu.memory_space<hbm>> -> memref<1x64xf32, #tpu.memory_space<hbm>>
    tpu.wait_dma2 semaphore(%arg10 : memref<!tpu.dma_semaphore, #tpu.memory_space<semaphore_mem>>) src(%dma_wait3A_397 : memref<1x64xf32, #tpu.memory_space<hbm>>) dst(%dma_wait3A_395 : memref<1x64xf32, #tpu.memory_space<vmem>>)
    %dma_wait3A_398 = arith.constant 1 : i32
    %dma_wait3A_399 = arith.constant 0 : i32
    %dma_wait3A_400 = tpu.memref_slice %arg9[%dma_wait3A_398, %dma_wait3A_399] : memref<32x64xf32, #tpu.memory_space<vmem>> -> memref<1x64xf32, #tpu.memory_space<vmem>>
    %dma_wait3A_401 = arith.constant 0 : i32
    %dma_wait3A_402 = tpu.memref_slice %arg2[%squeeze3A_15, %dma_wait3A_401] : memref<1024x64xf32, #tpu.memory_space<hbm>> -> memref<1x64xf32, #tpu.memory_space<hbm>>
    %dma_wait3A_403 = arith.constant 1 : i32
    %dma_wait3A_404 = arith.constant 0 : i32
    %dma_wait3A_405 = tpu.memref_slice %arg9[%dma_wait3A_403, %dma_wait3A_404] : memref<32x64xf32, #tpu.memory_space<vmem>> -> memref<1x64xf32, #tpu.memory_space<vmem>>
    %dma_wait3A_406 = arith.constant 0 : i32
    %dma_wait3A_407 = tpu.memref_slice %arg2[%squeeze3A_15, %dma_wait3A_406] : memref<1024x64xf32, #tpu.memory_space<hbm>> -> memref<1x64xf32, #tpu.memory_space<hbm>>
    tpu.wait_dma2 semaphore(%arg10 : memref<!tpu.dma_semaphore, #tpu.memory_space<semaphore_mem>>) src(%dma_wait3A_407 : memref<1x64xf32, #tpu.memory_space<hbm>>) dst(%dma_wait3A_405 : memref<1x64xf32, #tpu.memory_space<vmem>>)
    %dma_wait3A_408 = arith.constant 2 : i32
    %dma_wait3A_409 = arith.constant 0 : i32
    %dma_wait3A_410 = tpu.memref_slice %arg9[%dma_wait3A_408, %dma_wait3A_409] : memref<32x64xf32, #tpu.memory_space<vmem>> -> memref<1x64xf32, #tpu.memory_space<vmem>>
    %dma_wait3A_411 = arith.constant 0 : i32
    %dma_wait3A_412 = tpu.memref_slice %arg2[%squeeze3A_27, %dma_wait3A_411] : memref<1024x64xf32, #tpu.memory_space<hbm>> -> memref<1x64xf32, #tpu.memory_space<hbm>>
    %dma_wait3A_413 = arith.constant 2 : i32
    %dma_wait3A_414 = arith.constant 0 : i32
    %dma_wait3A_415 = tpu.memref_slice %arg9[%dma_wait3A_413, %dma_wait3A_414] : memref<32x64xf32, #tpu.memory_space<vmem>> -> memref<1x64xf32, #tpu.memory_space<vmem>>
    %dma_wait3A_416 = arith.constant 0 : i32
    %dma_wait3A_417 = tpu.memref_slice %arg2[%squeeze3A_27, %dma_wait3A_416] : memref<1024x64xf32, #tpu.memory_space<hbm>> -> memref<1x64xf32, #tpu.memory_space<hbm>>
    tpu.wait_dma2 semaphore(%arg10 : memref<!tpu.dma_semaphore, #tpu.memory_space<semaphore_mem>>) src(%dma_wait3A_417 : memref<1x64xf32, #tpu.memory_space<hbm>>) dst(%dma_wait3A_415 : memref<1x64xf32, #tpu.memory_space<vmem>>)
    %dma_wait3A_418 = arith.constant 3 : i32
    %dma_wait3A_419 = arith.constant 0 : i32
    %dma_wait3A_420 = tpu.memref_slice %arg9[%dma_wait3A_418, %dma_wait3A_419] : memref<32x64xf32, #tpu.memory_space<vmem>> -> memref<1x64xf32, #tpu.memory_space<vmem>>
    %dma_wait3A_421 = arith.constant 0 : i32
    %dma_wait3A_422 = tpu.memref_slice %arg2[%squeeze3A_39, %dma_wait3A_421] : memref<1024x64xf32, #tpu.memory_space<hbm>> -> memref<1x64xf32, #tpu.memory_space<hbm>>
    %dma_wait3A_423 = arith.constant 3 : i32
    %dma_wait3A_424 = arith.constant 0 : i32
    %dma_wait3A_425 = tpu.memref_slice %arg9[%dma_wait3A_423, %dma_wait3A_424] : memref<32x64xf32, #tpu.memory_space<vmem>> -> memref<1x64xf32, #tpu.memory_space<vmem>>
    %dma_wait3A_426 = arith.constant 0 : i32
    %dma_wait3A_427 = tpu.memref_slice %arg2[%squeeze3A_39, %dma_wait3A_426] : memref<1024x64xf32, #tpu.memory_space<hbm>> -> memref<1x64xf32, #tpu.memory_space<hbm>>
    tpu.wait_dma2 semaphore(%arg10 : memref<!tpu.dma_semaphore, #tpu.memory_space<semaphore_mem>>) src(%dma_wait3A_427 : memref<1x64xf32, #tpu.memory_space<hbm>>) dst(%dma_wait3A_425 : memref<1x64xf32, #tpu.memory_space<vmem>>)
    %dma_wait3A_428 = arith.constant 4 : i32
    %dma_wait3A_429 = arith.constant 0 : i32
    %dma_wait3A_430 = tpu.memref_slice %arg9[%dma_wait3A_428, %dma_wait3A_429] : memref<32x64xf32, #tpu.memory_space<vmem>> -> memref<1x64xf32, #tpu.memory_space<vmem>>
    %dma_wait3A_431 = arith.constant 0 : i32
    %dma_wait3A_432 = tpu.memref_slice %arg2[%squeeze3A_51, %dma_wait3A_431] : memref<1024x64xf32, #tpu.memory_space<hbm>> -> memref<1x64xf32, #tpu.memory_space<hbm>>
    %dma_wait3A_433 = arith.constant 4 : i32
    %dma_wait3A_434 = arith.constant 0 : i32
    %dma_wait3A_435 = tpu.memref_slice %arg9[%dma_wait3A_433, %dma_wait3A_434] : memref<32x64xf32, #tpu.memory_space<vmem>> -> memref<1x64xf32, #tpu.memory_space<vmem>>
    %dma_wait3A_436 = arith.constant 0 : i32
    %dma_wait3A_437 = tpu.memref_slice %arg2[%squeeze3A_51, %dma_wait3A_436] : memref<1024x64xf32, #tpu.memory_space<hbm>> -> memref<1x64xf32, #tpu.memory_space<hbm>>
    tpu.wait_dma2 semaphore(%arg10 : memref<!tpu.dma_semaphore, #tpu.memory_space<semaphore_mem>>) src(%dma_wait3A_437 : memref<1x64xf32, #tpu.memory_space<hbm>>) dst(%dma_wait3A_435 : memref<1x64xf32, #tpu.memory_space<vmem>>)
    %dma_wait3A_438 = arith.constant 5 : i32
    %dma_wait3A_439 = arith.constant 0 : i32
    %dma_wait3A_440 = tpu.memref_slice %arg9[%dma_wait3A_438, %dma_wait3A_439] : memref<32x64xf32, #tpu.memory_space<vmem>> -> memref<1x64xf32, #tpu.memory_space<vmem>>
    %dma_wait3A_441 = arith.constant 0 : i32
    %dma_wait3A_442 = tpu.memref_slice %arg2[%squeeze3A_63, %dma_wait3A_441] : memref<1024x64xf32, #tpu.memory_space<hbm>> -> memref<1x64xf32, #tpu.memory_space<hbm>>
    %dma_wait3A_443 = arith.constant 5 : i32
    %dma_wait3A_444 = arith.constant 0 : i32
    %dma_wait3A_445 = tpu.memref_slice %arg9[%dma_wait3A_443, %dma_wait3A_444] : memref<32x64xf32, #tpu.memory_space<vmem>> -> memref<1x64xf32, #tpu.memory_space<vmem>>
    %dma_wait3A_446 = arith.constant 0 : i32
    %dma_wait3A_447 = tpu.memref_slice %arg2[%squeeze3A_63, %dma_wait3A_446] : memref<1024x64xf32, #tpu.memory_space<hbm>> -> memref<1x64xf32, #tpu.memory_space<hbm>>
    tpu.wait_dma2 semaphore(%arg10 : memref<!tpu.dma_semaphore, #tpu.memory_space<semaphore_mem>>) src(%dma_wait3A_447 : memref<1x64xf32, #tpu.memory_space<hbm>>) dst(%dma_wait3A_445 : memref<1x64xf32, #tpu.memory_space<vmem>>)
    %dma_wait3A_448 = arith.constant 6 : i32
    %dma_wait3A_449 = arith.constant 0 : i32
    %dma_wait3A_450 = tpu.memref_slice %arg9[%dma_wait3A_448, %dma_wait3A_449] : memref<32x64xf32, #tpu.memory_space<vmem>> -> memref<1x64xf32, #tpu.memory_space<vmem>>
    %dma_wait3A_451 = arith.constant 0 : i32
    %dma_wait3A_452 = tpu.memref_slice %arg2[%squeeze3A_75, %dma_wait3A_451] : memref<1024x64xf32, #tpu.memory_space<hbm>> -> memref<1x64xf32, #tpu.memory_space<hbm>>
    %dma_wait3A_453 = arith.constant 6 : i32
    %dma_wait3A_454 = arith.constant 0 : i32
    %dma_wait3A_455 = tpu.memref_slice %arg9[%dma_wait3A_453, %dma_wait3A_454] : memref<32x64xf32, #tpu.memory_space<vmem>> -> memref<1x64xf32, #tpu.memory_space<vmem>>
    %dma_wait3A_456 = arith.constant 0 : i32
    %dma_wait3A_457 = tpu.memref_slice %arg2[%squeeze3A_75, %dma_wait3A_456] : memref<1024x64xf32, #tpu.memory_space<hbm>> -> memref<1x64xf32, #tpu.memory_space<hbm>>
    tpu.wait_dma2 semaphore(%arg10 : memref<!tpu.dma_semaphore, #tpu.memory_space<semaphore_mem>>) src(%dma_wait3A_457 : memref<1x64xf32, #tpu.memory_space<hbm>>) dst(%dma_wait3A_455 : memref<1x64xf32, #tpu.memory_space<vmem>>)
    %dma_wait3A_458 = arith.constant 7 : i32
    %dma_wait3A_459 = arith.constant 0 : i32
    %dma_wait3A_460 = tpu.memref_slice %arg9[%dma_wait3A_458, %dma_wait3A_459] : memref<32x64xf32, #tpu.memory_space<vmem>> -> memref<1x64xf32, #tpu.memory_space<vmem>>
    %dma_wait3A_461 = arith.constant 0 : i32
    %dma_wait3A_462 = tpu.memref_slice %arg2[%squeeze3A_87, %dma_wait3A_461] : memref<1024x64xf32, #tpu.memory_space<hbm>> -> memref<1x64xf32, #tpu.memory_space<hbm>>
    %dma_wait3A_463 = arith.constant 7 : i32
    %dma_wait3A_464 = arith.constant 0 : i32
    %dma_wait3A_465 = tpu.memref_slice %arg9[%dma_wait3A_463, %dma_wait3A_464] : memref<32x64xf32, #tpu.memory_space<vmem>> -> memref<1x64xf32, #tpu.memory_space<vmem>>
    %dma_wait3A_466 = arith.constant 0 : i32
    %dma_wait3A_467 = tpu.memref_slice %arg2[%squeeze3A_87, %dma_wait3A_466] : memref<1024x64xf32, #tpu.memory_space<hbm>> -> memref<1x64xf32, #tpu.memory_space<hbm>>
    tpu.wait_dma2 semaphore(%arg10 : memref<!tpu.dma_semaphore, #tpu.memory_space<semaphore_mem>>) src(%dma_wait3A_467 : memref<1x64xf32, #tpu.memory_space<hbm>>) dst(%dma_wait3A_465 : memref<1x64xf32, #tpu.memory_space<vmem>>)
    %dma_wait3A_468 = arith.constant 8 : i32
    %dma_wait3A_469 = arith.constant 0 : i32
    %dma_wait3A_470 = tpu.memref_slice %arg9[%dma_wait3A_468, %dma_wait3A_469] : memref<32x64xf32, #tpu.memory_space<vmem>> -> memref<1x64xf32, #tpu.memory_space<vmem>>
    %dma_wait3A_471 = arith.constant 0 : i32
    %dma_wait3A_472 = tpu.memref_slice %arg2[%squeeze3A_99, %dma_wait3A_471] : memref<1024x64xf32, #tpu.memory_space<hbm>> -> memref<1x64xf32, #tpu.memory_space<hbm>>
    %dma_wait3A_473 = arith.constant 8 : i32
    %dma_wait3A_474 = arith.constant 0 : i32
    %dma_wait3A_475 = tpu.memref_slice %arg9[%dma_wait3A_473, %dma_wait3A_474] : memref<32x64xf32, #tpu.memory_space<vmem>> -> memref<1x64xf32, #tpu.memory_space<vmem>>
    %dma_wait3A_476 = arith.constant 0 : i32
    %dma_wait3A_477 = tpu.memref_slice %arg2[%squeeze3A_99, %dma_wait3A_476] : memref<1024x64xf32, #tpu.memory_space<hbm>> -> memref<1x64xf32, #tpu.memory_space<hbm>>
    tpu.wait_dma2 semaphore(%arg10 : memref<!tpu.dma_semaphore, #tpu.memory_space<semaphore_mem>>) src(%dma_wait3A_477 : memref<1x64xf32, #tpu.memory_space<hbm>>) dst(%dma_wait3A_475 : memref<1x64xf32, #tpu.memory_space<vmem>>)
    %dma_wait3A_478 = arith.constant 9 : i32
    %dma_wait3A_479 = arith.constant 0 : i32
    %dma_wait3A_480 = tpu.memref_slice %arg9[%dma_wait3A_478, %dma_wait3A_479] : memref<32x64xf32, #tpu.memory_space<vmem>> -> memref<1x64xf32, #tpu.memory_space<vmem>>
    %dma_wait3A_481 = arith.constant 0 : i32
    %dma_wait3A_482 = tpu.memref_slice %arg2[%squeeze3A_111, %dma_wait3A_481] : memref<1024x64xf32, #tpu.memory_space<hbm>> -> memref<1x64xf32, #tpu.memory_space<hbm>>
    %dma_wait3A_483 = arith.constant 9 : i32
    %dma_wait3A_484 = arith.constant 0 : i32
    %dma_wait3A_485 = tpu.memref_slice %arg9[%dma_wait3A_483, %dma_wait3A_484] : memref<32x64xf32, #tpu.memory_space<vmem>> -> memref<1x64xf32, #tpu.memory_space<vmem>>
    %dma_wait3A_486 = arith.constant 0 : i32
    %dma_wait3A_487 = tpu.memref_slice %arg2[%squeeze3A_111, %dma_wait3A_486] : memref<1024x64xf32, #tpu.memory_space<hbm>> -> memref<1x64xf32, #tpu.memory_space<hbm>>
    tpu.wait_dma2 semaphore(%arg10 : memref<!tpu.dma_semaphore, #tpu.memory_space<semaphore_mem>>) src(%dma_wait3A_487 : memref<1x64xf32, #tpu.memory_space<hbm>>) dst(%dma_wait3A_485 : memref<1x64xf32, #tpu.memory_space<vmem>>)
    %dma_wait3A_488 = arith.constant 10 : i32
    %dma_wait3A_489 = arith.constant 0 : i32
    %dma_wait3A_490 = tpu.memref_slice %arg9[%dma_wait3A_488, %dma_wait3A_489] : memref<32x64xf32, #tpu.memory_space<vmem>> -> memref<1x64xf32, #tpu.memory_space<vmem>>
    %dma_wait3A_491 = arith.constant 0 : i32
    %dma_wait3A_492 = tpu.memref_slice %arg2[%squeeze3A_123, %dma_wait3A_491] : memref<1024x64xf32, #tpu.memory_space<hbm>> -> memref<1x64xf32, #tpu.memory_space<hbm>>
    %dma_wait3A_493 = arith.constant 10 : i32
    %dma_wait3A_494 = arith.constant 0 : i32
    %dma_wait3A_495 = tpu.memref_slice %arg9[%dma_wait3A_493, %dma_wait3A_494] : memref<32x64xf32, #tpu.memory_space<vmem>> -> memref<1x64xf32, #tpu.memory_space<vmem>>
    %dma_wait3A_496 = arith.constant 0 : i32
    %dma_wait3A_497 = tpu.memref_slice %arg2[%squeeze3A_123, %dma_wait3A_496] : memref<1024x64xf32, #tpu.memory_space<hbm>> -> memref<1x64xf32, #tpu.memory_space<hbm>>
    tpu.wait_dma2 semaphore(%arg10 : memref<!tpu.dma_semaphore, #tpu.memory_space<semaphore_mem>>) src(%dma_wait3A_497 : memref<1x64xf32, #tpu.memory_space<hbm>>) dst(%dma_wait3A_495 : memref<1x64xf32, #tpu.memory_space<vmem>>)
    %dma_wait3A_498 = arith.constant 11 : i32
    %dma_wait3A_499 = arith.constant 0 : i32
    %dma_wait3A_500 = tpu.memref_slice %arg9[%dma_wait3A_498, %dma_wait3A_499] : memref<32x64xf32, #tpu.memory_space<vmem>> -> memref<1x64xf32, #tpu.memory_space<vmem>>
    %dma_wait3A_501 = arith.constant 0 : i32
    %dma_wait3A_502 = tpu.memref_slice %arg2[%squeeze3A_135, %dma_wait3A_501] : memref<1024x64xf32, #tpu.memory_space<hbm>> -> memref<1x64xf32, #tpu.memory_space<hbm>>
    %dma_wait3A_503 = arith.constant 11 : i32
    %dma_wait3A_504 = arith.constant 0 : i32
    %dma_wait3A_505 = tpu.memref_slice %arg9[%dma_wait3A_503, %dma_wait3A_504] : memref<32x64xf32, #tpu.memory_space<vmem>> -> memref<1x64xf32, #tpu.memory_space<vmem>>
    %dma_wait3A_506 = arith.constant 0 : i32
    %dma_wait3A_507 = tpu.memref_slice %arg2[%squeeze3A_135, %dma_wait3A_506] : memref<1024x64xf32, #tpu.memory_space<hbm>> -> memref<1x64xf32, #tpu.memory_space<hbm>>
    tpu.wait_dma2 semaphore(%arg10 : memref<!tpu.dma_semaphore, #tpu.memory_space<semaphore_mem>>) src(%dma_wait3A_507 : memref<1x64xf32, #tpu.memory_space<hbm>>) dst(%dma_wait3A_505 : memref<1x64xf32, #tpu.memory_space<vmem>>)
    %dma_wait3A_508 = arith.constant 12 : i32
    %dma_wait3A_509 = arith.constant 0 : i32
    %dma_wait3A_510 = tpu.memref_slice %arg9[%dma_wait3A_508, %dma_wait3A_509] : memref<32x64xf32, #tpu.memory_space<vmem>> -> memref<1x64xf32, #tpu.memory_space<vmem>>
    %dma_wait3A_511 = arith.constant 0 : i32
    %dma_wait3A_512 = tpu.memref_slice %arg2[%squeeze3A_147, %dma_wait3A_511] : memref<1024x64xf32, #tpu.memory_space<hbm>> -> memref<1x64xf32, #tpu.memory_space<hbm>>
    %dma_wait3A_513 = arith.constant 12 : i32
    %dma_wait3A_514 = arith.constant 0 : i32
    %dma_wait3A_515 = tpu.memref_slice %arg9[%dma_wait3A_513, %dma_wait3A_514] : memref<32x64xf32, #tpu.memory_space<vmem>> -> memref<1x64xf32, #tpu.memory_space<vmem>>
    %dma_wait3A_516 = arith.constant 0 : i32
    %dma_wait3A_517 = tpu.memref_slice %arg2[%squeeze3A_147, %dma_wait3A_516] : memref<1024x64xf32, #tpu.memory_space<hbm>> -> memref<1x64xf32, #tpu.memory_space<hbm>>
    tpu.wait_dma2 semaphore(%arg10 : memref<!tpu.dma_semaphore, #tpu.memory_space<semaphore_mem>>) src(%dma_wait3A_517 : memref<1x64xf32, #tpu.memory_space<hbm>>) dst(%dma_wait3A_515 : memref<1x64xf32, #tpu.memory_space<vmem>>)
    %dma_wait3A_518 = arith.constant 13 : i32
    %dma_wait3A_519 = arith.constant 0 : i32
    %dma_wait3A_520 = tpu.memref_slice %arg9[%dma_wait3A_518, %dma_wait3A_519] : memref<32x64xf32, #tpu.memory_space<vmem>> -> memref<1x64xf32, #tpu.memory_space<vmem>>
    %dma_wait3A_521 = arith.constant 0 : i32
    %dma_wait3A_522 = tpu.memref_slice %arg2[%squeeze3A_159, %dma_wait3A_521] : memref<1024x64xf32, #tpu.memory_space<hbm>> -> memref<1x64xf32, #tpu.memory_space<hbm>>
    %dma_wait3A_523 = arith.constant 13 : i32
    %dma_wait3A_524 = arith.constant 0 : i32
    %dma_wait3A_525 = tpu.memref_slice %arg9[%dma_wait3A_523, %dma_wait3A_524] : memref<32x64xf32, #tpu.memory_space<vmem>> -> memref<1x64xf32, #tpu.memory_space<vmem>>
    %dma_wait3A_526 = arith.constant 0 : i32
    %dma_wait3A_527 = tpu.memref_slice %arg2[%squeeze3A_159, %dma_wait3A_526] : memref<1024x64xf32, #tpu.memory_space<hbm>> -> memref<1x64xf32, #tpu.memory_space<hbm>>
    tpu.wait_dma2 semaphore(%arg10 : memref<!tpu.dma_semaphore, #tpu.memory_space<semaphore_mem>>) src(%dma_wait3A_527 : memref<1x64xf32, #tpu.memory_space<hbm>>) dst(%dma_wait3A_525 : memref<1x64xf32, #tpu.memory_space<vmem>>)
    %dma_wait3A_528 = arith.constant 14 : i32
    %dma_wait3A_529 = arith.constant 0 : i32
    %dma_wait3A_530 = tpu.memref_slice %arg9[%dma_wait3A_528, %dma_wait3A_529] : memref<32x64xf32, #tpu.memory_space<vmem>> -> memref<1x64xf32, #tpu.memory_space<vmem>>
    %dma_wait3A_531 = arith.constant 0 : i32
    %dma_wait3A_532 = tpu.memref_slice %arg2[%squeeze3A_171, %dma_wait3A_531] : memref<1024x64xf32, #tpu.memory_space<hbm>> -> memref<1x64xf32, #tpu.memory_space<hbm>>
    %dma_wait3A_533 = arith.constant 14 : i32
    %dma_wait3A_534 = arith.constant 0 : i32
    %dma_wait3A_535 = tpu.memref_slice %arg9[%dma_wait3A_533, %dma_wait3A_534] : memref<32x64xf32, #tpu.memory_space<vmem>> -> memref<1x64xf32, #tpu.memory_space<vmem>>
    %dma_wait3A_536 = arith.constant 0 : i32
    %dma_wait3A_537 = tpu.memref_slice %arg2[%squeeze3A_171, %dma_wait3A_536] : memref<1024x64xf32, #tpu.memory_space<hbm>> -> memref<1x64xf32, #tpu.memory_space<hbm>>
    tpu.wait_dma2 semaphore(%arg10 : memref<!tpu.dma_semaphore, #tpu.memory_space<semaphore_mem>>) src(%dma_wait3A_537 : memref<1x64xf32, #tpu.memory_space<hbm>>) dst(%dma_wait3A_535 : memref<1x64xf32, #tpu.memory_space<vmem>>)
    %dma_wait3A_538 = arith.constant 15 : i32
    %dma_wait3A_539 = arith.constant 0 : i32
    %dma_wait3A_540 = tpu.memref_slice %arg9[%dma_wait3A_538, %dma_wait3A_539] : memref<32x64xf32, #tpu.memory_space<vmem>> -> memref<1x64xf32, #tpu.memory_space<vmem>>
    %dma_wait3A_541 = arith.constant 0 : i32
    %dma_wait3A_542 = tpu.memref_slice %arg2[%squeeze3A_183, %dma_wait3A_541] : memref<1024x64xf32, #tpu.memory_space<hbm>> -> memref<1x64xf32, #tpu.memory_space<hbm>>
    %dma_wait3A_543 = arith.constant 15 : i32
    %dma_wait3A_544 = arith.constant 0 : i32
    %dma_wait3A_545 = tpu.memref_slice %arg9[%dma_wait3A_543, %dma_wait3A_544] : memref<32x64xf32, #tpu.memory_space<vmem>> -> memref<1x64xf32, #tpu.memory_space<vmem>>
    %dma_wait3A_546 = arith.constant 0 : i32
    %dma_wait3A_547 = tpu.memref_slice %arg2[%squeeze3A_183, %dma_wait3A_546] : memref<1024x64xf32, #tpu.memory_space<hbm>> -> memref<1x64xf32, #tpu.memory_space<hbm>>
    tpu.wait_dma2 semaphore(%arg10 : memref<!tpu.dma_semaphore, #tpu.memory_space<semaphore_mem>>) src(%dma_wait3A_547 : memref<1x64xf32, #tpu.memory_space<hbm>>) dst(%dma_wait3A_545 : memref<1x64xf32, #tpu.memory_space<vmem>>)
    %dma_wait3A_548 = arith.constant 16 : i32
    %dma_wait3A_549 = arith.constant 0 : i32
    %dma_wait3A_550 = tpu.memref_slice %arg9[%dma_wait3A_548, %dma_wait3A_549] : memref<32x64xf32, #tpu.memory_space<vmem>> -> memref<1x64xf32, #tpu.memory_space<vmem>>
    %dma_wait3A_551 = arith.constant 0 : i32
    %dma_wait3A_552 = tpu.memref_slice %arg2[%squeeze3A_198, %dma_wait3A_551] : memref<1024x64xf32, #tpu.memory_space<hbm>> -> memref<1x64xf32, #tpu.memory_space<hbm>>
    %dma_wait3A_553 = arith.constant 16 : i32
    %dma_wait3A_554 = arith.constant 0 : i32
    %dma_wait3A_555 = tpu.memref_slice %arg9[%dma_wait3A_553, %dma_wait3A_554] : memref<32x64xf32, #tpu.memory_space<vmem>> -> memref<1x64xf32, #tpu.memory_space<vmem>>
    %dma_wait3A_556 = arith.constant 0 : i32
    %dma_wait3A_557 = tpu.memref_slice %arg2[%squeeze3A_198, %dma_wait3A_556] : memref<1024x64xf32, #tpu.memory_space<hbm>> -> memref<1x64xf32, #tpu.memory_space<hbm>>
    tpu.wait_dma2 semaphore(%arg10 : memref<!tpu.dma_semaphore, #tpu.memory_space<semaphore_mem>>) src(%dma_wait3A_557 : memref<1x64xf32, #tpu.memory_space<hbm>>) dst(%dma_wait3A_555 : memref<1x64xf32, #tpu.memory_space<vmem>>)
    %dma_wait3A_558 = arith.constant 17 : i32
    %dma_wait3A_559 = arith.constant 0 : i32
    %dma_wait3A_560 = tpu.memref_slice %arg9[%dma_wait3A_558, %dma_wait3A_559] : memref<32x64xf32, #tpu.memory_space<vmem>> -> memref<1x64xf32, #tpu.memory_space<vmem>>
    %dma_wait3A_561 = arith.constant 0 : i32
    %dma_wait3A_562 = tpu.memref_slice %arg2[%squeeze3A_210, %dma_wait3A_561] : memref<1024x64xf32, #tpu.memory_space<hbm>> -> memref<1x64xf32, #tpu.memory_space<hbm>>
    %dma_wait3A_563 = arith.constant 17 : i32
    %dma_wait3A_564 = arith.constant 0 : i32
    %dma_wait3A_565 = tpu.memref_slice %arg9[%dma_wait3A_563, %dma_wait3A_564] : memref<32x64xf32, #tpu.memory_space<vmem>> -> memref<1x64xf32, #tpu.memory_space<vmem>>
    %dma_wait3A_566 = arith.constant 0 : i32
    %dma_wait3A_567 = tpu.memref_slice %arg2[%squeeze3A_210, %dma_wait3A_566] : memref<1024x64xf32, #tpu.memory_space<hbm>> -> memref<1x64xf32, #tpu.memory_space<hbm>>
    tpu.wait_dma2 semaphore(%arg10 : memref<!tpu.dma_semaphore, #tpu.memory_space<semaphore_mem>>) src(%dma_wait3A_567 : memref<1x64xf32, #tpu.memory_space<hbm>>) dst(%dma_wait3A_565 : memref<1x64xf32, #tpu.memory_space<vmem>>)
    %dma_wait3A_568 = arith.constant 18 : i32
    %dma_wait3A_569 = arith.constant 0 : i32
    %dma_wait3A_570 = tpu.memref_slice %arg9[%dma_wait3A_568, %dma_wait3A_569] : memref<32x64xf32, #tpu.memory_space<vmem>> -> memref<1x64xf32, #tpu.memory_space<vmem>>
    %dma_wait3A_571 = arith.constant 0 : i32
    %dma_wait3A_572 = tpu.memref_slice %arg2[%squeeze3A_222, %dma_wait3A_571] : memref<1024x64xf32, #tpu.memory_space<hbm>> -> memref<1x64xf32, #tpu.memory_space<hbm>>
    %dma_wait3A_573 = arith.constant 18 : i32
    %dma_wait3A_574 = arith.constant 0 : i32
    %dma_wait3A_575 = tpu.memref_slice %arg9[%dma_wait3A_573, %dma_wait3A_574] : memref<32x64xf32, #tpu.memory_space<vmem>> -> memref<1x64xf32, #tpu.memory_space<vmem>>
    %dma_wait3A_576 = arith.constant 0 : i32
    %dma_wait3A_577 = tpu.memref_slice %arg2[%squeeze3A_222, %dma_wait3A_576] : memref<1024x64xf32, #tpu.memory_space<hbm>> -> memref<1x64xf32, #tpu.memory_space<hbm>>
    tpu.wait_dma2 semaphore(%arg10 : memref<!tpu.dma_semaphore, #tpu.memory_space<semaphore_mem>>) src(%dma_wait3A_577 : memref<1x64xf32, #tpu.memory_space<hbm>>) dst(%dma_wait3A_575 : memref<1x64xf32, #tpu.memory_space<vmem>>)
    %dma_wait3A_578 = arith.constant 19 : i32
    %dma_wait3A_579 = arith.constant 0 : i32
    %dma_wait3A_580 = tpu.memref_slice %arg9[%dma_wait3A_578, %dma_wait3A_579] : memref<32x64xf32, #tpu.memory_space<vmem>> -> memref<1x64xf32, #tpu.memory_space<vmem>>
    %dma_wait3A_581 = arith.constant 0 : i32
    %dma_wait3A_582 = tpu.memref_slice %arg2[%squeeze3A_234, %dma_wait3A_581] : memref<1024x64xf32, #tpu.memory_space<hbm>> -> memref<1x64xf32, #tpu.memory_space<hbm>>
    %dma_wait3A_583 = arith.constant 19 : i32
    %dma_wait3A_584 = arith.constant 0 : i32
    %dma_wait3A_585 = tpu.memref_slice %arg9[%dma_wait3A_583, %dma_wait3A_584] : memref<32x64xf32, #tpu.memory_space<vmem>> -> memref<1x64xf32, #tpu.memory_space<vmem>>
    %dma_wait3A_586 = arith.constant 0 : i32
    %dma_wait3A_587 = tpu.memref_slice %arg2[%squeeze3A_234, %dma_wait3A_586] : memref<1024x64xf32, #tpu.memory_space<hbm>> -> memref<1x64xf32, #tpu.memory_space<hbm>>
    tpu.wait_dma2 semaphore(%arg10 : memref<!tpu.dma_semaphore, #tpu.memory_space<semaphore_mem>>) src(%dma_wait3A_587 : memref<1x64xf32, #tpu.memory_space<hbm>>) dst(%dma_wait3A_585 : memref<1x64xf32, #tpu.memory_space<vmem>>)
    %dma_wait3A_588 = arith.constant 20 : i32
    %dma_wait3A_589 = arith.constant 0 : i32
    %dma_wait3A_590 = tpu.memref_slice %arg9[%dma_wait3A_588, %dma_wait3A_589] : memref<32x64xf32, #tpu.memory_space<vmem>> -> memref<1x64xf32, #tpu.memory_space<vmem>>
    %dma_wait3A_591 = arith.constant 0 : i32
    %dma_wait3A_592 = tpu.memref_slice %arg2[%squeeze3A_246, %dma_wait3A_591] : memref<1024x64xf32, #tpu.memory_space<hbm>> -> memref<1x64xf32, #tpu.memory_space<hbm>>
    %dma_wait3A_593 = arith.constant 20 : i32
    %dma_wait3A_594 = arith.constant 0 : i32
    %dma_wait3A_595 = tpu.memref_slice %arg9[%dma_wait3A_593, %dma_wait3A_594] : memref<32x64xf32, #tpu.memory_space<vmem>> -> memref<1x64xf32, #tpu.memory_space<vmem>>
    %dma_wait3A_596 = arith.constant 0 : i32
    %dma_wait3A_597 = tpu.memref_slice %arg2[%squeeze3A_246, %dma_wait3A_596] : memref<1024x64xf32, #tpu.memory_space<hbm>> -> memref<1x64xf32, #tpu.memory_space<hbm>>
    tpu.wait_dma2 semaphore(%arg10 : memref<!tpu.dma_semaphore, #tpu.memory_space<semaphore_mem>>) src(%dma_wait3A_597 : memref<1x64xf32, #tpu.memory_space<hbm>>) dst(%dma_wait3A_595 : memref<1x64xf32, #tpu.memory_space<vmem>>)
    %dma_wait3A_598 = arith.constant 21 : i32
    %dma_wait3A_599 = arith.constant 0 : i32
    %dma_wait3A_600 = tpu.memref_slice %arg9[%dma_wait3A_598, %dma_wait3A_599] : memref<32x64xf32, #tpu.memory_space<vmem>> -> memref<1x64xf32, #tpu.memory_space<vmem>>
    %dma_wait3A_601 = arith.constant 0 : i32
    %dma_wait3A_602 = tpu.memref_slice %arg2[%squeeze3A_258, %dma_wait3A_601] : memref<1024x64xf32, #tpu.memory_space<hbm>> -> memref<1x64xf32, #tpu.memory_space<hbm>>
    %dma_wait3A_603 = arith.constant 21 : i32
    %dma_wait3A_604 = arith.constant 0 : i32
    %dma_wait3A_605 = tpu.memref_slice %arg9[%dma_wait3A_603, %dma_wait3A_604] : memref<32x64xf32, #tpu.memory_space<vmem>> -> memref<1x64xf32, #tpu.memory_space<vmem>>
    %dma_wait3A_606 = arith.constant 0 : i32
    %dma_wait3A_607 = tpu.memref_slice %arg2[%squeeze3A_258, %dma_wait3A_606] : memref<1024x64xf32, #tpu.memory_space<hbm>> -> memref<1x64xf32, #tpu.memory_space<hbm>>
    tpu.wait_dma2 semaphore(%arg10 : memref<!tpu.dma_semaphore, #tpu.memory_space<semaphore_mem>>) src(%dma_wait3A_607 : memref<1x64xf32, #tpu.memory_space<hbm>>) dst(%dma_wait3A_605 : memref<1x64xf32, #tpu.memory_space<vmem>>)
    %dma_wait3A_608 = arith.constant 22 : i32
    %dma_wait3A_609 = arith.constant 0 : i32
    %dma_wait3A_610 = tpu.memref_slice %arg9[%dma_wait3A_608, %dma_wait3A_609] : memref<32x64xf32, #tpu.memory_space<vmem>> -> memref<1x64xf32, #tpu.memory_space<vmem>>
    %dma_wait3A_611 = arith.constant 0 : i32
    %dma_wait3A_612 = tpu.memref_slice %arg2[%squeeze3A_270, %dma_wait3A_611] : memref<1024x64xf32, #tpu.memory_space<hbm>> -> memref<1x64xf32, #tpu.memory_space<hbm>>
    %dma_wait3A_613 = arith.constant 22 : i32
    %dma_wait3A_614 = arith.constant 0 : i32
    %dma_wait3A_615 = tpu.memref_slice %arg9[%dma_wait3A_613, %dma_wait3A_614] : memref<32x64xf32, #tpu.memory_space<vmem>> -> memref<1x64xf32, #tpu.memory_space<vmem>>
    %dma_wait3A_616 = arith.constant 0 : i32
    %dma_wait3A_617 = tpu.memref_slice %arg2[%squeeze3A_270, %dma_wait3A_616] : memref<1024x64xf32, #tpu.memory_space<hbm>> -> memref<1x64xf32, #tpu.memory_space<hbm>>
    tpu.wait_dma2 semaphore(%arg10 : memref<!tpu.dma_semaphore, #tpu.memory_space<semaphore_mem>>) src(%dma_wait3A_617 : memref<1x64xf32, #tpu.memory_space<hbm>>) dst(%dma_wait3A_615 : memref<1x64xf32, #tpu.memory_space<vmem>>)
    %dma_wait3A_618 = arith.constant 23 : i32
    %dma_wait3A_619 = arith.constant 0 : i32
    %dma_wait3A_620 = tpu.memref_slice %arg9[%dma_wait3A_618, %dma_wait3A_619] : memref<32x64xf32, #tpu.memory_space<vmem>> -> memref<1x64xf32, #tpu.memory_space<vmem>>
    %dma_wait3A_621 = arith.constant 0 : i32
    %dma_wait3A_622 = tpu.memref_slice %arg2[%squeeze3A_282, %dma_wait3A_621] : memref<1024x64xf32, #tpu.memory_space<hbm>> -> memref<1x64xf32, #tpu.memory_space<hbm>>
    %dma_wait3A_623 = arith.constant 23 : i32
    %dma_wait3A_624 = arith.constant 0 : i32
    %dma_wait3A_625 = tpu.memref_slice %arg9[%dma_wait3A_623, %dma_wait3A_624] : memref<32x64xf32, #tpu.memory_space<vmem>> -> memref<1x64xf32, #tpu.memory_space<vmem>>
    %dma_wait3A_626 = arith.constant 0 : i32
    %dma_wait3A_627 = tpu.memref_slice %arg2[%squeeze3A_282, %dma_wait3A_626] : memref<1024x64xf32, #tpu.memory_space<hbm>> -> memref<1x64xf32, #tpu.memory_space<hbm>>
    tpu.wait_dma2 semaphore(%arg10 : memref<!tpu.dma_semaphore, #tpu.memory_space<semaphore_mem>>) src(%dma_wait3A_627 : memref<1x64xf32, #tpu.memory_space<hbm>>) dst(%dma_wait3A_625 : memref<1x64xf32, #tpu.memory_space<vmem>>)
    %dma_wait3A_628 = arith.constant 24 : i32
    %dma_wait3A_629 = arith.constant 0 : i32
    %dma_wait3A_630 = tpu.memref_slice %arg9[%dma_wait3A_628, %dma_wait3A_629] : memref<32x64xf32, #tpu.memory_space<vmem>> -> memref<1x64xf32, #tpu.memory_space<vmem>>
    %dma_wait3A_631 = arith.constant 0 : i32
    %dma_wait3A_632 = tpu.memref_slice %arg2[%squeeze3A_294, %dma_wait3A_631] : memref<1024x64xf32, #tpu.memory_space<hbm>> -> memref<1x64xf32, #tpu.memory_space<hbm>>
    %dma_wait3A_633 = arith.constant 24 : i32
    %dma_wait3A_634 = arith.constant 0 : i32
    %dma_wait3A_635 = tpu.memref_slice %arg9[%dma_wait3A_633, %dma_wait3A_634] : memref<32x64xf32, #tpu.memory_space<vmem>> -> memref<1x64xf32, #tpu.memory_space<vmem>>
    %dma_wait3A_636 = arith.constant 0 : i32
    %dma_wait3A_637 = tpu.memref_slice %arg2[%squeeze3A_294, %dma_wait3A_636] : memref<1024x64xf32, #tpu.memory_space<hbm>> -> memref<1x64xf32, #tpu.memory_space<hbm>>
    tpu.wait_dma2 semaphore(%arg10 : memref<!tpu.dma_semaphore, #tpu.memory_space<semaphore_mem>>) src(%dma_wait3A_637 : memref<1x64xf32, #tpu.memory_space<hbm>>) dst(%dma_wait3A_635 : memref<1x64xf32, #tpu.memory_space<vmem>>)
    %dma_wait3A_638 = arith.constant 25 : i32
    %dma_wait3A_639 = arith.constant 0 : i32
    %dma_wait3A_640 = tpu.memref_slice %arg9[%dma_wait3A_638, %dma_wait3A_639] : memref<32x64xf32, #tpu.memory_space<vmem>> -> memref<1x64xf32, #tpu.memory_space<vmem>>
    %dma_wait3A_641 = arith.constant 0 : i32
    %dma_wait3A_642 = tpu.memref_slice %arg2[%squeeze3A_306, %dma_wait3A_641] : memref<1024x64xf32, #tpu.memory_space<hbm>> -> memref<1x64xf32, #tpu.memory_space<hbm>>
    %dma_wait3A_643 = arith.constant 25 : i32
    %dma_wait3A_644 = arith.constant 0 : i32
    %dma_wait3A_645 = tpu.memref_slice %arg9[%dma_wait3A_643, %dma_wait3A_644] : memref<32x64xf32, #tpu.memory_space<vmem>> -> memref<1x64xf32, #tpu.memory_space<vmem>>
    %dma_wait3A_646 = arith.constant 0 : i32
    %dma_wait3A_647 = tpu.memref_slice %arg2[%squeeze3A_306, %dma_wait3A_646] : memref<1024x64xf32, #tpu.memory_space<hbm>> -> memref<1x64xf32, #tpu.memory_space<hbm>>
    tpu.wait_dma2 semaphore(%arg10 : memref<!tpu.dma_semaphore, #tpu.memory_space<semaphore_mem>>) src(%dma_wait3A_647 : memref<1x64xf32, #tpu.memory_space<hbm>>) dst(%dma_wait3A_645 : memref<1x64xf32, #tpu.memory_space<vmem>>)
    %dma_wait3A_648 = arith.constant 26 : i32
    %dma_wait3A_649 = arith.constant 0 : i32
    %dma_wait3A_650 = tpu.memref_slice %arg9[%dma_wait3A_648, %dma_wait3A_649] : memref<32x64xf32, #tpu.memory_space<vmem>> -> memref<1x64xf32, #tpu.memory_space<vmem>>
    %dma_wait3A_651 = arith.constant 0 : i32
    %dma_wait3A_652 = tpu.memref_slice %arg2[%squeeze3A_318, %dma_wait3A_651] : memref<1024x64xf32, #tpu.memory_space<hbm>> -> memref<1x64xf32, #tpu.memory_space<hbm>>
    %dma_wait3A_653 = arith.constant 26 : i32
    %dma_wait3A_654 = arith.constant 0 : i32
    %dma_wait3A_655 = tpu.memref_slice %arg9[%dma_wait3A_653, %dma_wait3A_654] : memref<32x64xf32, #tpu.memory_space<vmem>> -> memref<1x64xf32, #tpu.memory_space<vmem>>
    %dma_wait3A_656 = arith.constant 0 : i32
    %dma_wait3A_657 = tpu.memref_slice %arg2[%squeeze3A_318, %dma_wait3A_656] : memref<1024x64xf32, #tpu.memory_space<hbm>> -> memref<1x64xf32, #tpu.memory_space<hbm>>
    tpu.wait_dma2 semaphore(%arg10 : memref<!tpu.dma_semaphore, #tpu.memory_space<semaphore_mem>>) src(%dma_wait3A_657 : memref<1x64xf32, #tpu.memory_space<hbm>>) dst(%dma_wait3A_655 : memref<1x64xf32, #tpu.memory_space<vmem>>)
    %dma_wait3A_658 = arith.constant 27 : i32
    %dma_wait3A_659 = arith.constant 0 : i32
    %dma_wait3A_660 = tpu.memref_slice %arg9[%dma_wait3A_658, %dma_wait3A_659] : memref<32x64xf32, #tpu.memory_space<vmem>> -> memref<1x64xf32, #tpu.memory_space<vmem>>
    %dma_wait3A_661 = arith.constant 0 : i32
    %dma_wait3A_662 = tpu.memref_slice %arg2[%squeeze3A_330, %dma_wait3A_661] : memref<1024x64xf32, #tpu.memory_space<hbm>> -> memref<1x64xf32, #tpu.memory_space<hbm>>
    %dma_wait3A_663 = arith.constant 27 : i32
    %dma_wait3A_664 = arith.constant 0 : i32
    %dma_wait3A_665 = tpu.memref_slice %arg9[%dma_wait3A_663, %dma_wait3A_664] : memref<32x64xf32, #tpu.memory_space<vmem>> -> memref<1x64xf32, #tpu.memory_space<vmem>>
    %dma_wait3A_666 = arith.constant 0 : i32
    %dma_wait3A_667 = tpu.memref_slice %arg2[%squeeze3A_330, %dma_wait3A_666] : memref<1024x64xf32, #tpu.memory_space<hbm>> -> memref<1x64xf32, #tpu.memory_space<hbm>>
    tpu.wait_dma2 semaphore(%arg10 : memref<!tpu.dma_semaphore, #tpu.memory_space<semaphore_mem>>) src(%dma_wait3A_667 : memref<1x64xf32, #tpu.memory_space<hbm>>) dst(%dma_wait3A_665 : memref<1x64xf32, #tpu.memory_space<vmem>>)
    %dma_wait3A_668 = arith.constant 28 : i32
    %dma_wait3A_669 = arith.constant 0 : i32
    %dma_wait3A_670 = tpu.memref_slice %arg9[%dma_wait3A_668, %dma_wait3A_669] : memref<32x64xf32, #tpu.memory_space<vmem>> -> memref<1x64xf32, #tpu.memory_space<vmem>>
    %dma_wait3A_671 = arith.constant 0 : i32
    %dma_wait3A_672 = tpu.memref_slice %arg2[%squeeze3A_342, %dma_wait3A_671] : memref<1024x64xf32, #tpu.memory_space<hbm>> -> memref<1x64xf32, #tpu.memory_space<hbm>>
    %dma_wait3A_673 = arith.constant 28 : i32
    %dma_wait3A_674 = arith.constant 0 : i32
    %dma_wait3A_675 = tpu.memref_slice %arg9[%dma_wait3A_673, %dma_wait3A_674] : memref<32x64xf32, #tpu.memory_space<vmem>> -> memref<1x64xf32, #tpu.memory_space<vmem>>
    %dma_wait3A_676 = arith.constant 0 : i32
    %dma_wait3A_677 = tpu.memref_slice %arg2[%squeeze3A_342, %dma_wait3A_676] : memref<1024x64xf32, #tpu.memory_space<hbm>> -> memref<1x64xf32, #tpu.memory_space<hbm>>
    tpu.wait_dma2 semaphore(%arg10 : memref<!tpu.dma_semaphore, #tpu.memory_space<semaphore_mem>>) src(%dma_wait3A_677 : memref<1x64xf32, #tpu.memory_space<hbm>>) dst(%dma_wait3A_675 : memref<1x64xf32, #tpu.memory_space<vmem>>)
    %dma_wait3A_678 = arith.constant 29 : i32
    %dma_wait3A_679 = arith.constant 0 : i32
    %dma_wait3A_680 = tpu.memref_slice %arg9[%dma_wait3A_678, %dma_wait3A_679] : memref<32x64xf32, #tpu.memory_space<vmem>> -> memref<1x64xf32, #tpu.memory_space<vmem>>
    %dma_wait3A_681 = arith.constant 0 : i32
    %dma_wait3A_682 = tpu.memref_slice %arg2[%squeeze3A_354, %dma_wait3A_681] : memref<1024x64xf32, #tpu.memory_space<hbm>> -> memref<1x64xf32, #tpu.memory_space<hbm>>
    %dma_wait3A_683 = arith.constant 29 : i32
    %dma_wait3A_684 = arith.constant 0 : i32
    %dma_wait3A_685 = tpu.memref_slice %arg9[%dma_wait3A_683, %dma_wait3A_684] : memref<32x64xf32, #tpu.memory_space<vmem>> -> memref<1x64xf32, #tpu.memory_space<vmem>>
    %dma_wait3A_686 = arith.constant 0 : i32
    %dma_wait3A_687 = tpu.memref_slice %arg2[%squeeze3A_354, %dma_wait3A_686] : memref<1024x64xf32, #tpu.memory_space<hbm>> -> memref<1x64xf32, #tpu.memory_space<hbm>>
    tpu.wait_dma2 semaphore(%arg10 : memref<!tpu.dma_semaphore, #tpu.memory_space<semaphore_mem>>) src(%dma_wait3A_687 : memref<1x64xf32, #tpu.memory_space<hbm>>) dst(%dma_wait3A_685 : memref<1x64xf32, #tpu.memory_space<vmem>>)
    %dma_wait3A_688 = arith.constant 30 : i32
    %dma_wait3A_689 = arith.constant 0 : i32
    %dma_wait3A_690 = tpu.memref_slice %arg9[%dma_wait3A_688, %dma_wait3A_689] : memref<32x64xf32, #tpu.memory_space<vmem>> -> memref<1x64xf32, #tpu.memory_space<vmem>>
    %dma_wait3A_691 = arith.constant 0 : i32
    %dma_wait3A_692 = tpu.memref_slice %arg2[%squeeze3A_366, %dma_wait3A_691] : memref<1024x64xf32, #tpu.memory_space<hbm>> -> memref<1x64xf32, #tpu.memory_space<hbm>>
    %dma_wait3A_693 = arith.constant 30 : i32
    %dma_wait3A_694 = arith.constant 0 : i32
    %dma_wait3A_695 = tpu.memref_slice %arg9[%dma_wait3A_693, %dma_wait3A_694] : memref<32x64xf32, #tpu.memory_space<vmem>> -> memref<1x64xf32, #tpu.memory_space<vmem>>
    %dma_wait3A_696 = arith.constant 0 : i32
    %dma_wait3A_697 = tpu.memref_slice %arg2[%squeeze3A_366, %dma_wait3A_696] : memref<1024x64xf32, #tpu.memory_space<hbm>> -> memref<1x64xf32, #tpu.memory_space<hbm>>
    tpu.wait_dma2 semaphore(%arg10 : memref<!tpu.dma_semaphore, #tpu.memory_space<semaphore_mem>>) src(%dma_wait3A_697 : memref<1x64xf32, #tpu.memory_space<hbm>>) dst(%dma_wait3A_695 : memref<1x64xf32, #tpu.memory_space<vmem>>)
    %dma_wait3A_698 = arith.constant 31 : i32
    %dma_wait3A_699 = arith.constant 0 : i32
    %dma_wait3A_700 = tpu.memref_slice %arg9[%dma_wait3A_698, %dma_wait3A_699] : memref<32x64xf32, #tpu.memory_space<vmem>> -> memref<1x64xf32, #tpu.memory_space<vmem>>
    %dma_wait3A_701 = arith.constant 0 : i32
    %dma_wait3A_702 = tpu.memref_slice %arg2[%squeeze3A_378, %dma_wait3A_701] : memref<1024x64xf32, #tpu.memory_space<hbm>> -> memref<1x64xf32, #tpu.memory_space<hbm>>
    %dma_wait3A_703 = arith.constant 31 : i32
    %dma_wait3A_704 = arith.constant 0 : i32
    %dma_wait3A_705 = tpu.memref_slice %arg9[%dma_wait3A_703, %dma_wait3A_704] : memref<32x64xf32, #tpu.memory_space<vmem>> -> memref<1x64xf32, #tpu.memory_space<vmem>>
    %dma_wait3A_706 = arith.constant 0 : i32
    %dma_wait3A_707 = tpu.memref_slice %arg2[%squeeze3A_378, %dma_wait3A_706] : memref<1024x64xf32, #tpu.memory_space<hbm>> -> memref<1x64xf32, #tpu.memory_space<hbm>>
    tpu.wait_dma2 semaphore(%arg10 : memref<!tpu.dma_semaphore, #tpu.memory_space<semaphore_mem>>) src(%dma_wait3A_707 : memref<1x64xf32, #tpu.memory_space<hbm>>) dst(%dma_wait3A_705 : memref<1x64xf32, #tpu.memory_space<vmem>>)
    %get3A_708 = arith.constant 0 : index
    %get3A_709 = tpu.vector_load %arg8[%get3A_708] {strides = array<i32>} : memref<32xi32, #tpu.memory_space<vmem>>, vector<16xi32>,
    %get3A_710 = vector.shape_cast %get3A_709 : vector<16xi32> to vector<16xi32>
    %slice3A_711 = vector.extract_strided_slice %get3A_710 {offsets = [0], sizes = [1], strides = [1]} : vector<16xi32> to vector<1xi32>
    %squeeze3A_712 = vector.extract %slice3A_711[0] : i32 from vector<1xi32>
    %dma_start3A_713 = arith.constant 0 : i32
    %dma_start3A_714 = arith.constant 0 : i32
    %dma_start3A_715 = tpu.memref_slice %arg9[%dma_start3A_713, %dma_start3A_714] : memref<32x64xf32, #tpu.memory_space<vmem>> -> memref<1x64xf32, #tpu.memory_space<vmem>>
    %dma_start3A_716 = arith.constant 0 : i32
    %dma_start3A_717 = tpu.memref_slice %arg5[%squeeze3A_712, %dma_start3A_716] : memref<100000x64xf32, #tpu.memory_space<hbm>> -> memref<1x64xf32, #tpu.memory_space<hbm>>
    %dma_start3A_718 = arith.constant 0 : i32
    %dma_start3A_719 = tpu.memref_slice %arg5[%squeeze3A_712, %dma_start3A_718] : memref<100000x64xf32, #tpu.memory_space<hbm>> -> memref<1x64xf32, #tpu.memory_space<hbm>>
    %dma_start3A_720 = arith.constant 0 : i32
    %dma_start3A_721 = arith.constant 0 : i32
    %dma_start3A_722 = tpu.memref_slice %arg9[%dma_start3A_720, %dma_start3A_721] : memref<32x64xf32, #tpu.memory_space<vmem>> -> memref<1x64xf32, #tpu.memory_space<vmem>>
    tpu.enqueue_dma source(%dma_start3A_722 : memref<1x64xf32, #tpu.memory_space<vmem>>) target(%dma_start3A_719 : memref<1x64xf32, #tpu.memory_space<hbm>>) target_semaphore(%arg11 : memref<!tpu.dma_semaphore, #tpu.memory_space<semaphore_mem>>)
    %slice3A_723 = vector.extract_strided_slice %get3A_710 {offsets = [1], sizes = [1], strides = [1]} : vector<16xi32> to vector<1xi32>
    %squeeze3A_724 = vector.extract %slice3A_723[0] : i32 from vector<1xi32>
    %dma_start3A_725 = arith.constant 1 : i32
    %dma_start3A_726 = arith.constant 0 : i32
    %dma_start3A_727 = tpu.memref_slice %arg9[%dma_start3A_725, %dma_start3A_726] : memref<32x64xf32, #tpu.memory_space<vmem>> -> memref<1x64xf32, #tpu.memory_space<vmem>>
    %dma_start3A_728 = arith.constant 0 : i32
    %dma_start3A_729 = tpu.memref_slice %arg5[%squeeze3A_724, %dma_start3A_728] : memref<100000x64xf32, #tpu.memory_space<hbm>> -> memref<1x64xf32, #tpu.memory_space<hbm>>
    %dma_start3A_730 = arith.constant 0 : i32
    %dma_start3A_731 = tpu.memref_slice %arg5[%squeeze3A_724, %dma_start3A_730] : memref<100000x64xf32, #tpu.memory_space<hbm>> -> memref<1x64xf32, #tpu.memory_space<hbm>>
    %dma_start3A_732 = arith.constant 1 : i32
    %dma_start3A_733 = arith.constant 0 : i32
    %dma_start3A_734 = tpu.memref_slice %arg9[%dma_start3A_732, %dma_start3A_733] : memref<32x64xf32, #tpu.memory_space<vmem>> -> memref<1x64xf32, #tpu.memory_space<vmem>>
    tpu.enqueue_dma source(%dma_start3A_734 : memref<1x64xf32, #tpu.memory_space<vmem>>) target(%dma_start3A_731 : memref<1x64xf32, #tpu.memory_space<hbm>>) target_semaphore(%arg11 : memref<!tpu.dma_semaphore, #tpu.memory_space<semaphore_mem>>)
    %slice3A_735 = vector.extract_strided_slice %get3A_710 {offsets = [2], sizes = [1], strides = [1]} : vector<16xi32> to vector<1xi32>
    %squeeze3A_736 = vector.extract %slice3A_735[0] : i32 from vector<1xi32>
    %dma_start3A_737 = arith.constant 2 : i32
    %dma_start3A_738 = arith.constant 0 : i32
    %dma_start3A_739 = tpu.memref_slice %arg9[%dma_start3A_737, %dma_start3A_738] : memref<32x64xf32, #tpu.memory_space<vmem>> -> memref<1x64xf32, #tpu.memory_space<vmem>>
    %dma_start3A_740 = arith.constant 0 : i32
    %dma_start3A_741 = tpu.memref_slice %arg5[%squeeze3A_736, %dma_start3A_740] : memref<100000x64xf32, #tpu.memory_space<hbm>> -> memref<1x64xf32, #tpu.memory_space<hbm>>
    %dma_start3A_742 = arith.constant 0 : i32
    %dma_start3A_743 = tpu.memref_slice %arg5[%squeeze3A_736, %dma_start3A_742] : memref<100000x64xf32, #tpu.memory_space<hbm>> -> memref<1x64xf32, #tpu.memory_space<hbm>>
    %dma_start3A_744 = arith.constant 2 : i32
    %dma_start3A_745 = arith.constant 0 : i32
    %dma_start3A_746 = tpu.memref_slice %arg9[%dma_start3A_744, %dma_start3A_745] : memref<32x64xf32, #tpu.memory_space<vmem>> -> memref<1x64xf32, #tpu.memory_space<vmem>>
    tpu.enqueue_dma source(%dma_start3A_746 : memref<1x64xf32, #tpu.memory_space<vmem>>) target(%dma_start3A_743 : memref<1x64xf32, #tpu.memory_space<hbm>>) target_semaphore(%arg11 : memref<!tpu.dma_semaphore, #tpu.memory_space<semaphore_mem>>)
    %slice3A_747 = vector.extract_strided_slice %get3A_710 {offsets = [3], sizes = [1], strides = [1]} : vector<16xi32> to vector<1xi32>
    %squeeze3A_748 = vector.extract %slice3A_747[0] : i32 from vector<1xi32>
    %dma_start3A_749 = arith.constant 3 : i32
    %dma_start3A_750 = arith.constant 0 : i32
    %dma_start3A_751 = tpu.memref_slice %arg9[%dma_start3A_749, %dma_start3A_750] : memref<32x64xf32, #tpu.memory_space<vmem>> -> memref<1x64xf32, #tpu.memory_space<vmem>>
    %dma_start3A_752 = arith.constant 0 : i32
    %dma_start3A_753 = tpu.memref_slice %arg5[%squeeze3A_748, %dma_start3A_752] : memref<100000x64xf32, #tpu.memory_space<hbm>> -> memref<1x64xf32, #tpu.memory_space<hbm>>
    %dma_start3A_754 = arith.constant 0 : i32
    %dma_start3A_755 = tpu.memref_slice %arg5[%squeeze3A_748, %dma_start3A_754] : memref<100000x64xf32, #tpu.memory_space<hbm>> -> memref<1x64xf32, #tpu.memory_space<hbm>>
    %dma_start3A_756 = arith.constant 3 : i32
    %dma_start3A_757 = arith.constant 0 : i32
    %dma_start3A_758 = tpu.memref_slice %arg9[%dma_start3A_756, %dma_start3A_757] : memref<32x64xf32, #tpu.memory_space<vmem>> -> memref<1x64xf32, #tpu.memory_space<vmem>>
    tpu.enqueue_dma source(%dma_start3A_758 : memref<1x64xf32, #tpu.memory_space<vmem>>) target(%dma_start3A_755 : memref<1x64xf32, #tpu.memory_space<hbm>>) target_semaphore(%arg11 : memref<!tpu.dma_semaphore, #tpu.memory_space<semaphore_mem>>)
    %slice3A_759 = vector.extract_strided_slice %get3A_710 {offsets = [4], sizes = [1], strides = [1]} : vector<16xi32> to vector<1xi32>
    %squeeze3A_760 = vector.extract %slice3A_759[0] : i32 from vector<1xi32>
    %dma_start3A_761 = arith.constant 4 : i32
    %dma_start3A_762 = arith.constant 0 : i32
    %dma_start3A_763 = tpu.memref_slice %arg9[%dma_start3A_761, %dma_start3A_762] : memref<32x64xf32, #tpu.memory_space<vmem>> -> memref<1x64xf32, #tpu.memory_space<vmem>>
    %dma_start3A_764 = arith.constant 0 : i32
    %dma_start3A_765 = tpu.memref_slice %arg5[%squeeze3A_760, %dma_start3A_764] : memref<100000x64xf32, #tpu.memory_space<hbm>> -> memref<1x64xf32, #tpu.memory_space<hbm>>
    %dma_start3A_766 = arith.constant 0 : i32
    %dma_start3A_767 = tpu.memref_slice %arg5[%squeeze3A_760, %dma_start3A_766] : memref<100000x64xf32, #tpu.memory_space<hbm>> -> memref<1x64xf32, #tpu.memory_space<hbm>>
    %dma_start3A_768 = arith.constant 4 : i32
    %dma_start3A_769 = arith.constant 0 : i32
    %dma_start3A_770 = tpu.memref_slice %arg9[%dma_start3A_768, %dma_start3A_769] : memref<32x64xf32, #tpu.memory_space<vmem>> -> memref<1x64xf32, #tpu.memory_space<vmem>>
    tpu.enqueue_dma source(%dma_start3A_770 : memref<1x64xf32, #tpu.memory_space<vmem>>) target(%dma_start3A_767 : memref<1x64xf32, #tpu.memory_space<hbm>>) target_semaphore(%arg11 : memref<!tpu.dma_semaphore, #tpu.memory_space<semaphore_mem>>)
    %slice3A_771 = vector.extract_strided_slice %get3A_710 {offsets = [5], sizes = [1], strides = [1]} : vector<16xi32> to vector<1xi32>
    %squeeze3A_772 = vector.extract %slice3A_771[0] : i32 from vector<1xi32>
    %dma_start3A_773 = arith.constant 5 : i32
    %dma_start3A_774 = arith.constant 0 : i32
    %dma_start3A_775 = tpu.memref_slice %arg9[%dma_start3A_773, %dma_start3A_774] : memref<32x64xf32, #tpu.memory_space<vmem>> -> memref<1x64xf32, #tpu.memory_space<vmem>>
    %dma_start3A_776 = arith.constant 0 : i32
    %dma_start3A_777 = tpu.memref_slice %arg5[%squeeze3A_772, %dma_start3A_776] : memref<100000x64xf32, #tpu.memory_space<hbm>> -> memref<1x64xf32, #tpu.memory_space<hbm>>
    %dma_start3A_778 = arith.constant 0 : i32
    %dma_start3A_779 = tpu.memref_slice %arg5[%squeeze3A_772, %dma_start3A_778] : memref<100000x64xf32, #tpu.memory_space<hbm>> -> memref<1x64xf32, #tpu.memory_space<hbm>>
    %dma_start3A_780 = arith.constant 5 : i32
    %dma_start3A_781 = arith.constant 0 : i32
    %dma_start3A_782 = tpu.memref_slice %arg9[%dma_start3A_780, %dma_start3A_781] : memref<32x64xf32, #tpu.memory_space<vmem>> -> memref<1x64xf32, #tpu.memory_space<vmem>>
    tpu.enqueue_dma source(%dma_start3A_782 : memref<1x64xf32, #tpu.memory_space<vmem>>) target(%dma_start3A_779 : memref<1x64xf32, #tpu.memory_space<hbm>>) target_semaphore(%arg11 : memref<!tpu.dma_semaphore, #tpu.memory_space<semaphore_mem>>)
    %slice3A_783 = vector.extract_strided_slice %get3A_710 {offsets = [6], sizes = [1], strides = [1]} : vector<16xi32> to vector<1xi32>
    %squeeze3A_784 = vector.extract %slice3A_783[0] : i32 from vector<1xi32>
    %dma_start3A_785 = arith.constant 6 : i32
    %dma_start3A_786 = arith.constant 0 : i32
    %dma_start3A_787 = tpu.memref_slice %arg9[%dma_start3A_785, %dma_start3A_786] : memref<32x64xf32, #tpu.memory_space<vmem>> -> memref<1x64xf32, #tpu.memory_space<vmem>>
    %dma_start3A_788 = arith.constant 0 : i32
    %dma_start3A_789 = tpu.memref_slice %arg5[%squeeze3A_784, %dma_start3A_788] : memref<100000x64xf32, #tpu.memory_space<hbm>> -> memref<1x64xf32, #tpu.memory_space<hbm>>
    %dma_start3A_790 = arith.constant 0 : i32
    %dma_start3A_791 = tpu.memref_slice %arg5[%squeeze3A_784, %dma_start3A_790] : memref<100000x64xf32, #tpu.memory_space<hbm>> -> memref<1x64xf32, #tpu.memory_space<hbm>>
    %dma_start3A_792 = arith.constant 6 : i32
    %dma_start3A_793 = arith.constant 0 : i32
    %dma_start3A_794 = tpu.memref_slice %arg9[%dma_start3A_792, %dma_start3A_793] : memref<32x64xf32, #tpu.memory_space<vmem>> -> memref<1x64xf32, #tpu.memory_space<vmem>>
    tpu.enqueue_dma source(%dma_start3A_794 : memref<1x64xf32, #tpu.memory_space<vmem>>) target(%dma_start3A_791 : memref<1x64xf32, #tpu.memory_space<hbm>>) target_semaphore(%arg11 : memref<!tpu.dma_semaphore, #tpu.memory_space<semaphore_mem>>)
    %slice3A_795 = vector.extract_strided_slice %get3A_710 {offsets = [7], sizes = [1], strides = [1]} : vector<16xi32> to vector<1xi32>
    %squeeze3A_796 = vector.extract %slice3A_795[0] : i32 from vector<1xi32>
    %dma_start3A_797 = arith.constant 7 : i32
    %dma_start3A_798 = arith.constant 0 : i32
    %dma_start3A_799 = tpu.memref_slice %arg9[%dma_start3A_797, %dma_start3A_798] : memref<32x64xf32, #tpu.memory_space<vmem>> -> memref<1x64xf32, #tpu.memory_space<vmem>>
    %dma_start3A_800 = arith.constant 0 : i32
    %dma_start3A_801 = tpu.memref_slice %arg5[%squeeze3A_796, %dma_start3A_800] : memref<100000x64xf32, #tpu.memory_space<hbm>> -> memref<1x64xf32, #tpu.memory_space<hbm>>
    %dma_start3A_802 = arith.constant 0 : i32
    %dma_start3A_803 = tpu.memref_slice %arg5[%squeeze3A_796, %dma_start3A_802] : memref<100000x64xf32, #tpu.memory_space<hbm>> -> memref<1x64xf32, #tpu.memory_space<hbm>>
    %dma_start3A_804 = arith.constant 7 : i32
    %dma_start3A_805 = arith.constant 0 : i32
    %dma_start3A_806 = tpu.memref_slice %arg9[%dma_start3A_804, %dma_start3A_805] : memref<32x64xf32, #tpu.memory_space<vmem>> -> memref<1x64xf32, #tpu.memory_space<vmem>>
    tpu.enqueue_dma source(%dma_start3A_806 : memref<1x64xf32, #tpu.memory_space<vmem>>) target(%dma_start3A_803 : memref<1x64xf32, #tpu.memory_space<hbm>>) target_semaphore(%arg11 : memref<!tpu.dma_semaphore, #tpu.memory_space<semaphore_mem>>)
    %slice3A_807 = vector.extract_strided_slice %get3A_710 {offsets = [8], sizes = [1], strides = [1]} : vector<16xi32> to vector<1xi32>
    %squeeze3A_808 = vector.extract %slice3A_807[0] : i32 from vector<1xi32>
    %dma_start3A_809 = arith.constant 8 : i32
    %dma_start3A_810 = arith.constant 0 : i32
    %dma_start3A_811 = tpu.memref_slice %arg9[%dma_start3A_809, %dma_start3A_810] : memref<32x64xf32, #tpu.memory_space<vmem>> -> memref<1x64xf32, #tpu.memory_space<vmem>>
    %dma_start3A_812 = arith.constant 0 : i32
    %dma_start3A_813 = tpu.memref_slice %arg5[%squeeze3A_808, %dma_start3A_812] : memref<100000x64xf32, #tpu.memory_space<hbm>> -> memref<1x64xf32, #tpu.memory_space<hbm>>
    %dma_start3A_814 = arith.constant 0 : i32
    %dma_start3A_815 = tpu.memref_slice %arg5[%squeeze3A_808, %dma_start3A_814] : memref<100000x64xf32, #tpu.memory_space<hbm>> -> memref<1x64xf32, #tpu.memory_space<hbm>>
    %dma_start3A_816 = arith.constant 8 : i32
    %dma_start3A_817 = arith.constant 0 : i32
    %dma_start3A_818 = tpu.memref_slice %arg9[%dma_start3A_816, %dma_start3A_817] : memref<32x64xf32, #tpu.memory_space<vmem>> -> memref<1x64xf32, #tpu.memory_space<vmem>>
    tpu.enqueue_dma source(%dma_start3A_818 : memref<1x64xf32, #tpu.memory_space<vmem>>) target(%dma_start3A_815 : memref<1x64xf32, #tpu.memory_space<hbm>>) target_semaphore(%arg11 : memref<!tpu.dma_semaphore, #tpu.memory_space<semaphore_mem>>)
    %slice3A_819 = vector.extract_strided_slice %get3A_710 {offsets = [9], sizes = [1], strides = [1]} : vector<16xi32> to vector<1xi32>
    %squeeze3A_820 = vector.extract %slice3A_819[0] : i32 from vector<1xi32>
    %dma_start3A_821 = arith.constant 9 : i32
    %dma_start3A_822 = arith.constant 0 : i32
    %dma_start3A_823 = tpu.memref_slice %arg9[%dma_start3A_821, %dma_start3A_822] : memref<32x64xf32, #tpu.memory_space<vmem>> -> memref<1x64xf32, #tpu.memory_space<vmem>>
    %dma_start3A_824 = arith.constant 0 : i32
    %dma_start3A_825 = tpu.memref_slice %arg5[%squeeze3A_820, %dma_start3A_824] : memref<100000x64xf32, #tpu.memory_space<hbm>> -> memref<1x64xf32, #tpu.memory_space<hbm>>
    %dma_start3A_826 = arith.constant 0 : i32
    %dma_start3A_827 = tpu.memref_slice %arg5[%squeeze3A_820, %dma_start3A_826] : memref<100000x64xf32, #tpu.memory_space<hbm>> -> memref<1x64xf32, #tpu.memory_space<hbm>>
    %dma_start3A_828 = arith.constant 9 : i32
    %dma_start3A_829 = arith.constant 0 : i32
    %dma_start3A_830 = tpu.memref_slice %arg9[%dma_start3A_828, %dma_start3A_829] : memref<32x64xf32, #tpu.memory_space<vmem>> -> memref<1x64xf32, #tpu.memory_space<vmem>>
    tpu.enqueue_dma source(%dma_start3A_830 : memref<1x64xf32, #tpu.memory_space<vmem>>) target(%dma_start3A_827 : memref<1x64xf32, #tpu.memory_space<hbm>>) target_semaphore(%arg11 : memref<!tpu.dma_semaphore, #tpu.memory_space<semaphore_mem>>)
    %slice3A_831 = vector.extract_strided_slice %get3A_710 {offsets = [10], sizes = [1], strides = [1]} : vector<16xi32> to vector<1xi32>
    %squeeze3A_832 = vector.extract %slice3A_831[0] : i32 from vector<1xi32>
    %dma_start3A_833 = arith.constant 10 : i32
    %dma_start3A_834 = arith.constant 0 : i32
    %dma_start3A_835 = tpu.memref_slice %arg9[%dma_start3A_833, %dma_start3A_834] : memref<32x64xf32, #tpu.memory_space<vmem>> -> memref<1x64xf32, #tpu.memory_space<vmem>>
    %dma_start3A_836 = arith.constant 0 : i32
    %dma_start3A_837 = tpu.memref_slice %arg5[%squeeze3A_832, %dma_start3A_836] : memref<100000x64xf32, #tpu.memory_space<hbm>> -> memref<1x64xf32, #tpu.memory_space<hbm>>
    %dma_start3A_838 = arith.constant 0 : i32
    %dma_start3A_839 = tpu.memref_slice %arg5[%squeeze3A_832, %dma_start3A_838] : memref<100000x64xf32, #tpu.memory_space<hbm>> -> memref<1x64xf32, #tpu.memory_space<hbm>>
    %dma_start3A_840 = arith.constant 10 : i32
    %dma_start3A_841 = arith.constant 0 : i32
    %dma_start3A_842 = tpu.memref_slice %arg9[%dma_start3A_840, %dma_start3A_841] : memref<32x64xf32, #tpu.memory_space<vmem>> -> memref<1x64xf32, #tpu.memory_space<vmem>>
    tpu.enqueue_dma source(%dma_start3A_842 : memref<1x64xf32, #tpu.memory_space<vmem>>) target(%dma_start3A_839 : memref<1x64xf32, #tpu.memory_space<hbm>>) target_semaphore(%arg11 : memref<!tpu.dma_semaphore, #tpu.memory_space<semaphore_mem>>)
    %slice3A_843 = vector.extract_strided_slice %get3A_710 {offsets = [11], sizes = [1], strides = [1]} : vector<16xi32> to vector<1xi32>
    %squeeze3A_844 = vector.extract %slice3A_843[0] : i32 from vector<1xi32>
    %dma_start3A_845 = arith.constant 11 : i32
    %dma_start3A_846 = arith.constant 0 : i32
    %dma_start3A_847 = tpu.memref_slice %arg9[%dma_start3A_845, %dma_start3A_846] : memref<32x64xf32, #tpu.memory_space<vmem>> -> memref<1x64xf32, #tpu.memory_space<vmem>>
    %dma_start3A_848 = arith.constant 0 : i32
    %dma_start3A_849 = tpu.memref_slice %arg5[%squeeze3A_844, %dma_start3A_848] : memref<100000x64xf32, #tpu.memory_space<hbm>> -> memref<1x64xf32, #tpu.memory_space<hbm>>
    %dma_start3A_850 = arith.constant 0 : i32
    %dma_start3A_851 = tpu.memref_slice %arg5[%squeeze3A_844, %dma_start3A_850] : memref<100000x64xf32, #tpu.memory_space<hbm>> -> memref<1x64xf32, #tpu.memory_space<hbm>>
    %dma_start3A_852 = arith.constant 11 : i32
    %dma_start3A_853 = arith.constant 0 : i32
    %dma_start3A_854 = tpu.memref_slice %arg9[%dma_start3A_852, %dma_start3A_853] : memref<32x64xf32, #tpu.memory_space<vmem>> -> memref<1x64xf32, #tpu.memory_space<vmem>>
    tpu.enqueue_dma source(%dma_start3A_854 : memref<1x64xf32, #tpu.memory_space<vmem>>) target(%dma_start3A_851 : memref<1x64xf32, #tpu.memory_space<hbm>>) target_semaphore(%arg11 : memref<!tpu.dma_semaphore, #tpu.memory_space<semaphore_mem>>)
    %slice3A_855 = vector.extract_strided_slice %get3A_710 {offsets = [12], sizes = [1], strides = [1]} : vector<16xi32> to vector<1xi32>
    %squeeze3A_856 = vector.extract %slice3A_855[0] : i32 from vector<1xi32>
    %dma_start3A_857 = arith.constant 12 : i32
    %dma_start3A_858 = arith.constant 0 : i32
    %dma_start3A_859 = tpu.memref_slice %arg9[%dma_start3A_857, %dma_start3A_858] : memref<32x64xf32, #tpu.memory_space<vmem>> -> memref<1x64xf32, #tpu.memory_space<vmem>>
    %dma_start3A_860 = arith.constant 0 : i32
    %dma_start3A_861 = tpu.memref_slice %arg5[%squeeze3A_856, %dma_start3A_860] : memref<100000x64xf32, #tpu.memory_space<hbm>> -> memref<1x64xf32, #tpu.memory_space<hbm>>
    %dma_start3A_862 = arith.constant 0 : i32
    %dma_start3A_863 = tpu.memref_slice %arg5[%squeeze3A_856, %dma_start3A_862] : memref<100000x64xf32, #tpu.memory_space<hbm>> -> memref<1x64xf32, #tpu.memory_space<hbm>>
    %dma_start3A_864 = arith.constant 12 : i32
    %dma_start3A_865 = arith.constant 0 : i32
    %dma_start3A_866 = tpu.memref_slice %arg9[%dma_start3A_864, %dma_start3A_865] : memref<32x64xf32, #tpu.memory_space<vmem>> -> memref<1x64xf32, #tpu.memory_space<vmem>>
    tpu.enqueue_dma source(%dma_start3A_866 : memref<1x64xf32, #tpu.memory_space<vmem>>) target(%dma_start3A_863 : memref<1x64xf32, #tpu.memory_space<hbm>>) target_semaphore(%arg11 : memref<!tpu.dma_semaphore, #tpu.memory_space<semaphore_mem>>)
    %slice3A_867 = vector.extract_strided_slice %get3A_710 {offsets = [13], sizes = [1], strides = [1]} : vector<16xi32> to vector<1xi32>
    %squeeze3A_868 = vector.extract %slice3A_867[0] : i32 from vector<1xi32>
    %dma_start3A_869 = arith.constant 13 : i32
    %dma_start3A_870 = arith.constant 0 : i32
    %dma_start3A_871 = tpu.memref_slice %arg9[%dma_start3A_869, %dma_start3A_870] : memref<32x64xf32, #tpu.memory_space<vmem>> -> memref<1x64xf32, #tpu.memory_space<vmem>>
    %dma_start3A_872 = arith.constant 0 : i32
    %dma_start3A_873 = tpu.memref_slice %arg5[%squeeze3A_868, %dma_start3A_872] : memref<100000x64xf32, #tpu.memory_space<hbm>> -> memref<1x64xf32, #tpu.memory_space<hbm>>
    %dma_start3A_874 = arith.constant 0 : i32
    %dma_start3A_875 = tpu.memref_slice %arg5[%squeeze3A_868, %dma_start3A_874] : memref<100000x64xf32, #tpu.memory_space<hbm>> -> memref<1x64xf32, #tpu.memory_space<hbm>>
    %dma_start3A_876 = arith.constant 13 : i32
    %dma_start3A_877 = arith.constant 0 : i32
    %dma_start3A_878 = tpu.memref_slice %arg9[%dma_start3A_876, %dma_start3A_877] : memref<32x64xf32, #tpu.memory_space<vmem>> -> memref<1x64xf32, #tpu.memory_space<vmem>>
    tpu.enqueue_dma source(%dma_start3A_878 : memref<1x64xf32, #tpu.memory_space<vmem>>) target(%dma_start3A_875 : memref<1x64xf32, #tpu.memory_space<hbm>>) target_semaphore(%arg11 : memref<!tpu.dma_semaphore, #tpu.memory_space<semaphore_mem>>)
    %slice3A_879 = vector.extract_strided_slice %get3A_710 {offsets = [14], sizes = [1], strides = [1]} : vector<16xi32> to vector<1xi32>
    %squeeze3A_880 = vector.extract %slice3A_879[0] : i32 from vector<1xi32>
    %dma_start3A_881 = arith.constant 14 : i32
    %dma_start3A_882 = arith.constant 0 : i32
    %dma_start3A_883 = tpu.memref_slice %arg9[%dma_start3A_881, %dma_start3A_882] : memref<32x64xf32, #tpu.memory_space<vmem>> -> memref<1x64xf32, #tpu.memory_space<vmem>>
    %dma_start3A_884 = arith.constant 0 : i32
    %dma_start3A_885 = tpu.memref_slice %arg5[%squeeze3A_880, %dma_start3A_884] : memref<100000x64xf32, #tpu.memory_space<hbm>> -> memref<1x64xf32, #tpu.memory_space<hbm>>
    %dma_start3A_886 = arith.constant 0 : i32
    %dma_start3A_887 = tpu.memref_slice %arg5[%squeeze3A_880, %dma_start3A_886] : memref<100000x64xf32, #tpu.memory_space<hbm>> -> memref<1x64xf32, #tpu.memory_space<hbm>>
    %dma_start3A_888 = arith.constant 14 : i32
    %dma_start3A_889 = arith.constant 0 : i32
    %dma_start3A_890 = tpu.memref_slice %arg9[%dma_start3A_888, %dma_start3A_889] : memref<32x64xf32, #tpu.memory_space<vmem>> -> memref<1x64xf32, #tpu.memory_space<vmem>>
    tpu.enqueue_dma source(%dma_start3A_890 : memref<1x64xf32, #tpu.memory_space<vmem>>) target(%dma_start3A_887 : memref<1x64xf32, #tpu.memory_space<hbm>>) target_semaphore(%arg11 : memref<!tpu.dma_semaphore, #tpu.memory_space<semaphore_mem>>)
    %slice3A_891 = vector.extract_strided_slice %get3A_710 {offsets = [15], sizes = [1], strides = [1]} : vector<16xi32> to vector<1xi32>
    %squeeze3A_892 = vector.extract %slice3A_891[0] : i32 from vector<1xi32>
    %dma_start3A_893 = arith.constant 15 : i32
    %dma_start3A_894 = arith.constant 0 : i32
    %dma_start3A_895 = tpu.memref_slice %arg9[%dma_start3A_893, %dma_start3A_894] : memref<32x64xf32, #tpu.memory_space<vmem>> -> memref<1x64xf32, #tpu.memory_space<vmem>>
    %dma_start3A_896 = arith.constant 0 : i32
    %dma_start3A_897 = tpu.memref_slice %arg5[%squeeze3A_892, %dma_start3A_896] : memref<100000x64xf32, #tpu.memory_space<hbm>> -> memref<1x64xf32, #tpu.memory_space<hbm>>
    %dma_start3A_898 = arith.constant 0 : i32
    %dma_start3A_899 = tpu.memref_slice %arg5[%squeeze3A_892, %dma_start3A_898] : memref<100000x64xf32, #tpu.memory_space<hbm>> -> memref<1x64xf32, #tpu.memory_space<hbm>>
    %dma_start3A_900 = arith.constant 15 : i32
    %dma_start3A_901 = arith.constant 0 : i32
    %dma_start3A_902 = tpu.memref_slice %arg9[%dma_start3A_900, %dma_start3A_901] : memref<32x64xf32, #tpu.memory_space<vmem>> -> memref<1x64xf32, #tpu.memory_space<vmem>>
    tpu.enqueue_dma source(%dma_start3A_902 : memref<1x64xf32, #tpu.memory_space<vmem>>) target(%dma_start3A_899 : memref<1x64xf32, #tpu.memory_space<hbm>>) target_semaphore(%arg11 : memref<!tpu.dma_semaphore, #tpu.memory_space<semaphore_mem>>)
    %get3A_903 = arith.constant 16 : index
    %get3A_904 = tpu.vector_load %arg8[%get3A_903] {strides = array<i32>} : memref<32xi32, #tpu.memory_space<vmem>>, vector<16xi32>,
    %get3A_905 = vector.shape_cast %get3A_904 : vector<16xi32> to vector<16xi32>
    %slice3A_906 = vector.extract_strided_slice %get3A_905 {offsets = [0], sizes = [1], strides = [1]} : vector<16xi32> to vector<1xi32>
    %squeeze3A_907 = vector.extract %slice3A_906[0] : i32 from vector<1xi32>
    %dma_start3A_908 = arith.constant 16 : i32
    %dma_start3A_909 = arith.constant 0 : i32
    %dma_start3A_910 = tpu.memref_slice %arg9[%dma_start3A_908, %dma_start3A_909] : memref<32x64xf32, #tpu.memory_space<vmem>> -> memref<1x64xf32, #tpu.memory_space<vmem>>
    %dma_start3A_911 = arith.constant 0 : i32
    %dma_start3A_912 = tpu.memref_slice %arg5[%squeeze3A_907, %dma_start3A_911] : memref<100000x64xf32, #tpu.memory_space<hbm>> -> memref<1x64xf32, #tpu.memory_space<hbm>>
    %dma_start3A_913 = arith.constant 0 : i32
    %dma_start3A_914 = tpu.memref_slice %arg5[%squeeze3A_907, %dma_start3A_913] : memref<100000x64xf32, #tpu.memory_space<hbm>> -> memref<1x64xf32, #tpu.memory_space<hbm>>
    %dma_start3A_915 = arith.constant 16 : i32
    %dma_start3A_916 = arith.constant 0 : i32
    %dma_start3A_917 = tpu.memref_slice %arg9[%dma_start3A_915, %dma_start3A_916] : memref<32x64xf32, #tpu.memory_space<vmem>> -> memref<1x64xf32, #tpu.memory_space<vmem>>
    tpu.enqueue_dma source(%dma_start3A_917 : memref<1x64xf32, #tpu.memory_space<vmem>>) target(%dma_start3A_914 : memref<1x64xf32, #tpu.memory_space<hbm>>) target_semaphore(%arg11 : memref<!tpu.dma_semaphore, #tpu.memory_space<semaphore_mem>>)
    %slice3A_918 = vector.extract_strided_slice %get3A_905 {offsets = [1], sizes = [1], strides = [1]} : vector<16xi32> to vector<1xi32>
    %squeeze3A_919 = vector.extract %slice3A_918[0] : i32 from vector<1xi32>
    %dma_start3A_920 = arith.constant 17 : i32
    %dma_start3A_921 = arith.constant 0 : i32
    %dma_start3A_922 = tpu.memref_slice %arg9[%dma_start3A_920, %dma_start3A_921] : memref<32x64xf32, #tpu.memory_space<vmem>> -> memref<1x64xf32, #tpu.memory_space<vmem>>
    %dma_start3A_923 = arith.constant 0 : i32
    %dma_start3A_924 = tpu.memref_slice %arg5[%squeeze3A_919, %dma_start3A_923] : memref<100000x64xf32, #tpu.memory_space<hbm>> -> memref<1x64xf32, #tpu.memory_space<hbm>>
    %dma_start3A_925 = arith.constant 0 : i32
    %dma_start3A_926 = tpu.memref_slice %arg5[%squeeze3A_919, %dma_start3A_925] : memref<100000x64xf32, #tpu.memory_space<hbm>> -> memref<1x64xf32, #tpu.memory_space<hbm>>
    %dma_start3A_927 = arith.constant 17 : i32
    %dma_start3A_928 = arith.constant 0 : i32
    %dma_start3A_929 = tpu.memref_slice %arg9[%dma_start3A_927, %dma_start3A_928] : memref<32x64xf32, #tpu.memory_space<vmem>> -> memref<1x64xf32, #tpu.memory_space<vmem>>
    tpu.enqueue_dma source(%dma_start3A_929 : memref<1x64xf32, #tpu.memory_space<vmem>>) target(%dma_start3A_926 : memref<1x64xf32, #tpu.memory_space<hbm>>) target_semaphore(%arg11 : memref<!tpu.dma_semaphore, #tpu.memory_space<semaphore_mem>>)
    %slice3A_930 = vector.extract_strided_slice %get3A_905 {offsets = [2], sizes = [1], strides = [1]} : vector<16xi32> to vector<1xi32>
    %squeeze3A_931 = vector.extract %slice3A_930[0] : i32 from vector<1xi32>
    %dma_start3A_932 = arith.constant 18 : i32
    %dma_start3A_933 = arith.constant 0 : i32
    %dma_start3A_934 = tpu.memref_slice %arg9[%dma_start3A_932, %dma_start3A_933] : memref<32x64xf32, #tpu.memory_space<vmem>> -> memref<1x64xf32, #tpu.memory_space<vmem>>
    %dma_start3A_935 = arith.constant 0 : i32
    %dma_start3A_936 = tpu.memref_slice %arg5[%squeeze3A_931, %dma_start3A_935] : memref<100000x64xf32, #tpu.memory_space<hbm>> -> memref<1x64xf32, #tpu.memory_space<hbm>>
    %dma_start3A_937 = arith.constant 0 : i32
    %dma_start3A_938 = tpu.memref_slice %arg5[%squeeze3A_931, %dma_start3A_937] : memref<100000x64xf32, #tpu.memory_space<hbm>> -> memref<1x64xf32, #tpu.memory_space<hbm>>
    %dma_start3A_939 = arith.constant 18 : i32
    %dma_start3A_940 = arith.constant 0 : i32
    %dma_start3A_941 = tpu.memref_slice %arg9[%dma_start3A_939, %dma_start3A_940] : memref<32x64xf32, #tpu.memory_space<vmem>> -> memref<1x64xf32, #tpu.memory_space<vmem>>
    tpu.enqueue_dma source(%dma_start3A_941 : memref<1x64xf32, #tpu.memory_space<vmem>>) target(%dma_start3A_938 : memref<1x64xf32, #tpu.memory_space<hbm>>) target_semaphore(%arg11 : memref<!tpu.dma_semaphore, #tpu.memory_space<semaphore_mem>>)
    %slice3A_942 = vector.extract_strided_slice %get3A_905 {offsets = [3], sizes = [1], strides = [1]} : vector<16xi32> to vector<1xi32>
    %squeeze3A_943 = vector.extract %slice3A_942[0] : i32 from vector<1xi32>
    %dma_start3A_944 = arith.constant 19 : i32
    %dma_start3A_945 = arith.constant 0 : i32
    %dma_start3A_946 = tpu.memref_slice %arg9[%dma_start3A_944, %dma_start3A_945] : memref<32x64xf32, #tpu.memory_space<vmem>> -> memref<1x64xf32, #tpu.memory_space<vmem>>
    %dma_start3A_947 = arith.constant 0 : i32
    %dma_start3A_948 = tpu.memref_slice %arg5[%squeeze3A_943, %dma_start3A_947] : memref<100000x64xf32, #tpu.memory_space<hbm>> -> memref<1x64xf32, #tpu.memory_space<hbm>>
    %dma_start3A_949 = arith.constant 0 : i32
    %dma_start3A_950 = tpu.memref_slice %arg5[%squeeze3A_943, %dma_start3A_949] : memref<100000x64xf32, #tpu.memory_space<hbm>> -> memref<1x64xf32, #tpu.memory_space<hbm>>
    %dma_start3A_951 = arith.constant 19 : i32
    %dma_start3A_952 = arith.constant 0 : i32
    %dma_start3A_953 = tpu.memref_slice %arg9[%dma_start3A_951, %dma_start3A_952] : memref<32x64xf32, #tpu.memory_space<vmem>> -> memref<1x64xf32, #tpu.memory_space<vmem>>
    tpu.enqueue_dma source(%dma_start3A_953 : memref<1x64xf32, #tpu.memory_space<vmem>>) target(%dma_start3A_950 : memref<1x64xf32, #tpu.memory_space<hbm>>) target_semaphore(%arg11 : memref<!tpu.dma_semaphore, #tpu.memory_space<semaphore_mem>>)
    %slice3A_954 = vector.extract_strided_slice %get3A_905 {offsets = [4], sizes = [1], strides = [1]} : vector<16xi32> to vector<1xi32>
    %squeeze3A_955 = vector.extract %slice3A_954[0] : i32 from vector<1xi32>
    %dma_start3A_956 = arith.constant 20 : i32
    %dma_start3A_957 = arith.constant 0 : i32
    %dma_start3A_958 = tpu.memref_slice %arg9[%dma_start3A_956, %dma_start3A_957] : memref<32x64xf32, #tpu.memory_space<vmem>> -> memref<1x64xf32, #tpu.memory_space<vmem>>
    %dma_start3A_959 = arith.constant 0 : i32
    %dma_start3A_960 = tpu.memref_slice %arg5[%squeeze3A_955, %dma_start3A_959] : memref<100000x64xf32, #tpu.memory_space<hbm>> -> memref<1x64xf32, #tpu.memory_space<hbm>>
    %dma_start3A_961 = arith.constant 0 : i32
    %dma_start3A_962 = tpu.memref_slice %arg5[%squeeze3A_955, %dma_start3A_961] : memref<100000x64xf32, #tpu.memory_space<hbm>> -> memref<1x64xf32, #tpu.memory_space<hbm>>
    %dma_start3A_963 = arith.constant 20 : i32
    %dma_start3A_964 = arith.constant 0 : i32
    %dma_start3A_965 = tpu.memref_slice %arg9[%dma_start3A_963, %dma_start3A_964] : memref<32x64xf32, #tpu.memory_space<vmem>> -> memref<1x64xf32, #tpu.memory_space<vmem>>
    tpu.enqueue_dma source(%dma_start3A_965 : memref<1x64xf32, #tpu.memory_space<vmem>>) target(%dma_start3A_962 : memref<1x64xf32, #tpu.memory_space<hbm>>) target_semaphore(%arg11 : memref<!tpu.dma_semaphore, #tpu.memory_space<semaphore_mem>>)
    %slice3A_966 = vector.extract_strided_slice %get3A_905 {offsets = [5], sizes = [1], strides = [1]} : vector<16xi32> to vector<1xi32>
    %squeeze3A_967 = vector.extract %slice3A_966[0] : i32 from vector<1xi32>
    %dma_start3A_968 = arith.constant 21 : i32
    %dma_start3A_969 = arith.constant 0 : i32
    %dma_start3A_970 = tpu.memref_slice %arg9[%dma_start3A_968, %dma_start3A_969] : memref<32x64xf32, #tpu.memory_space<vmem>> -> memref<1x64xf32, #tpu.memory_space<vmem>>
    %dma_start3A_971 = arith.constant 0 : i32
    %dma_start3A_972 = tpu.memref_slice %arg5[%squeeze3A_967, %dma_start3A_971] : memref<100000x64xf32, #tpu.memory_space<hbm>> -> memref<1x64xf32, #tpu.memory_space<hbm>>
    %dma_start3A_973 = arith.constant 0 : i32
    %dma_start3A_974 = tpu.memref_slice %arg5[%squeeze3A_967, %dma_start3A_973] : memref<100000x64xf32, #tpu.memory_space<hbm>> -> memref<1x64xf32, #tpu.memory_space<hbm>>
    %dma_start3A_975 = arith.constant 21 : i32
    %dma_start3A_976 = arith.constant 0 : i32
    %dma_start3A_977 = tpu.memref_slice %arg9[%dma_start3A_975, %dma_start3A_976] : memref<32x64xf32, #tpu.memory_space<vmem>> -> memref<1x64xf32, #tpu.memory_space<vmem>>
    tpu.enqueue_dma source(%dma_start3A_977 : memref<1x64xf32, #tpu.memory_space<vmem>>) target(%dma_start3A_974 : memref<1x64xf32, #tpu.memory_space<hbm>>) target_semaphore(%arg11 : memref<!tpu.dma_semaphore, #tpu.memory_space<semaphore_mem>>)
    %slice3A_978 = vector.extract_strided_slice %get3A_905 {offsets = [6], sizes = [1], strides = [1]} : vector<16xi32> to vector<1xi32>
    %squeeze3A_979 = vector.extract %slice3A_978[0] : i32 from vector<1xi32>
    %dma_start3A_980 = arith.constant 22 : i32
    %dma_start3A_981 = arith.constant 0 : i32
    %dma_start3A_982 = tpu.memref_slice %arg9[%dma_start3A_980, %dma_start3A_981] : memref<32x64xf32, #tpu.memory_space<vmem>> -> memref<1x64xf32, #tpu.memory_space<vmem>>
    %dma_start3A_983 = arith.constant 0 : i32
    %dma_start3A_984 = tpu.memref_slice %arg5[%squeeze3A_979, %dma_start3A_983] : memref<100000x64xf32, #tpu.memory_space<hbm>> -> memref<1x64xf32, #tpu.memory_space<hbm>>
    %dma_start3A_985 = arith.constant 0 : i32
    %dma_start3A_986 = tpu.memref_slice %arg5[%squeeze3A_979, %dma_start3A_985] : memref<100000x64xf32, #tpu.memory_space<hbm>> -> memref<1x64xf32, #tpu.memory_space<hbm>>
    %dma_start3A_987 = arith.constant 22 : i32
    %dma_start3A_988 = arith.constant 0 : i32
    %dma_start3A_989 = tpu.memref_slice %arg9[%dma_start3A_987, %dma_start3A_988] : memref<32x64xf32, #tpu.memory_space<vmem>> -> memref<1x64xf32, #tpu.memory_space<vmem>>
    tpu.enqueue_dma source(%dma_start3A_989 : memref<1x64xf32, #tpu.memory_space<vmem>>) target(%dma_start3A_986 : memref<1x64xf32, #tpu.memory_space<hbm>>) target_semaphore(%arg11 : memref<!tpu.dma_semaphore, #tpu.memory_space<semaphore_mem>>)
    %slice3A_990 = vector.extract_strided_slice %get3A_905 {offsets = [7], sizes = [1], strides = [1]} : vector<16xi32> to vector<1xi32>
    %squeeze3A_991 = vector.extract %slice3A_990[0] : i32 from vector<1xi32>
    %dma_start3A_992 = arith.constant 23 : i32
    %dma_start3A_993 = arith.constant 0 : i32
    %dma_start3A_994 = tpu.memref_slice %arg9[%dma_start3A_992, %dma_start3A_993] : memref<32x64xf32, #tpu.memory_space<vmem>> -> memref<1x64xf32, #tpu.memory_space<vmem>>
    %dma_start3A_995 = arith.constant 0 : i32
    %dma_start3A_996 = tpu.memref_slice %arg5[%squeeze3A_991, %dma_start3A_995] : memref<100000x64xf32, #tpu.memory_space<hbm>> -> memref<1x64xf32, #tpu.memory_space<hbm>>
    %dma_start3A_997 = arith.constant 0 : i32
    %dma_start3A_998 = tpu.memref_slice %arg5[%squeeze3A_991, %dma_start3A_997] : memref<100000x64xf32, #tpu.memory_space<hbm>> -> memref<1x64xf32, #tpu.memory_space<hbm>>
    %dma_start3A_999 = arith.constant 23 : i32
    %dma_start3A_1000 = arith.constant 0 : i32
    %dma_start3A_1001 = tpu.memref_slice %arg9[%dma_start3A_999, %dma_start3A_1000] : memref<32x64xf32, #tpu.memory_space<vmem>> -> memref<1x64xf32, #tpu.memory_space<vmem>>
    tpu.enqueue_dma source(%dma_start3A_1001 : memref<1x64xf32, #tpu.memory_space<vmem>>) target(%dma_start3A_998 : memref<1x64xf32, #tpu.memory_space<hbm>>) target_semaphore(%arg11 : memref<!tpu.dma_semaphore, #tpu.memory_space<semaphore_mem>>)
    %slice3A_1002 = vector.extract_strided_slice %get3A_905 {offsets = [8], sizes = [1], strides = [1]} : vector<16xi32> to vector<1xi32>
    %squeeze3A_1003 = vector.extract %slice3A_1002[0] : i32 from vector<1xi32>
    %dma_start3A_1004 = arith.constant 24 : i32
    %dma_start3A_1005 = arith.constant 0 : i32
    %dma_start3A_1006 = tpu.memref_slice %arg9[%dma_start3A_1004, %dma_start3A_1005] : memref<32x64xf32, #tpu.memory_space<vmem>> -> memref<1x64xf32, #tpu.memory_space<vmem>>
    %dma_start3A_1007 = arith.constant 0 : i32
    %dma_start3A_1008 = tpu.memref_slice %arg5[%squeeze3A_1003, %dma_start3A_1007] : memref<100000x64xf32, #tpu.memory_space<hbm>> -> memref<1x64xf32, #tpu.memory_space<hbm>>
    %dma_start3A_1009 = arith.constant 0 : i32
    %dma_start3A_1010 = tpu.memref_slice %arg5[%squeeze3A_1003, %dma_start3A_1009] : memref<100000x64xf32, #tpu.memory_space<hbm>> -> memref<1x64xf32, #tpu.memory_space<hbm>>
    %dma_start3A_1011 = arith.constant 24 : i32
    %dma_start3A_1012 = arith.constant 0 : i32
    %dma_start3A_1013 = tpu.memref_slice %arg9[%dma_start3A_1011, %dma_start3A_1012] : memref<32x64xf32, #tpu.memory_space<vmem>> -> memref<1x64xf32, #tpu.memory_space<vmem>>
    tpu.enqueue_dma source(%dma_start3A_1013 : memref<1x64xf32, #tpu.memory_space<vmem>>) target(%dma_start3A_1010 : memref<1x64xf32, #tpu.memory_space<hbm>>) target_semaphore(%arg11 : memref<!tpu.dma_semaphore, #tpu.memory_space<semaphore_mem>>)
    %slice3A_1014 = vector.extract_strided_slice %get3A_905 {offsets = [9], sizes = [1], strides = [1]} : vector<16xi32> to vector<1xi32>
    %squeeze3A_1015 = vector.extract %slice3A_1014[0] : i32 from vector<1xi32>
    %dma_start3A_1016 = arith.constant 25 : i32
    %dma_start3A_1017 = arith.constant 0 : i32
    %dma_start3A_1018 = tpu.memref_slice %arg9[%dma_start3A_1016, %dma_start3A_1017] : memref<32x64xf32, #tpu.memory_space<vmem>> -> memref<1x64xf32, #tpu.memory_space<vmem>>
    %dma_start3A_1019 = arith.constant 0 : i32
    %dma_start3A_1020 = tpu.memref_slice %arg5[%squeeze3A_1015, %dma_start3A_1019] : memref<100000x64xf32, #tpu.memory_space<hbm>> -> memref<1x64xf32, #tpu.memory_space<hbm>>
    %dma_start3A_1021 = arith.constant 0 : i32
    %dma_start3A_1022 = tpu.memref_slice %arg5[%squeeze3A_1015, %dma_start3A_1021] : memref<100000x64xf32, #tpu.memory_space<hbm>> -> memref<1x64xf32, #tpu.memory_space<hbm>>
    %dma_start3A_1023 = arith.constant 25 : i32
    %dma_start3A_1024 = arith.constant 0 : i32
    %dma_start3A_1025 = tpu.memref_slice %arg9[%dma_start3A_1023, %dma_start3A_1024] : memref<32x64xf32, #tpu.memory_space<vmem>> -> memref<1x64xf32, #tpu.memory_space<vmem>>
    tpu.enqueue_dma source(%dma_start3A_1025 : memref<1x64xf32, #tpu.memory_space<vmem>>) target(%dma_start3A_1022 : memref<1x64xf32, #tpu.memory_space<hbm>>) target_semaphore(%arg11 : memref<!tpu.dma_semaphore, #tpu.memory_space<semaphore_mem>>)
    %slice3A_1026 = vector.extract_strided_slice %get3A_905 {offsets = [10], sizes = [1], strides = [1]} : vector<16xi32> to vector<1xi32>
    %squeeze3A_1027 = vector.extract %slice3A_1026[0] : i32 from vector<1xi32>
    %dma_start3A_1028 = arith.constant 26 : i32
    %dma_start3A_1029 = arith.constant 0 : i32
    %dma_start3A_1030 = tpu.memref_slice %arg9[%dma_start3A_1028, %dma_start3A_1029] : memref<32x64xf32, #tpu.memory_space<vmem>> -> memref<1x64xf32, #tpu.memory_space<vmem>>
    %dma_start3A_1031 = arith.constant 0 : i32
    %dma_start3A_1032 = tpu.memref_slice %arg5[%squeeze3A_1027, %dma_start3A_1031] : memref<100000x64xf32, #tpu.memory_space<hbm>> -> memref<1x64xf32, #tpu.memory_space<hbm>>
    %dma_start3A_1033 = arith.constant 0 : i32
    %dma_start3A_1034 = tpu.memref_slice %arg5[%squeeze3A_1027, %dma_start3A_1033] : memref<100000x64xf32, #tpu.memory_space<hbm>> -> memref<1x64xf32, #tpu.memory_space<hbm>>
    %dma_start3A_1035 = arith.constant 26 : i32
    %dma_start3A_1036 = arith.constant 0 : i32
    %dma_start3A_1037 = tpu.memref_slice %arg9[%dma_start3A_1035, %dma_start3A_1036] : memref<32x64xf32, #tpu.memory_space<vmem>> -> memref<1x64xf32, #tpu.memory_space<vmem>>
    tpu.enqueue_dma source(%dma_start3A_1037 : memref<1x64xf32, #tpu.memory_space<vmem>>) target(%dma_start3A_1034 : memref<1x64xf32, #tpu.memory_space<hbm>>) target_semaphore(%arg11 : memref<!tpu.dma_semaphore, #tpu.memory_space<semaphore_mem>>)
    %slice3A_1038 = vector.extract_strided_slice %get3A_905 {offsets = [11], sizes = [1], strides = [1]} : vector<16xi32> to vector<1xi32>
    %squeeze3A_1039 = vector.extract %slice3A_1038[0] : i32 from vector<1xi32>
    %dma_start3A_1040 = arith.constant 27 : i32
    %dma_start3A_1041 = arith.constant 0 : i32
    %dma_start3A_1042 = tpu.memref_slice %arg9[%dma_start3A_1040, %dma_start3A_1041] : memref<32x64xf32, #tpu.memory_space<vmem>> -> memref<1x64xf32, #tpu.memory_space<vmem>>
    %dma_start3A_1043 = arith.constant 0 : i32
    %dma_start3A_1044 = tpu.memref_slice %arg5[%squeeze3A_1039, %dma_start3A_1043] : memref<100000x64xf32, #tpu.memory_space<hbm>> -> memref<1x64xf32, #tpu.memory_space<hbm>>
    %dma_start3A_1045 = arith.constant 0 : i32
    %dma_start3A_1046 = tpu.memref_slice %arg5[%squeeze3A_1039, %dma_start3A_1045] : memref<100000x64xf32, #tpu.memory_space<hbm>> -> memref<1x64xf32, #tpu.memory_space<hbm>>
    %dma_start3A_1047 = arith.constant 27 : i32
    %dma_start3A_1048 = arith.constant 0 : i32
    %dma_start3A_1049 = tpu.memref_slice %arg9[%dma_start3A_1047, %dma_start3A_1048] : memref<32x64xf32, #tpu.memory_space<vmem>> -> memref<1x64xf32, #tpu.memory_space<vmem>>
    tpu.enqueue_dma source(%dma_start3A_1049 : memref<1x64xf32, #tpu.memory_space<vmem>>) target(%dma_start3A_1046 : memref<1x64xf32, #tpu.memory_space<hbm>>) target_semaphore(%arg11 : memref<!tpu.dma_semaphore, #tpu.memory_space<semaphore_mem>>)
    %slice3A_1050 = vector.extract_strided_slice %get3A_905 {offsets = [12], sizes = [1], strides = [1]} : vector<16xi32> to vector<1xi32>
    %squeeze3A_1051 = vector.extract %slice3A_1050[0] : i32 from vector<1xi32>
    %dma_start3A_1052 = arith.constant 28 : i32
    %dma_start3A_1053 = arith.constant 0 : i32
    %dma_start3A_1054 = tpu.memref_slice %arg9[%dma_start3A_1052, %dma_start3A_1053] : memref<32x64xf32, #tpu.memory_space<vmem>> -> memref<1x64xf32, #tpu.memory_space<vmem>>
    %dma_start3A_1055 = arith.constant 0 : i32
    %dma_start3A_1056 = tpu.memref_slice %arg5[%squeeze3A_1051, %dma_start3A_1055] : memref<100000x64xf32, #tpu.memory_space<hbm>> -> memref<1x64xf32, #tpu.memory_space<hbm>>
    %dma_start3A_1057 = arith.constant 0 : i32
    %dma_start3A_1058 = tpu.memref_slice %arg5[%squeeze3A_1051, %dma_start3A_1057] : memref<100000x64xf32, #tpu.memory_space<hbm>> -> memref<1x64xf32, #tpu.memory_space<hbm>>
    %dma_start3A_1059 = arith.constant 28 : i32
    %dma_start3A_1060 = arith.constant 0 : i32
    %dma_start3A_1061 = tpu.memref_slice %arg9[%dma_start3A_1059, %dma_start3A_1060] : memref<32x64xf32, #tpu.memory_space<vmem>> -> memref<1x64xf32, #tpu.memory_space<vmem>>
    tpu.enqueue_dma source(%dma_start3A_1061 : memref<1x64xf32, #tpu.memory_space<vmem>>) target(%dma_start3A_1058 : memref<1x64xf32, #tpu.memory_space<hbm>>) target_semaphore(%arg11 : memref<!tpu.dma_semaphore, #tpu.memory_space<semaphore_mem>>)
    %slice3A_1062 = vector.extract_strided_slice %get3A_905 {offsets = [13], sizes = [1], strides = [1]} : vector<16xi32> to vector<1xi32>
    %squeeze3A_1063 = vector.extract %slice3A_1062[0] : i32 from vector<1xi32>
    %dma_start3A_1064 = arith.constant 29 : i32
    %dma_start3A_1065 = arith.constant 0 : i32
    %dma_start3A_1066 = tpu.memref_slice %arg9[%dma_start3A_1064, %dma_start3A_1065] : memref<32x64xf32, #tpu.memory_space<vmem>> -> memref<1x64xf32, #tpu.memory_space<vmem>>
    %dma_start3A_1067 = arith.constant 0 : i32
    %dma_start3A_1068 = tpu.memref_slice %arg5[%squeeze3A_1063, %dma_start3A_1067] : memref<100000x64xf32, #tpu.memory_space<hbm>> -> memref<1x64xf32, #tpu.memory_space<hbm>>
    %dma_start3A_1069 = arith.constant 0 : i32
    %dma_start3A_1070 = tpu.memref_slice %arg5[%squeeze3A_1063, %dma_start3A_1069] : memref<100000x64xf32, #tpu.memory_space<hbm>> -> memref<1x64xf32, #tpu.memory_space<hbm>>
    %dma_start3A_1071 = arith.constant 29 : i32
    %dma_start3A_1072 = arith.constant 0 : i32
    %dma_start3A_1073 = tpu.memref_slice %arg9[%dma_start3A_1071, %dma_start3A_1072] : memref<32x64xf32, #tpu.memory_space<vmem>> -> memref<1x64xf32, #tpu.memory_space<vmem>>
    tpu.enqueue_dma source(%dma_start3A_1073 : memref<1x64xf32, #tpu.memory_space<vmem>>) target(%dma_start3A_1070 : memref<1x64xf32, #tpu.memory_space<hbm>>) target_semaphore(%arg11 : memref<!tpu.dma_semaphore, #tpu.memory_space<semaphore_mem>>)
    %slice3A_1074 = vector.extract_strided_slice %get3A_905 {offsets = [14], sizes = [1], strides = [1]} : vector<16xi32> to vector<1xi32>
    %squeeze3A_1075 = vector.extract %slice3A_1074[0] : i32 from vector<1xi32>
    %dma_start3A_1076 = arith.constant 30 : i32
    %dma_start3A_1077 = arith.constant 0 : i32
    %dma_start3A_1078 = tpu.memref_slice %arg9[%dma_start3A_1076, %dma_start3A_1077] : memref<32x64xf32, #tpu.memory_space<vmem>> -> memref<1x64xf32, #tpu.memory_space<vmem>>
    %dma_start3A_1079 = arith.constant 0 : i32
    %dma_start3A_1080 = tpu.memref_slice %arg5[%squeeze3A_1075, %dma_start3A_1079] : memref<100000x64xf32, #tpu.memory_space<hbm>> -> memref<1x64xf32, #tpu.memory_space<hbm>>
    %dma_start3A_1081 = arith.constant 0 : i32
    %dma_start3A_1082 = tpu.memref_slice %arg5[%squeeze3A_1075, %dma_start3A_1081] : memref<100000x64xf32, #tpu.memory_space<hbm>> -> memref<1x64xf32, #tpu.memory_space<hbm>>
    %dma_start3A_1083 = arith.constant 30 : i32
    %dma_start3A_1084 = arith.constant 0 : i32
    %dma_start3A_1085 = tpu.memref_slice %arg9[%dma_start3A_1083, %dma_start3A_1084] : memref<32x64xf32, #tpu.memory_space<vmem>> -> memref<1x64xf32, #tpu.memory_space<vmem>>
    tpu.enqueue_dma source(%dma_start3A_1085 : memref<1x64xf32, #tpu.memory_space<vmem>>) target(%dma_start3A_1082 : memref<1x64xf32, #tpu.memory_space<hbm>>) target_semaphore(%arg11 : memref<!tpu.dma_semaphore, #tpu.memory_space<semaphore_mem>>)
    %slice3A_1086 = vector.extract_strided_slice %get3A_905 {offsets = [15], sizes = [1], strides = [1]} : vector<16xi32> to vector<1xi32>
    %squeeze3A_1087 = vector.extract %slice3A_1086[0] : i32 from vector<1xi32>
    %dma_start3A_1088 = arith.constant 31 : i32
    %dma_start3A_1089 = arith.constant 0 : i32
    %dma_start3A_1090 = tpu.memref_slice %arg9[%dma_start3A_1088, %dma_start3A_1089] : memref<32x64xf32, #tpu.memory_space<vmem>> -> memref<1x64xf32, #tpu.memory_space<vmem>>
    %dma_start3A_1091 = arith.constant 0 : i32
    %dma_start3A_1092 = tpu.memref_slice %arg5[%squeeze3A_1087, %dma_start3A_1091] : memref<100000x64xf32, #tpu.memory_space<hbm>> -> memref<1x64xf32, #tpu.memory_space<hbm>>
    %dma_start3A_1093 = arith.constant 0 : i32
    %dma_start3A_1094 = tpu.memref_slice %arg5[%squeeze3A_1087, %dma_start3A_1093] : memref<100000x64xf32, #tpu.memory_space<hbm>> -> memref<1x64xf32, #tpu.memory_space<hbm>>
    %dma_start3A_1095 = arith.constant 31 : i32
    %dma_start3A_1096 = arith.constant 0 : i32
    %dma_start3A_1097 = tpu.memref_slice %arg9[%dma_start3A_1095, %dma_start3A_1096] : memref<32x64xf32, #tpu.memory_space<vmem>> -> memref<1x64xf32, #tpu.memory_space<vmem>>
    tpu.enqueue_dma source(%dma_start3A_1097 : memref<1x64xf32, #tpu.memory_space<vmem>>) target(%dma_start3A_1094 : memref<1x64xf32, #tpu.memory_space<hbm>>) target_semaphore(%arg11 : memref<!tpu.dma_semaphore, #tpu.memory_space<semaphore_mem>>)
    %dma_wait3A_1098 = arith.constant 0 : i32
    %dma_wait3A_1099 = arith.constant 0 : i32
    %dma_wait3A_1100 = tpu.memref_slice %arg9[%dma_wait3A_1098, %dma_wait3A_1099] : memref<32x64xf32, #tpu.memory_space<vmem>> -> memref<1x64xf32, #tpu.memory_space<vmem>>
    %dma_wait3A_1101 = arith.constant 0 : i32
    %dma_wait3A_1102 = tpu.memref_slice %arg5[%squeeze3A_712, %dma_wait3A_1101] : memref<100000x64xf32, #tpu.memory_space<hbm>> -> memref<1x64xf32, #tpu.memory_space<hbm>>
    %dma_wait3A_1103 = arith.constant 0 : i32
    %dma_wait3A_1104 = tpu.memref_slice %arg5[%squeeze3A_712, %dma_wait3A_1103] : memref<100000x64xf32, #tpu.memory_space<hbm>> -> memref<1x64xf32, #tpu.memory_space<hbm>>
    %dma_wait3A_1105 = arith.constant 0 : i32
    %dma_wait3A_1106 = arith.constant 0 : i32
    %dma_wait3A_1107 = tpu.memref_slice %arg9[%dma_wait3A_1105, %dma_wait3A_1106] : memref<32x64xf32, #tpu.memory_space<vmem>> -> memref<1x64xf32, #tpu.memory_space<vmem>>
    tpu.wait_dma2 semaphore(%arg11 : memref<!tpu.dma_semaphore, #tpu.memory_space<semaphore_mem>>) src(%dma_wait3A_1107 : memref<1x64xf32, #tpu.memory_space<vmem>>) dst(%dma_wait3A_1104 : memref<1x64xf32, #tpu.memory_space<hbm>>)
    %dma_wait3A_1108 = arith.constant 1 : i32
    %dma_wait3A_1109 = arith.constant 0 : i32
    %dma_wait3A_1110 = tpu.memref_slice %arg9[%dma_wait3A_1108, %dma_wait3A_1109] : memref<32x64xf32, #tpu.memory_space<vmem>> -> memref<1x64xf32, #tpu.memory_space<vmem>>
    %dma_wait3A_1111 = arith.constant 0 : i32
    %dma_wait3A_1112 = tpu.memref_slice %arg5[%squeeze3A_724, %dma_wait3A_1111] : memref<100000x64xf32, #tpu.memory_space<hbm>> -> memref<1x64xf32, #tpu.memory_space<hbm>>
    %dma_wait3A_1113 = arith.constant 0 : i32
    %dma_wait3A_1114 = tpu.memref_slice %arg5[%squeeze3A_724, %dma_wait3A_1113] : memref<100000x64xf32, #tpu.memory_space<hbm>> -> memref<1x64xf32, #tpu.memory_space<hbm>>
    %dma_wait3A_1115 = arith.constant 1 : i32
    %dma_wait3A_1116 = arith.constant 0 : i32
    %dma_wait3A_1117 = tpu.memref_slice %arg9[%dma_wait3A_1115, %dma_wait3A_1116] : memref<32x64xf32, #tpu.memory_space<vmem>> -> memref<1x64xf32, #tpu.memory_space<vmem>>
    tpu.wait_dma2 semaphore(%arg11 : memref<!tpu.dma_semaphore, #tpu.memory_space<semaphore_mem>>) src(%dma_wait3A_1117 : memref<1x64xf32, #tpu.memory_space<vmem>>) dst(%dma_wait3A_1114 : memref<1x64xf32, #tpu.memory_space<hbm>>)
    %dma_wait3A_1118 = arith.constant 2 : i32
    %dma_wait3A_1119 = arith.constant 0 : i32
    %dma_wait3A_1120 = tpu.memref_slice %arg9[%dma_wait3A_1118, %dma_wait3A_1119] : memref<32x64xf32, #tpu.memory_space<vmem>> -> memref<1x64xf32, #tpu.memory_space<vmem>>
    %dma_wait3A_1121 = arith.constant 0 : i32
    %dma_wait3A_1122 = tpu.memref_slice %arg5[%squeeze3A_736, %dma_wait3A_1121] : memref<100000x64xf32, #tpu.memory_space<hbm>> -> memref<1x64xf32, #tpu.memory_space<hbm>>
    %dma_wait3A_1123 = arith.constant 0 : i32
    %dma_wait3A_1124 = tpu.memref_slice %arg5[%squeeze3A_736, %dma_wait3A_1123] : memref<100000x64xf32, #tpu.memory_space<hbm>> -> memref<1x64xf32, #tpu.memory_space<hbm>>
    %dma_wait3A_1125 = arith.constant 2 : i32
    %dma_wait3A_1126 = arith.constant 0 : i32
    %dma_wait3A_1127 = tpu.memref_slice %arg9[%dma_wait3A_1125, %dma_wait3A_1126] : memref<32x64xf32, #tpu.memory_space<vmem>> -> memref<1x64xf32, #tpu.memory_space<vmem>>
    tpu.wait_dma2 semaphore(%arg11 : memref<!tpu.dma_semaphore, #tpu.memory_space<semaphore_mem>>) src(%dma_wait3A_1127 : memref<1x64xf32, #tpu.memory_space<vmem>>) dst(%dma_wait3A_1124 : memref<1x64xf32, #tpu.memory_space<hbm>>)
    %dma_wait3A_1128 = arith.constant 3 : i32
    %dma_wait3A_1129 = arith.constant 0 : i32
    %dma_wait3A_1130 = tpu.memref_slice %arg9[%dma_wait3A_1128, %dma_wait3A_1129] : memref<32x64xf32, #tpu.memory_space<vmem>> -> memref<1x64xf32, #tpu.memory_space<vmem>>
    %dma_wait3A_1131 = arith.constant 0 : i32
    %dma_wait3A_1132 = tpu.memref_slice %arg5[%squeeze3A_748, %dma_wait3A_1131] : memref<100000x64xf32, #tpu.memory_space<hbm>> -> memref<1x64xf32, #tpu.memory_space<hbm>>
    %dma_wait3A_1133 = arith.constant 0 : i32
    %dma_wait3A_1134 = tpu.memref_slice %arg5[%squeeze3A_748, %dma_wait3A_1133] : memref<100000x64xf32, #tpu.memory_space<hbm>> -> memref<1x64xf32, #tpu.memory_space<hbm>>
    %dma_wait3A_1135 = arith.constant 3 : i32
    %dma_wait3A_1136 = arith.constant 0 : i32
    %dma_wait3A_1137 = tpu.memref_slice %arg9[%dma_wait3A_1135, %dma_wait3A_1136] : memref<32x64xf32, #tpu.memory_space<vmem>> -> memref<1x64xf32, #tpu.memory_space<vmem>>
    tpu.wait_dma2 semaphore(%arg11 : memref<!tpu.dma_semaphore, #tpu.memory_space<semaphore_mem>>) src(%dma_wait3A_1137 : memref<1x64xf32, #tpu.memory_space<vmem>>) dst(%dma_wait3A_1134 : memref<1x64xf32, #tpu.memory_space<hbm>>)
    %dma_wait3A_1138 = arith.constant 4 : i32
    %dma_wait3A_1139 = arith.constant 0 : i32
    %dma_wait3A_1140 = tpu.memref_slice %arg9[%dma_wait3A_1138, %dma_wait3A_1139] : memref<32x64xf32, #tpu.memory_space<vmem>> -> memref<1x64xf32, #tpu.memory_space<vmem>>
    %dma_wait3A_1141 = arith.constant 0 : i32
    %dma_wait3A_1142 = tpu.memref_slice %arg5[%squeeze3A_760, %dma_wait3A_1141] : memref<100000x64xf32, #tpu.memory_space<hbm>> -> memref<1x64xf32, #tpu.memory_space<hbm>>
    %dma_wait3A_1143 = arith.constant 0 : i32
    %dma_wait3A_1144 = tpu.memref_slice %arg5[%squeeze3A_760, %dma_wait3A_1143] : memref<100000x64xf32, #tpu.memory_space<hbm>> -> memref<1x64xf32, #tpu.memory_space<hbm>>
    %dma_wait3A_1145 = arith.constant 4 : i32
    %dma_wait3A_1146 = arith.constant 0 : i32
    %dma_wait3A_1147 = tpu.memref_slice %arg9[%dma_wait3A_1145, %dma_wait3A_1146] : memref<32x64xf32, #tpu.memory_space<vmem>> -> memref<1x64xf32, #tpu.memory_space<vmem>>
    tpu.wait_dma2 semaphore(%arg11 : memref<!tpu.dma_semaphore, #tpu.memory_space<semaphore_mem>>) src(%dma_wait3A_1147 : memref<1x64xf32, #tpu.memory_space<vmem>>) dst(%dma_wait3A_1144 : memref<1x64xf32, #tpu.memory_space<hbm>>)
    %dma_wait3A_1148 = arith.constant 5 : i32
    %dma_wait3A_1149 = arith.constant 0 : i32
    %dma_wait3A_1150 = tpu.memref_slice %arg9[%dma_wait3A_1148, %dma_wait3A_1149] : memref<32x64xf32, #tpu.memory_space<vmem>> -> memref<1x64xf32, #tpu.memory_space<vmem>>
    %dma_wait3A_1151 = arith.constant 0 : i32
    %dma_wait3A_1152 = tpu.memref_slice %arg5[%squeeze3A_772, %dma_wait3A_1151] : memref<100000x64xf32, #tpu.memory_space<hbm>> -> memref<1x64xf32, #tpu.memory_space<hbm>>
    %dma_wait3A_1153 = arith.constant 0 : i32
    %dma_wait3A_1154 = tpu.memref_slice %arg5[%squeeze3A_772, %dma_wait3A_1153] : memref<100000x64xf32, #tpu.memory_space<hbm>> -> memref<1x64xf32, #tpu.memory_space<hbm>>
    %dma_wait3A_1155 = arith.constant 5 : i32
    %dma_wait3A_1156 = arith.constant 0 : i32
    %dma_wait3A_1157 = tpu.memref_slice %arg9[%dma_wait3A_1155, %dma_wait3A_1156] : memref<32x64xf32, #tpu.memory_space<vmem>> -> memref<1x64xf32, #tpu.memory_space<vmem>>
    tpu.wait_dma2 semaphore(%arg11 : memref<!tpu.dma_semaphore, #tpu.memory_space<semaphore_mem>>) src(%dma_wait3A_1157 : memref<1x64xf32, #tpu.memory_space<vmem>>) dst(%dma_wait3A_1154 : memref<1x64xf32, #tpu.memory_space<hbm>>)
    %dma_wait3A_1158 = arith.constant 6 : i32
    %dma_wait3A_1159 = arith.constant 0 : i32
    %dma_wait3A_1160 = tpu.memref_slice %arg9[%dma_wait3A_1158, %dma_wait3A_1159] : memref<32x64xf32, #tpu.memory_space<vmem>> -> memref<1x64xf32, #tpu.memory_space<vmem>>
    %dma_wait3A_1161 = arith.constant 0 : i32
    %dma_wait3A_1162 = tpu.memref_slice %arg5[%squeeze3A_784, %dma_wait3A_1161] : memref<100000x64xf32, #tpu.memory_space<hbm>> -> memref<1x64xf32, #tpu.memory_space<hbm>>
    %dma_wait3A_1163 = arith.constant 0 : i32
    %dma_wait3A_1164 = tpu.memref_slice %arg5[%squeeze3A_784, %dma_wait3A_1163] : memref<100000x64xf32, #tpu.memory_space<hbm>> -> memref<1x64xf32, #tpu.memory_space<hbm>>
    %dma_wait3A_1165 = arith.constant 6 : i32
    %dma_wait3A_1166 = arith.constant 0 : i32
    %dma_wait3A_1167 = tpu.memref_slice %arg9[%dma_wait3A_1165, %dma_wait3A_1166] : memref<32x64xf32, #tpu.memory_space<vmem>> -> memref<1x64xf32, #tpu.memory_space<vmem>>
    tpu.wait_dma2 semaphore(%arg11 : memref<!tpu.dma_semaphore, #tpu.memory_space<semaphore_mem>>) src(%dma_wait3A_1167 : memref<1x64xf32, #tpu.memory_space<vmem>>) dst(%dma_wait3A_1164 : memref<1x64xf32, #tpu.memory_space<hbm>>)
    %dma_wait3A_1168 = arith.constant 7 : i32
    %dma_wait3A_1169 = arith.constant 0 : i32
    %dma_wait3A_1170 = tpu.memref_slice %arg9[%dma_wait3A_1168, %dma_wait3A_1169] : memref<32x64xf32, #tpu.memory_space<vmem>> -> memref<1x64xf32, #tpu.memory_space<vmem>>
    %dma_wait3A_1171 = arith.constant 0 : i32
    %dma_wait3A_1172 = tpu.memref_slice %arg5[%squeeze3A_796, %dma_wait3A_1171] : memref<100000x64xf32, #tpu.memory_space<hbm>> -> memref<1x64xf32, #tpu.memory_space<hbm>>
    %dma_wait3A_1173 = arith.constant 0 : i32
    %dma_wait3A_1174 = tpu.memref_slice %arg5[%squeeze3A_796, %dma_wait3A_1173] : memref<100000x64xf32, #tpu.memory_space<hbm>> -> memref<1x64xf32, #tpu.memory_space<hbm>>
    %dma_wait3A_1175 = arith.constant 7 : i32
    %dma_wait3A_1176 = arith.constant 0 : i32
    %dma_wait3A_1177 = tpu.memref_slice %arg9[%dma_wait3A_1175, %dma_wait3A_1176] : memref<32x64xf32, #tpu.memory_space<vmem>> -> memref<1x64xf32, #tpu.memory_space<vmem>>
    tpu.wait_dma2 semaphore(%arg11 : memref<!tpu.dma_semaphore, #tpu.memory_space<semaphore_mem>>) src(%dma_wait3A_1177 : memref<1x64xf32, #tpu.memory_space<vmem>>) dst(%dma_wait3A_1174 : memref<1x64xf32, #tpu.memory_space<hbm>>)
    %dma_wait3A_1178 = arith.constant 8 : i32
    %dma_wait3A_1179 = arith.constant 0 : i32
    %dma_wait3A_1180 = tpu.memref_slice %arg9[%dma_wait3A_1178, %dma_wait3A_1179] : memref<32x64xf32, #tpu.memory_space<vmem>> -> memref<1x64xf32, #tpu.memory_space<vmem>>
    %dma_wait3A_1181 = arith.constant 0 : i32
    %dma_wait3A_1182 = tpu.memref_slice %arg5[%squeeze3A_808, %dma_wait3A_1181] : memref<100000x64xf32, #tpu.memory_space<hbm>> -> memref<1x64xf32, #tpu.memory_space<hbm>>
    %dma_wait3A_1183 = arith.constant 0 : i32
    %dma_wait3A_1184 = tpu.memref_slice %arg5[%squeeze3A_808, %dma_wait3A_1183] : memref<100000x64xf32, #tpu.memory_space<hbm>> -> memref<1x64xf32, #tpu.memory_space<hbm>>
    %dma_wait3A_1185 = arith.constant 8 : i32
    %dma_wait3A_1186 = arith.constant 0 : i32
    %dma_wait3A_1187 = tpu.memref_slice %arg9[%dma_wait3A_1185, %dma_wait3A_1186] : memref<32x64xf32, #tpu.memory_space<vmem>> -> memref<1x64xf32, #tpu.memory_space<vmem>>
    tpu.wait_dma2 semaphore(%arg11 : memref<!tpu.dma_semaphore, #tpu.memory_space<semaphore_mem>>) src(%dma_wait3A_1187 : memref<1x64xf32, #tpu.memory_space<vmem>>) dst(%dma_wait3A_1184 : memref<1x64xf32, #tpu.memory_space<hbm>>)
    %dma_wait3A_1188 = arith.constant 9 : i32
    %dma_wait3A_1189 = arith.constant 0 : i32
    %dma_wait3A_1190 = tpu.memref_slice %arg9[%dma_wait3A_1188, %dma_wait3A_1189] : memref<32x64xf32, #tpu.memory_space<vmem>> -> memref<1x64xf32, #tpu.memory_space<vmem>>
    %dma_wait3A_1191 = arith.constant 0 : i32
    %dma_wait3A_1192 = tpu.memref_slice %arg5[%squeeze3A_820, %dma_wait3A_1191] : memref<100000x64xf32, #tpu.memory_space<hbm>> -> memref<1x64xf32, #tpu.memory_space<hbm>>
    %dma_wait3A_1193 = arith.constant 0 : i32
    %dma_wait3A_1194 = tpu.memref_slice %arg5[%squeeze3A_820, %dma_wait3A_1193] : memref<100000x64xf32, #tpu.memory_space<hbm>> -> memref<1x64xf32, #tpu.memory_space<hbm>>
    %dma_wait3A_1195 = arith.constant 9 : i32
    %dma_wait3A_1196 = arith.constant 0 : i32
    %dma_wait3A_1197 = tpu.memref_slice %arg9[%dma_wait3A_1195, %dma_wait3A_1196] : memref<32x64xf32, #tpu.memory_space<vmem>> -> memref<1x64xf32, #tpu.memory_space<vmem>>
    tpu.wait_dma2 semaphore(%arg11 : memref<!tpu.dma_semaphore, #tpu.memory_space<semaphore_mem>>) src(%dma_wait3A_1197 : memref<1x64xf32, #tpu.memory_space<vmem>>) dst(%dma_wait3A_1194 : memref<1x64xf32, #tpu.memory_space<hbm>>)
    %dma_wait3A_1198 = arith.constant 10 : i32
    %dma_wait3A_1199 = arith.constant 0 : i32
    %dma_wait3A_1200 = tpu.memref_slice %arg9[%dma_wait3A_1198, %dma_wait3A_1199] : memref<32x64xf32, #tpu.memory_space<vmem>> -> memref<1x64xf32, #tpu.memory_space<vmem>>
    %dma_wait3A_1201 = arith.constant 0 : i32
    %dma_wait3A_1202 = tpu.memref_slice %arg5[%squeeze3A_832, %dma_wait3A_1201] : memref<100000x64xf32, #tpu.memory_space<hbm>> -> memref<1x64xf32, #tpu.memory_space<hbm>>
    %dma_wait3A_1203 = arith.constant 0 : i32
    %dma_wait3A_1204 = tpu.memref_slice %arg5[%squeeze3A_832, %dma_wait3A_1203] : memref<100000x64xf32, #tpu.memory_space<hbm>> -> memref<1x64xf32, #tpu.memory_space<hbm>>
    %dma_wait3A_1205 = arith.constant 10 : i32
    %dma_wait3A_1206 = arith.constant 0 : i32
    %dma_wait3A_1207 = tpu.memref_slice %arg9[%dma_wait3A_1205, %dma_wait3A_1206] : memref<32x64xf32, #tpu.memory_space<vmem>> -> memref<1x64xf32, #tpu.memory_space<vmem>>
    tpu.wait_dma2 semaphore(%arg11 : memref<!tpu.dma_semaphore, #tpu.memory_space<semaphore_mem>>) src(%dma_wait3A_1207 : memref<1x64xf32, #tpu.memory_space<vmem>>) dst(%dma_wait3A_1204 : memref<1x64xf32, #tpu.memory_space<hbm>>)
    %dma_wait3A_1208 = arith.constant 11 : i32
    %dma_wait3A_1209 = arith.constant 0 : i32
    %dma_wait3A_1210 = tpu.memref_slice %arg9[%dma_wait3A_1208, %dma_wait3A_1209] : memref<32x64xf32, #tpu.memory_space<vmem>> -> memref<1x64xf32, #tpu.memory_space<vmem>>
    %dma_wait3A_1211 = arith.constant 0 : i32
    %dma_wait3A_1212 = tpu.memref_slice %arg5[%squeeze3A_844, %dma_wait3A_1211] : memref<100000x64xf32, #tpu.memory_space<hbm>> -> memref<1x64xf32, #tpu.memory_space<hbm>>
    %dma_wait3A_1213 = arith.constant 0 : i32
    %dma_wait3A_1214 = tpu.memref_slice %arg5[%squeeze3A_844, %dma_wait3A_1213] : memref<100000x64xf32, #tpu.memory_space<hbm>> -> memref<1x64xf32, #tpu.memory_space<hbm>>
    %dma_wait3A_1215 = arith.constant 11 : i32
    %dma_wait3A_1216 = arith.constant 0 : i32
    %dma_wait3A_1217 = tpu.memref_slice %arg9[%dma_wait3A_1215, %dma_wait3A_1216] : memref<32x64xf32, #tpu.memory_space<vmem>> -> memref<1x64xf32, #tpu.memory_space<vmem>>
    tpu.wait_dma2 semaphore(%arg11 : memref<!tpu.dma_semaphore, #tpu.memory_space<semaphore_mem>>) src(%dma_wait3A_1217 : memref<1x64xf32, #tpu.memory_space<vmem>>) dst(%dma_wait3A_1214 : memref<1x64xf32, #tpu.memory_space<hbm>>)
    %dma_wait3A_1218 = arith.constant 12 : i32
    %dma_wait3A_1219 = arith.constant 0 : i32
    %dma_wait3A_1220 = tpu.memref_slice %arg9[%dma_wait3A_1218, %dma_wait3A_1219] : memref<32x64xf32, #tpu.memory_space<vmem>> -> memref<1x64xf32, #tpu.memory_space<vmem>>
    %dma_wait3A_1221 = arith.constant 0 : i32
    %dma_wait3A_1222 = tpu.memref_slice %arg5[%squeeze3A_856, %dma_wait3A_1221] : memref<100000x64xf32, #tpu.memory_space<hbm>> -> memref<1x64xf32, #tpu.memory_space<hbm>>
    %dma_wait3A_1223 = arith.constant 0 : i32
    %dma_wait3A_1224 = tpu.memref_slice %arg5[%squeeze3A_856, %dma_wait3A_1223] : memref<100000x64xf32, #tpu.memory_space<hbm>> -> memref<1x64xf32, #tpu.memory_space<hbm>>
    %dma_wait3A_1225 = arith.constant 12 : i32
    %dma_wait3A_1226 = arith.constant 0 : i32
    %dma_wait3A_1227 = tpu.memref_slice %arg9[%dma_wait3A_1225, %dma_wait3A_1226] : memref<32x64xf32, #tpu.memory_space<vmem>> -> memref<1x64xf32, #tpu.memory_space<vmem>>
    tpu.wait_dma2 semaphore(%arg11 : memref<!tpu.dma_semaphore, #tpu.memory_space<semaphore_mem>>) src(%dma_wait3A_1227 : memref<1x64xf32, #tpu.memory_space<vmem>>) dst(%dma_wait3A_1224 : memref<1x64xf32, #tpu.memory_space<hbm>>)
    %dma_wait3A_1228 = arith.constant 13 : i32
    %dma_wait3A_1229 = arith.constant 0 : i32
    %dma_wait3A_1230 = tpu.memref_slice %arg9[%dma_wait3A_1228, %dma_wait3A_1229] : memref<32x64xf32, #tpu.memory_space<vmem>> -> memref<1x64xf32, #tpu.memory_space<vmem>>
    %dma_wait3A_1231 = arith.constant 0 : i32
    %dma_wait3A_1232 = tpu.memref_slice %arg5[%squeeze3A_868, %dma_wait3A_1231] : memref<100000x64xf32, #tpu.memory_space<hbm>> -> memref<1x64xf32, #tpu.memory_space<hbm>>
    %dma_wait3A_1233 = arith.constant 0 : i32
    %dma_wait3A_1234 = tpu.memref_slice %arg5[%squeeze3A_868, %dma_wait3A_1233] : memref<100000x64xf32, #tpu.memory_space<hbm>> -> memref<1x64xf32, #tpu.memory_space<hbm>>
    %dma_wait3A_1235 = arith.constant 13 : i32
    %dma_wait3A_1236 = arith.constant 0 : i32
    %dma_wait3A_1237 = tpu.memref_slice %arg9[%dma_wait3A_1235, %dma_wait3A_1236] : memref<32x64xf32, #tpu.memory_space<vmem>> -> memref<1x64xf32, #tpu.memory_space<vmem>>
    tpu.wait_dma2 semaphore(%arg11 : memref<!tpu.dma_semaphore, #tpu.memory_space<semaphore_mem>>) src(%dma_wait3A_1237 : memref<1x64xf32, #tpu.memory_space<vmem>>) dst(%dma_wait3A_1234 : memref<1x64xf32, #tpu.memory_space<hbm>>)
    %dma_wait3A_1238 = arith.constant 14 : i32
    %dma_wait3A_1239 = arith.constant 0 : i32
    %dma_wait3A_1240 = tpu.memref_slice %arg9[%dma_wait3A_1238, %dma_wait3A_1239] : memref<32x64xf32, #tpu.memory_space<vmem>> -> memref<1x64xf32, #tpu.memory_space<vmem>>
    %dma_wait3A_1241 = arith.constant 0 : i32
    %dma_wait3A_1242 = tpu.memref_slice %arg5[%squeeze3A_880, %dma_wait3A_1241] : memref<100000x64xf32, #tpu.memory_space<hbm>> -> memref<1x64xf32, #tpu.memory_space<hbm>>
    %dma_wait3A_1243 = arith.constant 0 : i32
    %dma_wait3A_1244 = tpu.memref_slice %arg5[%squeeze3A_880, %dma_wait3A_1243] : memref<100000x64xf32, #tpu.memory_space<hbm>> -> memref<1x64xf32, #tpu.memory_space<hbm>>
    %dma_wait3A_1245 = arith.constant 14 : i32
    %dma_wait3A_1246 = arith.constant 0 : i32
    %dma_wait3A_1247 = tpu.memref_slice %arg9[%dma_wait3A_1245, %dma_wait3A_1246] : memref<32x64xf32, #tpu.memory_space<vmem>> -> memref<1x64xf32, #tpu.memory_space<vmem>>
    tpu.wait_dma2 semaphore(%arg11 : memref<!tpu.dma_semaphore, #tpu.memory_space<semaphore_mem>>) src(%dma_wait3A_1247 : memref<1x64xf32, #tpu.memory_space<vmem>>) dst(%dma_wait3A_1244 : memref<1x64xf32, #tpu.memory_space<hbm>>)
    %dma_wait3A_1248 = arith.constant 15 : i32
    %dma_wait3A_1249 = arith.constant 0 : i32
    %dma_wait3A_1250 = tpu.memref_slice %arg9[%dma_wait3A_1248, %dma_wait3A_1249] : memref<32x64xf32, #tpu.memory_space<vmem>> -> memref<1x64xf32, #tpu.memory_space<vmem>>
    %dma_wait3A_1251 = arith.constant 0 : i32
    %dma_wait3A_1252 = tpu.memref_slice %arg5[%squeeze3A_892, %dma_wait3A_1251] : memref<100000x64xf32, #tpu.memory_space<hbm>> -> memref<1x64xf32, #tpu.memory_space<hbm>>
    %dma_wait3A_1253 = arith.constant 0 : i32
    %dma_wait3A_1254 = tpu.memref_slice %arg5[%squeeze3A_892, %dma_wait3A_1253] : memref<100000x64xf32, #tpu.memory_space<hbm>> -> memref<1x64xf32, #tpu.memory_space<hbm>>
    %dma_wait3A_1255 = arith.constant 15 : i32
    %dma_wait3A_1256 = arith.constant 0 : i32
    %dma_wait3A_1257 = tpu.memref_slice %arg9[%dma_wait3A_1255, %dma_wait3A_1256] : memref<32x64xf32, #tpu.memory_space<vmem>> -> memref<1x64xf32, #tpu.memory_space<vmem>>
    tpu.wait_dma2 semaphore(%arg11 : memref<!tpu.dma_semaphore, #tpu.memory_space<semaphore_mem>>) src(%dma_wait3A_1257 : memref<1x64xf32, #tpu.memory_space<vmem>>) dst(%dma_wait3A_1254 : memref<1x64xf32, #tpu.memory_space<hbm>>)
    %dma_wait3A_1258 = arith.constant 16 : i32
    %dma_wait3A_1259 = arith.constant 0 : i32
    %dma_wait3A_1260 = tpu.memref_slice %arg9[%dma_wait3A_1258, %dma_wait3A_1259] : memref<32x64xf32, #tpu.memory_space<vmem>> -> memref<1x64xf32, #tpu.memory_space<vmem>>
    %dma_wait3A_1261 = arith.constant 0 : i32
    %dma_wait3A_1262 = tpu.memref_slice %arg5[%squeeze3A_907, %dma_wait3A_1261] : memref<100000x64xf32, #tpu.memory_space<hbm>> -> memref<1x64xf32, #tpu.memory_space<hbm>>
    %dma_wait3A_1263 = arith.constant 0 : i32
    %dma_wait3A_1264 = tpu.memref_slice %arg5[%squeeze3A_907, %dma_wait3A_1263] : memref<100000x64xf32, #tpu.memory_space<hbm>> -> memref<1x64xf32, #tpu.memory_space<hbm>>
    %dma_wait3A_1265 = arith.constant 16 : i32
    %dma_wait3A_1266 = arith.constant 0 : i32
    %dma_wait3A_1267 = tpu.memref_slice %arg9[%dma_wait3A_1265, %dma_wait3A_1266] : memref<32x64xf32, #tpu.memory_space<vmem>> -> memref<1x64xf32, #tpu.memory_space<vmem>>
    tpu.wait_dma2 semaphore(%arg11 : memref<!tpu.dma_semaphore, #tpu.memory_space<semaphore_mem>>) src(%dma_wait3A_1267 : memref<1x64xf32, #tpu.memory_space<vmem>>) dst(%dma_wait3A_1264 : memref<1x64xf32, #tpu.memory_space<hbm>>)
    %dma_wait3A_1268 = arith.constant 17 : i32
    %dma_wait3A_1269 = arith.constant 0 : i32
    %dma_wait3A_1270 = tpu.memref_slice %arg9[%dma_wait3A_1268, %dma_wait3A_1269] : memref<32x64xf32, #tpu.memory_space<vmem>> -> memref<1x64xf32, #tpu.memory_space<vmem>>
    %dma_wait3A_1271 = arith.constant 0 : i32
    %dma_wait3A_1272 = tpu.memref_slice %arg5[%squeeze3A_919, %dma_wait3A_1271] : memref<100000x64xf32, #tpu.memory_space<hbm>> -> memref<1x64xf32, #tpu.memory_space<hbm>>
    %dma_wait3A_1273 = arith.constant 0 : i32
    %dma_wait3A_1274 = tpu.memref_slice %arg5[%squeeze3A_919, %dma_wait3A_1273] : memref<100000x64xf32, #tpu.memory_space<hbm>> -> memref<1x64xf32, #tpu.memory_space<hbm>>
    %dma_wait3A_1275 = arith.constant 17 : i32
    %dma_wait3A_1276 = arith.constant 0 : i32
    %dma_wait3A_1277 = tpu.memref_slice %arg9[%dma_wait3A_1275, %dma_wait3A_1276] : memref<32x64xf32, #tpu.memory_space<vmem>> -> memref<1x64xf32, #tpu.memory_space<vmem>>
    tpu.wait_dma2 semaphore(%arg11 : memref<!tpu.dma_semaphore, #tpu.memory_space<semaphore_mem>>) src(%dma_wait3A_1277 : memref<1x64xf32, #tpu.memory_space<vmem>>) dst(%dma_wait3A_1274 : memref<1x64xf32, #tpu.memory_space<hbm>>)
    %dma_wait3A_1278 = arith.constant 18 : i32
    %dma_wait3A_1279 = arith.constant 0 : i32
    %dma_wait3A_1280 = tpu.memref_slice %arg9[%dma_wait3A_1278, %dma_wait3A_1279] : memref<32x64xf32, #tpu.memory_space<vmem>> -> memref<1x64xf32, #tpu.memory_space<vmem>>
    %dma_wait3A_1281 = arith.constant 0 : i32
    %dma_wait3A_1282 = tpu.memref_slice %arg5[%squeeze3A_931, %dma_wait3A_1281] : memref<100000x64xf32, #tpu.memory_space<hbm>> -> memref<1x64xf32, #tpu.memory_space<hbm>>
    %dma_wait3A_1283 = arith.constant 0 : i32
    %dma_wait3A_1284 = tpu.memref_slice %arg5[%squeeze3A_931, %dma_wait3A_1283] : memref<100000x64xf32, #tpu.memory_space<hbm>> -> memref<1x64xf32, #tpu.memory_space<hbm>>
    %dma_wait3A_1285 = arith.constant 18 : i32
    %dma_wait3A_1286 = arith.constant 0 : i32
    %dma_wait3A_1287 = tpu.memref_slice %arg9[%dma_wait3A_1285, %dma_wait3A_1286] : memref<32x64xf32, #tpu.memory_space<vmem>> -> memref<1x64xf32, #tpu.memory_space<vmem>>
    tpu.wait_dma2 semaphore(%arg11 : memref<!tpu.dma_semaphore, #tpu.memory_space<semaphore_mem>>) src(%dma_wait3A_1287 : memref<1x64xf32, #tpu.memory_space<vmem>>) dst(%dma_wait3A_1284 : memref<1x64xf32, #tpu.memory_space<hbm>>)
    %dma_wait3A_1288 = arith.constant 19 : i32
    %dma_wait3A_1289 = arith.constant 0 : i32
    %dma_wait3A_1290 = tpu.memref_slice %arg9[%dma_wait3A_1288, %dma_wait3A_1289] : memref<32x64xf32, #tpu.memory_space<vmem>> -> memref<1x64xf32, #tpu.memory_space<vmem>>
    %dma_wait3A_1291 = arith.constant 0 : i32
    %dma_wait3A_1292 = tpu.memref_slice %arg5[%squeeze3A_943, %dma_wait3A_1291] : memref<100000x64xf32, #tpu.memory_space<hbm>> -> memref<1x64xf32, #tpu.memory_space<hbm>>
    %dma_wait3A_1293 = arith.constant 0 : i32
    %dma_wait3A_1294 = tpu.memref_slice %arg5[%squeeze3A_943, %dma_wait3A_1293] : memref<100000x64xf32, #tpu.memory_space<hbm>> -> memref<1x64xf32, #tpu.memory_space<hbm>>
    %dma_wait3A_1295 = arith.constant 19 : i32
    %dma_wait3A_1296 = arith.constant 0 : i32
    %dma_wait3A_1297 = tpu.memref_slice %arg9[%dma_wait3A_1295, %dma_wait3A_1296] : memref<32x64xf32, #tpu.memory_space<vmem>> -> memref<1x64xf32, #tpu.memory_space<vmem>>
    tpu.wait_dma2 semaphore(%arg11 : memref<!tpu.dma_semaphore, #tpu.memory_space<semaphore_mem>>) src(%dma_wait3A_1297 : memref<1x64xf32, #tpu.memory_space<vmem>>) dst(%dma_wait3A_1294 : memref<1x64xf32, #tpu.memory_space<hbm>>)
    %dma_wait3A_1298 = arith.constant 20 : i32
    %dma_wait3A_1299 = arith.constant 0 : i32
    %dma_wait3A_1300 = tpu.memref_slice %arg9[%dma_wait3A_1298, %dma_wait3A_1299] : memref<32x64xf32, #tpu.memory_space<vmem>> -> memref<1x64xf32, #tpu.memory_space<vmem>>
    %dma_wait3A_1301 = arith.constant 0 : i32
    %dma_wait3A_1302 = tpu.memref_slice %arg5[%squeeze3A_955, %dma_wait3A_1301] : memref<100000x64xf32, #tpu.memory_space<hbm>> -> memref<1x64xf32, #tpu.memory_space<hbm>>
    %dma_wait3A_1303 = arith.constant 0 : i32
    %dma_wait3A_1304 = tpu.memref_slice %arg5[%squeeze3A_955, %dma_wait3A_1303] : memref<100000x64xf32, #tpu.memory_space<hbm>> -> memref<1x64xf32, #tpu.memory_space<hbm>>
    %dma_wait3A_1305 = arith.constant 20 : i32
    %dma_wait3A_1306 = arith.constant 0 : i32
    %dma_wait3A_1307 = tpu.memref_slice %arg9[%dma_wait3A_1305, %dma_wait3A_1306] : memref<32x64xf32, #tpu.memory_space<vmem>> -> memref<1x64xf32, #tpu.memory_space<vmem>>
    tpu.wait_dma2 semaphore(%arg11 : memref<!tpu.dma_semaphore, #tpu.memory_space<semaphore_mem>>) src(%dma_wait3A_1307 : memref<1x64xf32, #tpu.memory_space<vmem>>) dst(%dma_wait3A_1304 : memref<1x64xf32, #tpu.memory_space<hbm>>)
    %dma_wait3A_1308 = arith.constant 21 : i32
    %dma_wait3A_1309 = arith.constant 0 : i32
    %dma_wait3A_1310 = tpu.memref_slice %arg9[%dma_wait3A_1308, %dma_wait3A_1309] : memref<32x64xf32, #tpu.memory_space<vmem>> -> memref<1x64xf32, #tpu.memory_space<vmem>>
    %dma_wait3A_1311 = arith.constant 0 : i32
    %dma_wait3A_1312 = tpu.memref_slice %arg5[%squeeze3A_967, %dma_wait3A_1311] : memref<100000x64xf32, #tpu.memory_space<hbm>> -> memref<1x64xf32, #tpu.memory_space<hbm>>
    %dma_wait3A_1313 = arith.constant 0 : i32
    %dma_wait3A_1314 = tpu.memref_slice %arg5[%squeeze3A_967, %dma_wait3A_1313] : memref<100000x64xf32, #tpu.memory_space<hbm>> -> memref<1x64xf32, #tpu.memory_space<hbm>>
    %dma_wait3A_1315 = arith.constant 21 : i32
    %dma_wait3A_1316 = arith.constant 0 : i32
    %dma_wait3A_1317 = tpu.memref_slice %arg9[%dma_wait3A_1315, %dma_wait3A_1316] : memref<32x64xf32, #tpu.memory_space<vmem>> -> memref<1x64xf32, #tpu.memory_space<vmem>>
    tpu.wait_dma2 semaphore(%arg11 : memref<!tpu.dma_semaphore, #tpu.memory_space<semaphore_mem>>) src(%dma_wait3A_1317 : memref<1x64xf32, #tpu.memory_space<vmem>>) dst(%dma_wait3A_1314 : memref<1x64xf32, #tpu.memory_space<hbm>>)
    %dma_wait3A_1318 = arith.constant 22 : i32
    %dma_wait3A_1319 = arith.constant 0 : i32
    %dma_wait3A_1320 = tpu.memref_slice %arg9[%dma_wait3A_1318, %dma_wait3A_1319] : memref<32x64xf32, #tpu.memory_space<vmem>> -> memref<1x64xf32, #tpu.memory_space<vmem>>
    %dma_wait3A_1321 = arith.constant 0 : i32
    %dma_wait3A_1322 = tpu.memref_slice %arg5[%squeeze3A_979, %dma_wait3A_1321] : memref<100000x64xf32, #tpu.memory_space<hbm>> -> memref<1x64xf32, #tpu.memory_space<hbm>>
    %dma_wait3A_1323 = arith.constant 0 : i32
    %dma_wait3A_1324 = tpu.memref_slice %arg5[%squeeze3A_979, %dma_wait3A_1323] : memref<100000x64xf32, #tpu.memory_space<hbm>> -> memref<1x64xf32, #tpu.memory_space<hbm>>
    %dma_wait3A_1325 = arith.constant 22 : i32
    %dma_wait3A_1326 = arith.constant 0 : i32
    %dma_wait3A_1327 = tpu.memref_slice %arg9[%dma_wait3A_1325, %dma_wait3A_1326] : memref<32x64xf32, #tpu.memory_space<vmem>> -> memref<1x64xf32, #tpu.memory_space<vmem>>
    tpu.wait_dma2 semaphore(%arg11 : memref<!tpu.dma_semaphore, #tpu.memory_space<semaphore_mem>>) src(%dma_wait3A_1327 : memref<1x64xf32, #tpu.memory_space<vmem>>) dst(%dma_wait3A_1324 : memref<1x64xf32, #tpu.memory_space<hbm>>)
    %dma_wait3A_1328 = arith.constant 23 : i32
    %dma_wait3A_1329 = arith.constant 0 : i32
    %dma_wait3A_1330 = tpu.memref_slice %arg9[%dma_wait3A_1328, %dma_wait3A_1329] : memref<32x64xf32, #tpu.memory_space<vmem>> -> memref<1x64xf32, #tpu.memory_space<vmem>>
    %dma_wait3A_1331 = arith.constant 0 : i32
    %dma_wait3A_1332 = tpu.memref_slice %arg5[%squeeze3A_991, %dma_wait3A_1331] : memref<100000x64xf32, #tpu.memory_space<hbm>> -> memref<1x64xf32, #tpu.memory_space<hbm>>
    %dma_wait3A_1333 = arith.constant 0 : i32
    %dma_wait3A_1334 = tpu.memref_slice %arg5[%squeeze3A_991, %dma_wait3A_1333] : memref<100000x64xf32, #tpu.memory_space<hbm>> -> memref<1x64xf32, #tpu.memory_space<hbm>>
    %dma_wait3A_1335 = arith.constant 23 : i32
    %dma_wait3A_1336 = arith.constant 0 : i32
    %dma_wait3A_1337 = tpu.memref_slice %arg9[%dma_wait3A_1335, %dma_wait3A_1336] : memref<32x64xf32, #tpu.memory_space<vmem>> -> memref<1x64xf32, #tpu.memory_space<vmem>>
    tpu.wait_dma2 semaphore(%arg11 : memref<!tpu.dma_semaphore, #tpu.memory_space<semaphore_mem>>) src(%dma_wait3A_1337 : memref<1x64xf32, #tpu.memory_space<vmem>>) dst(%dma_wait3A_1334 : memref<1x64xf32, #tpu.memory_space<hbm>>)
    %dma_wait3A_1338 = arith.constant 24 : i32
    %dma_wait3A_1339 = arith.constant 0 : i32
    %dma_wait3A_1340 = tpu.memref_slice %arg9[%dma_wait3A_1338, %dma_wait3A_1339] : memref<32x64xf32, #tpu.memory_space<vmem>> -> memref<1x64xf32, #tpu.memory_space<vmem>>
    %dma_wait3A_1341 = arith.constant 0 : i32
    %dma_wait3A_1342 = tpu.memref_slice %arg5[%squeeze3A_1003, %dma_wait3A_1341] : memref<100000x64xf32, #tpu.memory_space<hbm>> -> memref<1x64xf32, #tpu.memory_space<hbm>>
    %dma_wait3A_1343 = arith.constant 0 : i32
    %dma_wait3A_1344 = tpu.memref_slice %arg5[%squeeze3A_1003, %dma_wait3A_1343] : memref<100000x64xf32, #tpu.memory_space<hbm>> -> memref<1x64xf32, #tpu.memory_space<hbm>>
    %dma_wait3A_1345 = arith.constant 24 : i32
    %dma_wait3A_1346 = arith.constant 0 : i32
    %dma_wait3A_1347 = tpu.memref_slice %arg9[%dma_wait3A_1345, %dma_wait3A_1346] : memref<32x64xf32, #tpu.memory_space<vmem>> -> memref<1x64xf32, #tpu.memory_space<vmem>>
    tpu.wait_dma2 semaphore(%arg11 : memref<!tpu.dma_semaphore, #tpu.memory_space<semaphore_mem>>) src(%dma_wait3A_1347 : memref<1x64xf32, #tpu.memory_space<vmem>>) dst(%dma_wait3A_1344 : memref<1x64xf32, #tpu.memory_space<hbm>>)
    %dma_wait3A_1348 = arith.constant 25 : i32
    %dma_wait3A_1349 = arith.constant 0 : i32
    %dma_wait3A_1350 = tpu.memref_slice %arg9[%dma_wait3A_1348, %dma_wait3A_1349] : memref<32x64xf32, #tpu.memory_space<vmem>> -> memref<1x64xf32, #tpu.memory_space<vmem>>
    %dma_wait3A_1351 = arith.constant 0 : i32
    %dma_wait3A_1352 = tpu.memref_slice %arg5[%squeeze3A_1015, %dma_wait3A_1351] : memref<100000x64xf32, #tpu.memory_space<hbm>> -> memref<1x64xf32, #tpu.memory_space<hbm>>
    %dma_wait3A_1353 = arith.constant 0 : i32
    %dma_wait3A_1354 = tpu.memref_slice %arg5[%squeeze3A_1015, %dma_wait3A_1353] : memref<100000x64xf32, #tpu.memory_space<hbm>> -> memref<1x64xf32, #tpu.memory_space<hbm>>
    %dma_wait3A_1355 = arith.constant 25 : i32
    %dma_wait3A_1356 = arith.constant 0 : i32
    %dma_wait3A_1357 = tpu.memref_slice %arg9[%dma_wait3A_1355, %dma_wait3A_1356] : memref<32x64xf32, #tpu.memory_space<vmem>> -> memref<1x64xf32, #tpu.memory_space<vmem>>
    tpu.wait_dma2 semaphore(%arg11 : memref<!tpu.dma_semaphore, #tpu.memory_space<semaphore_mem>>) src(%dma_wait3A_1357 : memref<1x64xf32, #tpu.memory_space<vmem>>) dst(%dma_wait3A_1354 : memref<1x64xf32, #tpu.memory_space<hbm>>)
    %dma_wait3A_1358 = arith.constant 26 : i32
    %dma_wait3A_1359 = arith.constant 0 : i32
    %dma_wait3A_1360 = tpu.memref_slice %arg9[%dma_wait3A_1358, %dma_wait3A_1359] : memref<32x64xf32, #tpu.memory_space<vmem>> -> memref<1x64xf32, #tpu.memory_space<vmem>>
    %dma_wait3A_1361 = arith.constant 0 : i32
    %dma_wait3A_1362 = tpu.memref_slice %arg5[%squeeze3A_1027, %dma_wait3A_1361] : memref<100000x64xf32, #tpu.memory_space<hbm>> -> memref<1x64xf32, #tpu.memory_space<hbm>>
    %dma_wait3A_1363 = arith.constant 0 : i32
    %dma_wait3A_1364 = tpu.memref_slice %arg5[%squeeze3A_1027, %dma_wait3A_1363] : memref<100000x64xf32, #tpu.memory_space<hbm>> -> memref<1x64xf32, #tpu.memory_space<hbm>>
    %dma_wait3A_1365 = arith.constant 26 : i32
    %dma_wait3A_1366 = arith.constant 0 : i32
    %dma_wait3A_1367 = tpu.memref_slice %arg9[%dma_wait3A_1365, %dma_wait3A_1366] : memref<32x64xf32, #tpu.memory_space<vmem>> -> memref<1x64xf32, #tpu.memory_space<vmem>>
    tpu.wait_dma2 semaphore(%arg11 : memref<!tpu.dma_semaphore, #tpu.memory_space<semaphore_mem>>) src(%dma_wait3A_1367 : memref<1x64xf32, #tpu.memory_space<vmem>>) dst(%dma_wait3A_1364 : memref<1x64xf32, #tpu.memory_space<hbm>>)
    %dma_wait3A_1368 = arith.constant 27 : i32
    %dma_wait3A_1369 = arith.constant 0 : i32
    %dma_wait3A_1370 = tpu.memref_slice %arg9[%dma_wait3A_1368, %dma_wait3A_1369] : memref<32x64xf32, #tpu.memory_space<vmem>> -> memref<1x64xf32, #tpu.memory_space<vmem>>
    %dma_wait3A_1371 = arith.constant 0 : i32
    %dma_wait3A_1372 = tpu.memref_slice %arg5[%squeeze3A_1039, %dma_wait3A_1371] : memref<100000x64xf32, #tpu.memory_space<hbm>> -> memref<1x64xf32, #tpu.memory_space<hbm>>
    %dma_wait3A_1373 = arith.constant 0 : i32
    %dma_wait3A_1374 = tpu.memref_slice %arg5[%squeeze3A_1039, %dma_wait3A_1373] : memref<100000x64xf32, #tpu.memory_space<hbm>> -> memref<1x64xf32, #tpu.memory_space<hbm>>
    %dma_wait3A_1375 = arith.constant 27 : i32
    %dma_wait3A_1376 = arith.constant 0 : i32
    %dma_wait3A_1377 = tpu.memref_slice %arg9[%dma_wait3A_1375, %dma_wait3A_1376] : memref<32x64xf32, #tpu.memory_space<vmem>> -> memref<1x64xf32, #tpu.memory_space<vmem>>
    tpu.wait_dma2 semaphore(%arg11 : memref<!tpu.dma_semaphore, #tpu.memory_space<semaphore_mem>>) src(%dma_wait3A_1377 : memref<1x64xf32, #tpu.memory_space<vmem>>) dst(%dma_wait3A_1374 : memref<1x64xf32, #tpu.memory_space<hbm>>)
    %dma_wait3A_1378 = arith.constant 28 : i32
    %dma_wait3A_1379 = arith.constant 0 : i32
    %dma_wait3A_1380 = tpu.memref_slice %arg9[%dma_wait3A_1378, %dma_wait3A_1379] : memref<32x64xf32, #tpu.memory_space<vmem>> -> memref<1x64xf32, #tpu.memory_space<vmem>>
    %dma_wait3A_1381 = arith.constant 0 : i32
    %dma_wait3A_1382 = tpu.memref_slice %arg5[%squeeze3A_1051, %dma_wait3A_1381] : memref<100000x64xf32, #tpu.memory_space<hbm>> -> memref<1x64xf32, #tpu.memory_space<hbm>>
    %dma_wait3A_1383 = arith.constant 0 : i32
    %dma_wait3A_1384 = tpu.memref_slice %arg5[%squeeze3A_1051, %dma_wait3A_1383] : memref<100000x64xf32, #tpu.memory_space<hbm>> -> memref<1x64xf32, #tpu.memory_space<hbm>>
    %dma_wait3A_1385 = arith.constant 28 : i32
    %dma_wait3A_1386 = arith.constant 0 : i32
    %dma_wait3A_1387 = tpu.memref_slice %arg9[%dma_wait3A_1385, %dma_wait3A_1386] : memref<32x64xf32, #tpu.memory_space<vmem>> -> memref<1x64xf32, #tpu.memory_space<vmem>>
    tpu.wait_dma2 semaphore(%arg11 : memref<!tpu.dma_semaphore, #tpu.memory_space<semaphore_mem>>) src(%dma_wait3A_1387 : memref<1x64xf32, #tpu.memory_space<vmem>>) dst(%dma_wait3A_1384 : memref<1x64xf32, #tpu.memory_space<hbm>>)
    %dma_wait3A_1388 = arith.constant 29 : i32
    %dma_wait3A_1389 = arith.constant 0 : i32
    %dma_wait3A_1390 = tpu.memref_slice %arg9[%dma_wait3A_1388, %dma_wait3A_1389] : memref<32x64xf32, #tpu.memory_space<vmem>> -> memref<1x64xf32, #tpu.memory_space<vmem>>
    %dma_wait3A_1391 = arith.constant 0 : i32
    %dma_wait3A_1392 = tpu.memref_slice %arg5[%squeeze3A_1063, %dma_wait3A_1391] : memref<100000x64xf32, #tpu.memory_space<hbm>> -> memref<1x64xf32, #tpu.memory_space<hbm>>
    %dma_wait3A_1393 = arith.constant 0 : i32
    %dma_wait3A_1394 = tpu.memref_slice %arg5[%squeeze3A_1063, %dma_wait3A_1393] : memref<100000x64xf32, #tpu.memory_space<hbm>> -> memref<1x64xf32, #tpu.memory_space<hbm>>
    %dma_wait3A_1395 = arith.constant 29 : i32
    %dma_wait3A_1396 = arith.constant 0 : i32
    %dma_wait3A_1397 = tpu.memref_slice %arg9[%dma_wait3A_1395, %dma_wait3A_1396] : memref<32x64xf32, #tpu.memory_space<vmem>> -> memref<1x64xf32, #tpu.memory_space<vmem>>
    tpu.wait_dma2 semaphore(%arg11 : memref<!tpu.dma_semaphore, #tpu.memory_space<semaphore_mem>>) src(%dma_wait3A_1397 : memref<1x64xf32, #tpu.memory_space<vmem>>) dst(%dma_wait3A_1394 : memref<1x64xf32, #tpu.memory_space<hbm>>)
    %dma_wait3A_1398 = arith.constant 30 : i32
    %dma_wait3A_1399 = arith.constant 0 : i32
    %dma_wait3A_1400 = tpu.memref_slice %arg9[%dma_wait3A_1398, %dma_wait3A_1399] : memref<32x64xf32, #tpu.memory_space<vmem>> -> memref<1x64xf32, #tpu.memory_space<vmem>>
    %dma_wait3A_1401 = arith.constant 0 : i32
    %dma_wait3A_1402 = tpu.memref_slice %arg5[%squeeze3A_1075, %dma_wait3A_1401] : memref<100000x64xf32, #tpu.memory_space<hbm>> -> memref<1x64xf32, #tpu.memory_space<hbm>>
    %dma_wait3A_1403 = arith.constant 0 : i32
    %dma_wait3A_1404 = tpu.memref_slice %arg5[%squeeze3A_1075, %dma_wait3A_1403] : memref<100000x64xf32, #tpu.memory_space<hbm>> -> memref<1x64xf32, #tpu.memory_space<hbm>>
    %dma_wait3A_1405 = arith.constant 30 : i32
    %dma_wait3A_1406 = arith.constant 0 : i32
    %dma_wait3A_1407 = tpu.memref_slice %arg9[%dma_wait3A_1405, %dma_wait3A_1406] : memref<32x64xf32, #tpu.memory_space<vmem>> -> memref<1x64xf32, #tpu.memory_space<vmem>>
    tpu.wait_dma2 semaphore(%arg11 : memref<!tpu.dma_semaphore, #tpu.memory_space<semaphore_mem>>) src(%dma_wait3A_1407 : memref<1x64xf32, #tpu.memory_space<vmem>>) dst(%dma_wait3A_1404 : memref<1x64xf32, #tpu.memory_space<hbm>>)
    %dma_wait3A_1408 = arith.constant 31 : i32
    %dma_wait3A_1409 = arith.constant 0 : i32
    %dma_wait3A_1410 = tpu.memref_slice %arg9[%dma_wait3A_1408, %dma_wait3A_1409] : memref<32x64xf32, #tpu.memory_space<vmem>> -> memref<1x64xf32, #tpu.memory_space<vmem>>
    %dma_wait3A_1411 = arith.constant 0 : i32
    %dma_wait3A_1412 = tpu.memref_slice %arg5[%squeeze3A_1087, %dma_wait3A_1411] : memref<100000x64xf32, #tpu.memory_space<hbm>> -> memref<1x64xf32, #tpu.memory_space<hbm>>
    %dma_wait3A_1413 = arith.constant 0 : i32
    %dma_wait3A_1414 = tpu.memref_slice %arg5[%squeeze3A_1087, %dma_wait3A_1413] : memref<100000x64xf32, #tpu.memory_space<hbm>> -> memref<1x64xf32, #tpu.memory_space<hbm>>
    %dma_wait3A_1415 = arith.constant 31 : i32
    %dma_wait3A_1416 = arith.constant 0 : i32
    %dma_wait3A_1417 = tpu.memref_slice %arg9[%dma_wait3A_1415, %dma_wait3A_1416] : memref<32x64xf32, #tpu.memory_space<vmem>> -> memref<1x64xf32, #tpu.memory_space<vmem>>
    tpu.wait_dma2 semaphore(%arg11 : memref<!tpu.dma_semaphore, #tpu.memory_space<semaphore_mem>>) src(%dma_wait3A_1417 : memref<1x64xf32, #tpu.memory_space<vmem>>) dst(%dma_wait3A_1414 : memref<1x64xf32, #tpu.memory_space<hbm>>)
    return
  }
}

#map = affine_map<(d0, d1) -> (0, 0)>
#map1 = affine_map<(d0, d1) -> (0)>
module attributes {stable_mosaic.version = 14 : i64} {
  func.func @_sc_gather(%arg0: i32, %arg1: i32, %arg2: memref<100000x64xf32, #tpu.memory_space<hbm>>, %arg3: memref<1024xi32, #tpu.memory_space<hbm>>, %arg4: memref<1024x64xf32, #tpu.memory_space<hbm>>, %arg5: memref<32xi32, #tpu.memory_space<vmem>>, %arg6: memref<32x64xf32, #tpu.memory_space<vmem>>, %arg7: memref<!tpu.dma_semaphore, #tpu.memory_space<semaphore_mem>>) attributes {dimension_semantics = [#tpu.dimension_semantics<core_parallel>, #tpu.dimension_semantics<subcore_parallel>], iteration_bounds = array<i64: 2, 16>, scalar_prefetch = 0 : i64, scratch_operands = 3 : i64, tpu.core_type = #tpu.core_type<sc_vector_subcore>, window_params = [{transform_indices = #map}, {transform_indices = #map1}, {transform_indices = #map}]} {
    %mul3A = arith.constant 2 : i32
    %mul3A_0 = arith.muli %arg1, %mul3A : i32
    %add3A = arith.addi %mul3A_0, %arg0 : i32
    %mul3A_1 = arith.constant 32 : i32
    %mul3A_2 = arith.muli %add3A, %mul3A_1 : i32
    "tpu.region"() ({
      %run_scoped3A = tpu.sem_alloc : memref<!tpu.dma_semaphore, #tpu.memory_space<semaphore_mem>>
      %dma_start3A_708 = tpu.memref_slice %arg3[%mul3A_2] : memref<1024xi32, #tpu.memory_space<hbm>> -> memref<32xi32, #tpu.memory_space<hbm>>
      %dma_start3A_709 = tpu.memref_slice %arg3[%mul3A_2] : memref<1024xi32, #tpu.memory_space<hbm>> -> memref<32xi32, #tpu.memory_space<hbm>>
      tpu.enqueue_dma source(%dma_start3A_709 : memref<32xi32, #tpu.memory_space<hbm>>) target(%arg5 : memref<32xi32, #tpu.memory_space<vmem>>) target_semaphore(%run_scoped3A : memref<!tpu.dma_semaphore, #tpu.memory_space<semaphore_mem>>)
      %dma_wait3A_710 = tpu.memref_slice %arg3[%mul3A_2] : memref<1024xi32, #tpu.memory_space<hbm>> -> memref<32xi32, #tpu.memory_space<hbm>>
      %dma_wait3A_711 = tpu.memref_slice %arg3[%mul3A_2] : memref<1024xi32, #tpu.memory_space<hbm>> -> memref<32xi32, #tpu.memory_space<hbm>>
      tpu.wait_dma2 semaphore(%run_scoped3A : memref<!tpu.dma_semaphore, #tpu.memory_space<semaphore_mem>>) src(%dma_wait3A_711 : memref<32xi32, #tpu.memory_space<hbm>>) dst(%arg5 : memref<32xi32, #tpu.memory_space<vmem>>)
      tpu.yield
    }) : () -> ()
    %get3A = arith.constant 0 : index
    %get3A_3 = tpu.vector_load %arg5[%get3A] {strides = array<i32>} : memref<32xi32, #tpu.memory_space<vmem>>, vector<16xi32>,
    %get3A_4 = vector.shape_cast %get3A_3 : vector<16xi32> to vector<16xi32>
    %slice3A = vector.extract_strided_slice %get3A_4 {offsets = [0], sizes = [1], strides = [1]} : vector<16xi32> to vector<1xi32>
    %squeeze3A = vector.extract %slice3A[0] : i32 from vector<1xi32>
    %dma_start3A = arith.constant 0 : i32
    %dma_start3A_5 = arith.constant 0 : i32
    %dma_start3A_6 = tpu.memref_slice %arg6[%dma_start3A, %dma_start3A_5] : memref<32x64xf32, #tpu.memory_space<vmem>> -> memref<1x64xf32, #tpu.memory_space<vmem>>
    %dma_start3A_7 = arith.constant 0 : i32
    %dma_start3A_8 = tpu.memref_slice %arg2[%squeeze3A, %dma_start3A_7] : memref<100000x64xf32, #tpu.memory_space<hbm>> -> memref<1x64xf32, #tpu.memory_space<hbm>>
    %dma_start3A_9 = arith.constant 0 : i32
    %dma_start3A_10 = arith.constant 0 : i32
    %dma_start3A_11 = tpu.memref_slice %arg6[%dma_start3A_9, %dma_start3A_10] : memref<32x64xf32, #tpu.memory_space<vmem>> -> memref<1x64xf32, #tpu.memory_space<vmem>>
    %dma_start3A_12 = arith.constant 0 : i32
    %dma_start3A_13 = tpu.memref_slice %arg2[%squeeze3A, %dma_start3A_12] : memref<100000x64xf32, #tpu.memory_space<hbm>> -> memref<1x64xf32, #tpu.memory_space<hbm>>
    tpu.enqueue_dma source(%dma_start3A_13 : memref<1x64xf32, #tpu.memory_space<hbm>>) target(%dma_start3A_11 : memref<1x64xf32, #tpu.memory_space<vmem>>) target_semaphore(%arg7 : memref<!tpu.dma_semaphore, #tpu.memory_space<semaphore_mem>>)
    %slice3A_14 = vector.extract_strided_slice %get3A_4 {offsets = [1], sizes = [1], strides = [1]} : vector<16xi32> to vector<1xi32>
    %squeeze3A_15 = vector.extract %slice3A_14[0] : i32 from vector<1xi32>
    %dma_start3A_16 = arith.constant 1 : i32
    %dma_start3A_17 = arith.constant 0 : i32
    %dma_start3A_18 = tpu.memref_slice %arg6[%dma_start3A_16, %dma_start3A_17] : memref<32x64xf32, #tpu.memory_space<vmem>> -> memref<1x64xf32, #tpu.memory_space<vmem>>
    %dma_start3A_19 = arith.constant 0 : i32
    %dma_start3A_20 = tpu.memref_slice %arg2[%squeeze3A_15, %dma_start3A_19] : memref<100000x64xf32, #tpu.memory_space<hbm>> -> memref<1x64xf32, #tpu.memory_space<hbm>>
    %dma_start3A_21 = arith.constant 1 : i32
    %dma_start3A_22 = arith.constant 0 : i32
    %dma_start3A_23 = tpu.memref_slice %arg6[%dma_start3A_21, %dma_start3A_22] : memref<32x64xf32, #tpu.memory_space<vmem>> -> memref<1x64xf32, #tpu.memory_space<vmem>>
    %dma_start3A_24 = arith.constant 0 : i32
    %dma_start3A_25 = tpu.memref_slice %arg2[%squeeze3A_15, %dma_start3A_24] : memref<100000x64xf32, #tpu.memory_space<hbm>> -> memref<1x64xf32, #tpu.memory_space<hbm>>
    tpu.enqueue_dma source(%dma_start3A_25 : memref<1x64xf32, #tpu.memory_space<hbm>>) target(%dma_start3A_23 : memref<1x64xf32, #tpu.memory_space<vmem>>) target_semaphore(%arg7 : memref<!tpu.dma_semaphore, #tpu.memory_space<semaphore_mem>>)
    %slice3A_26 = vector.extract_strided_slice %get3A_4 {offsets = [2], sizes = [1], strides = [1]} : vector<16xi32> to vector<1xi32>
    %squeeze3A_27 = vector.extract %slice3A_26[0] : i32 from vector<1xi32>
    %dma_start3A_28 = arith.constant 2 : i32
    %dma_start3A_29 = arith.constant 0 : i32
    %dma_start3A_30 = tpu.memref_slice %arg6[%dma_start3A_28, %dma_start3A_29] : memref<32x64xf32, #tpu.memory_space<vmem>> -> memref<1x64xf32, #tpu.memory_space<vmem>>
    %dma_start3A_31 = arith.constant 0 : i32
    %dma_start3A_32 = tpu.memref_slice %arg2[%squeeze3A_27, %dma_start3A_31] : memref<100000x64xf32, #tpu.memory_space<hbm>> -> memref<1x64xf32, #tpu.memory_space<hbm>>
    %dma_start3A_33 = arith.constant 2 : i32
    %dma_start3A_34 = arith.constant 0 : i32
    %dma_start3A_35 = tpu.memref_slice %arg6[%dma_start3A_33, %dma_start3A_34] : memref<32x64xf32, #tpu.memory_space<vmem>> -> memref<1x64xf32, #tpu.memory_space<vmem>>
    %dma_start3A_36 = arith.constant 0 : i32
    %dma_start3A_37 = tpu.memref_slice %arg2[%squeeze3A_27, %dma_start3A_36] : memref<100000x64xf32, #tpu.memory_space<hbm>> -> memref<1x64xf32, #tpu.memory_space<hbm>>
    tpu.enqueue_dma source(%dma_start3A_37 : memref<1x64xf32, #tpu.memory_space<hbm>>) target(%dma_start3A_35 : memref<1x64xf32, #tpu.memory_space<vmem>>) target_semaphore(%arg7 : memref<!tpu.dma_semaphore, #tpu.memory_space<semaphore_mem>>)
    %slice3A_38 = vector.extract_strided_slice %get3A_4 {offsets = [3], sizes = [1], strides = [1]} : vector<16xi32> to vector<1xi32>
    %squeeze3A_39 = vector.extract %slice3A_38[0] : i32 from vector<1xi32>
    %dma_start3A_40 = arith.constant 3 : i32
    %dma_start3A_41 = arith.constant 0 : i32
    %dma_start3A_42 = tpu.memref_slice %arg6[%dma_start3A_40, %dma_start3A_41] : memref<32x64xf32, #tpu.memory_space<vmem>> -> memref<1x64xf32, #tpu.memory_space<vmem>>
    %dma_start3A_43 = arith.constant 0 : i32
    %dma_start3A_44 = tpu.memref_slice %arg2[%squeeze3A_39, %dma_start3A_43] : memref<100000x64xf32, #tpu.memory_space<hbm>> -> memref<1x64xf32, #tpu.memory_space<hbm>>
    %dma_start3A_45 = arith.constant 3 : i32
    %dma_start3A_46 = arith.constant 0 : i32
    %dma_start3A_47 = tpu.memref_slice %arg6[%dma_start3A_45, %dma_start3A_46] : memref<32x64xf32, #tpu.memory_space<vmem>> -> memref<1x64xf32, #tpu.memory_space<vmem>>
    %dma_start3A_48 = arith.constant 0 : i32
    %dma_start3A_49 = tpu.memref_slice %arg2[%squeeze3A_39, %dma_start3A_48] : memref<100000x64xf32, #tpu.memory_space<hbm>> -> memref<1x64xf32, #tpu.memory_space<hbm>>
    tpu.enqueue_dma source(%dma_start3A_49 : memref<1x64xf32, #tpu.memory_space<hbm>>) target(%dma_start3A_47 : memref<1x64xf32, #tpu.memory_space<vmem>>) target_semaphore(%arg7 : memref<!tpu.dma_semaphore, #tpu.memory_space<semaphore_mem>>)
    %slice3A_50 = vector.extract_strided_slice %get3A_4 {offsets = [4], sizes = [1], strides = [1]} : vector<16xi32> to vector<1xi32>
    %squeeze3A_51 = vector.extract %slice3A_50[0] : i32 from vector<1xi32>
    %dma_start3A_52 = arith.constant 4 : i32
    %dma_start3A_53 = arith.constant 0 : i32
    %dma_start3A_54 = tpu.memref_slice %arg6[%dma_start3A_52, %dma_start3A_53] : memref<32x64xf32, #tpu.memory_space<vmem>> -> memref<1x64xf32, #tpu.memory_space<vmem>>
    %dma_start3A_55 = arith.constant 0 : i32
    %dma_start3A_56 = tpu.memref_slice %arg2[%squeeze3A_51, %dma_start3A_55] : memref<100000x64xf32, #tpu.memory_space<hbm>> -> memref<1x64xf32, #tpu.memory_space<hbm>>
    %dma_start3A_57 = arith.constant 4 : i32
    %dma_start3A_58 = arith.constant 0 : i32
    %dma_start3A_59 = tpu.memref_slice %arg6[%dma_start3A_57, %dma_start3A_58] : memref<32x64xf32, #tpu.memory_space<vmem>> -> memref<1x64xf32, #tpu.memory_space<vmem>>
    %dma_start3A_60 = arith.constant 0 : i32
    %dma_start3A_61 = tpu.memref_slice %arg2[%squeeze3A_51, %dma_start3A_60] : memref<100000x64xf32, #tpu.memory_space<hbm>> -> memref<1x64xf32, #tpu.memory_space<hbm>>
    tpu.enqueue_dma source(%dma_start3A_61 : memref<1x64xf32, #tpu.memory_space<hbm>>) target(%dma_start3A_59 : memref<1x64xf32, #tpu.memory_space<vmem>>) target_semaphore(%arg7 : memref<!tpu.dma_semaphore, #tpu.memory_space<semaphore_mem>>)
    %slice3A_62 = vector.extract_strided_slice %get3A_4 {offsets = [5], sizes = [1], strides = [1]} : vector<16xi32> to vector<1xi32>
    %squeeze3A_63 = vector.extract %slice3A_62[0] : i32 from vector<1xi32>
    %dma_start3A_64 = arith.constant 5 : i32
    %dma_start3A_65 = arith.constant 0 : i32
    %dma_start3A_66 = tpu.memref_slice %arg6[%dma_start3A_64, %dma_start3A_65] : memref<32x64xf32, #tpu.memory_space<vmem>> -> memref<1x64xf32, #tpu.memory_space<vmem>>
    %dma_start3A_67 = arith.constant 0 : i32
    %dma_start3A_68 = tpu.memref_slice %arg2[%squeeze3A_63, %dma_start3A_67] : memref<100000x64xf32, #tpu.memory_space<hbm>> -> memref<1x64xf32, #tpu.memory_space<hbm>>
    %dma_start3A_69 = arith.constant 5 : i32
    %dma_start3A_70 = arith.constant 0 : i32
    %dma_start3A_71 = tpu.memref_slice %arg6[%dma_start3A_69, %dma_start3A_70] : memref<32x64xf32, #tpu.memory_space<vmem>> -> memref<1x64xf32, #tpu.memory_space<vmem>>
    %dma_start3A_72 = arith.constant 0 : i32
    %dma_start3A_73 = tpu.memref_slice %arg2[%squeeze3A_63, %dma_start3A_72] : memref<100000x64xf32, #tpu.memory_space<hbm>> -> memref<1x64xf32, #tpu.memory_space<hbm>>
    tpu.enqueue_dma source(%dma_start3A_73 : memref<1x64xf32, #tpu.memory_space<hbm>>) target(%dma_start3A_71 : memref<1x64xf32, #tpu.memory_space<vmem>>) target_semaphore(%arg7 : memref<!tpu.dma_semaphore, #tpu.memory_space<semaphore_mem>>)
    %slice3A_74 = vector.extract_strided_slice %get3A_4 {offsets = [6], sizes = [1], strides = [1]} : vector<16xi32> to vector<1xi32>
    %squeeze3A_75 = vector.extract %slice3A_74[0] : i32 from vector<1xi32>
    %dma_start3A_76 = arith.constant 6 : i32
    %dma_start3A_77 = arith.constant 0 : i32
    %dma_start3A_78 = tpu.memref_slice %arg6[%dma_start3A_76, %dma_start3A_77] : memref<32x64xf32, #tpu.memory_space<vmem>> -> memref<1x64xf32, #tpu.memory_space<vmem>>
    %dma_start3A_79 = arith.constant 0 : i32
    %dma_start3A_80 = tpu.memref_slice %arg2[%squeeze3A_75, %dma_start3A_79] : memref<100000x64xf32, #tpu.memory_space<hbm>> -> memref<1x64xf32, #tpu.memory_space<hbm>>
    %dma_start3A_81 = arith.constant 6 : i32
    %dma_start3A_82 = arith.constant 0 : i32
    %dma_start3A_83 = tpu.memref_slice %arg6[%dma_start3A_81, %dma_start3A_82] : memref<32x64xf32, #tpu.memory_space<vmem>> -> memref<1x64xf32, #tpu.memory_space<vmem>>
    %dma_start3A_84 = arith.constant 0 : i32
    %dma_start3A_85 = tpu.memref_slice %arg2[%squeeze3A_75, %dma_start3A_84] : memref<100000x64xf32, #tpu.memory_space<hbm>> -> memref<1x64xf32, #tpu.memory_space<hbm>>
    tpu.enqueue_dma source(%dma_start3A_85 : memref<1x64xf32, #tpu.memory_space<hbm>>) target(%dma_start3A_83 : memref<1x64xf32, #tpu.memory_space<vmem>>) target_semaphore(%arg7 : memref<!tpu.dma_semaphore, #tpu.memory_space<semaphore_mem>>)
    %slice3A_86 = vector.extract_strided_slice %get3A_4 {offsets = [7], sizes = [1], strides = [1]} : vector<16xi32> to vector<1xi32>
    %squeeze3A_87 = vector.extract %slice3A_86[0] : i32 from vector<1xi32>
    %dma_start3A_88 = arith.constant 7 : i32
    %dma_start3A_89 = arith.constant 0 : i32
    %dma_start3A_90 = tpu.memref_slice %arg6[%dma_start3A_88, %dma_start3A_89] : memref<32x64xf32, #tpu.memory_space<vmem>> -> memref<1x64xf32, #tpu.memory_space<vmem>>
    %dma_start3A_91 = arith.constant 0 : i32
    %dma_start3A_92 = tpu.memref_slice %arg2[%squeeze3A_87, %dma_start3A_91] : memref<100000x64xf32, #tpu.memory_space<hbm>> -> memref<1x64xf32, #tpu.memory_space<hbm>>
    %dma_start3A_93 = arith.constant 7 : i32
    %dma_start3A_94 = arith.constant 0 : i32
    %dma_start3A_95 = tpu.memref_slice %arg6[%dma_start3A_93, %dma_start3A_94] : memref<32x64xf32, #tpu.memory_space<vmem>> -> memref<1x64xf32, #tpu.memory_space<vmem>>
    %dma_start3A_96 = arith.constant 0 : i32
    %dma_start3A_97 = tpu.memref_slice %arg2[%squeeze3A_87, %dma_start3A_96] : memref<100000x64xf32, #tpu.memory_space<hbm>> -> memref<1x64xf32, #tpu.memory_space<hbm>>
    tpu.enqueue_dma source(%dma_start3A_97 : memref<1x64xf32, #tpu.memory_space<hbm>>) target(%dma_start3A_95 : memref<1x64xf32, #tpu.memory_space<vmem>>) target_semaphore(%arg7 : memref<!tpu.dma_semaphore, #tpu.memory_space<semaphore_mem>>)
    %slice3A_98 = vector.extract_strided_slice %get3A_4 {offsets = [8], sizes = [1], strides = [1]} : vector<16xi32> to vector<1xi32>
    %squeeze3A_99 = vector.extract %slice3A_98[0] : i32 from vector<1xi32>
    %dma_start3A_100 = arith.constant 8 : i32
    %dma_start3A_101 = arith.constant 0 : i32
    %dma_start3A_102 = tpu.memref_slice %arg6[%dma_start3A_100, %dma_start3A_101] : memref<32x64xf32, #tpu.memory_space<vmem>> -> memref<1x64xf32, #tpu.memory_space<vmem>>
    %dma_start3A_103 = arith.constant 0 : i32
    %dma_start3A_104 = tpu.memref_slice %arg2[%squeeze3A_99, %dma_start3A_103] : memref<100000x64xf32, #tpu.memory_space<hbm>> -> memref<1x64xf32, #tpu.memory_space<hbm>>
    %dma_start3A_105 = arith.constant 8 : i32
    %dma_start3A_106 = arith.constant 0 : i32
    %dma_start3A_107 = tpu.memref_slice %arg6[%dma_start3A_105, %dma_start3A_106] : memref<32x64xf32, #tpu.memory_space<vmem>> -> memref<1x64xf32, #tpu.memory_space<vmem>>
    %dma_start3A_108 = arith.constant 0 : i32
    %dma_start3A_109 = tpu.memref_slice %arg2[%squeeze3A_99, %dma_start3A_108] : memref<100000x64xf32, #tpu.memory_space<hbm>> -> memref<1x64xf32, #tpu.memory_space<hbm>>
    tpu.enqueue_dma source(%dma_start3A_109 : memref<1x64xf32, #tpu.memory_space<hbm>>) target(%dma_start3A_107 : memref<1x64xf32, #tpu.memory_space<vmem>>) target_semaphore(%arg7 : memref<!tpu.dma_semaphore, #tpu.memory_space<semaphore_mem>>)
    %slice3A_110 = vector.extract_strided_slice %get3A_4 {offsets = [9], sizes = [1], strides = [1]} : vector<16xi32> to vector<1xi32>
    %squeeze3A_111 = vector.extract %slice3A_110[0] : i32 from vector<1xi32>
    %dma_start3A_112 = arith.constant 9 : i32
    %dma_start3A_113 = arith.constant 0 : i32
    %dma_start3A_114 = tpu.memref_slice %arg6[%dma_start3A_112, %dma_start3A_113] : memref<32x64xf32, #tpu.memory_space<vmem>> -> memref<1x64xf32, #tpu.memory_space<vmem>>
    %dma_start3A_115 = arith.constant 0 : i32
    %dma_start3A_116 = tpu.memref_slice %arg2[%squeeze3A_111, %dma_start3A_115] : memref<100000x64xf32, #tpu.memory_space<hbm>> -> memref<1x64xf32, #tpu.memory_space<hbm>>
    %dma_start3A_117 = arith.constant 9 : i32
    %dma_start3A_118 = arith.constant 0 : i32
    %dma_start3A_119 = tpu.memref_slice %arg6[%dma_start3A_117, %dma_start3A_118] : memref<32x64xf32, #tpu.memory_space<vmem>> -> memref<1x64xf32, #tpu.memory_space<vmem>>
    %dma_start3A_120 = arith.constant 0 : i32
    %dma_start3A_121 = tpu.memref_slice %arg2[%squeeze3A_111, %dma_start3A_120] : memref<100000x64xf32, #tpu.memory_space<hbm>> -> memref<1x64xf32, #tpu.memory_space<hbm>>
    tpu.enqueue_dma source(%dma_start3A_121 : memref<1x64xf32, #tpu.memory_space<hbm>>) target(%dma_start3A_119 : memref<1x64xf32, #tpu.memory_space<vmem>>) target_semaphore(%arg7 : memref<!tpu.dma_semaphore, #tpu.memory_space<semaphore_mem>>)
    %slice3A_122 = vector.extract_strided_slice %get3A_4 {offsets = [10], sizes = [1], strides = [1]} : vector<16xi32> to vector<1xi32>
    %squeeze3A_123 = vector.extract %slice3A_122[0] : i32 from vector<1xi32>
    %dma_start3A_124 = arith.constant 10 : i32
    %dma_start3A_125 = arith.constant 0 : i32
    %dma_start3A_126 = tpu.memref_slice %arg6[%dma_start3A_124, %dma_start3A_125] : memref<32x64xf32, #tpu.memory_space<vmem>> -> memref<1x64xf32, #tpu.memory_space<vmem>>
    %dma_start3A_127 = arith.constant 0 : i32
    %dma_start3A_128 = tpu.memref_slice %arg2[%squeeze3A_123, %dma_start3A_127] : memref<100000x64xf32, #tpu.memory_space<hbm>> -> memref<1x64xf32, #tpu.memory_space<hbm>>
    %dma_start3A_129 = arith.constant 10 : i32
    %dma_start3A_130 = arith.constant 0 : i32
    %dma_start3A_131 = tpu.memref_slice %arg6[%dma_start3A_129, %dma_start3A_130] : memref<32x64xf32, #tpu.memory_space<vmem>> -> memref<1x64xf32, #tpu.memory_space<vmem>>
    %dma_start3A_132 = arith.constant 0 : i32
    %dma_start3A_133 = tpu.memref_slice %arg2[%squeeze3A_123, %dma_start3A_132] : memref<100000x64xf32, #tpu.memory_space<hbm>> -> memref<1x64xf32, #tpu.memory_space<hbm>>
    tpu.enqueue_dma source(%dma_start3A_133 : memref<1x64xf32, #tpu.memory_space<hbm>>) target(%dma_start3A_131 : memref<1x64xf32, #tpu.memory_space<vmem>>) target_semaphore(%arg7 : memref<!tpu.dma_semaphore, #tpu.memory_space<semaphore_mem>>)
    %slice3A_134 = vector.extract_strided_slice %get3A_4 {offsets = [11], sizes = [1], strides = [1]} : vector<16xi32> to vector<1xi32>
    %squeeze3A_135 = vector.extract %slice3A_134[0] : i32 from vector<1xi32>
    %dma_start3A_136 = arith.constant 11 : i32
    %dma_start3A_137 = arith.constant 0 : i32
    %dma_start3A_138 = tpu.memref_slice %arg6[%dma_start3A_136, %dma_start3A_137] : memref<32x64xf32, #tpu.memory_space<vmem>> -> memref<1x64xf32, #tpu.memory_space<vmem>>
    %dma_start3A_139 = arith.constant 0 : i32
    %dma_start3A_140 = tpu.memref_slice %arg2[%squeeze3A_135, %dma_start3A_139] : memref<100000x64xf32, #tpu.memory_space<hbm>> -> memref<1x64xf32, #tpu.memory_space<hbm>>
    %dma_start3A_141 = arith.constant 11 : i32
    %dma_start3A_142 = arith.constant 0 : i32
    %dma_start3A_143 = tpu.memref_slice %arg6[%dma_start3A_141, %dma_start3A_142] : memref<32x64xf32, #tpu.memory_space<vmem>> -> memref<1x64xf32, #tpu.memory_space<vmem>>
    %dma_start3A_144 = arith.constant 0 : i32
    %dma_start3A_145 = tpu.memref_slice %arg2[%squeeze3A_135, %dma_start3A_144] : memref<100000x64xf32, #tpu.memory_space<hbm>> -> memref<1x64xf32, #tpu.memory_space<hbm>>
    tpu.enqueue_dma source(%dma_start3A_145 : memref<1x64xf32, #tpu.memory_space<hbm>>) target(%dma_start3A_143 : memref<1x64xf32, #tpu.memory_space<vmem>>) target_semaphore(%arg7 : memref<!tpu.dma_semaphore, #tpu.memory_space<semaphore_mem>>)
    %slice3A_146 = vector.extract_strided_slice %get3A_4 {offsets = [12], sizes = [1], strides = [1]} : vector<16xi32> to vector<1xi32>
    %squeeze3A_147 = vector.extract %slice3A_146[0] : i32 from vector<1xi32>
    %dma_start3A_148 = arith.constant 12 : i32
    %dma_start3A_149 = arith.constant 0 : i32
    %dma_start3A_150 = tpu.memref_slice %arg6[%dma_start3A_148, %dma_start3A_149] : memref<32x64xf32, #tpu.memory_space<vmem>> -> memref<1x64xf32, #tpu.memory_space<vmem>>
    %dma_start3A_151 = arith.constant 0 : i32
    %dma_start3A_152 = tpu.memref_slice %arg2[%squeeze3A_147, %dma_start3A_151] : memref<100000x64xf32, #tpu.memory_space<hbm>> -> memref<1x64xf32, #tpu.memory_space<hbm>>
    %dma_start3A_153 = arith.constant 12 : i32
    %dma_start3A_154 = arith.constant 0 : i32
    %dma_start3A_155 = tpu.memref_slice %arg6[%dma_start3A_153, %dma_start3A_154] : memref<32x64xf32, #tpu.memory_space<vmem>> -> memref<1x64xf32, #tpu.memory_space<vmem>>
    %dma_start3A_156 = arith.constant 0 : i32
    %dma_start3A_157 = tpu.memref_slice %arg2[%squeeze3A_147, %dma_start3A_156] : memref<100000x64xf32, #tpu.memory_space<hbm>> -> memref<1x64xf32, #tpu.memory_space<hbm>>
    tpu.enqueue_dma source(%dma_start3A_157 : memref<1x64xf32, #tpu.memory_space<hbm>>) target(%dma_start3A_155 : memref<1x64xf32, #tpu.memory_space<vmem>>) target_semaphore(%arg7 : memref<!tpu.dma_semaphore, #tpu.memory_space<semaphore_mem>>)
    %slice3A_158 = vector.extract_strided_slice %get3A_4 {offsets = [13], sizes = [1], strides = [1]} : vector<16xi32> to vector<1xi32>
    %squeeze3A_159 = vector.extract %slice3A_158[0] : i32 from vector<1xi32>
    %dma_start3A_160 = arith.constant 13 : i32
    %dma_start3A_161 = arith.constant 0 : i32
    %dma_start3A_162 = tpu.memref_slice %arg6[%dma_start3A_160, %dma_start3A_161] : memref<32x64xf32, #tpu.memory_space<vmem>> -> memref<1x64xf32, #tpu.memory_space<vmem>>
    %dma_start3A_163 = arith.constant 0 : i32
    %dma_start3A_164 = tpu.memref_slice %arg2[%squeeze3A_159, %dma_start3A_163] : memref<100000x64xf32, #tpu.memory_space<hbm>> -> memref<1x64xf32, #tpu.memory_space<hbm>>
    %dma_start3A_165 = arith.constant 13 : i32
    %dma_start3A_166 = arith.constant 0 : i32
    %dma_start3A_167 = tpu.memref_slice %arg6[%dma_start3A_165, %dma_start3A_166] : memref<32x64xf32, #tpu.memory_space<vmem>> -> memref<1x64xf32, #tpu.memory_space<vmem>>
    %dma_start3A_168 = arith.constant 0 : i32
    %dma_start3A_169 = tpu.memref_slice %arg2[%squeeze3A_159, %dma_start3A_168] : memref<100000x64xf32, #tpu.memory_space<hbm>> -> memref<1x64xf32, #tpu.memory_space<hbm>>
    tpu.enqueue_dma source(%dma_start3A_169 : memref<1x64xf32, #tpu.memory_space<hbm>>) target(%dma_start3A_167 : memref<1x64xf32, #tpu.memory_space<vmem>>) target_semaphore(%arg7 : memref<!tpu.dma_semaphore, #tpu.memory_space<semaphore_mem>>)
    %slice3A_170 = vector.extract_strided_slice %get3A_4 {offsets = [14], sizes = [1], strides = [1]} : vector<16xi32> to vector<1xi32>
    %squeeze3A_171 = vector.extract %slice3A_170[0] : i32 from vector<1xi32>
    %dma_start3A_172 = arith.constant 14 : i32
    %dma_start3A_173 = arith.constant 0 : i32
    %dma_start3A_174 = tpu.memref_slice %arg6[%dma_start3A_172, %dma_start3A_173] : memref<32x64xf32, #tpu.memory_space<vmem>> -> memref<1x64xf32, #tpu.memory_space<vmem>>
    %dma_start3A_175 = arith.constant 0 : i32
    %dma_start3A_176 = tpu.memref_slice %arg2[%squeeze3A_171, %dma_start3A_175] : memref<100000x64xf32, #tpu.memory_space<hbm>> -> memref<1x64xf32, #tpu.memory_space<hbm>>
    %dma_start3A_177 = arith.constant 14 : i32
    %dma_start3A_178 = arith.constant 0 : i32
    %dma_start3A_179 = tpu.memref_slice %arg6[%dma_start3A_177, %dma_start3A_178] : memref<32x64xf32, #tpu.memory_space<vmem>> -> memref<1x64xf32, #tpu.memory_space<vmem>>
    %dma_start3A_180 = arith.constant 0 : i32
    %dma_start3A_181 = tpu.memref_slice %arg2[%squeeze3A_171, %dma_start3A_180] : memref<100000x64xf32, #tpu.memory_space<hbm>> -> memref<1x64xf32, #tpu.memory_space<hbm>>
    tpu.enqueue_dma source(%dma_start3A_181 : memref<1x64xf32, #tpu.memory_space<hbm>>) target(%dma_start3A_179 : memref<1x64xf32, #tpu.memory_space<vmem>>) target_semaphore(%arg7 : memref<!tpu.dma_semaphore, #tpu.memory_space<semaphore_mem>>)
    %slice3A_182 = vector.extract_strided_slice %get3A_4 {offsets = [15], sizes = [1], strides = [1]} : vector<16xi32> to vector<1xi32>
    %squeeze3A_183 = vector.extract %slice3A_182[0] : i32 from vector<1xi32>
    %dma_start3A_184 = arith.constant 15 : i32
    %dma_start3A_185 = arith.constant 0 : i32
    %dma_start3A_186 = tpu.memref_slice %arg6[%dma_start3A_184, %dma_start3A_185] : memref<32x64xf32, #tpu.memory_space<vmem>> -> memref<1x64xf32, #tpu.memory_space<vmem>>
    %dma_start3A_187 = arith.constant 0 : i32
    %dma_start3A_188 = tpu.memref_slice %arg2[%squeeze3A_183, %dma_start3A_187] : memref<100000x64xf32, #tpu.memory_space<hbm>> -> memref<1x64xf32, #tpu.memory_space<hbm>>
    %dma_start3A_189 = arith.constant 15 : i32
    %dma_start3A_190 = arith.constant 0 : i32
    %dma_start3A_191 = tpu.memref_slice %arg6[%dma_start3A_189, %dma_start3A_190] : memref<32x64xf32, #tpu.memory_space<vmem>> -> memref<1x64xf32, #tpu.memory_space<vmem>>
    %dma_start3A_192 = arith.constant 0 : i32
    %dma_start3A_193 = tpu.memref_slice %arg2[%squeeze3A_183, %dma_start3A_192] : memref<100000x64xf32, #tpu.memory_space<hbm>> -> memref<1x64xf32, #tpu.memory_space<hbm>>
    tpu.enqueue_dma source(%dma_start3A_193 : memref<1x64xf32, #tpu.memory_space<hbm>>) target(%dma_start3A_191 : memref<1x64xf32, #tpu.memory_space<vmem>>) target_semaphore(%arg7 : memref<!tpu.dma_semaphore, #tpu.memory_space<semaphore_mem>>)
    %get3A_194 = arith.constant 16 : index
    %get3A_195 = tpu.vector_load %arg5[%get3A_194] {strides = array<i32>} : memref<32xi32, #tpu.memory_space<vmem>>, vector<16xi32>,
    %get3A_196 = vector.shape_cast %get3A_195 : vector<16xi32> to vector<16xi32>
    %slice3A_197 = vector.extract_strided_slice %get3A_196 {offsets = [0], sizes = [1], strides = [1]} : vector<16xi32> to vector<1xi32>
    %squeeze3A_198 = vector.extract %slice3A_197[0] : i32 from vector<1xi32>
    %dma_start3A_199 = arith.constant 16 : i32
    %dma_start3A_200 = arith.constant 0 : i32
    %dma_start3A_201 = tpu.memref_slice %arg6[%dma_start3A_199, %dma_start3A_200] : memref<32x64xf32, #tpu.memory_space<vmem>> -> memref<1x64xf32, #tpu.memory_space<vmem>>
    %dma_start3A_202 = arith.constant 0 : i32
    %dma_start3A_203 = tpu.memref_slice %arg2[%squeeze3A_198, %dma_start3A_202] : memref<100000x64xf32, #tpu.memory_space<hbm>> -> memref<1x64xf32, #tpu.memory_space<hbm>>
    %dma_start3A_204 = arith.constant 16 : i32
    %dma_start3A_205 = arith.constant 0 : i32
    %dma_start3A_206 = tpu.memref_slice %arg6[%dma_start3A_204, %dma_start3A_205] : memref<32x64xf32, #tpu.memory_space<vmem>> -> memref<1x64xf32, #tpu.memory_space<vmem>>
    %dma_start3A_207 = arith.constant 0 : i32
    %dma_start3A_208 = tpu.memref_slice %arg2[%squeeze3A_198, %dma_start3A_207] : memref<100000x64xf32, #tpu.memory_space<hbm>> -> memref<1x64xf32, #tpu.memory_space<hbm>>
    tpu.enqueue_dma source(%dma_start3A_208 : memref<1x64xf32, #tpu.memory_space<hbm>>) target(%dma_start3A_206 : memref<1x64xf32, #tpu.memory_space<vmem>>) target_semaphore(%arg7 : memref<!tpu.dma_semaphore, #tpu.memory_space<semaphore_mem>>)
    %slice3A_209 = vector.extract_strided_slice %get3A_196 {offsets = [1], sizes = [1], strides = [1]} : vector<16xi32> to vector<1xi32>
    %squeeze3A_210 = vector.extract %slice3A_209[0] : i32 from vector<1xi32>
    %dma_start3A_211 = arith.constant 17 : i32
    %dma_start3A_212 = arith.constant 0 : i32
    %dma_start3A_213 = tpu.memref_slice %arg6[%dma_start3A_211, %dma_start3A_212] : memref<32x64xf32, #tpu.memory_space<vmem>> -> memref<1x64xf32, #tpu.memory_space<vmem>>
    %dma_start3A_214 = arith.constant 0 : i32
    %dma_start3A_215 = tpu.memref_slice %arg2[%squeeze3A_210, %dma_start3A_214] : memref<100000x64xf32, #tpu.memory_space<hbm>> -> memref<1x64xf32, #tpu.memory_space<hbm>>
    %dma_start3A_216 = arith.constant 17 : i32
    %dma_start3A_217 = arith.constant 0 : i32
    %dma_start3A_218 = tpu.memref_slice %arg6[%dma_start3A_216, %dma_start3A_217] : memref<32x64xf32, #tpu.memory_space<vmem>> -> memref<1x64xf32, #tpu.memory_space<vmem>>
    %dma_start3A_219 = arith.constant 0 : i32
    %dma_start3A_220 = tpu.memref_slice %arg2[%squeeze3A_210, %dma_start3A_219] : memref<100000x64xf32, #tpu.memory_space<hbm>> -> memref<1x64xf32, #tpu.memory_space<hbm>>
    tpu.enqueue_dma source(%dma_start3A_220 : memref<1x64xf32, #tpu.memory_space<hbm>>) target(%dma_start3A_218 : memref<1x64xf32, #tpu.memory_space<vmem>>) target_semaphore(%arg7 : memref<!tpu.dma_semaphore, #tpu.memory_space<semaphore_mem>>)
    %slice3A_221 = vector.extract_strided_slice %get3A_196 {offsets = [2], sizes = [1], strides = [1]} : vector<16xi32> to vector<1xi32>
    %squeeze3A_222 = vector.extract %slice3A_221[0] : i32 from vector<1xi32>
    %dma_start3A_223 = arith.constant 18 : i32
    %dma_start3A_224 = arith.constant 0 : i32
    %dma_start3A_225 = tpu.memref_slice %arg6[%dma_start3A_223, %dma_start3A_224] : memref<32x64xf32, #tpu.memory_space<vmem>> -> memref<1x64xf32, #tpu.memory_space<vmem>>
    %dma_start3A_226 = arith.constant 0 : i32
    %dma_start3A_227 = tpu.memref_slice %arg2[%squeeze3A_222, %dma_start3A_226] : memref<100000x64xf32, #tpu.memory_space<hbm>> -> memref<1x64xf32, #tpu.memory_space<hbm>>
    %dma_start3A_228 = arith.constant 18 : i32
    %dma_start3A_229 = arith.constant 0 : i32
    %dma_start3A_230 = tpu.memref_slice %arg6[%dma_start3A_228, %dma_start3A_229] : memref<32x64xf32, #tpu.memory_space<vmem>> -> memref<1x64xf32, #tpu.memory_space<vmem>>
    %dma_start3A_231 = arith.constant 0 : i32
    %dma_start3A_232 = tpu.memref_slice %arg2[%squeeze3A_222, %dma_start3A_231] : memref<100000x64xf32, #tpu.memory_space<hbm>> -> memref<1x64xf32, #tpu.memory_space<hbm>>
    tpu.enqueue_dma source(%dma_start3A_232 : memref<1x64xf32, #tpu.memory_space<hbm>>) target(%dma_start3A_230 : memref<1x64xf32, #tpu.memory_space<vmem>>) target_semaphore(%arg7 : memref<!tpu.dma_semaphore, #tpu.memory_space<semaphore_mem>>)
    %slice3A_233 = vector.extract_strided_slice %get3A_196 {offsets = [3], sizes = [1], strides = [1]} : vector<16xi32> to vector<1xi32>
    %squeeze3A_234 = vector.extract %slice3A_233[0] : i32 from vector<1xi32>
    %dma_start3A_235 = arith.constant 19 : i32
    %dma_start3A_236 = arith.constant 0 : i32
    %dma_start3A_237 = tpu.memref_slice %arg6[%dma_start3A_235, %dma_start3A_236] : memref<32x64xf32, #tpu.memory_space<vmem>> -> memref<1x64xf32, #tpu.memory_space<vmem>>
    %dma_start3A_238 = arith.constant 0 : i32
    %dma_start3A_239 = tpu.memref_slice %arg2[%squeeze3A_234, %dma_start3A_238] : memref<100000x64xf32, #tpu.memory_space<hbm>> -> memref<1x64xf32, #tpu.memory_space<hbm>>
    %dma_start3A_240 = arith.constant 19 : i32
    %dma_start3A_241 = arith.constant 0 : i32
    %dma_start3A_242 = tpu.memref_slice %arg6[%dma_start3A_240, %dma_start3A_241] : memref<32x64xf32, #tpu.memory_space<vmem>> -> memref<1x64xf32, #tpu.memory_space<vmem>>
    %dma_start3A_243 = arith.constant 0 : i32
    %dma_start3A_244 = tpu.memref_slice %arg2[%squeeze3A_234, %dma_start3A_243] : memref<100000x64xf32, #tpu.memory_space<hbm>> -> memref<1x64xf32, #tpu.memory_space<hbm>>
    tpu.enqueue_dma source(%dma_start3A_244 : memref<1x64xf32, #tpu.memory_space<hbm>>) target(%dma_start3A_242 : memref<1x64xf32, #tpu.memory_space<vmem>>) target_semaphore(%arg7 : memref<!tpu.dma_semaphore, #tpu.memory_space<semaphore_mem>>)
    %slice3A_245 = vector.extract_strided_slice %get3A_196 {offsets = [4], sizes = [1], strides = [1]} : vector<16xi32> to vector<1xi32>
    %squeeze3A_246 = vector.extract %slice3A_245[0] : i32 from vector<1xi32>
    %dma_start3A_247 = arith.constant 20 : i32
    %dma_start3A_248 = arith.constant 0 : i32
    %dma_start3A_249 = tpu.memref_slice %arg6[%dma_start3A_247, %dma_start3A_248] : memref<32x64xf32, #tpu.memory_space<vmem>> -> memref<1x64xf32, #tpu.memory_space<vmem>>
    %dma_start3A_250 = arith.constant 0 : i32
    %dma_start3A_251 = tpu.memref_slice %arg2[%squeeze3A_246, %dma_start3A_250] : memref<100000x64xf32, #tpu.memory_space<hbm>> -> memref<1x64xf32, #tpu.memory_space<hbm>>
    %dma_start3A_252 = arith.constant 20 : i32
    %dma_start3A_253 = arith.constant 0 : i32
    %dma_start3A_254 = tpu.memref_slice %arg6[%dma_start3A_252, %dma_start3A_253] : memref<32x64xf32, #tpu.memory_space<vmem>> -> memref<1x64xf32, #tpu.memory_space<vmem>>
    %dma_start3A_255 = arith.constant 0 : i32
    %dma_start3A_256 = tpu.memref_slice %arg2[%squeeze3A_246, %dma_start3A_255] : memref<100000x64xf32, #tpu.memory_space<hbm>> -> memref<1x64xf32, #tpu.memory_space<hbm>>
    tpu.enqueue_dma source(%dma_start3A_256 : memref<1x64xf32, #tpu.memory_space<hbm>>) target(%dma_start3A_254 : memref<1x64xf32, #tpu.memory_space<vmem>>) target_semaphore(%arg7 : memref<!tpu.dma_semaphore, #tpu.memory_space<semaphore_mem>>)
    %slice3A_257 = vector.extract_strided_slice %get3A_196 {offsets = [5], sizes = [1], strides = [1]} : vector<16xi32> to vector<1xi32>
    %squeeze3A_258 = vector.extract %slice3A_257[0] : i32 from vector<1xi32>
    %dma_start3A_259 = arith.constant 21 : i32
    %dma_start3A_260 = arith.constant 0 : i32
    %dma_start3A_261 = tpu.memref_slice %arg6[%dma_start3A_259, %dma_start3A_260] : memref<32x64xf32, #tpu.memory_space<vmem>> -> memref<1x64xf32, #tpu.memory_space<vmem>>
    %dma_start3A_262 = arith.constant 0 : i32
    %dma_start3A_263 = tpu.memref_slice %arg2[%squeeze3A_258, %dma_start3A_262] : memref<100000x64xf32, #tpu.memory_space<hbm>> -> memref<1x64xf32, #tpu.memory_space<hbm>>
    %dma_start3A_264 = arith.constant 21 : i32
    %dma_start3A_265 = arith.constant 0 : i32
    %dma_start3A_266 = tpu.memref_slice %arg6[%dma_start3A_264, %dma_start3A_265] : memref<32x64xf32, #tpu.memory_space<vmem>> -> memref<1x64xf32, #tpu.memory_space<vmem>>
    %dma_start3A_267 = arith.constant 0 : i32
    %dma_start3A_268 = tpu.memref_slice %arg2[%squeeze3A_258, %dma_start3A_267] : memref<100000x64xf32, #tpu.memory_space<hbm>> -> memref<1x64xf32, #tpu.memory_space<hbm>>
    tpu.enqueue_dma source(%dma_start3A_268 : memref<1x64xf32, #tpu.memory_space<hbm>>) target(%dma_start3A_266 : memref<1x64xf32, #tpu.memory_space<vmem>>) target_semaphore(%arg7 : memref<!tpu.dma_semaphore, #tpu.memory_space<semaphore_mem>>)
    %slice3A_269 = vector.extract_strided_slice %get3A_196 {offsets = [6], sizes = [1], strides = [1]} : vector<16xi32> to vector<1xi32>
    %squeeze3A_270 = vector.extract %slice3A_269[0] : i32 from vector<1xi32>
    %dma_start3A_271 = arith.constant 22 : i32
    %dma_start3A_272 = arith.constant 0 : i32
    %dma_start3A_273 = tpu.memref_slice %arg6[%dma_start3A_271, %dma_start3A_272] : memref<32x64xf32, #tpu.memory_space<vmem>> -> memref<1x64xf32, #tpu.memory_space<vmem>>
    %dma_start3A_274 = arith.constant 0 : i32
    %dma_start3A_275 = tpu.memref_slice %arg2[%squeeze3A_270, %dma_start3A_274] : memref<100000x64xf32, #tpu.memory_space<hbm>> -> memref<1x64xf32, #tpu.memory_space<hbm>>
    %dma_start3A_276 = arith.constant 22 : i32
    %dma_start3A_277 = arith.constant 0 : i32
    %dma_start3A_278 = tpu.memref_slice %arg6[%dma_start3A_276, %dma_start3A_277] : memref<32x64xf32, #tpu.memory_space<vmem>> -> memref<1x64xf32, #tpu.memory_space<vmem>>
    %dma_start3A_279 = arith.constant 0 : i32
    %dma_start3A_280 = tpu.memref_slice %arg2[%squeeze3A_270, %dma_start3A_279] : memref<100000x64xf32, #tpu.memory_space<hbm>> -> memref<1x64xf32, #tpu.memory_space<hbm>>
    tpu.enqueue_dma source(%dma_start3A_280 : memref<1x64xf32, #tpu.memory_space<hbm>>) target(%dma_start3A_278 : memref<1x64xf32, #tpu.memory_space<vmem>>) target_semaphore(%arg7 : memref<!tpu.dma_semaphore, #tpu.memory_space<semaphore_mem>>)
    %slice3A_281 = vector.extract_strided_slice %get3A_196 {offsets = [7], sizes = [1], strides = [1]} : vector<16xi32> to vector<1xi32>
    %squeeze3A_282 = vector.extract %slice3A_281[0] : i32 from vector<1xi32>
    %dma_start3A_283 = arith.constant 23 : i32
    %dma_start3A_284 = arith.constant 0 : i32
    %dma_start3A_285 = tpu.memref_slice %arg6[%dma_start3A_283, %dma_start3A_284] : memref<32x64xf32, #tpu.memory_space<vmem>> -> memref<1x64xf32, #tpu.memory_space<vmem>>
    %dma_start3A_286 = arith.constant 0 : i32
    %dma_start3A_287 = tpu.memref_slice %arg2[%squeeze3A_282, %dma_start3A_286] : memref<100000x64xf32, #tpu.memory_space<hbm>> -> memref<1x64xf32, #tpu.memory_space<hbm>>
    %dma_start3A_288 = arith.constant 23 : i32
    %dma_start3A_289 = arith.constant 0 : i32
    %dma_start3A_290 = tpu.memref_slice %arg6[%dma_start3A_288, %dma_start3A_289] : memref<32x64xf32, #tpu.memory_space<vmem>> -> memref<1x64xf32, #tpu.memory_space<vmem>>
    %dma_start3A_291 = arith.constant 0 : i32
    %dma_start3A_292 = tpu.memref_slice %arg2[%squeeze3A_282, %dma_start3A_291] : memref<100000x64xf32, #tpu.memory_space<hbm>> -> memref<1x64xf32, #tpu.memory_space<hbm>>
    tpu.enqueue_dma source(%dma_start3A_292 : memref<1x64xf32, #tpu.memory_space<hbm>>) target(%dma_start3A_290 : memref<1x64xf32, #tpu.memory_space<vmem>>) target_semaphore(%arg7 : memref<!tpu.dma_semaphore, #tpu.memory_space<semaphore_mem>>)
    %slice3A_293 = vector.extract_strided_slice %get3A_196 {offsets = [8], sizes = [1], strides = [1]} : vector<16xi32> to vector<1xi32>
    %squeeze3A_294 = vector.extract %slice3A_293[0] : i32 from vector<1xi32>
    %dma_start3A_295 = arith.constant 24 : i32
    %dma_start3A_296 = arith.constant 0 : i32
    %dma_start3A_297 = tpu.memref_slice %arg6[%dma_start3A_295, %dma_start3A_296] : memref<32x64xf32, #tpu.memory_space<vmem>> -> memref<1x64xf32, #tpu.memory_space<vmem>>
    %dma_start3A_298 = arith.constant 0 : i32
    %dma_start3A_299 = tpu.memref_slice %arg2[%squeeze3A_294, %dma_start3A_298] : memref<100000x64xf32, #tpu.memory_space<hbm>> -> memref<1x64xf32, #tpu.memory_space<hbm>>
    %dma_start3A_300 = arith.constant 24 : i32
    %dma_start3A_301 = arith.constant 0 : i32
    %dma_start3A_302 = tpu.memref_slice %arg6[%dma_start3A_300, %dma_start3A_301] : memref<32x64xf32, #tpu.memory_space<vmem>> -> memref<1x64xf32, #tpu.memory_space<vmem>>
    %dma_start3A_303 = arith.constant 0 : i32
    %dma_start3A_304 = tpu.memref_slice %arg2[%squeeze3A_294, %dma_start3A_303] : memref<100000x64xf32, #tpu.memory_space<hbm>> -> memref<1x64xf32, #tpu.memory_space<hbm>>
    tpu.enqueue_dma source(%dma_start3A_304 : memref<1x64xf32, #tpu.memory_space<hbm>>) target(%dma_start3A_302 : memref<1x64xf32, #tpu.memory_space<vmem>>) target_semaphore(%arg7 : memref<!tpu.dma_semaphore, #tpu.memory_space<semaphore_mem>>)
    %slice3A_305 = vector.extract_strided_slice %get3A_196 {offsets = [9], sizes = [1], strides = [1]} : vector<16xi32> to vector<1xi32>
    %squeeze3A_306 = vector.extract %slice3A_305[0] : i32 from vector<1xi32>
    %dma_start3A_307 = arith.constant 25 : i32
    %dma_start3A_308 = arith.constant 0 : i32
    %dma_start3A_309 = tpu.memref_slice %arg6[%dma_start3A_307, %dma_start3A_308] : memref<32x64xf32, #tpu.memory_space<vmem>> -> memref<1x64xf32, #tpu.memory_space<vmem>>
    %dma_start3A_310 = arith.constant 0 : i32
    %dma_start3A_311 = tpu.memref_slice %arg2[%squeeze3A_306, %dma_start3A_310] : memref<100000x64xf32, #tpu.memory_space<hbm>> -> memref<1x64xf32, #tpu.memory_space<hbm>>
    %dma_start3A_312 = arith.constant 25 : i32
    %dma_start3A_313 = arith.constant 0 : i32
    %dma_start3A_314 = tpu.memref_slice %arg6[%dma_start3A_312, %dma_start3A_313] : memref<32x64xf32, #tpu.memory_space<vmem>> -> memref<1x64xf32, #tpu.memory_space<vmem>>
    %dma_start3A_315 = arith.constant 0 : i32
    %dma_start3A_316 = tpu.memref_slice %arg2[%squeeze3A_306, %dma_start3A_315] : memref<100000x64xf32, #tpu.memory_space<hbm>> -> memref<1x64xf32, #tpu.memory_space<hbm>>
    tpu.enqueue_dma source(%dma_start3A_316 : memref<1x64xf32, #tpu.memory_space<hbm>>) target(%dma_start3A_314 : memref<1x64xf32, #tpu.memory_space<vmem>>) target_semaphore(%arg7 : memref<!tpu.dma_semaphore, #tpu.memory_space<semaphore_mem>>)
    %slice3A_317 = vector.extract_strided_slice %get3A_196 {offsets = [10], sizes = [1], strides = [1]} : vector<16xi32> to vector<1xi32>
    %squeeze3A_318 = vector.extract %slice3A_317[0] : i32 from vector<1xi32>
    %dma_start3A_319 = arith.constant 26 : i32
    %dma_start3A_320 = arith.constant 0 : i32
    %dma_start3A_321 = tpu.memref_slice %arg6[%dma_start3A_319, %dma_start3A_320] : memref<32x64xf32, #tpu.memory_space<vmem>> -> memref<1x64xf32, #tpu.memory_space<vmem>>
    %dma_start3A_322 = arith.constant 0 : i32
    %dma_start3A_323 = tpu.memref_slice %arg2[%squeeze3A_318, %dma_start3A_322] : memref<100000x64xf32, #tpu.memory_space<hbm>> -> memref<1x64xf32, #tpu.memory_space<hbm>>
    %dma_start3A_324 = arith.constant 26 : i32
    %dma_start3A_325 = arith.constant 0 : i32
    %dma_start3A_326 = tpu.memref_slice %arg6[%dma_start3A_324, %dma_start3A_325] : memref<32x64xf32, #tpu.memory_space<vmem>> -> memref<1x64xf32, #tpu.memory_space<vmem>>
    %dma_start3A_327 = arith.constant 0 : i32
    %dma_start3A_328 = tpu.memref_slice %arg2[%squeeze3A_318, %dma_start3A_327] : memref<100000x64xf32, #tpu.memory_space<hbm>> -> memref<1x64xf32, #tpu.memory_space<hbm>>
    tpu.enqueue_dma source(%dma_start3A_328 : memref<1x64xf32, #tpu.memory_space<hbm>>) target(%dma_start3A_326 : memref<1x64xf32, #tpu.memory_space<vmem>>) target_semaphore(%arg7 : memref<!tpu.dma_semaphore, #tpu.memory_space<semaphore_mem>>)
    %slice3A_329 = vector.extract_strided_slice %get3A_196 {offsets = [11], sizes = [1], strides = [1]} : vector<16xi32> to vector<1xi32>
    %squeeze3A_330 = vector.extract %slice3A_329[0] : i32 from vector<1xi32>
    %dma_start3A_331 = arith.constant 27 : i32
    %dma_start3A_332 = arith.constant 0 : i32
    %dma_start3A_333 = tpu.memref_slice %arg6[%dma_start3A_331, %dma_start3A_332] : memref<32x64xf32, #tpu.memory_space<vmem>> -> memref<1x64xf32, #tpu.memory_space<vmem>>
    %dma_start3A_334 = arith.constant 0 : i32
    %dma_start3A_335 = tpu.memref_slice %arg2[%squeeze3A_330, %dma_start3A_334] : memref<100000x64xf32, #tpu.memory_space<hbm>> -> memref<1x64xf32, #tpu.memory_space<hbm>>
    %dma_start3A_336 = arith.constant 27 : i32
    %dma_start3A_337 = arith.constant 0 : i32
    %dma_start3A_338 = tpu.memref_slice %arg6[%dma_start3A_336, %dma_start3A_337] : memref<32x64xf32, #tpu.memory_space<vmem>> -> memref<1x64xf32, #tpu.memory_space<vmem>>
    %dma_start3A_339 = arith.constant 0 : i32
    %dma_start3A_340 = tpu.memref_slice %arg2[%squeeze3A_330, %dma_start3A_339] : memref<100000x64xf32, #tpu.memory_space<hbm>> -> memref<1x64xf32, #tpu.memory_space<hbm>>
    tpu.enqueue_dma source(%dma_start3A_340 : memref<1x64xf32, #tpu.memory_space<hbm>>) target(%dma_start3A_338 : memref<1x64xf32, #tpu.memory_space<vmem>>) target_semaphore(%arg7 : memref<!tpu.dma_semaphore, #tpu.memory_space<semaphore_mem>>)
    %slice3A_341 = vector.extract_strided_slice %get3A_196 {offsets = [12], sizes = [1], strides = [1]} : vector<16xi32> to vector<1xi32>
    %squeeze3A_342 = vector.extract %slice3A_341[0] : i32 from vector<1xi32>
    %dma_start3A_343 = arith.constant 28 : i32
    %dma_start3A_344 = arith.constant 0 : i32
    %dma_start3A_345 = tpu.memref_slice %arg6[%dma_start3A_343, %dma_start3A_344] : memref<32x64xf32, #tpu.memory_space<vmem>> -> memref<1x64xf32, #tpu.memory_space<vmem>>
    %dma_start3A_346 = arith.constant 0 : i32
    %dma_start3A_347 = tpu.memref_slice %arg2[%squeeze3A_342, %dma_start3A_346] : memref<100000x64xf32, #tpu.memory_space<hbm>> -> memref<1x64xf32, #tpu.memory_space<hbm>>
    %dma_start3A_348 = arith.constant 28 : i32
    %dma_start3A_349 = arith.constant 0 : i32
    %dma_start3A_350 = tpu.memref_slice %arg6[%dma_start3A_348, %dma_start3A_349] : memref<32x64xf32, #tpu.memory_space<vmem>> -> memref<1x64xf32, #tpu.memory_space<vmem>>
    %dma_start3A_351 = arith.constant 0 : i32
    %dma_start3A_352 = tpu.memref_slice %arg2[%squeeze3A_342, %dma_start3A_351] : memref<100000x64xf32, #tpu.memory_space<hbm>> -> memref<1x64xf32, #tpu.memory_space<hbm>>
    tpu.enqueue_dma source(%dma_start3A_352 : memref<1x64xf32, #tpu.memory_space<hbm>>) target(%dma_start3A_350 : memref<1x64xf32, #tpu.memory_space<vmem>>) target_semaphore(%arg7 : memref<!tpu.dma_semaphore, #tpu.memory_space<semaphore_mem>>)
    %slice3A_353 = vector.extract_strided_slice %get3A_196 {offsets = [13], sizes = [1], strides = [1]} : vector<16xi32> to vector<1xi32>
    %squeeze3A_354 = vector.extract %slice3A_353[0] : i32 from vector<1xi32>
    %dma_start3A_355 = arith.constant 29 : i32
    %dma_start3A_356 = arith.constant 0 : i32
    %dma_start3A_357 = tpu.memref_slice %arg6[%dma_start3A_355, %dma_start3A_356] : memref<32x64xf32, #tpu.memory_space<vmem>> -> memref<1x64xf32, #tpu.memory_space<vmem>>
    %dma_start3A_358 = arith.constant 0 : i32
    %dma_start3A_359 = tpu.memref_slice %arg2[%squeeze3A_354, %dma_start3A_358] : memref<100000x64xf32, #tpu.memory_space<hbm>> -> memref<1x64xf32, #tpu.memory_space<hbm>>
    %dma_start3A_360 = arith.constant 29 : i32
    %dma_start3A_361 = arith.constant 0 : i32
    %dma_start3A_362 = tpu.memref_slice %arg6[%dma_start3A_360, %dma_start3A_361] : memref<32x64xf32, #tpu.memory_space<vmem>> -> memref<1x64xf32, #tpu.memory_space<vmem>>
    %dma_start3A_363 = arith.constant 0 : i32
    %dma_start3A_364 = tpu.memref_slice %arg2[%squeeze3A_354, %dma_start3A_363] : memref<100000x64xf32, #tpu.memory_space<hbm>> -> memref<1x64xf32, #tpu.memory_space<hbm>>
    tpu.enqueue_dma source(%dma_start3A_364 : memref<1x64xf32, #tpu.memory_space<hbm>>) target(%dma_start3A_362 : memref<1x64xf32, #tpu.memory_space<vmem>>) target_semaphore(%arg7 : memref<!tpu.dma_semaphore, #tpu.memory_space<semaphore_mem>>)
    %slice3A_365 = vector.extract_strided_slice %get3A_196 {offsets = [14], sizes = [1], strides = [1]} : vector<16xi32> to vector<1xi32>
    %squeeze3A_366 = vector.extract %slice3A_365[0] : i32 from vector<1xi32>
    %dma_start3A_367 = arith.constant 30 : i32
    %dma_start3A_368 = arith.constant 0 : i32
    %dma_start3A_369 = tpu.memref_slice %arg6[%dma_start3A_367, %dma_start3A_368] : memref<32x64xf32, #tpu.memory_space<vmem>> -> memref<1x64xf32, #tpu.memory_space<vmem>>
    %dma_start3A_370 = arith.constant 0 : i32
    %dma_start3A_371 = tpu.memref_slice %arg2[%squeeze3A_366, %dma_start3A_370] : memref<100000x64xf32, #tpu.memory_space<hbm>> -> memref<1x64xf32, #tpu.memory_space<hbm>>
    %dma_start3A_372 = arith.constant 30 : i32
    %dma_start3A_373 = arith.constant 0 : i32
    %dma_start3A_374 = tpu.memref_slice %arg6[%dma_start3A_372, %dma_start3A_373] : memref<32x64xf32, #tpu.memory_space<vmem>> -> memref<1x64xf32, #tpu.memory_space<vmem>>
    %dma_start3A_375 = arith.constant 0 : i32
    %dma_start3A_376 = tpu.memref_slice %arg2[%squeeze3A_366, %dma_start3A_375] : memref<100000x64xf32, #tpu.memory_space<hbm>> -> memref<1x64xf32, #tpu.memory_space<hbm>>
    tpu.enqueue_dma source(%dma_start3A_376 : memref<1x64xf32, #tpu.memory_space<hbm>>) target(%dma_start3A_374 : memref<1x64xf32, #tpu.memory_space<vmem>>) target_semaphore(%arg7 : memref<!tpu.dma_semaphore, #tpu.memory_space<semaphore_mem>>)
    %slice3A_377 = vector.extract_strided_slice %get3A_196 {offsets = [15], sizes = [1], strides = [1]} : vector<16xi32> to vector<1xi32>
    %squeeze3A_378 = vector.extract %slice3A_377[0] : i32 from vector<1xi32>
    %dma_start3A_379 = arith.constant 31 : i32
    %dma_start3A_380 = arith.constant 0 : i32
    %dma_start3A_381 = tpu.memref_slice %arg6[%dma_start3A_379, %dma_start3A_380] : memref<32x64xf32, #tpu.memory_space<vmem>> -> memref<1x64xf32, #tpu.memory_space<vmem>>
    %dma_start3A_382 = arith.constant 0 : i32
    %dma_start3A_383 = tpu.memref_slice %arg2[%squeeze3A_378, %dma_start3A_382] : memref<100000x64xf32, #tpu.memory_space<hbm>> -> memref<1x64xf32, #tpu.memory_space<hbm>>
    %dma_start3A_384 = arith.constant 31 : i32
    %dma_start3A_385 = arith.constant 0 : i32
    %dma_start3A_386 = tpu.memref_slice %arg6[%dma_start3A_384, %dma_start3A_385] : memref<32x64xf32, #tpu.memory_space<vmem>> -> memref<1x64xf32, #tpu.memory_space<vmem>>
    %dma_start3A_387 = arith.constant 0 : i32
    %dma_start3A_388 = tpu.memref_slice %arg2[%squeeze3A_378, %dma_start3A_387] : memref<100000x64xf32, #tpu.memory_space<hbm>> -> memref<1x64xf32, #tpu.memory_space<hbm>>
    tpu.enqueue_dma source(%dma_start3A_388 : memref<1x64xf32, #tpu.memory_space<hbm>>) target(%dma_start3A_386 : memref<1x64xf32, #tpu.memory_space<vmem>>) target_semaphore(%arg7 : memref<!tpu.dma_semaphore, #tpu.memory_space<semaphore_mem>>)
    %dma_wait3A = arith.constant 0 : i32
    %dma_wait3A_389 = arith.constant 0 : i32
    %dma_wait3A_390 = tpu.memref_slice %arg6[%dma_wait3A, %dma_wait3A_389] : memref<32x64xf32, #tpu.memory_space<vmem>> -> memref<1x64xf32, #tpu.memory_space<vmem>>
    %dma_wait3A_391 = arith.constant 0 : i32
    %dma_wait3A_392 = tpu.memref_slice %arg2[%squeeze3A, %dma_wait3A_391] : memref<100000x64xf32, #tpu.memory_space<hbm>> -> memref<1x64xf32, #tpu.memory_space<hbm>>
    %dma_wait3A_393 = arith.constant 0 : i32
    %dma_wait3A_394 = arith.constant 0 : i32
    %dma_wait3A_395 = tpu.memref_slice %arg6[%dma_wait3A_393, %dma_wait3A_394] : memref<32x64xf32, #tpu.memory_space<vmem>> -> memref<1x64xf32, #tpu.memory_space<vmem>>
    %dma_wait3A_396 = arith.constant 0 : i32
    %dma_wait3A_397 = tpu.memref_slice %arg2[%squeeze3A, %dma_wait3A_396] : memref<100000x64xf32, #tpu.memory_space<hbm>> -> memref<1x64xf32, #tpu.memory_space<hbm>>
    tpu.wait_dma2 semaphore(%arg7 : memref<!tpu.dma_semaphore, #tpu.memory_space<semaphore_mem>>) src(%dma_wait3A_397 : memref<1x64xf32, #tpu.memory_space<hbm>>) dst(%dma_wait3A_395 : memref<1x64xf32, #tpu.memory_space<vmem>>)
    %dma_wait3A_398 = arith.constant 1 : i32
    %dma_wait3A_399 = arith.constant 0 : i32
    %dma_wait3A_400 = tpu.memref_slice %arg6[%dma_wait3A_398, %dma_wait3A_399] : memref<32x64xf32, #tpu.memory_space<vmem>> -> memref<1x64xf32, #tpu.memory_space<vmem>>
    %dma_wait3A_401 = arith.constant 0 : i32
    %dma_wait3A_402 = tpu.memref_slice %arg2[%squeeze3A_15, %dma_wait3A_401] : memref<100000x64xf32, #tpu.memory_space<hbm>> -> memref<1x64xf32, #tpu.memory_space<hbm>>
    %dma_wait3A_403 = arith.constant 1 : i32
    %dma_wait3A_404 = arith.constant 0 : i32
    %dma_wait3A_405 = tpu.memref_slice %arg6[%dma_wait3A_403, %dma_wait3A_404] : memref<32x64xf32, #tpu.memory_space<vmem>> -> memref<1x64xf32, #tpu.memory_space<vmem>>
    %dma_wait3A_406 = arith.constant 0 : i32
    %dma_wait3A_407 = tpu.memref_slice %arg2[%squeeze3A_15, %dma_wait3A_406] : memref<100000x64xf32, #tpu.memory_space<hbm>> -> memref<1x64xf32, #tpu.memory_space<hbm>>
    tpu.wait_dma2 semaphore(%arg7 : memref<!tpu.dma_semaphore, #tpu.memory_space<semaphore_mem>>) src(%dma_wait3A_407 : memref<1x64xf32, #tpu.memory_space<hbm>>) dst(%dma_wait3A_405 : memref<1x64xf32, #tpu.memory_space<vmem>>)
    %dma_wait3A_408 = arith.constant 2 : i32
    %dma_wait3A_409 = arith.constant 0 : i32
    %dma_wait3A_410 = tpu.memref_slice %arg6[%dma_wait3A_408, %dma_wait3A_409] : memref<32x64xf32, #tpu.memory_space<vmem>> -> memref<1x64xf32, #tpu.memory_space<vmem>>
    %dma_wait3A_411 = arith.constant 0 : i32
    %dma_wait3A_412 = tpu.memref_slice %arg2[%squeeze3A_27, %dma_wait3A_411] : memref<100000x64xf32, #tpu.memory_space<hbm>> -> memref<1x64xf32, #tpu.memory_space<hbm>>
    %dma_wait3A_413 = arith.constant 2 : i32
    %dma_wait3A_414 = arith.constant 0 : i32
    %dma_wait3A_415 = tpu.memref_slice %arg6[%dma_wait3A_413, %dma_wait3A_414] : memref<32x64xf32, #tpu.memory_space<vmem>> -> memref<1x64xf32, #tpu.memory_space<vmem>>
    %dma_wait3A_416 = arith.constant 0 : i32
    %dma_wait3A_417 = tpu.memref_slice %arg2[%squeeze3A_27, %dma_wait3A_416] : memref<100000x64xf32, #tpu.memory_space<hbm>> -> memref<1x64xf32, #tpu.memory_space<hbm>>
    tpu.wait_dma2 semaphore(%arg7 : memref<!tpu.dma_semaphore, #tpu.memory_space<semaphore_mem>>) src(%dma_wait3A_417 : memref<1x64xf32, #tpu.memory_space<hbm>>) dst(%dma_wait3A_415 : memref<1x64xf32, #tpu.memory_space<vmem>>)
    %dma_wait3A_418 = arith.constant 3 : i32
    %dma_wait3A_419 = arith.constant 0 : i32
    %dma_wait3A_420 = tpu.memref_slice %arg6[%dma_wait3A_418, %dma_wait3A_419] : memref<32x64xf32, #tpu.memory_space<vmem>> -> memref<1x64xf32, #tpu.memory_space<vmem>>
    %dma_wait3A_421 = arith.constant 0 : i32
    %dma_wait3A_422 = tpu.memref_slice %arg2[%squeeze3A_39, %dma_wait3A_421] : memref<100000x64xf32, #tpu.memory_space<hbm>> -> memref<1x64xf32, #tpu.memory_space<hbm>>
    %dma_wait3A_423 = arith.constant 3 : i32
    %dma_wait3A_424 = arith.constant 0 : i32
    %dma_wait3A_425 = tpu.memref_slice %arg6[%dma_wait3A_423, %dma_wait3A_424] : memref<32x64xf32, #tpu.memory_space<vmem>> -> memref<1x64xf32, #tpu.memory_space<vmem>>
    %dma_wait3A_426 = arith.constant 0 : i32
    %dma_wait3A_427 = tpu.memref_slice %arg2[%squeeze3A_39, %dma_wait3A_426] : memref<100000x64xf32, #tpu.memory_space<hbm>> -> memref<1x64xf32, #tpu.memory_space<hbm>>
    tpu.wait_dma2 semaphore(%arg7 : memref<!tpu.dma_semaphore, #tpu.memory_space<semaphore_mem>>) src(%dma_wait3A_427 : memref<1x64xf32, #tpu.memory_space<hbm>>) dst(%dma_wait3A_425 : memref<1x64xf32, #tpu.memory_space<vmem>>)
    %dma_wait3A_428 = arith.constant 4 : i32
    %dma_wait3A_429 = arith.constant 0 : i32
    %dma_wait3A_430 = tpu.memref_slice %arg6[%dma_wait3A_428, %dma_wait3A_429] : memref<32x64xf32, #tpu.memory_space<vmem>> -> memref<1x64xf32, #tpu.memory_space<vmem>>
    %dma_wait3A_431 = arith.constant 0 : i32
    %dma_wait3A_432 = tpu.memref_slice %arg2[%squeeze3A_51, %dma_wait3A_431] : memref<100000x64xf32, #tpu.memory_space<hbm>> -> memref<1x64xf32, #tpu.memory_space<hbm>>
    %dma_wait3A_433 = arith.constant 4 : i32
    %dma_wait3A_434 = arith.constant 0 : i32
    %dma_wait3A_435 = tpu.memref_slice %arg6[%dma_wait3A_433, %dma_wait3A_434] : memref<32x64xf32, #tpu.memory_space<vmem>> -> memref<1x64xf32, #tpu.memory_space<vmem>>
    %dma_wait3A_436 = arith.constant 0 : i32
    %dma_wait3A_437 = tpu.memref_slice %arg2[%squeeze3A_51, %dma_wait3A_436] : memref<100000x64xf32, #tpu.memory_space<hbm>> -> memref<1x64xf32, #tpu.memory_space<hbm>>
    tpu.wait_dma2 semaphore(%arg7 : memref<!tpu.dma_semaphore, #tpu.memory_space<semaphore_mem>>) src(%dma_wait3A_437 : memref<1x64xf32, #tpu.memory_space<hbm>>) dst(%dma_wait3A_435 : memref<1x64xf32, #tpu.memory_space<vmem>>)
    %dma_wait3A_438 = arith.constant 5 : i32
    %dma_wait3A_439 = arith.constant 0 : i32
    %dma_wait3A_440 = tpu.memref_slice %arg6[%dma_wait3A_438, %dma_wait3A_439] : memref<32x64xf32, #tpu.memory_space<vmem>> -> memref<1x64xf32, #tpu.memory_space<vmem>>
    %dma_wait3A_441 = arith.constant 0 : i32
    %dma_wait3A_442 = tpu.memref_slice %arg2[%squeeze3A_63, %dma_wait3A_441] : memref<100000x64xf32, #tpu.memory_space<hbm>> -> memref<1x64xf32, #tpu.memory_space<hbm>>
    %dma_wait3A_443 = arith.constant 5 : i32
    %dma_wait3A_444 = arith.constant 0 : i32
    %dma_wait3A_445 = tpu.memref_slice %arg6[%dma_wait3A_443, %dma_wait3A_444] : memref<32x64xf32, #tpu.memory_space<vmem>> -> memref<1x64xf32, #tpu.memory_space<vmem>>
    %dma_wait3A_446 = arith.constant 0 : i32
    %dma_wait3A_447 = tpu.memref_slice %arg2[%squeeze3A_63, %dma_wait3A_446] : memref<100000x64xf32, #tpu.memory_space<hbm>> -> memref<1x64xf32, #tpu.memory_space<hbm>>
    tpu.wait_dma2 semaphore(%arg7 : memref<!tpu.dma_semaphore, #tpu.memory_space<semaphore_mem>>) src(%dma_wait3A_447 : memref<1x64xf32, #tpu.memory_space<hbm>>) dst(%dma_wait3A_445 : memref<1x64xf32, #tpu.memory_space<vmem>>)
    %dma_wait3A_448 = arith.constant 6 : i32
    %dma_wait3A_449 = arith.constant 0 : i32
    %dma_wait3A_450 = tpu.memref_slice %arg6[%dma_wait3A_448, %dma_wait3A_449] : memref<32x64xf32, #tpu.memory_space<vmem>> -> memref<1x64xf32, #tpu.memory_space<vmem>>
    %dma_wait3A_451 = arith.constant 0 : i32
    %dma_wait3A_452 = tpu.memref_slice %arg2[%squeeze3A_75, %dma_wait3A_451] : memref<100000x64xf32, #tpu.memory_space<hbm>> -> memref<1x64xf32, #tpu.memory_space<hbm>>
    %dma_wait3A_453 = arith.constant 6 : i32
    %dma_wait3A_454 = arith.constant 0 : i32
    %dma_wait3A_455 = tpu.memref_slice %arg6[%dma_wait3A_453, %dma_wait3A_454] : memref<32x64xf32, #tpu.memory_space<vmem>> -> memref<1x64xf32, #tpu.memory_space<vmem>>
    %dma_wait3A_456 = arith.constant 0 : i32
    %dma_wait3A_457 = tpu.memref_slice %arg2[%squeeze3A_75, %dma_wait3A_456] : memref<100000x64xf32, #tpu.memory_space<hbm>> -> memref<1x64xf32, #tpu.memory_space<hbm>>
    tpu.wait_dma2 semaphore(%arg7 : memref<!tpu.dma_semaphore, #tpu.memory_space<semaphore_mem>>) src(%dma_wait3A_457 : memref<1x64xf32, #tpu.memory_space<hbm>>) dst(%dma_wait3A_455 : memref<1x64xf32, #tpu.memory_space<vmem>>)
    %dma_wait3A_458 = arith.constant 7 : i32
    %dma_wait3A_459 = arith.constant 0 : i32
    %dma_wait3A_460 = tpu.memref_slice %arg6[%dma_wait3A_458, %dma_wait3A_459] : memref<32x64xf32, #tpu.memory_space<vmem>> -> memref<1x64xf32, #tpu.memory_space<vmem>>
    %dma_wait3A_461 = arith.constant 0 : i32
    %dma_wait3A_462 = tpu.memref_slice %arg2[%squeeze3A_87, %dma_wait3A_461] : memref<100000x64xf32, #tpu.memory_space<hbm>> -> memref<1x64xf32, #tpu.memory_space<hbm>>
    %dma_wait3A_463 = arith.constant 7 : i32
    %dma_wait3A_464 = arith.constant 0 : i32
    %dma_wait3A_465 = tpu.memref_slice %arg6[%dma_wait3A_463, %dma_wait3A_464] : memref<32x64xf32, #tpu.memory_space<vmem>> -> memref<1x64xf32, #tpu.memory_space<vmem>>
    %dma_wait3A_466 = arith.constant 0 : i32
    %dma_wait3A_467 = tpu.memref_slice %arg2[%squeeze3A_87, %dma_wait3A_466] : memref<100000x64xf32, #tpu.memory_space<hbm>> -> memref<1x64xf32, #tpu.memory_space<hbm>>
    tpu.wait_dma2 semaphore(%arg7 : memref<!tpu.dma_semaphore, #tpu.memory_space<semaphore_mem>>) src(%dma_wait3A_467 : memref<1x64xf32, #tpu.memory_space<hbm>>) dst(%dma_wait3A_465 : memref<1x64xf32, #tpu.memory_space<vmem>>)
    %dma_wait3A_468 = arith.constant 8 : i32
    %dma_wait3A_469 = arith.constant 0 : i32
    %dma_wait3A_470 = tpu.memref_slice %arg6[%dma_wait3A_468, %dma_wait3A_469] : memref<32x64xf32, #tpu.memory_space<vmem>> -> memref<1x64xf32, #tpu.memory_space<vmem>>
    %dma_wait3A_471 = arith.constant 0 : i32
    %dma_wait3A_472 = tpu.memref_slice %arg2[%squeeze3A_99, %dma_wait3A_471] : memref<100000x64xf32, #tpu.memory_space<hbm>> -> memref<1x64xf32, #tpu.memory_space<hbm>>
    %dma_wait3A_473 = arith.constant 8 : i32
    %dma_wait3A_474 = arith.constant 0 : i32
    %dma_wait3A_475 = tpu.memref_slice %arg6[%dma_wait3A_473, %dma_wait3A_474] : memref<32x64xf32, #tpu.memory_space<vmem>> -> memref<1x64xf32, #tpu.memory_space<vmem>>
    %dma_wait3A_476 = arith.constant 0 : i32
    %dma_wait3A_477 = tpu.memref_slice %arg2[%squeeze3A_99, %dma_wait3A_476] : memref<100000x64xf32, #tpu.memory_space<hbm>> -> memref<1x64xf32, #tpu.memory_space<hbm>>
    tpu.wait_dma2 semaphore(%arg7 : memref<!tpu.dma_semaphore, #tpu.memory_space<semaphore_mem>>) src(%dma_wait3A_477 : memref<1x64xf32, #tpu.memory_space<hbm>>) dst(%dma_wait3A_475 : memref<1x64xf32, #tpu.memory_space<vmem>>)
    %dma_wait3A_478 = arith.constant 9 : i32
    %dma_wait3A_479 = arith.constant 0 : i32
    %dma_wait3A_480 = tpu.memref_slice %arg6[%dma_wait3A_478, %dma_wait3A_479] : memref<32x64xf32, #tpu.memory_space<vmem>> -> memref<1x64xf32, #tpu.memory_space<vmem>>
    %dma_wait3A_481 = arith.constant 0 : i32
    %dma_wait3A_482 = tpu.memref_slice %arg2[%squeeze3A_111, %dma_wait3A_481] : memref<100000x64xf32, #tpu.memory_space<hbm>> -> memref<1x64xf32, #tpu.memory_space<hbm>>
    %dma_wait3A_483 = arith.constant 9 : i32
    %dma_wait3A_484 = arith.constant 0 : i32
    %dma_wait3A_485 = tpu.memref_slice %arg6[%dma_wait3A_483, %dma_wait3A_484] : memref<32x64xf32, #tpu.memory_space<vmem>> -> memref<1x64xf32, #tpu.memory_space<vmem>>
    %dma_wait3A_486 = arith.constant 0 : i32
    %dma_wait3A_487 = tpu.memref_slice %arg2[%squeeze3A_111, %dma_wait3A_486] : memref<100000x64xf32, #tpu.memory_space<hbm>> -> memref<1x64xf32, #tpu.memory_space<hbm>>
    tpu.wait_dma2 semaphore(%arg7 : memref<!tpu.dma_semaphore, #tpu.memory_space<semaphore_mem>>) src(%dma_wait3A_487 : memref<1x64xf32, #tpu.memory_space<hbm>>) dst(%dma_wait3A_485 : memref<1x64xf32, #tpu.memory_space<vmem>>)
    %dma_wait3A_488 = arith.constant 10 : i32
    %dma_wait3A_489 = arith.constant 0 : i32
    %dma_wait3A_490 = tpu.memref_slice %arg6[%dma_wait3A_488, %dma_wait3A_489] : memref<32x64xf32, #tpu.memory_space<vmem>> -> memref<1x64xf32, #tpu.memory_space<vmem>>
    %dma_wait3A_491 = arith.constant 0 : i32
    %dma_wait3A_492 = tpu.memref_slice %arg2[%squeeze3A_123, %dma_wait3A_491] : memref<100000x64xf32, #tpu.memory_space<hbm>> -> memref<1x64xf32, #tpu.memory_space<hbm>>
    %dma_wait3A_493 = arith.constant 10 : i32
    %dma_wait3A_494 = arith.constant 0 : i32
    %dma_wait3A_495 = tpu.memref_slice %arg6[%dma_wait3A_493, %dma_wait3A_494] : memref<32x64xf32, #tpu.memory_space<vmem>> -> memref<1x64xf32, #tpu.memory_space<vmem>>
    %dma_wait3A_496 = arith.constant 0 : i32
    %dma_wait3A_497 = tpu.memref_slice %arg2[%squeeze3A_123, %dma_wait3A_496] : memref<100000x64xf32, #tpu.memory_space<hbm>> -> memref<1x64xf32, #tpu.memory_space<hbm>>
    tpu.wait_dma2 semaphore(%arg7 : memref<!tpu.dma_semaphore, #tpu.memory_space<semaphore_mem>>) src(%dma_wait3A_497 : memref<1x64xf32, #tpu.memory_space<hbm>>) dst(%dma_wait3A_495 : memref<1x64xf32, #tpu.memory_space<vmem>>)
    %dma_wait3A_498 = arith.constant 11 : i32
    %dma_wait3A_499 = arith.constant 0 : i32
    %dma_wait3A_500 = tpu.memref_slice %arg6[%dma_wait3A_498, %dma_wait3A_499] : memref<32x64xf32, #tpu.memory_space<vmem>> -> memref<1x64xf32, #tpu.memory_space<vmem>>
    %dma_wait3A_501 = arith.constant 0 : i32
    %dma_wait3A_502 = tpu.memref_slice %arg2[%squeeze3A_135, %dma_wait3A_501] : memref<100000x64xf32, #tpu.memory_space<hbm>> -> memref<1x64xf32, #tpu.memory_space<hbm>>
    %dma_wait3A_503 = arith.constant 11 : i32
    %dma_wait3A_504 = arith.constant 0 : i32
    %dma_wait3A_505 = tpu.memref_slice %arg6[%dma_wait3A_503, %dma_wait3A_504] : memref<32x64xf32, #tpu.memory_space<vmem>> -> memref<1x64xf32, #tpu.memory_space<vmem>>
    %dma_wait3A_506 = arith.constant 0 : i32
    %dma_wait3A_507 = tpu.memref_slice %arg2[%squeeze3A_135, %dma_wait3A_506] : memref<100000x64xf32, #tpu.memory_space<hbm>> -> memref<1x64xf32, #tpu.memory_space<hbm>>
    tpu.wait_dma2 semaphore(%arg7 : memref<!tpu.dma_semaphore, #tpu.memory_space<semaphore_mem>>) src(%dma_wait3A_507 : memref<1x64xf32, #tpu.memory_space<hbm>>) dst(%dma_wait3A_505 : memref<1x64xf32, #tpu.memory_space<vmem>>)
    %dma_wait3A_508 = arith.constant 12 : i32
    %dma_wait3A_509 = arith.constant 0 : i32
    %dma_wait3A_510 = tpu.memref_slice %arg6[%dma_wait3A_508, %dma_wait3A_509] : memref<32x64xf32, #tpu.memory_space<vmem>> -> memref<1x64xf32, #tpu.memory_space<vmem>>
    %dma_wait3A_511 = arith.constant 0 : i32
    %dma_wait3A_512 = tpu.memref_slice %arg2[%squeeze3A_147, %dma_wait3A_511] : memref<100000x64xf32, #tpu.memory_space<hbm>> -> memref<1x64xf32, #tpu.memory_space<hbm>>
    %dma_wait3A_513 = arith.constant 12 : i32
    %dma_wait3A_514 = arith.constant 0 : i32
    %dma_wait3A_515 = tpu.memref_slice %arg6[%dma_wait3A_513, %dma_wait3A_514] : memref<32x64xf32, #tpu.memory_space<vmem>> -> memref<1x64xf32, #tpu.memory_space<vmem>>
    %dma_wait3A_516 = arith.constant 0 : i32
    %dma_wait3A_517 = tpu.memref_slice %arg2[%squeeze3A_147, %dma_wait3A_516] : memref<100000x64xf32, #tpu.memory_space<hbm>> -> memref<1x64xf32, #tpu.memory_space<hbm>>
    tpu.wait_dma2 semaphore(%arg7 : memref<!tpu.dma_semaphore, #tpu.memory_space<semaphore_mem>>) src(%dma_wait3A_517 : memref<1x64xf32, #tpu.memory_space<hbm>>) dst(%dma_wait3A_515 : memref<1x64xf32, #tpu.memory_space<vmem>>)
    %dma_wait3A_518 = arith.constant 13 : i32
    %dma_wait3A_519 = arith.constant 0 : i32
    %dma_wait3A_520 = tpu.memref_slice %arg6[%dma_wait3A_518, %dma_wait3A_519] : memref<32x64xf32, #tpu.memory_space<vmem>> -> memref<1x64xf32, #tpu.memory_space<vmem>>
    %dma_wait3A_521 = arith.constant 0 : i32
    %dma_wait3A_522 = tpu.memref_slice %arg2[%squeeze3A_159, %dma_wait3A_521] : memref<100000x64xf32, #tpu.memory_space<hbm>> -> memref<1x64xf32, #tpu.memory_space<hbm>>
    %dma_wait3A_523 = arith.constant 13 : i32
    %dma_wait3A_524 = arith.constant 0 : i32
    %dma_wait3A_525 = tpu.memref_slice %arg6[%dma_wait3A_523, %dma_wait3A_524] : memref<32x64xf32, #tpu.memory_space<vmem>> -> memref<1x64xf32, #tpu.memory_space<vmem>>
    %dma_wait3A_526 = arith.constant 0 : i32
    %dma_wait3A_527 = tpu.memref_slice %arg2[%squeeze3A_159, %dma_wait3A_526] : memref<100000x64xf32, #tpu.memory_space<hbm>> -> memref<1x64xf32, #tpu.memory_space<hbm>>
    tpu.wait_dma2 semaphore(%arg7 : memref<!tpu.dma_semaphore, #tpu.memory_space<semaphore_mem>>) src(%dma_wait3A_527 : memref<1x64xf32, #tpu.memory_space<hbm>>) dst(%dma_wait3A_525 : memref<1x64xf32, #tpu.memory_space<vmem>>)
    %dma_wait3A_528 = arith.constant 14 : i32
    %dma_wait3A_529 = arith.constant 0 : i32
    %dma_wait3A_530 = tpu.memref_slice %arg6[%dma_wait3A_528, %dma_wait3A_529] : memref<32x64xf32, #tpu.memory_space<vmem>> -> memref<1x64xf32, #tpu.memory_space<vmem>>
    %dma_wait3A_531 = arith.constant 0 : i32
    %dma_wait3A_532 = tpu.memref_slice %arg2[%squeeze3A_171, %dma_wait3A_531] : memref<100000x64xf32, #tpu.memory_space<hbm>> -> memref<1x64xf32, #tpu.memory_space<hbm>>
    %dma_wait3A_533 = arith.constant 14 : i32
    %dma_wait3A_534 = arith.constant 0 : i32
    %dma_wait3A_535 = tpu.memref_slice %arg6[%dma_wait3A_533, %dma_wait3A_534] : memref<32x64xf32, #tpu.memory_space<vmem>> -> memref<1x64xf32, #tpu.memory_space<vmem>>
    %dma_wait3A_536 = arith.constant 0 : i32
    %dma_wait3A_537 = tpu.memref_slice %arg2[%squeeze3A_171, %dma_wait3A_536] : memref<100000x64xf32, #tpu.memory_space<hbm>> -> memref<1x64xf32, #tpu.memory_space<hbm>>
    tpu.wait_dma2 semaphore(%arg7 : memref<!tpu.dma_semaphore, #tpu.memory_space<semaphore_mem>>) src(%dma_wait3A_537 : memref<1x64xf32, #tpu.memory_space<hbm>>) dst(%dma_wait3A_535 : memref<1x64xf32, #tpu.memory_space<vmem>>)
    %dma_wait3A_538 = arith.constant 15 : i32
    %dma_wait3A_539 = arith.constant 0 : i32
    %dma_wait3A_540 = tpu.memref_slice %arg6[%dma_wait3A_538, %dma_wait3A_539] : memref<32x64xf32, #tpu.memory_space<vmem>> -> memref<1x64xf32, #tpu.memory_space<vmem>>
    %dma_wait3A_541 = arith.constant 0 : i32
    %dma_wait3A_542 = tpu.memref_slice %arg2[%squeeze3A_183, %dma_wait3A_541] : memref<100000x64xf32, #tpu.memory_space<hbm>> -> memref<1x64xf32, #tpu.memory_space<hbm>>
    %dma_wait3A_543 = arith.constant 15 : i32
    %dma_wait3A_544 = arith.constant 0 : i32
    %dma_wait3A_545 = tpu.memref_slice %arg6[%dma_wait3A_543, %dma_wait3A_544] : memref<32x64xf32, #tpu.memory_space<vmem>> -> memref<1x64xf32, #tpu.memory_space<vmem>>
    %dma_wait3A_546 = arith.constant 0 : i32
    %dma_wait3A_547 = tpu.memref_slice %arg2[%squeeze3A_183, %dma_wait3A_546] : memref<100000x64xf32, #tpu.memory_space<hbm>> -> memref<1x64xf32, #tpu.memory_space<hbm>>
    tpu.wait_dma2 semaphore(%arg7 : memref<!tpu.dma_semaphore, #tpu.memory_space<semaphore_mem>>) src(%dma_wait3A_547 : memref<1x64xf32, #tpu.memory_space<hbm>>) dst(%dma_wait3A_545 : memref<1x64xf32, #tpu.memory_space<vmem>>)
    %dma_wait3A_548 = arith.constant 16 : i32
    %dma_wait3A_549 = arith.constant 0 : i32
    %dma_wait3A_550 = tpu.memref_slice %arg6[%dma_wait3A_548, %dma_wait3A_549] : memref<32x64xf32, #tpu.memory_space<vmem>> -> memref<1x64xf32, #tpu.memory_space<vmem>>
    %dma_wait3A_551 = arith.constant 0 : i32
    %dma_wait3A_552 = tpu.memref_slice %arg2[%squeeze3A_198, %dma_wait3A_551] : memref<100000x64xf32, #tpu.memory_space<hbm>> -> memref<1x64xf32, #tpu.memory_space<hbm>>
    %dma_wait3A_553 = arith.constant 16 : i32
    %dma_wait3A_554 = arith.constant 0 : i32
    %dma_wait3A_555 = tpu.memref_slice %arg6[%dma_wait3A_553, %dma_wait3A_554] : memref<32x64xf32, #tpu.memory_space<vmem>> -> memref<1x64xf32, #tpu.memory_space<vmem>>
    %dma_wait3A_556 = arith.constant 0 : i32
    %dma_wait3A_557 = tpu.memref_slice %arg2[%squeeze3A_198, %dma_wait3A_556] : memref<100000x64xf32, #tpu.memory_space<hbm>> -> memref<1x64xf32, #tpu.memory_space<hbm>>
    tpu.wait_dma2 semaphore(%arg7 : memref<!tpu.dma_semaphore, #tpu.memory_space<semaphore_mem>>) src(%dma_wait3A_557 : memref<1x64xf32, #tpu.memory_space<hbm>>) dst(%dma_wait3A_555 : memref<1x64xf32, #tpu.memory_space<vmem>>)
    %dma_wait3A_558 = arith.constant 17 : i32
    %dma_wait3A_559 = arith.constant 0 : i32
    %dma_wait3A_560 = tpu.memref_slice %arg6[%dma_wait3A_558, %dma_wait3A_559] : memref<32x64xf32, #tpu.memory_space<vmem>> -> memref<1x64xf32, #tpu.memory_space<vmem>>
    %dma_wait3A_561 = arith.constant 0 : i32
    %dma_wait3A_562 = tpu.memref_slice %arg2[%squeeze3A_210, %dma_wait3A_561] : memref<100000x64xf32, #tpu.memory_space<hbm>> -> memref<1x64xf32, #tpu.memory_space<hbm>>
    %dma_wait3A_563 = arith.constant 17 : i32
    %dma_wait3A_564 = arith.constant 0 : i32
    %dma_wait3A_565 = tpu.memref_slice %arg6[%dma_wait3A_563, %dma_wait3A_564] : memref<32x64xf32, #tpu.memory_space<vmem>> -> memref<1x64xf32, #tpu.memory_space<vmem>>
    %dma_wait3A_566 = arith.constant 0 : i32
    %dma_wait3A_567 = tpu.memref_slice %arg2[%squeeze3A_210, %dma_wait3A_566] : memref<100000x64xf32, #tpu.memory_space<hbm>> -> memref<1x64xf32, #tpu.memory_space<hbm>>
    tpu.wait_dma2 semaphore(%arg7 : memref<!tpu.dma_semaphore, #tpu.memory_space<semaphore_mem>>) src(%dma_wait3A_567 : memref<1x64xf32, #tpu.memory_space<hbm>>) dst(%dma_wait3A_565 : memref<1x64xf32, #tpu.memory_space<vmem>>)
    %dma_wait3A_568 = arith.constant 18 : i32
    %dma_wait3A_569 = arith.constant 0 : i32
    %dma_wait3A_570 = tpu.memref_slice %arg6[%dma_wait3A_568, %dma_wait3A_569] : memref<32x64xf32, #tpu.memory_space<vmem>> -> memref<1x64xf32, #tpu.memory_space<vmem>>
    %dma_wait3A_571 = arith.constant 0 : i32
    %dma_wait3A_572 = tpu.memref_slice %arg2[%squeeze3A_222, %dma_wait3A_571] : memref<100000x64xf32, #tpu.memory_space<hbm>> -> memref<1x64xf32, #tpu.memory_space<hbm>>
    %dma_wait3A_573 = arith.constant 18 : i32
    %dma_wait3A_574 = arith.constant 0 : i32
    %dma_wait3A_575 = tpu.memref_slice %arg6[%dma_wait3A_573, %dma_wait3A_574] : memref<32x64xf32, #tpu.memory_space<vmem>> -> memref<1x64xf32, #tpu.memory_space<vmem>>
    %dma_wait3A_576 = arith.constant 0 : i32
    %dma_wait3A_577 = tpu.memref_slice %arg2[%squeeze3A_222, %dma_wait3A_576] : memref<100000x64xf32, #tpu.memory_space<hbm>> -> memref<1x64xf32, #tpu.memory_space<hbm>>
    tpu.wait_dma2 semaphore(%arg7 : memref<!tpu.dma_semaphore, #tpu.memory_space<semaphore_mem>>) src(%dma_wait3A_577 : memref<1x64xf32, #tpu.memory_space<hbm>>) dst(%dma_wait3A_575 : memref<1x64xf32, #tpu.memory_space<vmem>>)
    %dma_wait3A_578 = arith.constant 19 : i32
    %dma_wait3A_579 = arith.constant 0 : i32
    %dma_wait3A_580 = tpu.memref_slice %arg6[%dma_wait3A_578, %dma_wait3A_579] : memref<32x64xf32, #tpu.memory_space<vmem>> -> memref<1x64xf32, #tpu.memory_space<vmem>>
    %dma_wait3A_581 = arith.constant 0 : i32
    %dma_wait3A_582 = tpu.memref_slice %arg2[%squeeze3A_234, %dma_wait3A_581] : memref<100000x64xf32, #tpu.memory_space<hbm>> -> memref<1x64xf32, #tpu.memory_space<hbm>>
    %dma_wait3A_583 = arith.constant 19 : i32
    %dma_wait3A_584 = arith.constant 0 : i32
    %dma_wait3A_585 = tpu.memref_slice %arg6[%dma_wait3A_583, %dma_wait3A_584] : memref<32x64xf32, #tpu.memory_space<vmem>> -> memref<1x64xf32, #tpu.memory_space<vmem>>
    %dma_wait3A_586 = arith.constant 0 : i32
    %dma_wait3A_587 = tpu.memref_slice %arg2[%squeeze3A_234, %dma_wait3A_586] : memref<100000x64xf32, #tpu.memory_space<hbm>> -> memref<1x64xf32, #tpu.memory_space<hbm>>
    tpu.wait_dma2 semaphore(%arg7 : memref<!tpu.dma_semaphore, #tpu.memory_space<semaphore_mem>>) src(%dma_wait3A_587 : memref<1x64xf32, #tpu.memory_space<hbm>>) dst(%dma_wait3A_585 : memref<1x64xf32, #tpu.memory_space<vmem>>)
    %dma_wait3A_588 = arith.constant 20 : i32
    %dma_wait3A_589 = arith.constant 0 : i32
    %dma_wait3A_590 = tpu.memref_slice %arg6[%dma_wait3A_588, %dma_wait3A_589] : memref<32x64xf32, #tpu.memory_space<vmem>> -> memref<1x64xf32, #tpu.memory_space<vmem>>
    %dma_wait3A_591 = arith.constant 0 : i32
    %dma_wait3A_592 = tpu.memref_slice %arg2[%squeeze3A_246, %dma_wait3A_591] : memref<100000x64xf32, #tpu.memory_space<hbm>> -> memref<1x64xf32, #tpu.memory_space<hbm>>
    %dma_wait3A_593 = arith.constant 20 : i32
    %dma_wait3A_594 = arith.constant 0 : i32
    %dma_wait3A_595 = tpu.memref_slice %arg6[%dma_wait3A_593, %dma_wait3A_594] : memref<32x64xf32, #tpu.memory_space<vmem>> -> memref<1x64xf32, #tpu.memory_space<vmem>>
    %dma_wait3A_596 = arith.constant 0 : i32
    %dma_wait3A_597 = tpu.memref_slice %arg2[%squeeze3A_246, %dma_wait3A_596] : memref<100000x64xf32, #tpu.memory_space<hbm>> -> memref<1x64xf32, #tpu.memory_space<hbm>>
    tpu.wait_dma2 semaphore(%arg7 : memref<!tpu.dma_semaphore, #tpu.memory_space<semaphore_mem>>) src(%dma_wait3A_597 : memref<1x64xf32, #tpu.memory_space<hbm>>) dst(%dma_wait3A_595 : memref<1x64xf32, #tpu.memory_space<vmem>>)
    %dma_wait3A_598 = arith.constant 21 : i32
    %dma_wait3A_599 = arith.constant 0 : i32
    %dma_wait3A_600 = tpu.memref_slice %arg6[%dma_wait3A_598, %dma_wait3A_599] : memref<32x64xf32, #tpu.memory_space<vmem>> -> memref<1x64xf32, #tpu.memory_space<vmem>>
    %dma_wait3A_601 = arith.constant 0 : i32
    %dma_wait3A_602 = tpu.memref_slice %arg2[%squeeze3A_258, %dma_wait3A_601] : memref<100000x64xf32, #tpu.memory_space<hbm>> -> memref<1x64xf32, #tpu.memory_space<hbm>>
    %dma_wait3A_603 = arith.constant 21 : i32
    %dma_wait3A_604 = arith.constant 0 : i32
    %dma_wait3A_605 = tpu.memref_slice %arg6[%dma_wait3A_603, %dma_wait3A_604] : memref<32x64xf32, #tpu.memory_space<vmem>> -> memref<1x64xf32, #tpu.memory_space<vmem>>
    %dma_wait3A_606 = arith.constant 0 : i32
    %dma_wait3A_607 = tpu.memref_slice %arg2[%squeeze3A_258, %dma_wait3A_606] : memref<100000x64xf32, #tpu.memory_space<hbm>> -> memref<1x64xf32, #tpu.memory_space<hbm>>
    tpu.wait_dma2 semaphore(%arg7 : memref<!tpu.dma_semaphore, #tpu.memory_space<semaphore_mem>>) src(%dma_wait3A_607 : memref<1x64xf32, #tpu.memory_space<hbm>>) dst(%dma_wait3A_605 : memref<1x64xf32, #tpu.memory_space<vmem>>)
    %dma_wait3A_608 = arith.constant 22 : i32
    %dma_wait3A_609 = arith.constant 0 : i32
    %dma_wait3A_610 = tpu.memref_slice %arg6[%dma_wait3A_608, %dma_wait3A_609] : memref<32x64xf32, #tpu.memory_space<vmem>> -> memref<1x64xf32, #tpu.memory_space<vmem>>
    %dma_wait3A_611 = arith.constant 0 : i32
    %dma_wait3A_612 = tpu.memref_slice %arg2[%squeeze3A_270, %dma_wait3A_611] : memref<100000x64xf32, #tpu.memory_space<hbm>> -> memref<1x64xf32, #tpu.memory_space<hbm>>
    %dma_wait3A_613 = arith.constant 22 : i32
    %dma_wait3A_614 = arith.constant 0 : i32
    %dma_wait3A_615 = tpu.memref_slice %arg6[%dma_wait3A_613, %dma_wait3A_614] : memref<32x64xf32, #tpu.memory_space<vmem>> -> memref<1x64xf32, #tpu.memory_space<vmem>>
    %dma_wait3A_616 = arith.constant 0 : i32
    %dma_wait3A_617 = tpu.memref_slice %arg2[%squeeze3A_270, %dma_wait3A_616] : memref<100000x64xf32, #tpu.memory_space<hbm>> -> memref<1x64xf32, #tpu.memory_space<hbm>>
    tpu.wait_dma2 semaphore(%arg7 : memref<!tpu.dma_semaphore, #tpu.memory_space<semaphore_mem>>) src(%dma_wait3A_617 : memref<1x64xf32, #tpu.memory_space<hbm>>) dst(%dma_wait3A_615 : memref<1x64xf32, #tpu.memory_space<vmem>>)
    %dma_wait3A_618 = arith.constant 23 : i32
    %dma_wait3A_619 = arith.constant 0 : i32
    %dma_wait3A_620 = tpu.memref_slice %arg6[%dma_wait3A_618, %dma_wait3A_619] : memref<32x64xf32, #tpu.memory_space<vmem>> -> memref<1x64xf32, #tpu.memory_space<vmem>>
    %dma_wait3A_621 = arith.constant 0 : i32
    %dma_wait3A_622 = tpu.memref_slice %arg2[%squeeze3A_282, %dma_wait3A_621] : memref<100000x64xf32, #tpu.memory_space<hbm>> -> memref<1x64xf32, #tpu.memory_space<hbm>>
    %dma_wait3A_623 = arith.constant 23 : i32
    %dma_wait3A_624 = arith.constant 0 : i32
    %dma_wait3A_625 = tpu.memref_slice %arg6[%dma_wait3A_623, %dma_wait3A_624] : memref<32x64xf32, #tpu.memory_space<vmem>> -> memref<1x64xf32, #tpu.memory_space<vmem>>
    %dma_wait3A_626 = arith.constant 0 : i32
    %dma_wait3A_627 = tpu.memref_slice %arg2[%squeeze3A_282, %dma_wait3A_626] : memref<100000x64xf32, #tpu.memory_space<hbm>> -> memref<1x64xf32, #tpu.memory_space<hbm>>
    tpu.wait_dma2 semaphore(%arg7 : memref<!tpu.dma_semaphore, #tpu.memory_space<semaphore_mem>>) src(%dma_wait3A_627 : memref<1x64xf32, #tpu.memory_space<hbm>>) dst(%dma_wait3A_625 : memref<1x64xf32, #tpu.memory_space<vmem>>)
    %dma_wait3A_628 = arith.constant 24 : i32
    %dma_wait3A_629 = arith.constant 0 : i32
    %dma_wait3A_630 = tpu.memref_slice %arg6[%dma_wait3A_628, %dma_wait3A_629] : memref<32x64xf32, #tpu.memory_space<vmem>> -> memref<1x64xf32, #tpu.memory_space<vmem>>
    %dma_wait3A_631 = arith.constant 0 : i32
    %dma_wait3A_632 = tpu.memref_slice %arg2[%squeeze3A_294, %dma_wait3A_631] : memref<100000x64xf32, #tpu.memory_space<hbm>> -> memref<1x64xf32, #tpu.memory_space<hbm>>
    %dma_wait3A_633 = arith.constant 24 : i32
    %dma_wait3A_634 = arith.constant 0 : i32
    %dma_wait3A_635 = tpu.memref_slice %arg6[%dma_wait3A_633, %dma_wait3A_634] : memref<32x64xf32, #tpu.memory_space<vmem>> -> memref<1x64xf32, #tpu.memory_space<vmem>>
    %dma_wait3A_636 = arith.constant 0 : i32
    %dma_wait3A_637 = tpu.memref_slice %arg2[%squeeze3A_294, %dma_wait3A_636] : memref<100000x64xf32, #tpu.memory_space<hbm>> -> memref<1x64xf32, #tpu.memory_space<hbm>>
    tpu.wait_dma2 semaphore(%arg7 : memref<!tpu.dma_semaphore, #tpu.memory_space<semaphore_mem>>) src(%dma_wait3A_637 : memref<1x64xf32, #tpu.memory_space<hbm>>) dst(%dma_wait3A_635 : memref<1x64xf32, #tpu.memory_space<vmem>>)
    %dma_wait3A_638 = arith.constant 25 : i32
    %dma_wait3A_639 = arith.constant 0 : i32
    %dma_wait3A_640 = tpu.memref_slice %arg6[%dma_wait3A_638, %dma_wait3A_639] : memref<32x64xf32, #tpu.memory_space<vmem>> -> memref<1x64xf32, #tpu.memory_space<vmem>>
    %dma_wait3A_641 = arith.constant 0 : i32
    %dma_wait3A_642 = tpu.memref_slice %arg2[%squeeze3A_306, %dma_wait3A_641] : memref<100000x64xf32, #tpu.memory_space<hbm>> -> memref<1x64xf32, #tpu.memory_space<hbm>>
    %dma_wait3A_643 = arith.constant 25 : i32
    %dma_wait3A_644 = arith.constant 0 : i32
    %dma_wait3A_645 = tpu.memref_slice %arg6[%dma_wait3A_643, %dma_wait3A_644] : memref<32x64xf32, #tpu.memory_space<vmem>> -> memref<1x64xf32, #tpu.memory_space<vmem>>
    %dma_wait3A_646 = arith.constant 0 : i32
    %dma_wait3A_647 = tpu.memref_slice %arg2[%squeeze3A_306, %dma_wait3A_646] : memref<100000x64xf32, #tpu.memory_space<hbm>> -> memref<1x64xf32, #tpu.memory_space<hbm>>
    tpu.wait_dma2 semaphore(%arg7 : memref<!tpu.dma_semaphore, #tpu.memory_space<semaphore_mem>>) src(%dma_wait3A_647 : memref<1x64xf32, #tpu.memory_space<hbm>>) dst(%dma_wait3A_645 : memref<1x64xf32, #tpu.memory_space<vmem>>)
    %dma_wait3A_648 = arith.constant 26 : i32
    %dma_wait3A_649 = arith.constant 0 : i32
    %dma_wait3A_650 = tpu.memref_slice %arg6[%dma_wait3A_648, %dma_wait3A_649] : memref<32x64xf32, #tpu.memory_space<vmem>> -> memref<1x64xf32, #tpu.memory_space<vmem>>
    %dma_wait3A_651 = arith.constant 0 : i32
    %dma_wait3A_652 = tpu.memref_slice %arg2[%squeeze3A_318, %dma_wait3A_651] : memref<100000x64xf32, #tpu.memory_space<hbm>> -> memref<1x64xf32, #tpu.memory_space<hbm>>
    %dma_wait3A_653 = arith.constant 26 : i32
    %dma_wait3A_654 = arith.constant 0 : i32
    %dma_wait3A_655 = tpu.memref_slice %arg6[%dma_wait3A_653, %dma_wait3A_654] : memref<32x64xf32, #tpu.memory_space<vmem>> -> memref<1x64xf32, #tpu.memory_space<vmem>>
    %dma_wait3A_656 = arith.constant 0 : i32
    %dma_wait3A_657 = tpu.memref_slice %arg2[%squeeze3A_318, %dma_wait3A_656] : memref<100000x64xf32, #tpu.memory_space<hbm>> -> memref<1x64xf32, #tpu.memory_space<hbm>>
    tpu.wait_dma2 semaphore(%arg7 : memref<!tpu.dma_semaphore, #tpu.memory_space<semaphore_mem>>) src(%dma_wait3A_657 : memref<1x64xf32, #tpu.memory_space<hbm>>) dst(%dma_wait3A_655 : memref<1x64xf32, #tpu.memory_space<vmem>>)
    %dma_wait3A_658 = arith.constant 27 : i32
    %dma_wait3A_659 = arith.constant 0 : i32
    %dma_wait3A_660 = tpu.memref_slice %arg6[%dma_wait3A_658, %dma_wait3A_659] : memref<32x64xf32, #tpu.memory_space<vmem>> -> memref<1x64xf32, #tpu.memory_space<vmem>>
    %dma_wait3A_661 = arith.constant 0 : i32
    %dma_wait3A_662 = tpu.memref_slice %arg2[%squeeze3A_330, %dma_wait3A_661] : memref<100000x64xf32, #tpu.memory_space<hbm>> -> memref<1x64xf32, #tpu.memory_space<hbm>>
    %dma_wait3A_663 = arith.constant 27 : i32
    %dma_wait3A_664 = arith.constant 0 : i32
    %dma_wait3A_665 = tpu.memref_slice %arg6[%dma_wait3A_663, %dma_wait3A_664] : memref<32x64xf32, #tpu.memory_space<vmem>> -> memref<1x64xf32, #tpu.memory_space<vmem>>
    %dma_wait3A_666 = arith.constant 0 : i32
    %dma_wait3A_667 = tpu.memref_slice %arg2[%squeeze3A_330, %dma_wait3A_666] : memref<100000x64xf32, #tpu.memory_space<hbm>> -> memref<1x64xf32, #tpu.memory_space<hbm>>
    tpu.wait_dma2 semaphore(%arg7 : memref<!tpu.dma_semaphore, #tpu.memory_space<semaphore_mem>>) src(%dma_wait3A_667 : memref<1x64xf32, #tpu.memory_space<hbm>>) dst(%dma_wait3A_665 : memref<1x64xf32, #tpu.memory_space<vmem>>)
    %dma_wait3A_668 = arith.constant 28 : i32
    %dma_wait3A_669 = arith.constant 0 : i32
    %dma_wait3A_670 = tpu.memref_slice %arg6[%dma_wait3A_668, %dma_wait3A_669] : memref<32x64xf32, #tpu.memory_space<vmem>> -> memref<1x64xf32, #tpu.memory_space<vmem>>
    %dma_wait3A_671 = arith.constant 0 : i32
    %dma_wait3A_672 = tpu.memref_slice %arg2[%squeeze3A_342, %dma_wait3A_671] : memref<100000x64xf32, #tpu.memory_space<hbm>> -> memref<1x64xf32, #tpu.memory_space<hbm>>
    %dma_wait3A_673 = arith.constant 28 : i32
    %dma_wait3A_674 = arith.constant 0 : i32
    %dma_wait3A_675 = tpu.memref_slice %arg6[%dma_wait3A_673, %dma_wait3A_674] : memref<32x64xf32, #tpu.memory_space<vmem>> -> memref<1x64xf32, #tpu.memory_space<vmem>>
    %dma_wait3A_676 = arith.constant 0 : i32
    %dma_wait3A_677 = tpu.memref_slice %arg2[%squeeze3A_342, %dma_wait3A_676] : memref<100000x64xf32, #tpu.memory_space<hbm>> -> memref<1x64xf32, #tpu.memory_space<hbm>>
    tpu.wait_dma2 semaphore(%arg7 : memref<!tpu.dma_semaphore, #tpu.memory_space<semaphore_mem>>) src(%dma_wait3A_677 : memref<1x64xf32, #tpu.memory_space<hbm>>) dst(%dma_wait3A_675 : memref<1x64xf32, #tpu.memory_space<vmem>>)
    %dma_wait3A_678 = arith.constant 29 : i32
    %dma_wait3A_679 = arith.constant 0 : i32
    %dma_wait3A_680 = tpu.memref_slice %arg6[%dma_wait3A_678, %dma_wait3A_679] : memref<32x64xf32, #tpu.memory_space<vmem>> -> memref<1x64xf32, #tpu.memory_space<vmem>>
    %dma_wait3A_681 = arith.constant 0 : i32
    %dma_wait3A_682 = tpu.memref_slice %arg2[%squeeze3A_354, %dma_wait3A_681] : memref<100000x64xf32, #tpu.memory_space<hbm>> -> memref<1x64xf32, #tpu.memory_space<hbm>>
    %dma_wait3A_683 = arith.constant 29 : i32
    %dma_wait3A_684 = arith.constant 0 : i32
    %dma_wait3A_685 = tpu.memref_slice %arg6[%dma_wait3A_683, %dma_wait3A_684] : memref<32x64xf32, #tpu.memory_space<vmem>> -> memref<1x64xf32, #tpu.memory_space<vmem>>
    %dma_wait3A_686 = arith.constant 0 : i32
    %dma_wait3A_687 = tpu.memref_slice %arg2[%squeeze3A_354, %dma_wait3A_686] : memref<100000x64xf32, #tpu.memory_space<hbm>> -> memref<1x64xf32, #tpu.memory_space<hbm>>
    tpu.wait_dma2 semaphore(%arg7 : memref<!tpu.dma_semaphore, #tpu.memory_space<semaphore_mem>>) src(%dma_wait3A_687 : memref<1x64xf32, #tpu.memory_space<hbm>>) dst(%dma_wait3A_685 : memref<1x64xf32, #tpu.memory_space<vmem>>)
    %dma_wait3A_688 = arith.constant 30 : i32
    %dma_wait3A_689 = arith.constant 0 : i32
    %dma_wait3A_690 = tpu.memref_slice %arg6[%dma_wait3A_688, %dma_wait3A_689] : memref<32x64xf32, #tpu.memory_space<vmem>> -> memref<1x64xf32, #tpu.memory_space<vmem>>
    %dma_wait3A_691 = arith.constant 0 : i32
    %dma_wait3A_692 = tpu.memref_slice %arg2[%squeeze3A_366, %dma_wait3A_691] : memref<100000x64xf32, #tpu.memory_space<hbm>> -> memref<1x64xf32, #tpu.memory_space<hbm>>
    %dma_wait3A_693 = arith.constant 30 : i32
    %dma_wait3A_694 = arith.constant 0 : i32
    %dma_wait3A_695 = tpu.memref_slice %arg6[%dma_wait3A_693, %dma_wait3A_694] : memref<32x64xf32, #tpu.memory_space<vmem>> -> memref<1x64xf32, #tpu.memory_space<vmem>>
    %dma_wait3A_696 = arith.constant 0 : i32
    %dma_wait3A_697 = tpu.memref_slice %arg2[%squeeze3A_366, %dma_wait3A_696] : memref<100000x64xf32, #tpu.memory_space<hbm>> -> memref<1x64xf32, #tpu.memory_space<hbm>>
    tpu.wait_dma2 semaphore(%arg7 : memref<!tpu.dma_semaphore, #tpu.memory_space<semaphore_mem>>) src(%dma_wait3A_697 : memref<1x64xf32, #tpu.memory_space<hbm>>) dst(%dma_wait3A_695 : memref<1x64xf32, #tpu.memory_space<vmem>>)
    %dma_wait3A_698 = arith.constant 31 : i32
    %dma_wait3A_699 = arith.constant 0 : i32
    %dma_wait3A_700 = tpu.memref_slice %arg6[%dma_wait3A_698, %dma_wait3A_699] : memref<32x64xf32, #tpu.memory_space<vmem>> -> memref<1x64xf32, #tpu.memory_space<vmem>>
    %dma_wait3A_701 = arith.constant 0 : i32
    %dma_wait3A_702 = tpu.memref_slice %arg2[%squeeze3A_378, %dma_wait3A_701] : memref<100000x64xf32, #tpu.memory_space<hbm>> -> memref<1x64xf32, #tpu.memory_space<hbm>>
    %dma_wait3A_703 = arith.constant 31 : i32
    %dma_wait3A_704 = arith.constant 0 : i32
    %dma_wait3A_705 = tpu.memref_slice %arg6[%dma_wait3A_703, %dma_wait3A_704] : memref<32x64xf32, #tpu.memory_space<vmem>> -> memref<1x64xf32, #tpu.memory_space<vmem>>
    %dma_wait3A_706 = arith.constant 0 : i32
    %dma_wait3A_707 = tpu.memref_slice %arg2[%squeeze3A_378, %dma_wait3A_706] : memref<100000x64xf32, #tpu.memory_space<hbm>> -> memref<1x64xf32, #tpu.memory_space<hbm>>
    tpu.wait_dma2 semaphore(%arg7 : memref<!tpu.dma_semaphore, #tpu.memory_space<semaphore_mem>>) src(%dma_wait3A_707 : memref<1x64xf32, #tpu.memory_space<hbm>>) dst(%dma_wait3A_705 : memref<1x64xf32, #tpu.memory_space<vmem>>)
    "tpu.region"() ({
      %run_scoped3A = tpu.sem_alloc : memref<!tpu.dma_semaphore, #tpu.memory_space<semaphore_mem>>
      %dma_start3A_708 = arith.constant 0 : i32
      %dma_start3A_709 = tpu.memref_slice %arg4[%mul3A_2, %dma_start3A_708] : memref<1024x64xf32, #tpu.memory_space<hbm>> -> memref<32x64xf32, #tpu.memory_space<hbm>>
      %dma_start3A_710 = arith.constant 0 : i32
      %dma_start3A_711 = tpu.memref_slice %arg4[%mul3A_2, %dma_start3A_710] : memref<1024x64xf32, #tpu.memory_space<hbm>> -> memref<32x64xf32, #tpu.memory_space<hbm>>
      tpu.enqueue_dma source(%arg6 : memref<32x64xf32, #tpu.memory_space<vmem>>) target(%dma_start3A_711 : memref<32x64xf32, #tpu.memory_space<hbm>>) target_semaphore(%run_scoped3A : memref<!tpu.dma_semaphore, #tpu.memory_space<semaphore_mem>>)
      %dma_wait3A_712 = arith.constant 0 : i32
      %dma_wait3A_713 = tpu.memref_slice %arg4[%mul3A_2, %dma_wait3A_712] : memref<1024x64xf32, #tpu.memory_space<hbm>> -> memref<32x64xf32, #tpu.memory_space<hbm>>
      %dma_wait3A_714 = arith.constant 0 : i32
      %dma_wait3A_715 = tpu.memref_slice %arg4[%mul3A_2, %dma_wait3A_714] : memref<1024x64xf32, #tpu.memory_space<hbm>> -> memref<32x64xf32, #tpu.memory_space<hbm>>
      tpu.wait_dma2 semaphore(%run_scoped3A : memref<!tpu.dma_semaphore, #tpu.memory_space<semaphore_mem>>) src(%arg6 : memref<32x64xf32, #tpu.memory_space<vmem>>) dst(%dma_wait3A_715 : memref<32x64xf32, #tpu.memory_space<hbm>>)
      tpu.yield
    }) : () -> ()
    return
  }
}

module attributes {stable_mosaic.version = 14 : i64} {
  func.func @_dense_body(%arg0: memref<1024x64xf32, #tpu.memory_space<vmem>>, %arg1: memref<1024x64xf32, #tpu.memory_space<vmem>>, %arg2: memref<64x1024xf32, #tpu.memory_space<vmem>>, %arg3: memref<1024x1xi32, #tpu.memory_space<vmem>>, %arg4: memref<1x1024xi32, #tpu.memory_space<vmem>>, %arg5: memref<1024x64xf32, #tpu.memory_space<vmem>>, %arg6: memref<1024x1xi32, #tpu.memory_space<vmem>>, %arg7: memref<1x1xf32, #tpu.memory_space<vmem>>) attributes {dimension_semantics = [], scalar_prefetch = 0 : i64, scratch_operands = 0 : i64, tpu.core_type = #tpu.core_type<tc>} {
    %get3A = arith.constant 0 : index
    %get3A_0 = arith.constant 0 : index
    %get3A_1 = vector.load %arg1[%get3A, %get3A_0] : memref<1024x64xf32, #tpu.memory_space<vmem>>, vector<1024x64xf32>
    %get3A_2 = arith.constant 0 : index
    %get3A_3 = arith.constant 0 : index
    %get3A_4 = vector.load %arg2[%get3A_2, %get3A_3] : memref<64x1024xf32, #tpu.memory_space<vmem>>, vector<64x1024xf32>
    %get3A_5 = arith.constant 0 : index
    %get3A_6 = arith.constant 0 : index
    %get3A_7 = vector.load %arg0[%get3A_5, %get3A_6] : memref<1024x64xf32, #tpu.memory_space<vmem>>, vector<1024x64xf32>
    %get3A_8 = arith.constant 0 : index
    %get3A_9 = arith.constant 0 : index
    %get3A_10 = vector.load %arg3[%get3A_8, %get3A_9] : memref<1024x1xi32, #tpu.memory_space<vmem>>, vector<1024x1xi32>
    %get3A_11 = arith.constant 0 : index
    %get3A_12 = arith.constant 0 : index
    %get3A_13 = vector.load %arg4[%get3A_11, %get3A_12] : memref<1x1024xi32, #tpu.memory_space<vmem>>, vector<1x1024xi32>
    %mul3A = arith.mulf %get3A_1, %get3A_1 : vector<1024x64xf32>
    %reduce_sum3A = arith.constant dense<0.000000e+00> : vector<1024xf32>
    %reduce_sum3A_14 = vector.multi_reduction <add>, %mul3A, %reduce_sum3A [1] : vector<1024x64xf32> to vector<1024xf32>
    %broadcast_in_dim3A = vector.shape_cast %reduce_sum3A_14 : vector<1024xf32> to vector<1024x1xf32>
    %mul3A_15 = arith.mulf %get3A_4, %get3A_4 : vector<64x1024xf32>
    %reduce_sum3A_16 = arith.constant dense<0.000000e+00> : vector<1024xf32>
    %reduce_sum3A_17 = vector.multi_reduction <add>, %mul3A_15, %reduce_sum3A_16 [0] : vector<64x1024xf32> to vector<1024xf32>
    %broadcast_in_dim3A_18 = vector.shape_cast %reduce_sum3A_17 : vector<1024xf32> to vector<1x1024xf32>
    %dot_general3A = arith.constant dense<0.000000e+00> : vector<1024x1024xf32>
    %dot_general3A_19 = tpu.matmul %get3A_1, %get3A_4, %dot_general3A {dimension_numbers = #tpu.dot_dimension_numbers<[1], [0], [0], [1], [0, 0, 1, 1], [], []>, precision = #tpu.contract_precision<fp32>, transpose_lhs_hint = false} : vector<1024x64xf32>, vector<64x1024xf32>, vector<1024x1024xf32> -> vector<1024x1024xf32>
    %add3A = vector.broadcast %broadcast_in_dim3A : vector<1024x1xf32> to vector<1024x1024xf32>
    %add3A_20 = vector.broadcast %broadcast_in_dim3A_18 : vector<1x1024xf32> to vector<1024x1024xf32>
    %add3A_21 = arith.addf %add3A, %add3A_20 : vector<1024x1024xf32>
    %mul3A_22 = arith.constant 2.000000e+00 : f32
    %mul3A_23 = vector.broadcast %mul3A_22 : f32 to vector<1024x1024xf32>
    %mul3A_24 = arith.mulf %mul3A_23, %dot_general3A_19 : vector<1024x1024xf32>
    %sub3A = arith.subf %add3A_21, %mul3A_24 : vector<1024x1024xf32>
    %max3A = arith.constant 0.000000e+00 : f32
    %max3A_25 = vector.broadcast %max3A : f32 to vector<1024x1024xf32>
    %max3A_26 = arith.maximumf %sub3A, %max3A_25 : vector<1024x1024xf32>
    %sqrt3A = math.sqrt %max3A_26 : vector<1024x1024xf32>
    %ne3A = vector.broadcast %get3A_10 : vector<1024x1xi32> to vector<1024x1024xi32>
    %ne3A_27 = vector.broadcast %get3A_13 : vector<1x1024xi32> to vector<1024x1024xi32>
    %ne3A_28 = arith.cmpi ne, %ne3A, %ne3A_27 : vector<1024x1024xi32>
    %le3A = arith.constant 1.500000e+01 : f32
    %le3A_29 = vector.broadcast %le3A : f32 to vector<1024x1024xf32>
    %le3A_30 = arith.cmpf ole, %sqrt3A, %le3A_29 : vector<1024x1024xf32>
    %and3A = arith.andi %ne3A_28, %le3A_30 : vector<1024x1024xi1>
    %jit3A = arith.constant 1.000000e+00 : f32
    %jit3A_31 = arith.constant 0.000000e+00 : f32
    %broadcast_in_dim3A_32 = vector.broadcast %jit3A : f32 to vector<1024x1024xf32>
    %broadcast_in_dim3A_33 = vector.broadcast %jit3A_31 : f32 to vector<1024x1024xf32>
    %select_n3A = arith.select %and3A, %broadcast_in_dim3A_32, %broadcast_in_dim3A_33 : vector<1024x1024xi1>, vector<1024x1024xf32>
    %neg3A = arith.constant 0.000000e+00 : f32
    %neg3A_34 = vector.broadcast %neg3A : f32 to vector<1024x1024xf32>
    %neg3A_35 = arith.subf %neg3A_34, %sqrt3A : vector<1024x1024xf32>
    %mul3A_36 = arith.mulf %neg3A_35, %select_n3A : vector<1024x1024xf32>
    %reduce_min3A = arith.constant dense<0x7F800000> : vector<1024xf32>
    %reduce_min3A_37 = vector.multi_reduction <minimumf>, %mul3A_36, %reduce_min3A [1] : vector<1024x1024xf32> to vector<1024xf32>
    %broadcast_in_dim3A_38 = vector.shape_cast %reduce_min3A_37 : vector<1024xf32> to vector<1024x1xf32>
    %sub3A_39 = vector.broadcast %broadcast_in_dim3A_38 : vector<1024x1xf32> to vector<1024x1024xf32>
    %sub3A_40 = arith.subf %neg3A_35, %sub3A_39 : vector<1024x1024xf32>
    %exp3A = math.exp %sub3A_40 : vector<1024x1024xf32>
    %mul3A_41 = arith.mulf %exp3A, %select_n3A : vector<1024x1024xf32>
    %eq3A = arith.constant 0.000000e+00 : f32
    %eq3A_42 = vector.broadcast %eq3A : f32 to vector<1024x1024xf32>
    %eq3A_43 = arith.cmpf oeq, %select_n3A, %eq3A_42 : vector<1024x1024xf32>
    %jit3A_44 = arith.constant 0.000000e+00 : f32
    %broadcast_in_dim3A_45 = vector.broadcast %jit3A_44 : f32 to vector<1024x1024xf32>
    %select_n3A_46 = arith.select %eq3A_43, %broadcast_in_dim3A_45, %mul3A_41 : vector<1024x1024xi1>, vector<1024x1024xf32>
    %reduce_sum3A_47 = arith.constant dense<0.000000e+00> : vector<1024xf32>
    %reduce_sum3A_48 = vector.multi_reduction <add>, %select_n3A_46, %reduce_sum3A_47 [1] : vector<1024x1024xf32> to vector<1024xf32>
    %broadcast_in_dim3A_49 = vector.shape_cast %reduce_sum3A_48 : vector<1024xf32> to vector<1024x1xf32>
    %add3A_50 = arith.constant 9.99999997E-7 : f32
    %add3A_51 = vector.broadcast %add3A_50 : f32 to vector<1024x1xf32>
    %add3A_52 = arith.addf %broadcast_in_dim3A_49, %add3A_51 : vector<1024x1xf32>
    %div3A = vector.broadcast %add3A_52 : vector<1024x1xf32> to vector<1024x1024xf32>
    %div3A_53 = arith.divf %select_n3A_46, %div3A : vector<1024x1024xf32>
    %reduce_sum3A_54 = arith.constant dense<0.000000e+00> : vector<1024xf32>
    %reduce_sum3A_55 = vector.multi_reduction <add>, %div3A_53, %reduce_sum3A_54 [1] : vector<1024x1024xf32> to vector<1024xf32>
    %broadcast_in_dim3A_56 = vector.shape_cast %reduce_sum3A_55 : vector<1024xf32> to vector<1024x1xf32>
    %dot_general3A_57 = arith.constant dense<0.000000e+00> : vector<1024x64xf32>
    %dot_general3A_58 = tpu.matmul %div3A_53, %get3A_1, %dot_general3A_57 {dimension_numbers = #tpu.dot_dimension_numbers<[1], [0], [0], [1], [0, 0, 1, 1], [], []>, precision = #tpu.contract_precision<fp32>, transpose_lhs_hint = false} : vector<1024x1024xf32>, vector<1024x64xf32>, vector<1024x64xf32> -> vector<1024x64xf32>
    %mul3A_59 = vector.broadcast %broadcast_in_dim3A_56 : vector<1024x1xf32> to vector<1024x64xf32>
    %mul3A_60 = arith.mulf %get3A_1, %mul3A_59 : vector<1024x64xf32>
    %sub3A_61 = arith.subf %mul3A_60, %dot_general3A_58 : vector<1024x64xf32>
    %reduce_sum3A_62 = vector.shape_cast %select_n3A : vector<1024x1024xf32> to vector<1x1024x1024xf32>
    %reduce_sum3A_63 = arith.constant dense<0.000000e+00> : vector<1xf32>
    %reduce_sum3A_64 = vector.multi_reduction <add>, %reduce_sum3A_62, %reduce_sum3A_63 [1, 2] : vector<1x1024x1024xf32> to vector<1xf32>
    %reduce_sum3A_65 = vector.shape_cast %reduce_sum3A_64 : vector<1xf32> to vector<1x1x1xf32>
    %reduce_sum3A_66 = vector.extract %reduce_sum3A_65[0, 0, 0] : f32 from vector<1x1x1xf32>
    %lt3A = arith.constant 1.000000e+00 : f32
    %lt3A_67 = arith.cmpf olt, %reduce_sum3A_66, %lt3A : f32
    %jit3A_68 = arith.constant 0.000000e+00 : f32
    %broadcast_in_dim3A_69 = vector.broadcast %jit3A_68 : f32 to vector<1024x64xf32>
    %select_n3A_70 = arith.select %lt3A_67, %broadcast_in_dim3A_69, %sub3A_61 : vector<1024x64xf32>
    %sub3A_71 = arith.subf %get3A_1, %get3A_7 : vector<1024x64xf32>
    %mul3A_72 = arith.constant 5.000000e-01 : f32
    %mul3A_73 = vector.broadcast %mul3A_72 : f32 to vector<1024x64xf32>
    %mul3A_74 = arith.mulf %mul3A_73, %sub3A_71 : vector<1024x64xf32>
    %sub3A_75 = arith.subf %get3A_1, %mul3A_74 : vector<1024x64xf32>
    %mul3A_76 = arith.constant 5.000000e-02 : f32
    %mul3A_77 = vector.broadcast %mul3A_76 : f32 to vector<1024x64xf32>
    %mul3A_78 = arith.mulf %mul3A_77, %select_n3A_70 : vector<1024x64xf32>
    %sub3A_79 = arith.subf %sub3A_75, %mul3A_78 : vector<1024x64xf32>
    %swap3A = arith.constant 0 : index
    %swap3A_80 = arith.constant 0 : index
    %swap3A_81 = vector.load %arg5[%swap3A, %swap3A_80] : memref<1024x64xf32, #tpu.memory_space<vmem>>, vector<1024x64xf32>
    tpu.vector_store %arg5[%swap3A, %swap3A_80], %sub3A_79 {strides = array<i32>} : memref<1024x64xf32, #tpu.memory_space<vmem>>, vector<1024x64xf32>,
    %iota3A = tpu.iota {dimensions = array<i32: 1>} : vector<1024x1024xi32>
    %eq3A_82 = vector.broadcast %get3A_10 : vector<1024x1xi32> to vector<1024x1024xi32>
    %eq3A_83 = vector.broadcast %get3A_13 : vector<1x1024xi32> to vector<1024x1024xi32>
    %eq3A_84 = arith.cmpi eq, %eq3A_82, %eq3A_83 : vector<1024x1024xi32>
    %jit3A_85 = arith.constant -1 : i32
    %broadcast_in_dim3A_86 = vector.broadcast %jit3A_85 : i32 to vector<1024x1024xi32>
    %select_n3A_87 = arith.select %eq3A_84, %iota3A, %broadcast_in_dim3A_86 : vector<1024x1024xi1>, vector<1024x1024xi32>
    %reduce_max3A = arith.constant dense<-2147483648> : vector<1024xi32>
    %reduce_max3A_88 = vector.multi_reduction <maxsi>, %select_n3A_87, %reduce_max3A [1] : vector<1024x1024xi32> to vector<1024xi32>
    %broadcast_in_dim3A_89 = vector.shape_cast %reduce_max3A_88 : vector<1024xi32> to vector<1024x1xi32>
    %swap3A_90 = arith.constant 0 : index
    %swap3A_91 = arith.constant 0 : index
    %swap3A_92 = vector.load %arg6[%swap3A_90, %swap3A_91] : memref<1024x1xi32, #tpu.memory_space<vmem>>, vector<1024x1xi32>
    tpu.vector_store %arg6[%swap3A_90, %swap3A_91], %broadcast_in_dim3A_89 {strides = array<i32>} : memref<1024x1xi32, #tpu.memory_space<vmem>>, vector<1024x1xi32>,
    %sub3A_93 = arith.subf %get3A_1, %get3A_7 : vector<1024x64xf32>
    %mul3A_94 = arith.mulf %sub3A_93, %sub3A_93 : vector<1024x64xf32>
    %jit3A_95 = arith.constant 9.99999996E-13 : f32
    %jit3A_96 = arith.constant 9.99999995E+11 : f32
    %max3A_97 = vector.broadcast %jit3A_95 : f32 to vector<1024x64xf32>
    %max3A_98 = arith.maximumf %max3A_97, %mul3A_94 : vector<1024x64xf32>
    %min3A = vector.broadcast %jit3A_96 : f32 to vector<1024x64xf32>
    %min3A_99 = arith.minimumf %min3A, %max3A_98 : vector<1024x64xf32>
    %reduce_sum3A_100 = vector.shape_cast %min3A_99 : vector<1024x64xf32> to vector<1x1024x64xf32>
    %reduce_sum3A_101 = arith.constant dense<0.000000e+00> : vector<1xf32>
    %reduce_sum3A_102 = vector.multi_reduction <add>, %reduce_sum3A_100, %reduce_sum3A_101 [1, 2] : vector<1x1024x64xf32> to vector<1xf32>
    %reduce_sum3A_103 = vector.shape_cast %reduce_sum3A_102 : vector<1xf32> to vector<1x1x1xf32>
    %reduce_sum3A_104 = vector.extract %reduce_sum3A_103[0, 0, 0] : f32 from vector<1x1x1xf32>
    %div3A_105 = arith.constant 6.553600e+04 : f32
    %div3A_106 = arith.divf %reduce_sum3A_104, %div3A_105 : f32
    %broadcast_in_dim3A_107 = vector.broadcast %div3A_106 : f32 to vector<1x1xf32>
    %swap3A_108 = arith.constant 0 : index
    %swap3A_109 = arith.constant 0 : index
    %swap3A_110 = vector.load %arg7[%swap3A_108, %swap3A_109] : memref<1x1xf32, #tpu.memory_space<vmem>>, vector<1x1xf32>
    tpu.vector_store %arg7[%swap3A_108, %swap3A_109], %broadcast_in_dim3A_107 {strides = array<i32>} : memref<1x1xf32, #tpu.memory_space<vmem>>, vector<1x1xf32>,
    return
  }
}

</mosaic_0001>

<sc_bundles>
// kernel: kernel.5.cloned.1.call-start
scs
__scs_entry_jumppad:
0x0: {  	(pc) =	sbr.rel $0x88, $3  }
0x1: {  	(tag) =	ssettag $0x0;
	lr =	simm.s32 $0x1  }
0x2: {  	[smem:$0x3F9E] =	sst lr;
	_ =	strace $0xD0000000  }
0x3: {  	_ = 	snop  }
0x4: {  	_ = 	snop  }
0x5: {  	_ = 	snop  }
0x6: {  	_ = 	snop  }
0x7: {  	_ = 	snop  }
__scs_overlays_trampoline_lowered:
0x8: {  	[smem:$0x3FAD] =	sst s0  }
0x9: {  	[smem:$0x3FAE] =	sst s1  }
0xa: {  	[smem:$0x3FAF] =	sst s2  }
0xb: {  	[smem:$0x3FB0] =	sst s3  }
0xc: {  	[smem:$0x3FB1] =	sst s4  }
0xd: {  	[smem:$0x3FB2] =	sst s5  }
0xe: {  	[smem:$0x3FB3] =	sst s6  }
0xf: {  	[smem:$0x3FB4] =	sst s7  }
0x10: {  	[smem:$0x3FB5] =	sst s8  }
0x11: {  	[smem:$0x3FB6] =	sst s9;
	s0 =	simm.s32 @!p0 $0x0  }
0x12: {  	s1 =	sld [smem:$0x3F9C];
	s0 =	simm.s32 @p0 $0x1  }
0x13: {  	[smem:$0x3FB7] =	sst s0;
	s0 =	simm.s32 @!p1 $0x0  }
0x14: {  	s2 =	sld [smem:$0x3F9B];
	s0 =	simm.s32 @p1 $0x1  }
0x15: {  	[smem:$0x3FB8] =	sst s0;
	s0 =	simm.s32 @!p2 $0x0  }
0x16: {  	s3 =	sld [smem:$0x3FDB];
	s0 =	simm.s32 @p2 $0x1  }
0x17: {  	s4 =	simm.s32 $0x1BF5;
	[smem:$0x3FBA] =	sst s0  }
0x18: {  	s0 =	sld [smem:$0x3F9D];
	_ =	swait.ge [sflag:s4], $0x0  }
0x19: {  	s7 =	sld [smem:$0x3F9E]  }
0x1a: {  	s8 =	sadd.s32 $0xFFFFE003, lr  }
0x1b: {  	s9 =	sadd.s32 $0xFFFFFEF7, lr;
	s5 =	simm.s32 $0xFFFFFFFF;
	p2 =	slt.u32 s8, $0xFFFFF086  }
0x1c: {  	p1 =	slt.u32 s9, $0xF7A;
	s5 =	simm.s32 @!p2 $0x0  }
0x1d: {  	s5 =	simm.s32 @p1 $0x1;
	p0 =	seq.s32 s7, s2  }
0x1e: {  	s7 =	smul.u32 @!p0 $0xF7A, s2;
	p2 =	seq.s32 @!p0 s5, $0x0  }
0x1f: {  	s9 =	smul.u32 $0xF7A, s1;
	s8 =	simm.s32 @!p0 $0x1BF5;
	p2 =	por !p2, p0  }
0x20: {  	[sflag:s8] =	ssyncset.s32 @!p0 $0xFFFFF086;
	s6 =	sadd.s32 @!p0 s3, s7;
	s7 =	simm.s32 @!p0 $0x108  }
0x21: {  	s3 =	sadd.s32 s3, s9;
	s6 =	sadd.s32 @!p0 $0x88, s6;
	s7 =	simm.s32 @p2 $0x1082  }
0x22: {  	[simem:s7], [sflag:s8] =	dma.local @!p0 [hbm:s6], $0xF7A  }
0x23: {  	s9 =	sor.u32 $0xD0000000, s2;
	s6 =	simm.s32 $0x108;
	_ =	swait.ge @!p0 [sflag:s8], $0x0  }
0x24: {  	s3 =	sadd.s32 $0x88, s3;
	s6 =	simm.s32 @!p1 $0x1082;
	[sflag:s4] =	ssyncset.s32 $0xFFFFF086  }
0x25: {  	[simem:s6], [sflag:s4] =	dma.local [hbm:s3], $0xF7A  }
0x26: {  	[smem:$0x3F9E] =	sst s1;
	(tag) =	ssettag s2;
	_ =	strace s9  }
0x27: {  	s1 =	sld [smem:$0x3FAE]  }
0x28: {  	s2 =	sld [smem:$0x3FAF]  }
0x29: {  	s4 =	sld [smem:$0x3FB1]  }
0x2a: {  	p0 =	seq.s32 s5, $0x0;
	s5 =	sld [smem:$0x3FB2]  }
0x2b: {  	s6 =	sld [smem:$0x3FB3]  }
0x2c: {  	s7 =	sld [smem:$0x3FB4]  }
0x2d: {  	s3 =	simm.s32 $0x108;
	s8 =	sld [smem:$0x3FB5]  }
0x2e: {  	s3 =	simm.s32 @!p0 $0x1082;
	s9 =	sld [smem:$0x3FB6]  }
0x2f: {  	lr =	sadd.s32 s0, s3;
	s0 =	sld [smem:$0x3FAD]  }
0x30: {  	s3 =	sld [smem:$0x3FB0]  }
0x31: {  	[smem:$0x3FB9] =	sst s10  }
0x32: {  	s10 =	sld [smem:$0x3FB7];
	_ =	sdelay $0x3  }
0x33: {  	p0 =	seq.s32 s10, $0x1;
	s10 =	sld [smem:$0x3FB9];
	_ =	sdelay $0x3  }
0x34: {  	[smem:$0x3FB9] =	sst s10  }
0x35: {  	s10 =	sld [smem:$0x3FB8];
	_ =	sdelay $0x3  }
0x36: {  	p1 =	seq.s32 s10, $0x1;
	s10 =	sld [smem:$0x3FB9];
	_ =	sdelay $0x3  }
0x37: {  	[smem:$0x3FB9] =	sst s10  }
0x38: {  	s10 =	sld [smem:$0x3FBA]  }
0x39: {  	_ = 	snop;
	(pc) =	sbr.ind lr, $3  }
0x3a: {  	_ = 	snop  }
0x3b: {  	_ = 	snop  }
0x3c: {  	p2 =	seq.s32 s10, $0x1;
	s10 =	sld [smem:$0x3FB9]  }
0x3d: {  	_ =	shalt  }
0x3e: {  	_ =	shalt  }
0x3f: {  	_ =	shalt  }
0x40: {  	_ =	shalt  }
0x41: {  	_ =	shalt  }
0x42: {  	_ =	shalt  }
0x43: {  	_ =	shalt  }
0x44: {  	_ =	shalt  }
0x45: {  	_ =	shalt  }
0x46: {  	_ =	shalt  }
0x47: {  	_ =	shalt  }
0x48: {  	_ =	shalt  }
0x49: {  	_ =	shalt  }
0x4a: {  	_ =	shalt  }
0x4b: {  	_ =	shalt  }
0x4c: {  	_ =	shalt  }
0x4d: {  	_ =	shalt  }
0x4e: {  	_ =	shalt  }
0x4f: {  	_ =	shalt  }
0x50: {  	_ =	shalt  }
0x51: {  	_ =	shalt  }
0x52: {  	_ =	shalt  }
0x53: {  	_ =	shalt  }
0x54: {  	_ =	shalt  }
0x55: {  	_ =	shalt  }
0x56: {  	_ =	shalt  }
0x57: {  	_ =	shalt  }
0x58: {  	_ =	shalt  }
0x59: {  	_ =	shalt  }
0x5a: {  	_ =	shalt  }
0x5b: {  	_ =	shalt  }
0x5c: {  	_ =	shalt  }
0x5d: {  	_ =	shalt  }
0x5e: {  	_ =	shalt  }
0x5f: {  	_ =	shalt  }
0x60: {  	_ =	shalt  }
0x61: {  	_ =	shalt  }
0x62: {  	_ =	shalt  }
0x63: {  	_ =	shalt  }
0x64: {  	_ =	shalt  }
0x65: {  	_ =	shalt  }
0x66: {  	_ =	shalt  }
0x67: {  	_ =	shalt  }
0x68: {  	_ =	shalt  }
0x69: {  	_ =	shalt  }
0x6a: {  	_ =	shalt  }
0x6b: {  	_ =	shalt  }
0x6c: {  	_ =	shalt  }
0x6d: {  	_ =	shalt  }
0x6e: {  	_ =	shalt  }
0x6f: {  	_ =	shalt  }
0x70: {  	_ =	shalt  }
0x71: {  	_ =	shalt  }
0x72: {  	_ =	shalt  }
0x73: {  	_ =	shalt  }
0x74: {  	_ =	shalt  }
0x75: {  	_ =	shalt  }
0x76: {  	_ =	shalt  }
0x77: {  	_ =	shalt  }
0x78: {  	_ =	shalt  }
0x79: {  	_ =	shalt  }
0x7a: {  	_ =	shalt  }
0x7b: {  	_ =	shalt  }
0x7c: {  	_ =	shalt  }
0x7d: {  	_ =	shalt  }
0x7e: {  	_ =	shalt  }
0x7f: {  	_ =	shalt  }
0x80: {  	_ =	shalt  }
0x81: {  	_ =	shalt  }
0x82: {  	_ =	shalt  }
0x83: {  	_ =	shalt  }
0x84: {  	_ =	shalt  }
0x85: {  	_ =	shalt  }
0x86: {  	_ =	shalt  }
0x87: {  	_ =	shalt  }
.Lfunc_end0:
.L_simem_size_0:
called_computation_lowered:
.L_overlay_start_0:
0x88: {  	s2 =	sld [smem:$0x3FD9]  }
0x89: {  	s3 =	sld [smem:$0x3FFE];
	_ =	sdelay $0x1  }
0x8a: {  	s1 =	srdreg.scid  }
0x8b: {  	s0 =	sand.u32 $0x1, s1  }
0x8c: {  	s17 =	sshll.u32 s0, $0xA;
	s2 =	sadd.s32 s3, s2  }
0x8d: {  	s2 =	sadd.s32 s2, s17  }
0x8e: {  	[smem:$0x3FC5] =	sst s2  }
0x8f: {  	_ = 	snop  }
0x90: {  	s2 =	sld [smem:$0x3FC8];
	(tm) =	ssettm $0x1  }
0x91: {  	s18 =	sld [smem:$0x3FFB];
	_ =	sdelay $0x3  }
0x92: {  	_ =	strace s18  }
0x93: {  	s3 =	sld [smem:$0x3FFC];
	_ =	sdelay $0x3  }
0x94: {  	_ =	strace s3  }
0x95: {  	s3 =	sld [smem:$0x3FFD];
	_ =	sdelay $0x3  }
0x96: {  	_ =	strace s3  }
0x97: {  	_ =	strace $0x8FFFFFFF  }
0x98: {  	s19 =	sld [smem:$0x3FDB];
	_ =	sdelay $0x1  }
0x99: {  	s4 =	simm.s32 $_scs_section_size  }
0x9a: {  	s5 =	simm.s32 $_size__tile_overlayer_lowered;
	s6 =	simm.s32 $_tile_overlayer_lowered  }
0x9b: {  	s22 =	simm.s32 $0x1BFF;
	s21 =	sshll.u32 s6, $0x1;
	s3 =	sadd.s32 s4, s19  }
0x9c: {  	s7 =	simm.s32 $0x0;
	s20 =	sshll.u32 s5, $0x1;
	s5 =	sadd.s32 s21, s3  }
0x9d: {  	[timem:s7], [sflag:s22] =	dma.local [hbm:s5], s20  }
0x9e: {  	_ =	swait.ge [sflag:s22], s20  }
0x9f: {  	s4 =	ssub.s32 $0x0, s20;
	[sflag:s22] =	ssyncset.done $0x0  }
0xa0: {  	[sflag:s22] =	ssyncadd.s32 s4;
	_ =	sdelay $0x1  }
0xa1: {  	s23 =	simm.s32 $0x1B8B  }
0xa2: {  	_ =	swait.ge [sflag:s23], $0x1  }
0xa3: {  	[sflag:s23] =	ssyncset.done $0x0  }
0xa4: {  	s25 =	simm.s32 $0x1B8E;
	s24 =	sld [smem:$0x3FFE];
	[sflag:s23] =	ssyncadd.s32 $0xFFFFFFFF  }
0xa5: {  	s26 =	simm.s32 $execute0_lowered;
	[smem:$0x3FD2] =	sst s25  }
0xa6: {  	s5 =	sshll.u32 s26, $0x1;
	_ =	strace $0x80000046;
	[dreg:$0x1] =	wrdreg $0xFFFFFFFF  }
0xa7: {  	s28 =	simm.s32 $_size_execute0_lowered;
	s3 =	sadd.s32 s3, s5;
	[dreg:$0x0] =	wrdreg $0x0  }
0xa8: {  	s5 =	sshll.u32 s28, $0x1;
	[dreg:$0x2] =	wrdreg s3  }
0xa9: {  	[dreg:$0x3] =	wrdreg s5  }
0xaa: {  	[dreg:$0x4] =	wrdreg $0xC0  }
0xab: {  	_ =	task [dreg:s7], $0x5FFFF  }
0xac: {  	[dreg:$0x1] =	wrdreg $0xFFFFFFFF  }
0xad: {  	[dreg:$0x0] =	wrdreg $0x60  }
0xae: {  	[dreg:$0x2] =	wrdreg s24  }
0xaf: {  	[dreg:$0x3] =	wrdreg s2  }
0xb0: {  	[dreg:$0x4] =	wrdreg $0x9  }
0xb1: {  	_ =	task.clear_ibuf [dreg:s7], $0x5FFFF;
	_ =	strace $0x90000046  }
0xb2: {  	s29 =	simm.s32 $0x9;
	_ =	strace $0x80000048  }
0xb3: {  	_ =	swait.ge [sflag:s29], $0x1  }
0xb4: {  	[sflag:s29] =	ssyncadd.s32 $0xFFFFFFFF  }
0xb5: {  	_ =	strace $0x90000048  }
0xb6: {  	_ =	sfence  }
0xb7: {  	s30 =	sld [smem:$0x0];
	_ =	sdelay $0x2  }
0xb8: {  	s31 =	sshll.u32 s1, $0xD;
	s1 =	sshrl.u32 s1, $0x2  }
0xb9: {  	s3 =	sand.u32 $0x4000, s31;
	s1 =	sadd.s32 s1, s30  }
0xba: {  	s0 =	sor.u32 s3, s0;
	s1 =	sshll.u32 s1, $0x11  }
0xbb: {  	s0 =	sor.u32 s1, s0  }
0xbc: {  	s0 =	sadd.s32 $0x8F2B, s0  }
0xbd: {  	[sflag:s0] =	ssyncadd.remote.s32 $0x1  }
0xbe: {  	_ =	sfence.sel $0xFFFF  }
0xbf: {  	[dreg:$0x0] =	wrdreg $0xFFFFFFFF;
	(pc) =	sbr.abs _section_cstart, $3  }
0xc0: {  	[dreg:$0x1] =	wrdreg $0xFFFFFFFF  }
0xc1: {  	_ =	task.clear_ibuf [dreg:s7], $0x2FFFF;
	_ =	strace $0x9FFFFFFF  }
0xc2: {  	(tm) =	ssettm $0x7FFFFFFF  }
0xc3: {  	_ =	shalt  }
tec
execute0_lowered:
.L_overlay_start_1:
0x0: {  	(tag) =	ssettag $0x1  }
0x1: {  	s4 =	rddreg [dreg:$0x0]  }
0x2: {  	s1 =	srdreg.scid;
	s5 =	rddreg [dreg:$0x1]  }
0x3: {  	s2 =	simm.s32 $0x0;
	s3 =	sand.u32 $0x1, s1;
	s1 =	rddreg [dreg:$0x2]  }
0x4: {  	s23 =	simm.s32 $0x100;
	[smem:$0x7FF] =	sst s2  }
0x5: {  	s24 =	simm.s32 $0x180;
	_ =	strace $0x80000047;
	[dreg:$0x5] =	wrdreg s23  }
0x6: {  	s25 =	simm.s32 $0x200;
	[dreg:$0x6] =	wrdreg s24  }
0x7: {  	s26 =	simm.s32 $0x280;
	[dreg:$0x7] =	wrdreg s25  }
0x8: {  	s28 =	simm.s32 $0x300;
	[dreg:$0x8] =	wrdreg s26  }
0x9: {  	s29 =	simm.s32 $0x380;
	[dreg:$0x9] =	wrdreg s28  }
0xa: {  	s30 =	simm.s32 $0x400;
	[dreg:$0xa] =	wrdreg s29  }
0xb: {  	s31 =	simm.s32 $0x480;
	[dreg:$0xb] =	wrdreg s30  }
0xc: {  	s8 =	simm.s32 $0x600;
	[dreg:$0xc] =	wrdreg s31  }
0xd: {  	s9 =	simm.s32 $0x680;
	[dreg:$0xf] =	wrdreg s8  }
0xe: {  	s10 =	simm.s32 $0x700;
	[dreg:$0x10] =	wrdreg s9  }
0xf: {  	s11 =	simm.s32 $0x780;
	[dreg:$0x11] =	wrdreg s10  }
0x10: {  	s12 =	simm.s32 $0x800;
	[dreg:$0x12] =	wrdreg s11  }
0x11: {  	s13 =	simm.s32 $0x880;
	[dreg:$0x13] =	wrdreg s12  }
0x12: {  	s14 =	simm.s32 $0x900;
	[dreg:$0x14] =	wrdreg s13  }
0x13: {  	s15 =	simm.s32 $0x980;
	[dreg:$0x15] =	wrdreg s14  }
0x14: {  	s16 =	simm.s32 $0xA00;
	[dreg:$0x16] =	wrdreg s15  }
0x15: {  	s17 =	simm.s32 $0xA80;
	[dreg:$0x17] =	wrdreg s16  }
0x16: {  	s18 =	simm.s32 $0xB00;
	[dreg:$0x18] =	wrdreg s17  }
0x17: {  	s19 =	simm.s32 $0xB80;
	[dreg:$0x19] =	wrdreg s18  }
0x18: {  	s20 =	simm.s32 $0xC00;
	[dreg:$0x1a] =	wrdreg s19  }
0x19: {  	s21 =	simm.s32 $0xC80;
	[dreg:$0x1b] =	wrdreg s20  }
0x1a: {  	[dreg:$0x1c] =	wrdreg s21;
	s23 =	simm.s32 $0xD80  }
0x1b: {  	s25 =	simm.s32 $0xE00;
	[dreg:$0x1e] =	wrdreg s23  }
0x1c: {  	s0 =	stileid.u32;
	s26 =	simm.s32 $0xE80;
	[dreg:$0x1f] =	wrdreg s25  }
0x1d: {  	s6 =	sshll.u32 s0, $0x6;
	s29 =	simm.s32 $0xF00;
	[smem:$0x7FA] =	sst s26  }
0x1e: {  	s7 =	sshll.u32 s3, $0x5;
	s30 =	simm.s32 $0xF80;
	[smem:$0x7FB] =	sst s29  }
0x1f: {  	s3 =	ssub.s32 $0x2, s3;
	s31 =	simm.s32 $0x1000;
	[smem:$0x7FC] =	sst s30  }
0x20: {  	s6 =	sor.u32 s7, s6;
	s24 =	sshrl.u32 s3, $0x1;
	[smem:$0x7FD] =	sst s31  }
0x21: {  	s7 =	sshll.u32 s6, $0x4;
	s6 =	sshrl.u32 s6, $0x3;
	s3 =	ssub.s32 s3, s24  }
0x22: {  	s7 =	sadd.s32 s7, s4;
	s5 =	sadd.s32 s5, s6;
	s28 =	smax.u32 s3, $0x1  }
0x23: {  	s6 =	simm.s32 $0x500;
	[dreg:$0x3] =	wrdreg s5;
	p1 =	sne.s32 s28, $0x1  }
.Ltmp0:
0x24: {  	s22 =	sadd.s32 $0x187400, s7;
	[dreg:$0xd] =	wrdreg s6;
	(pc) =	sbr.rel @!p1 .LBB2_3-.Ltmp0, $4  }
0x25: {  	p0 =	por $0x0, $0x0;
	s7 =	simm.s32 $0x580;
	[dreg:$0x4] =	wrdreg s22  }
0x26: {  	s3 =	simm.s32 $0x2;
	s6 =	sadd.s32 $0xA00, s4;
	[dreg:$0xe] =	wrdreg s7  }
0x27: {  	s4 =	simm.s32 $0x80;
	s22 =	simm.s32 $0xD00;
	s8 =	rddreg [dreg:$0x3]  }
0x28: {  	s5 =	simm.s32 $0x1;
	s7 =	sadd.s32 $0xFFFFFFFF, s28;
	[dreg:$0x1d] =	wrdreg s22  }
0x29: {  	[tilespmem:s2], [sflag:$0x2] =	stream.linear.gather [hbm4b:s8+s2], $0x20, $0x38;
	[tilespmem:$0x1080] =	vst v63  }
0x2a: {  	_ =	swait.ge [sflag:s3], $0x20  }
0x2b: {  	[sflag:s3] =	ssyncset.done $0x0  }
0x2c: {  	[sflag:s3] =	ssyncadd.s32 $0xFFFFFFE0  }
0x2d: {  	v0 =	vld [tilespmem:$0x0];
	_ =	sdelay $0x4  }
0x2e: {  	v0 =	vshll.u32 v0, $0x4  }
0x2f: {  	(v2sf) =	vpush v0, $0x0  }
0x30: {  	(v2sf) =	vpush v0, $0x1  }
0x31: {  	(v2sf) =	vpush v0, $0x2;
	_ =	sdelay $0x1  }
0x32: {  	s9 =	rddreg [dreg:$0x11];
	(v2sf) =	vpush v0, $0x3  }
0x33: {  	s10 =	rddreg [dreg:$0x10]  }
0x34: {  	s11 =	rddreg [dreg:$0xf];
	(v2sf) =	vpush v0, $0x4  }
0x35: {  	s12 =	rddreg [dreg:$0xe]  }
0x36: {  	s13 =	rddreg [dreg:$0xd];
	(v2sf) =	vpush v0, $0x5  }
0x37: {  	s14 =	rddreg [dreg:$0xc]  }
0x38: {  	s15 =	rddreg [dreg:$0xb];
	(v2sf) =	vpush v0, $0x6  }
0x39: {  	s16 =	rddreg [dreg:$0xa]  }
0x3a: {  	s17 =	rddreg [dreg:$0x9];
	(v2sf) =	vpush v0, $0x7  }
0x3b: {  	s18 =	rddreg [dreg:$0x8]  }
0x3c: {  	s19 =	rddreg [dreg:$0x7];
	(v2sf) =	vpush v0, $0x8  }
0x3d: {  	s20 =	rddreg [dreg:$0x6];
	s21 =	spop (v2sf)  }
0x3e: {  	s22 =	rddreg [dreg:$0x5];
	s21 =	sand.u32 $0x1FFFFFF0, s21;
	s23 =	spop (v2sf);
	(v2sf) =	vpush v0, $0x9  }
0x3f: {  	s21 =	sadd.s32 s6, s21;
	s23 =	sand.u32 $0x1FFFFFF0, s23;
	s24 =	spop (v2sf)  }
0x40: {  	(v2sf) =	vpush v0, $0xA;
	[tilespmem:s4], [sflag:$0x1] =	stream.linear.gather [hbm4b:s21+s2], $0x80, $0x38;
	[tilespmem:$0x1080] =	vst v63  }
0x41: {  	s29 =	sadd.s32 s6, s23;
	s30 =	sand.u32 $0x1FFFFFF0, s24;
	s31 =	spop (v2sf)  }
0x42: {  	(v2sf) =	vpush v0, $0xB;
	[tilespmem:s22], [sflag:$0x1] =	stream.linear.gather [hbm4b:s29+s2], $0x80, $0x38;
	[tilespmem:$0x1080] =	vst v63  }
0x43: {  	s25 =	sadd.s32 s6, s30;
	s26 =	sand.u32 $0x1FFFFFF0, s31;
	s28 =	spop (v2sf)  }
0x44: {  	(v2sf) =	vpush v0, $0xC;
	[tilespmem:s20], [sflag:$0x1] =	stream.linear.gather [hbm4b:s25+s2], $0x80, $0x38;
	[tilespmem:$0x1080] =	vst v63  }
0x45: {  	s29 =	sadd.s32 s6, s26;
	s30 =	sand.u32 $0x1FFFFFF0, s28;
	s31 =	spop (v2sf)  }
0x46: {  	(v2sf) =	vpush v0, $0xD;
	[tilespmem:s19], [sflag:$0x1] =	stream.linear.gather [hbm4b:s29+s2], $0x80, $0x38;
	[tilespmem:$0x1080] =	vst v63  }
0x47: {  	s21 =	sadd.s32 s6, s30;
	s23 =	sand.u32 $0x1FFFFFF0, s31;
	s24 =	spop (v2sf)  }
0x48: {  	(v2sf) =	vpush v0, $0xE;
	[tilespmem:s18], [sflag:$0x1] =	stream.linear.gather [hbm4b:s21+s2], $0x80, $0x38;
	[tilespmem:$0x1080] =	vst v63  }
0x49: {  	s25 =	sadd.s32 s6, s23;
	s26 =	sand.u32 $0x1FFFFFF0, s24;
	s28 =	spop (v2sf)  }
0x4a: {  	(v2sf) =	vpush v0, $0xF;
	[tilespmem:s17], [sflag:$0x1] =	stream.linear.gather [hbm4b:s25+s2], $0x80, $0x38;
	[tilespmem:$0x1080] =	vst v63  }
0x4b: {  	s30 =	sand.u32 $0x1FFFFFF0, s28;
	s31 =	spop (v2sf);
	s29 =	sadd.s32 s6, s26  }
0x4c: {  	[tilespmem:s16], [sflag:$0x1] =	stream.linear.gather [hbm4b:s29+s2], $0x80, $0x38;
	[tilespmem:$0x1080] =	vst v63  }
0x4d: {  	s20 =	sand.u32 $0x1FFFFFF0, s31;
	s18 =	sadd.s32 s6, s30;
	s21 =	spop (v2sf)  }
0x4e: {  	[tilespmem:s15], [sflag:$0x1] =	stream.linear.gather [hbm4b:s18+s2], $0x80, $0x38;
	[tilespmem:$0x1080] =	vst v63  }
0x4f: {  	s22 =	sadd.s32 s6, s20;
	s23 =	sand.u32 $0x1FFFFFF0, s21;
	s24 =	spop (v2sf)  }
0x50: {  	[tilespmem:s14], [sflag:$0x1] =	stream.linear.gather [hbm4b:s22+s2], $0x80, $0x38;
	[tilespmem:$0x1080] =	vst v63  }
0x51: {  	s25 =	sadd.s32 s6, s23;
	s26 =	sand.u32 $0x1FFFFFF0, s24;
	s28 =	spop (v2sf)  }
0x52: {  	[tilespmem:s13], [sflag:$0x1] =	stream.linear.gather [hbm4b:s25+s2], $0x80, $0x38;
	[tilespmem:$0x1080] =	vst v63  }
0x53: {  	s29 =	sadd.s32 s6, s26;
	s30 =	sand.u32 $0x1FFFFFF0, s28;
	s31 =	spop (v2sf)  }
0x54: {  	[tilespmem:s12], [sflag:$0x1] =	stream.linear.gather [hbm4b:s29+s2], $0x80, $0x38;
	[tilespmem:$0x1080] =	vst v63  }
0x55: {  	s14 =	sadd.s32 s6, s30;
	s15 =	sand.u32 $0x1FFFFFF0, s31;
	s16 =	spop (v2sf)  }
0x56: {  	[tilespmem:s11], [sflag:$0x1] =	stream.linear.gather [hbm4b:s14+s2], $0x80, $0x38;
	[tilespmem:$0x1080] =	vst v63  }
0x57: {  	s17 =	sadd.s32 s6, s15;
	s18 =	sand.u32 $0x1FFFFFF0, s16;
	s19 =	spop (v2sf)  }
0x58: {  	[tilespmem:s10], [sflag:$0x1] =	stream.linear.gather [hbm4b:s17+s2], $0x80, $0x38;
	[tilespmem:$0x1080] =	vst v63  }
0x59: {  	s20 =	sadd.s32 s6, s18;
	s21 =	sand.u32 $0x1FFFFFF0, s19;
	s22 =	spop (v2sf)  }
0x5a: {  	[tilespmem:s9], [sflag:$0x1] =	stream.linear.gather [hbm4b:s20+s2], $0x80, $0x38;
	[tilespmem:$0x1080] =	vst v63  }
0x5b: {  	s8 =	rddreg [dreg:$0x12];
	s23 =	sadd.s32 s6, s21;
	s24 =	sand.u32 $0x1FFFFFF0, s22  }
0x5c: {  	[tilespmem:s8], [sflag:$0x1] =	stream.linear.gather [hbm4b:s23+s2], $0x80, $0x38;
	[tilespmem:$0x1080] =	vst v63  }
0x5d: {  	s25 =	rddreg [dreg:$0x13];
	s26 =	sadd.s32 s6, s24  }
0x5e: {  	[tilespmem:s25], [sflag:$0x1] =	stream.linear.gather [hbm4b:s26+s2], $0x80, $0x38;
	[tilespmem:$0x1080] =	vst v63  }
0x5f: {  	v63 =	vld [tilespmem:$0x10];
	_ =	sdelay $0x4  }
0x60: {  	v0 =	vshll.u32 v63, $0x4  }
0x61: {  	(v2sf) =	vpush v0, $0x0  }
0x62: {  	(v2sf) =	vpush v0, $0x1  }
0x63: {  	s28 =	rddreg [dreg:$0x14];
	(v2sf) =	vpush v0, $0x2  }
0x64: {  	s30 =	rddreg [dreg:$0x15]  }
0x65: {  	s13 =	rddreg [dreg:$0x1d];
	(v2sf) =	vpush v0, $0x3  }
0x66: {  	s15 =	rddreg [dreg:$0x1b]  }
0x67: {  	s16 =	rddreg [dreg:$0x1a];
	(v2sf) =	vpush v0, $0x4  }
0x68: {  	s18 =	rddreg [dreg:$0x18]  }
0x69: {  	s19 =	rddreg [dreg:$0x17];
	(v2sf) =	vpush v0, $0x5  }
0x6a: {  	s12 =	rddreg [dreg:$0x1e]  }
0x6b: {  	s11 =	rddreg [dreg:$0x1f];
	(v2sf) =	vpush v0, $0x6  }
0x6c: {  	s14 =	rddreg [dreg:$0x1c]  }
0x6d: {  	s10 =	sld [smem:$0x7FA];
	(v2sf) =	vpush v0, $0x7  }
0x6e: {  	s17 =	rddreg [dreg:$0x19]  }
0x6f: {  	s9 =	sld [smem:$0x7FB];
	(v2sf) =	vpush v0, $0x8  }
0x70: {  	s20 =	rddreg [dreg:$0x16];
	s29 =	spop (v2sf)  }
0x71: {  	s8 =	sld [smem:$0x7FC];
	(v2sf) =	vpush v0, $0x9;
	s22 =	sand.u32 $0x1FFFFFF0, s29;
	s31 =	spop (v2sf)  }
0x72: {  	s22 =	sadd.s32 s6, s22;
	s24 =	sand.u32 $0x1FFFFFF0, s31;
	s25 =	spop (v2sf)  }
0x73: {  	(v2sf) =	vpush v0, $0xA;
	[tilespmem:s28], [sflag:$0x1] =	stream.linear.gather [hbm4b:s22+s2], $0x80, $0x38;
	[tilespmem:$0x1080] =	vst v63  }
0x74: {  	s24 =	sadd.s32 s6, s24;
	s26 =	sand.u32 $0x1FFFFFF0, s25;
	s28 =	spop (v2sf)  }
0x75: {  	(v2sf) =	vpush v0, $0xB;
	[tilespmem:s30], [sflag:$0x1] =	stream.linear.gather [hbm4b:s24+s2], $0x80, $0x38;
	[tilespmem:$0x1080] =	vst v63  }
0x76: {  	s29 =	sadd.s32 s6, s26;
	s31 =	spop (v2sf);
	s30 =	sand.u32 $0x1FFFFFF0, s28  }
0x77: {  	(v2sf) =	vpush v0, $0xC;
	[tilespmem:s20], [sflag:$0x1] =	stream.linear.gather [hbm4b:s29+s2], $0x80, $0x38;
	[tilespmem:$0x1080] =	vst v63  }
0x78: {  	s23 =	sand.u32 $0x1FFFFFF0, s31;
	s24 =	spop (v2sf);
	s22 =	sadd.s32 s6, s30  }
0x79: {  	(v2sf) =	vpush v0, $0xD;
	[tilespmem:s19], [sflag:$0x1] =	stream.linear.gather [hbm4b:s22+s2], $0x80, $0x38;
	[tilespmem:$0x1080] =	vst v63  }
0x7a: {  	s25 =	sadd.s32 s6, s23;
	s26 =	sand.u32 $0x1FFFFFF0, s24;
	s28 =	spop (v2sf)  }
0x7b: {  	(v2sf) =	vpush v0, $0xE;
	[tilespmem:s18], [sflag:$0x1] =	stream.linear.gather [hbm4b:s25+s2], $0x80, $0x38;
	[tilespmem:$0x1080] =	vst v63  }
0x7c: {  	s29 =	sadd.s32 s6, s26;
	s30 =	sand.u32 $0x1FFFFFF0, s28;
	s31 =	spop (v2sf)  }
0x7d: {  	(v2sf) =	vpush v0, $0xF;
	[tilespmem:s17], [sflag:$0x1] =	stream.linear.gather [hbm4b:s29+s2], $0x80, $0x38;
	[tilespmem:$0x1080] =	vst v63  }
0x7e: {  	s20 =	sand.u32 $0x1FFFFFF0, s31;
	s21 =	spop (v2sf);
	s19 =	sadd.s32 s6, s30  }
0x7f: {  	[tilespmem:s16], [sflag:$0x1] =	stream.linear.gather [hbm4b:s19+s2], $0x80, $0x38;
	[tilespmem:$0x1080] =	vst v63  }
0x80: {  	s22 =	sadd.s32 s6, s20;
	s23 =	sand.u32 $0x1FFFFFF0, s21;
	s24 =	spop (v2sf)  }
0x81: {  	[tilespmem:s15], [sflag:$0x1] =	stream.linear.gather [hbm4b:s22+s2], $0x80, $0x38;
	[tilespmem:$0x1080] =	vst v63  }
0x82: {  	s25 =	sadd.s32 s6, s23;
	s26 =	sand.u32 $0x1FFFFFF0, s24;
	s28 =	spop (v2sf)  }
0x83: {  	[tilespmem:s14], [sflag:$0x1] =	stream.linear.gather [hbm4b:s25+s2], $0x80, $0x38;
	[tilespmem:$0x1080] =	vst v63  }
0x84: {  	s29 =	sadd.s32 s6, s26;
	s30 =	sand.u32 $0x1FFFFFF0, s28;
	s31 =	spop (v2sf)  }
0x85: {  	[tilespmem:s13], [sflag:$0x1] =	stream.linear.gather [hbm4b:s29+s2], $0x80, $0x38;
	[tilespmem:$0x1080] =	vst v63  }
0x86: {  	s15 =	sand.u32 $0x1FFFFFF0, s31;
	s16 =	spop (v2sf);
	s14 =	sadd.s32 s6, s30  }
0x87: {  	[tilespmem:s12], [sflag:$0x1] =	stream.linear.gather [hbm4b:s14+s2], $0x80, $0x38;
	[tilespmem:$0x1080] =	vst v63  }
0x88: {  	s17 =	sadd.s32 s6, s15;
	s18 =	sand.u32 $0x1FFFFFF0, s16;
	s19 =	spop (v2sf)  }
0x89: {  	[tilespmem:s11], [sflag:$0x1] =	stream.linear.gather [hbm4b:s17+s2], $0x80, $0x38;
	[tilespmem:$0x1080] =	vst v63  }
0x8a: {  	s20 =	sadd.s32 s6, s18;
	s21 =	sand.u32 $0x1FFFFFF0, s19;
	s22 =	spop (v2sf)  }
0x8b: {  	[tilespmem:s10], [sflag:$0x1] =	stream.linear.gather [hbm4b:s20+s2], $0x80, $0x38;
	[tilespmem:$0x1080] =	vst v63  }
0x8c: {  	s23 =	sadd.s32 s6, s21;
	s24 =	sand.u32 $0x1FFFFFF0, s22;
	s25 =	spop (v2sf)  }
0x8d: {  	[tilespmem:s9], [sflag:$0x1] =	stream.linear.gather [hbm4b:s23+s2], $0x80, $0x38;
	[tilespmem:$0x1080] =	vst v63  }
0x8e: {  	s29 =	sld [smem:$0x7FD];
	s26 =	sadd.s32 s6, s24;
	s28 =	sand.u32 $0x1FFFFFF0, s25  }
0x8f: {  	[tilespmem:s8], [sflag:$0x1] =	stream.linear.gather [hbm4b:s26+s2], $0x80, $0x38;
	[tilespmem:$0x1080] =	vst v63  }
0x90: {  	s30 =	sadd.s32 s6, s28  }
0x91: {  	[tilespmem:s29], [sflag:$0x1] =	stream.linear.gather [hbm4b:s30+s2], $0x80, $0x38;
	[tilespmem:$0x1080] =	vst v63  }
0x92: {  	_ =	swait.ge [sflag:s5], $0x80  }
0x93: {  	[sflag:s5] =	ssyncset.done $0x0  }
0x94: {  	[sflag:s5] =	ssyncadd.s32 $0xFFFFFF80  }
0x95: {  	_ =	swait.ge [sflag:s5], $0x80  }
0x96: {  	[sflag:s5] =	ssyncset.done $0x0  }
0x97: {  	[sflag:s5] =	ssyncadd.s32 $0xFFFFFF80  }
0x98: {  	_ =	swait.ge [sflag:s5], $0x80  }
0x99: {  	[sflag:s5] =	ssyncset.done $0x0  }
0x9a: {  	[sflag:s5] =	ssyncadd.s32 $0xFFFFFF80  }
0x9b: {  	_ =	swait.ge [sflag:s5], $0x80  }
0x9c: {  	[sflag:s5] =	ssyncset.done $0x0  }
0x9d: {  	[sflag:s5] =	ssyncadd.s32 $0xFFFFFF80  }
0x9e: {  	_ =	swait.ge [sflag:s5], $0x80  }
0x9f: {  	[sflag:s5] =	ssyncset.done $0x0  }
0xa0: {  	[sflag:s5] =	ssyncadd.s32 $0xFFFFFF80  }
0xa1: {  	_ =	swait.ge [sflag:s5], $0x80  }
0xa2: {  	[sflag:s5] =	ssyncset.done $0x0  }
0xa3: {  	[sflag:s5] =	ssyncadd.s32 $0xFFFFFF80  }
0xa4: {  	_ =	swait.ge [sflag:s5], $0x80  }
0xa5: {  	[sflag:s5] =	ssyncset.done $0x0  }
0xa6: {  	[sflag:s5] =	ssyncadd.s32 $0xFFFFFF80  }
0xa7: {  	_ =	swait.ge [sflag:s5], $0x80  }
0xa8: {  	[sflag:s5] =	ssyncset.done $0x0  }
0xa9: {  	[sflag:s5] =	ssyncadd.s32 $0xFFFFFF80  }
0xaa: {  	_ =	swait.ge [sflag:s5], $0x80  }
0xab: {  	[sflag:s5] =	ssyncset.done $0x0  }
0xac: {  	[sflag:s5] =	ssyncadd.s32 $0xFFFFFF80  }
0xad: {  	_ =	swait.ge [sflag:s5], $0x80  }
0xae: {  	[sflag:s5] =	ssyncset.done $0x0  }
0xaf: {  	[sflag:s5] =	ssyncadd.s32 $0xFFFFFF80  }
0xb0: {  	_ =	swait.ge [sflag:s5], $0x80  }
0xb1: {  	[sflag:s5] =	ssyncset.done $0x0  }
0xb2: {  	[sflag:s5] =	ssyncadd.s32 $0xFFFFFF80  }
0xb3: {  	_ =	swait.ge [sflag:s5], $0x80  }
0xb4: {  	[sflag:s5] =	ssyncset.done $0x0  }
0xb5: {  	[sflag:s5] =	ssyncadd.s32 $0xFFFFFF80  }
0xb6: {  	_ =	swait.ge [sflag:s5], $0x80  }
0xb7: {  	[sflag:s5] =	ssyncset.done $0x0  }
0xb8: {  	[sflag:s5] =	ssyncadd.s32 $0xFFFFFF80  }
0xb9: {  	_ =	swait.ge [sflag:s5], $0x80  }
0xba: {  	[sflag:s5] =	ssyncset.done $0x0  }
0xbb: {  	[sflag:s5] =	ssyncadd.s32 $0xFFFFFF80  }
0xbc: {  	_ =	swait.ge [sflag:s5], $0x80  }
0xbd: {  	[sflag:s5] =	ssyncset.done $0x0  }
0xbe: {  	[sflag:s5] =	ssyncadd.s32 $0xFFFFFF80  }
0xbf: {  	_ =	swait.ge [sflag:s5], $0x80  }
0xc0: {  	[sflag:s5] =	ssyncset.done $0x0  }
0xc1: {  	[sflag:s5] =	ssyncadd.s32 $0xFFFFFF80  }
0xc2: {  	_ =	swait.ge [sflag:s5], $0x80  }
0xc3: {  	[sflag:s5] =	ssyncset.done $0x0  }
0xc4: {  	[sflag:s5] =	ssyncadd.s32 $0xFFFFFF80  }
0xc5: {  	_ =	swait.ge [sflag:s5], $0x80  }
0xc6: {  	[sflag:s5] =	ssyncset.done $0x0  }
0xc7: {  	[sflag:s5] =	ssyncadd.s32 $0xFFFFFF80  }
0xc8: {  	_ =	swait.ge [sflag:s5], $0x80  }
0xc9: {  	[sflag:s5] =	ssyncset.done $0x0  }
0xca: {  	[sflag:s5] =	ssyncadd.s32 $0xFFFFFF80  }
0xcb: {  	_ =	swait.ge [sflag:s5], $0x80  }
0xcc: {  	[sflag:s5] =	ssyncset.done $0x0  }
0xcd: {  	[sflag:s5] =	ssyncadd.s32 $0xFFFFFF80  }
0xce: {  	_ =	swait.ge [sflag:s5], $0x80  }
0xcf: {  	[sflag:s5] =	ssyncset.done $0x0  }
0xd0: {  	[sflag:s5] =	ssyncadd.s32 $0xFFFFFF80  }
0xd1: {  	_ =	swait.ge [sflag:s5], $0x80  }
0xd2: {  	[sflag:s5] =	ssyncset.done $0x0  }
0xd3: {  	[sflag:s5] =	ssyncadd.s32 $0xFFFFFF80  }
0xd4: {  	_ =	swait.ge [sflag:s5], $0x80  }
0xd5: {  	[sflag:s5] =	ssyncset.done $0x0  }
0xd6: {  	[sflag:s5] =	ssyncadd.s32 $0xFFFFFF80  }
0xd7: {  	_ =	swait.ge [sflag:s5], $0x80  }
0xd8: {  	[sflag:s5] =	ssyncset.done $0x0  }
0xd9: {  	[sflag:s5] =	ssyncadd.s32 $0xFFFFFF80  }
0xda: {  	_ =	swait.ge [sflag:s5], $0x80  }
0xdb: {  	[sflag:s5] =	ssyncset.done $0x0  }
0xdc: {  	[sflag:s5] =	ssyncadd.s32 $0xFFFFFF80  }
0xdd: {  	_ =	swait.ge [sflag:s5], $0x80  }
0xde: {  	[sflag:s5] =	ssyncset.done $0x0  }
0xdf: {  	[sflag:s5] =	ssyncadd.s32 $0xFFFFFF80  }
0xe0: {  	_ =	swait.ge [sflag:s5], $0x80  }
0xe1: {  	[sflag:s5] =	ssyncset.done $0x0  }
0xe2: {  	[sflag:s5] =	ssyncadd.s32 $0xFFFFFF80  }
0xe3: {  	_ =	swait.ge [sflag:s5], $0x80  }
0xe4: {  	[sflag:s5] =	ssyncset.done $0x0  }
0xe5: {  	[sflag:s5] =	ssyncadd.s32 $0xFFFFFF80  }
0xe6: {  	_ =	swait.ge [sflag:s5], $0x80  }
0xe7: {  	[sflag:s5] =	ssyncset.done $0x0  }
0xe8: {  	[sflag:s5] =	ssyncadd.s32 $0xFFFFFF80  }
0xe9: {  	_ =	swait.ge [sflag:s5], $0x80  }
0xea: {  	[sflag:s5] =	ssyncset.done $0x0  }
0xeb: {  	[sflag:s5] =	ssyncadd.s32 $0xFFFFFF80  }
0xec: {  	_ =	swait.ge [sflag:s5], $0x80  }
0xed: {  	[sflag:s5] =	ssyncset.done $0x0  }
0xee: {  	[sflag:s5] =	ssyncadd.s32 $0xFFFFFF80  }
0xef: {  	p1 =	sne.s32 s7, $0x1;
	_ =	swait.ge [sflag:s5], $0x80  }
.Ltmp1:
0xf0: {  	[sflag:s5] =	ssyncset.done $0x0;
	(pc) =	sbr.rel @!p1 .LBB2_3-.Ltmp1, $4  }
0xf1: {  	s31 =	rddreg [dreg:$0x4];
	[sflag:s5] =	ssyncadd.s32 $0xFFFFFF80  }
0xf2: {  	[hbm4b:s31+s2] =	stream.linear.scatter [tilespmem:s4], [sflag:$0x2], $0x1000, $0x38;
	[tilespmem:$0x1080] =	vst v63  }
0xf3: {  	s7 =	sadd.s32 $0xFFFFFFFF, s7;
	_ =	swait.ge [sflag:s3], $0x1000  }
0xf4: {  	p0 =	por $0x1, $0x1;
	s8 =	rddreg [dreg:$0x3];
	[sflag:s3] =	ssyncset.done $0x0  }
.LBB2_2:
0xf5: {  	[sflag:s3] =	ssyncadd.s32 $0xFFFFF000  }
0xf6: {  	[tilespmem:s2], [sflag:$0x2] =	stream.linear.gather [hbm4b:s8+s2], $0x20, $0x38;
	[tilespmem:$0x1080] =	vst v63  }
0xf7: {  	_ =	swait.ge [sflag:s3], $0x20  }
0xf8: {  	[sflag:s3] =	ssyncset.done $0x0  }
0xf9: {  	[sflag:s3] =	ssyncadd.s32 $0xFFFFFFE0  }
0xfa: {  	v0 =	vld [tilespmem:$0x0];
	_ =	sdelay $0x4  }
0xfb: {  	v0 =	vshll.u32 v0, $0x4  }
0xfc: {  	(v2sf) =	vpush v0, $0x0  }
0xfd: {  	(v2sf) =	vpush v0, $0x1  }
0xfe: {  	(v2sf) =	vpush v0, $0x2;
	_ =	sdelay $0x1  }
0xff: {  	s9 =	rddreg [dreg:$0x11];
	(v2sf) =	vpush v0, $0x3  }
0x100: {  	s10 =	rddreg [dreg:$0x10]  }
0x101: {  	s11 =	rddreg [dreg:$0xf];
	(v2sf) =	vpush v0, $0x4  }
0x102: {  	s12 =	rddreg [dreg:$0xe]  }
0x103: {  	s13 =	rddreg [dreg:$0xd];
	(v2sf) =	vpush v0, $0x5  }
0x104: {  	s14 =	rddreg [dreg:$0xc]  }
0x105: {  	s15 =	rddreg [dreg:$0xb];
	(v2sf) =	vpush v0, $0x6  }
0x106: {  	s16 =	rddreg [dreg:$0xa]  }
0x107: {  	s17 =	rddreg [dreg:$0x9];
	(v2sf) =	vpush v0, $0x7  }
0x108: {  	s18 =	rddreg [dreg:$0x8]  }
0x109: {  	s19 =	rddreg [dreg:$0x7];
	(v2sf) =	vpush v0, $0x8  }
0x10a: {  	s20 =	rddreg [dreg:$0x6];
	s21 =	spop (v2sf)  }
0x10b: {  	s22 =	rddreg [dreg:$0x5];
	s21 =	sand.u32 $0x1FFFFFF0, s21;
	s23 =	spop (v2sf);
	(v2sf) =	vpush v0, $0x9  }
0x10c: {  	s21 =	sadd.s32 s6, s21;
	s23 =	sand.u32 $0x1FFFFFF0, s23;
	s24 =	spop (v2sf)  }
0x10d: {  	(v2sf) =	vpush v0, $0xA;
	[tilespmem:s4], [sflag:$0x1] =	stream.linear.gather [hbm4b:s21+s2], $0x80, $0x38;
	[tilespmem:$0x1080] =	vst v63  }
0x10e: {  	s29 =	sadd.s32 s6, s23;
	s30 =	sand.u32 $0x1FFFFFF0, s24;
	s31 =	spop (v2sf)  }
0x10f: {  	(v2sf) =	vpush v0, $0xB;
	[tilespmem:s22], [sflag:$0x1] =	stream.linear.gather [hbm4b:s29+s2], $0x80, $0x38;
	[tilespmem:$0x1080] =	vst v63  }
0x110: {  	s25 =	sadd.s32 s6, s30;
	s26 =	sand.u32 $0x1FFFFFF0, s31;
	s28 =	spop (v2sf)  }
0x111: {  	(v2sf) =	vpush v0, $0xC;
	[tilespmem:s20], [sflag:$0x1] =	stream.linear.gather [hbm4b:s25+s2], $0x80, $0x38;
	[tilespmem:$0x1080] =	vst v63  }
0x112: {  	s29 =	sadd.s32 s6, s26;
	s30 =	sand.u32 $0x1FFFFFF0, s28;
	s31 =	spop (v2sf)  }
0x113: {  	(v2sf) =	vpush v0, $0xD;
	[tilespmem:s19], [sflag:$0x1] =	stream.linear.gather [hbm4b:s29+s2], $0x80, $0x38;
	[tilespmem:$0x1080] =	vst v63  }
0x114: {  	s21 =	sadd.s32 s6, s30;
	s23 =	sand.u32 $0x1FFFFFF0, s31;
	s24 =	spop (v2sf)  }
0x115: {  	(v2sf) =	vpush v0, $0xE;
	[tilespmem:s18], [sflag:$0x1] =	stream.linear.gather [hbm4b:s21+s2], $0x80, $0x38;
	[tilespmem:$0x1080] =	vst v63  }
0x116: {  	s25 =	sadd.s32 s6, s23;
	s26 =	sand.u32 $0x1FFFFFF0, s24;
	s28 =	spop (v2sf)  }
0x117: {  	(v2sf) =	vpush v0, $0xF;
	[tilespmem:s17], [sflag:$0x1] =	stream.linear.gather [hbm4b:s25+s2], $0x80, $0x38;
	[tilespmem:$0x1080] =	vst v63  }
0x118: {  	s30 =	sand.u32 $0x1FFFFFF0, s28;
	s31 =	spop (v2sf);
	s29 =	sadd.s32 s6, s26  }
0x119: {  	[tilespmem:s16], [sflag:$0x1] =	stream.linear.gather [hbm4b:s29+s2], $0x80, $0x38;
	[tilespmem:$0x1080] =	vst v63  }
0x11a: {  	s20 =	sand.u32 $0x1FFFFFF0, s31;
	s18 =	sadd.s32 s6, s30;
	s21 =	spop (v2sf)  }
0x11b: {  	[tilespmem:s15], [sflag:$0x1] =	stream.linear.gather [hbm4b:s18+s2], $0x80, $0x38;
	[tilespmem:$0x1080] =	vst v63  }
0x11c: {  	s22 =	sadd.s32 s6, s20;
	s23 =	sand.u32 $0x1FFFFFF0, s21;
	s24 =	spop (v2sf)  }
0x11d: {  	[tilespmem:s14], [sflag:$0x1] =	stream.linear.gather [hbm4b:s22+s2], $0x80, $0x38;
	[tilespmem:$0x1080] =	vst v63  }
0x11e: {  	s25 =	sadd.s32 s6, s23;
	s26 =	sand.u32 $0x1FFFFFF0, s24;
	s28 =	spop (v2sf)  }
0x11f: {  	[tilespmem:s13], [sflag:$0x1] =	stream.linear.gather [hbm4b:s25+s2], $0x80, $0x38;
	[tilespmem:$0x1080] =	vst v63  }
0x120: {  	s29 =	sadd.s32 s6, s26;
	s30 =	sand.u32 $0x1FFFFFF0, s28;
	s31 =	spop (v2sf)  }
0x121: {  	[tilespmem:s12], [sflag:$0x1] =	stream.linear.gather [hbm4b:s29+s2], $0x80, $0x38;
	[tilespmem:$0x1080] =	vst v63  }
0x122: {  	s14 =	sadd.s32 s6, s30;
	s15 =	sand.u32 $0x1FFFFFF0, s31;
	s16 =	spop (v2sf)  }
0x123: {  	[tilespmem:s11], [sflag:$0x1] =	stream.linear.gather [hbm4b:s14+s2], $0x80, $0x38;
	[tilespmem:$0x1080] =	vst v63  }
0x124: {  	s17 =	sadd.s32 s6, s15;
	s18 =	sand.u32 $0x1FFFFFF0, s16;
	s19 =	spop (v2sf)  }
0x125: {  	[tilespmem:s10], [sflag:$0x1] =	stream.linear.gather [hbm4b:s17+s2], $0x80, $0x38;
	[tilespmem:$0x1080] =	vst v63  }
0x126: {  	s20 =	sadd.s32 s6, s18;
	s21 =	sand.u32 $0x1FFFFFF0, s19;
	s22 =	spop (v2sf)  }
0x127: {  	[tilespmem:s9], [sflag:$0x1] =	stream.linear.gather [hbm4b:s20+s2], $0x80, $0x38;
	[tilespmem:$0x1080] =	vst v63  }
0x128: {  	s8 =	rddreg [dreg:$0x12];
	s23 =	sadd.s32 s6, s21;
	s24 =	sand.u32 $0x1FFFFFF0, s22  }
0x129: {  	[tilespmem:s8], [sflag:$0x1] =	stream.linear.gather [hbm4b:s23+s2], $0x80, $0x38;
	[tilespmem:$0x1080] =	vst v63  }
0x12a: {  	s25 =	rddreg [dreg:$0x13];
	s26 =	sadd.s32 s6, s24  }
0x12b: {  	[tilespmem:s25], [sflag:$0x1] =	stream.linear.gather [hbm4b:s26+s2], $0x80, $0x38;
	[tilespmem:$0x1080] =	vst v63  }
0x12c: {  	v63 =	vld [tilespmem:$0x10];
	_ =	sdelay $0x4  }
0x12d: {  	v0 =	vshll.u32 v63, $0x4  }
0x12e: {  	(v2sf) =	vpush v0, $0x0  }
0x12f: {  	(v2sf) =	vpush v0, $0x1  }
0x130: {  	s28 =	rddreg [dreg:$0x14];
	(v2sf) =	vpush v0, $0x2  }
0x131: {  	s30 =	rddreg [dreg:$0x15]  }
0x132: {  	s13 =	rddreg [dreg:$0x1d];
	(v2sf) =	vpush v0, $0x3  }
0x133: {  	s15 =	rddreg [dreg:$0x1b]  }
0x134: {  	s16 =	rddreg [dreg:$0x1a];
	(v2sf) =	vpush v0, $0x4  }
0x135: {  	s18 =	rddreg [dreg:$0x18]  }
0x136: {  	s19 =	rddreg [dreg:$0x17];
	(v2sf) =	vpush v0, $0x5  }
0x137: {  	s12 =	rddreg [dreg:$0x1e]  }
0x138: {  	s11 =	rddreg [dreg:$0x1f];
	(v2sf) =	vpush v0, $0x6  }
0x139: {  	s14 =	rddreg [dreg:$0x1c]  }
0x13a: {  	s10 =	sld [smem:$0x7FA];
	(v2sf) =	vpush v0, $0x7  }
0x13b: {  	s17 =	rddreg [dreg:$0x19]  }
0x13c: {  	s9 =	sld [smem:$0x7FB];
	(v2sf) =	vpush v0, $0x8  }
0x13d: {  	s20 =	rddreg [dreg:$0x16];
	s29 =	spop (v2sf)  }
0x13e: {  	s8 =	sld [smem:$0x7FC];
	s22 =	sand.u32 $0x1FFFFFF0, s29;
	s31 =	spop (v2sf);
	(v2sf) =	vpush v0, $0x9  }
0x13f: {  	s22 =	sadd.s32 s6, s22;
	s24 =	sand.u32 $0x1FFFFFF0, s31;
	s25 =	spop (v2sf)  }
0x140: {  	(v2sf) =	vpush v0, $0xA;
	[tilespmem:s28], [sflag:$0x1] =	stream.linear.gather [hbm4b:s22+s2], $0x80, $0x38;
	[tilespmem:$0x1080] =	vst v63  }
0x141: {  	s24 =	sadd.s32 s6, s24;
	s26 =	sand.u32 $0x1FFFFFF0, s25;
	s28 =	spop (v2sf)  }
0x142: {  	(v2sf) =	vpush v0, $0xB;
	[tilespmem:s30], [sflag:$0x1] =	stream.linear.gather [hbm4b:s24+s2], $0x80, $0x38;
	[tilespmem:$0x1080] =	vst v63  }
0x143: {  	s29 =	sadd.s32 s6, s26;
	s31 =	spop (v2sf);
	s30 =	sand.u32 $0x1FFFFFF0, s28  }
0x144: {  	(v2sf) =	vpush v0, $0xC;
	[tilespmem:s20], [sflag:$0x1] =	stream.linear.gather [hbm4b:s29+s2], $0x80, $0x38;
	[tilespmem:$0x1080] =	vst v63  }
0x145: {  	s23 =	sand.u32 $0x1FFFFFF0, s31;
	s24 =	spop (v2sf);
	s22 =	sadd.s32 s6, s30  }
0x146: {  	(v2sf) =	vpush v0, $0xD;
	[tilespmem:s19], [sflag:$0x1] =	stream.linear.gather [hbm4b:s22+s2], $0x80, $0x38;
	[tilespmem:$0x1080] =	vst v63  }
0x147: {  	s25 =	sadd.s32 s6, s23;
	s26 =	sand.u32 $0x1FFFFFF0, s24;
	s28 =	spop (v2sf)  }
0x148: {  	(v2sf) =	vpush v0, $0xE;
	[tilespmem:s18], [sflag:$0x1] =	stream.linear.gather [hbm4b:s25+s2], $0x80, $0x38;
	[tilespmem:$0x1080] =	vst v63  }
0x149: {  	s29 =	sadd.s32 s6, s26;
	s30 =	sand.u32 $0x1FFFFFF0, s28;
	s31 =	spop (v2sf)  }
0x14a: {  	(v2sf) =	vpush v0, $0xF;
	[tilespmem:s17], [sflag:$0x1] =	stream.linear.gather [hbm4b:s29+s2], $0x80, $0x38;
	[tilespmem:$0x1080] =	vst v63  }
0x14b: {  	s20 =	sand.u32 $0x1FFFFFF0, s31;
	s21 =	spop (v2sf);
	s19 =	sadd.s32 s6, s30  }
0x14c: {  	[tilespmem:s16], [sflag:$0x1] =	stream.linear.gather [hbm4b:s19+s2], $0x80, $0x38;
	[tilespmem:$0x1080] =	vst v63  }
0x14d: {  	s22 =	sadd.s32 s6, s20;
	s23 =	sand.u32 $0x1FFFFFF0, s21;
	s24 =	spop (v2sf)  }
0x14e: {  	[tilespmem:s15], [sflag:$0x1] =	stream.linear.gather [hbm4b:s22+s2], $0x80, $0x38;
	[tilespmem:$0x1080] =	vst v63  }
0x14f: {  	s25 =	sadd.s32 s6, s23;
	s26 =	sand.u32 $0x1FFFFFF0, s24;
	s28 =	spop (v2sf)  }
0x150: {  	[tilespmem:s14], [sflag:$0x1] =	stream.linear.gather [hbm4b:s25+s2], $0x80, $0x38;
	[tilespmem:$0x1080] =	vst v63  }
0x151: {  	s29 =	sadd.s32 s6, s26;
	s30 =	sand.u32 $0x1FFFFFF0, s28;
	s31 =	spop (v2sf)  }
0x152: {  	[tilespmem:s13], [sflag:$0x1] =	stream.linear.gather [hbm4b:s29+s2], $0x80, $0x38;
	[tilespmem:$0x1080] =	vst v63  }
0x153: {  	s14 =	sadd.s32 s6, s30;
	s15 =	sand.u32 $0x1FFFFFF0, s31;
	s16 =	spop (v2sf)  }
0x154: {  	[tilespmem:s12], [sflag:$0x1] =	stream.linear.gather [hbm4b:s14+s2], $0x80, $0x38;
	[tilespmem:$0x1080] =	vst v63  }
0x155: {  	s17 =	sadd.s32 s6, s15;
	s18 =	sand.u32 $0x1FFFFFF0, s16;
	s19 =	spop (v2sf)  }
0x156: {  	[tilespmem:s11], [sflag:$0x1] =	stream.linear.gather [hbm4b:s17+s2], $0x80, $0x38;
	[tilespmem:$0x1080] =	vst v63  }
0x157: {  	s20 =	sadd.s32 s6, s18;
	s21 =	sand.u32 $0x1FFFFFF0, s19;
	s22 =	spop (v2sf)  }
0x158: {  	[tilespmem:s10], [sflag:$0x1] =	stream.linear.gather [hbm4b:s20+s2], $0x80, $0x38;
	[tilespmem:$0x1080] =	vst v63  }
0x159: {  	s23 =	sadd.s32 s6, s21;
	s24 =	sand.u32 $0x1FFFFFF0, s22;
	s25 =	spop (v2sf)  }
0x15a: {  	[tilespmem:s9], [sflag:$0x1] =	stream.linear.gather [hbm4b:s23+s2], $0x80, $0x38;
	[tilespmem:$0x1080] =	vst v63  }
0x15b: {  	s29 =	sld [smem:$0x7FD];
	s26 =	sadd.s32 s6, s24;
	s28 =	sand.u32 $0x1FFFFFF0, s25  }
0x15c: {  	[tilespmem:s8], [sflag:$0x1] =	stream.linear.gather [hbm4b:s26+s2], $0x80, $0x38;
	[tilespmem:$0x1080] =	vst v63  }
0x15d: {  	s30 =	sadd.s32 s6, s28  }
0x15e: {  	[tilespmem:s29], [sflag:$0x1] =	stream.linear.gather [hbm4b:s30+s2], $0x80, $0x38;
	[tilespmem:$0x1080] =	vst v63  }
0x15f: {  	_ =	swait.ge [sflag:s5], $0x80  }
0x160: {  	[sflag:s5] =	ssyncset.done $0x0  }
0x161: {  	[sflag:s5] =	ssyncadd.s32 $0xFFFFFF80  }
0x162: {  	_ =	swait.ge [sflag:s5], $0x80  }
0x163: {  	[sflag:s5] =	ssyncset.done $0x0  }
0x164: {  	[sflag:s5] =	ssyncadd.s32 $0xFFFFFF80  }
0x165: {  	_ =	swait.ge [sflag:s5], $0x80  }
0x166: {  	[sflag:s5] =	ssyncset.done $0x0  }
0x167: {  	[sflag:s5] =	ssyncadd.s32 $0xFFFFFF80  }
0x168: {  	_ =	swait.ge [sflag:s5], $0x80  }
0x169: {  	[sflag:s5] =	ssyncset.done $0x0  }
0x16a: {  	[sflag:s5] =	ssyncadd.s32 $0xFFFFFF80  }
0x16b: {  	_ =	swait.ge [sflag:s5], $0x80  }
0x16c: {  	[sflag:s5] =	ssyncset.done $0x0  }
0x16d: {  	[sflag:s5] =	ssyncadd.s32 $0xFFFFFF80  }
0x16e: {  	_ =	swait.ge [sflag:s5], $0x80  }
0x16f: {  	[sflag:s5] =	ssyncset.done $0x0  }
0x170: {  	[sflag:s5] =	ssyncadd.s32 $0xFFFFFF80  }
0x171: {  	_ =	swait.ge [sflag:s5], $0x80  }
0x172: {  	[sflag:s5] =	ssyncset.done $0x0  }
0x173: {  	[sflag:s5] =	ssyncadd.s32 $0xFFFFFF80  }
0x174: {  	_ =	swait.ge [sflag:s5], $0x80  }
0x175: {  	[sflag:s5] =	ssyncset.done $0x0  }
0x176: {  	[sflag:s5] =	ssyncadd.s32 $0xFFFFFF80  }
0x177: {  	_ =	swait.ge [sflag:s5], $0x80  }
0x178: {  	[sflag:s5] =	ssyncset.done $0x0  }
0x179: {  	[sflag:s5] =	ssyncadd.s32 $0xFFFFFF80  }
0x17a: {  	_ =	swait.ge [sflag:s5], $0x80  }
0x17b: {  	[sflag:s5] =	ssyncset.done $0x0  }
0x17c: {  	[sflag:s5] =	ssyncadd.s32 $0xFFFFFF80  }
0x17d: {  	_ =	swait.ge [sflag:s5], $0x80  }
0x17e: {  	[sflag:s5] =	ssyncset.done $0x0  }
0x17f: {  	[sflag:s5] =	ssyncadd.s32 $0xFFFFFF80  }
0x180: {  	_ =	swait.ge [sflag:s5], $0x80  }
0x181: {  	[sflag:s5] =	ssyncset.done $0x0  }
0x182: {  	[sflag:s5] =	ssyncadd.s32 $0xFFFFFF80  }
0x183: {  	_ =	swait.ge [sflag:s5], $0x80  }
0x184: {  	[sflag:s5] =	ssyncset.done $0x0  }
0x185: {  	[sflag:s5] =	ssyncadd.s32 $0xFFFFFF80  }
0x186: {  	_ =	swait.ge [sflag:s5], $0x80  }
0x187: {  	[sflag:s5] =	ssyncset.done $0x0  }
0x188: {  	[sflag:s5] =	ssyncadd.s32 $0xFFFFFF80  }
0x189: {  	_ =	swait.ge [sflag:s5], $0x80  }
0x18a: {  	[sflag:s5] =	ssyncset.done $0x0  }
0x18b: {  	[sflag:s5] =	ssyncadd.s32 $0xFFFFFF80  }
0x18c: {  	_ =	swait.ge [sflag:s5], $0x80  }
0x18d: {  	[sflag:s5] =	ssyncset.done $0x0  }
0x18e: {  	[sflag:s5] =	ssyncadd.s32 $0xFFFFFF80  }
0x18f: {  	_ =	swait.ge [sflag:s5], $0x80  }
0x190: {  	[sflag:s5] =	ssyncset.done $0x0  }
0x191: {  	[sflag:s5] =	ssyncadd.s32 $0xFFFFFF80  }
0x192: {  	_ =	swait.ge [sflag:s5], $0x80  }
0x193: {  	[sflag:s5] =	ssyncset.done $0x0  }
0x194: {  	[sflag:s5] =	ssyncadd.s32 $0xFFFFFF80  }
0x195: {  	_ =	swait.ge [sflag:s5], $0x80  }
0x196: {  	[sflag:s5] =	ssyncset.done $0x0  }
0x197: {  	[sflag:s5] =	ssyncadd.s32 $0xFFFFFF80  }
0x198: {  	_ =	swait.ge [sflag:s5], $0x80  }
0x199: {  	[sflag:s5] =	ssyncset.done $0x0  }
0x19a: {  	[sflag:s5] =	ssyncadd.s32 $0xFFFFFF80  }
0x19b: {  	_ =	swait.ge [sflag:s5], $0x80  }
0x19c: {  	[sflag:s5] =	ssyncset.done $0x0  }
0x19d: {  	[sflag:s5] =	ssyncadd.s32 $0xFFFFFF80  }
0x19e: {  	_ =	swait.ge [sflag:s5], $0x80  }
0x19f: {  	[sflag:s5] =	ssyncset.done $0x0  }
0x1a0: {  	[sflag:s5] =	ssyncadd.s32 $0xFFFFFF80  }
0x1a1: {  	_ =	swait.ge [sflag:s5], $0x80  }
0x1a2: {  	[sflag:s5] =	ssyncset.done $0x0  }
0x1a3: {  	[sflag:s5] =	ssyncadd.s32 $0xFFFFFF80  }
0x1a4: {  	_ =	swait.ge [sflag:s5], $0x80  }
0x1a5: {  	[sflag:s5] =	ssyncset.done $0x0  }
0x1a6: {  	[sflag:s5] =	ssyncadd.s32 $0xFFFFFF80  }
0x1a7: {  	_ =	swait.ge [sflag:s5], $0x80  }
0x1a8: {  	[sflag:s5] =	ssyncset.done $0x0  }
0x1a9: {  	[sflag:s5] =	ssyncadd.s32 $0xFFFFFF80  }
0x1aa: {  	_ =	swait.ge [sflag:s5], $0x80  }
0x1ab: {  	[sflag:s5] =	ssyncset.done $0x0  }
0x1ac: {  	[sflag:s5] =	ssyncadd.s32 $0xFFFFFF80  }
0x1ad: {  	_ =	swait.ge [sflag:s5], $0x80  }
0x1ae: {  	[sflag:s5] =	ssyncset.done $0x0  }
0x1af: {  	[sflag:s5] =	ssyncadd.s32 $0xFFFFFF80  }
0x1b0: {  	_ =	swait.ge [sflag:s5], $0x80  }
0x1b1: {  	[sflag:s5] =	ssyncset.done $0x0  }
0x1b2: {  	[sflag:s5] =	ssyncadd.s32 $0xFFFFFF80  }
0x1b3: {  	_ =	swait.ge [sflag:s5], $0x80  }
0x1b4: {  	[sflag:s5] =	ssyncset.done $0x0  }
0x1b5: {  	[sflag:s5] =	ssyncadd.s32 $0xFFFFFF80  }
0x1b6: {  	_ =	swait.ge [sflag:s5], $0x80  }
0x1b7: {  	[sflag:s5] =	ssyncset.done $0x0  }
0x1b8: {  	[sflag:s5] =	ssyncadd.s32 $0xFFFFFF80  }
0x1b9: {  	_ =	swait.ge [sflag:s5], $0x80  }
0x1ba: {  	[sflag:s5] =	ssyncset.done $0x0  }
0x1bb: {  	[sflag:s5] =	ssyncadd.s32 $0xFFFFFF80  }
0x1bc: {  	p1 =	sne.s32 s7, $0x1;
	_ =	swait.ge [sflag:s5], $0x80  }
.Ltmp2:
0x1bd: {  	[sflag:s5] =	ssyncset.done $0x0;
	(pc) =	sbr.rel @p1 .LBB2_2-.Ltmp2, $4  }
0x1be: {  	s31 =	rddreg [dreg:$0x4];
	[sflag:s5] =	ssyncadd.s32 $0xFFFFFF80  }
0x1bf: {  	[hbm4b:s31+s2] =	stream.linear.scatter [tilespmem:s4], [sflag:$0x2], $0x1000, $0x38;
	[tilespmem:$0x1080] =	vst v63  }
0x1c0: {  	_ =	swait.ge [sflag:s3], $0x1000  }
0x1c1: {  	s7 =	sadd.s32 $0xFFFFFFFF, s7;
	s8 =	rddreg [dreg:$0x3];
	[sflag:s3] =	ssyncset.done $0x0  }
.LBB2_3:
0x1c2: {  	[sflag:s3] =	ssyncadd.s32 @p0 $0xFFFFF000  }
0x1c3: {  	[tilespmem:s2], [sflag:$0x2] =	stream.linear.gather [hbm4b:s8+s2], $0x20, $0x38;
	[tilespmem:$0x1080] =	vst v63  }
0x1c4: {  	_ =	swait.ge [sflag:s3], $0x20  }
0x1c5: {  	[sflag:s3] =	ssyncset.done $0x0  }
0x1c6: {  	[sflag:s3] =	ssyncadd.s32 $0xFFFFFFE0  }
0x1c7: {  	v0 =	vld [tilespmem:$0x0];
	_ =	sdelay $0x4  }
0x1c8: {  	v0 =	vshll.u32 v0, $0x4  }
0x1c9: {  	(v2sf) =	vpush v0, $0x0  }
0x1ca: {  	(v2sf) =	vpush v0, $0x1  }
0x1cb: {  	(v2sf) =	vpush v0, $0x2;
	_ =	sdelay $0x1  }
0x1cc: {  	s8 =	rddreg [dreg:$0x11];
	(v2sf) =	vpush v0, $0x3  }
0x1cd: {  	s9 =	rddreg [dreg:$0x10]  }
0x1ce: {  	s10 =	rddreg [dreg:$0xf];
	(v2sf) =	vpush v0, $0x4  }
0x1cf: {  	s11 =	rddreg [dreg:$0xe]  }
0x1d0: {  	s12 =	rddreg [dreg:$0xd];
	(v2sf) =	vpush v0, $0x5  }
0x1d1: {  	s13 =	rddreg [dreg:$0xc]  }
0x1d2: {  	s14 =	rddreg [dreg:$0xb];
	(v2sf) =	vpush v0, $0x6  }
0x1d3: {  	s15 =	rddreg [dreg:$0xa]  }
0x1d4: {  	s16 =	rddreg [dreg:$0x9];
	(v2sf) =	vpush v0, $0x7  }
0x1d5: {  	s17 =	rddreg [dreg:$0x8]  }
0x1d6: {  	s18 =	rddreg [dreg:$0x7];
	(v2sf) =	vpush v0, $0x8  }
0x1d7: {  	s19 =	rddreg [dreg:$0x6];
	s20 =	spop (v2sf)  }
0x1d8: {  	s21 =	rddreg [dreg:$0x5];
	s20 =	sand.u32 $0x1FFFFFF0, s20;
	s22 =	spop (v2sf);
	(v2sf) =	vpush v0, $0x9  }
0x1d9: {  	s20 =	sadd.s32 s6, s20;
	s22 =	sand.u32 $0x1FFFFFF0, s22;
	s23 =	spop (v2sf)  }
0x1da: {  	(v2sf) =	vpush v0, $0xA;
	[tilespmem:s4], [sflag:$0x1] =	stream.linear.gather [hbm4b:s20+s2], $0x80, $0x38;
	[tilespmem:$0x1080] =	vst v63  }
0x1db: {  	s22 =	sadd.s32 s6, s22;
	s23 =	sand.u32 $0x1FFFFFF0, s23;
	s24 =	spop (v2sf)  }
0x1dc: {  	(v2sf) =	vpush v0, $0xB;
	[tilespmem:s21], [sflag:$0x1] =	stream.linear.gather [hbm4b:s22+s2], $0x80, $0x38;
	[tilespmem:$0x1080] =	vst v63  }
0x1dd: {  	s25 =	sadd.s32 s6, s23;
	s26 =	sand.u32 $0x1FFFFFF0, s24;
	s28 =	spop (v2sf)  }
0x1de: {  	(v2sf) =	vpush v0, $0xC;
	[tilespmem:s19], [sflag:$0x1] =	stream.linear.gather [hbm4b:s25+s2], $0x80, $0x38;
	[tilespmem:$0x1080] =	vst v63  }
0x1df: {  	s29 =	sadd.s32 s6, s26;
	s30 =	sand.u32 $0x1FFFFFF0, s28;
	s31 =	spop (v2sf)  }
0x1e0: {  	(v2sf) =	vpush v0, $0xD;
	[tilespmem:s18], [sflag:$0x1] =	stream.linear.gather [hbm4b:s29+s2], $0x80, $0x38;
	[tilespmem:$0x1080] =	vst v63  }
0x1e1: {  	s22 =	sadd.s32 s6, s30;
	s23 =	sand.u32 $0x1FFFFFF0, s31;
	s24 =	spop (v2sf)  }
0x1e2: {  	(v2sf) =	vpush v0, $0xE;
	[tilespmem:s17], [sflag:$0x1] =	stream.linear.gather [hbm4b:s22+s2], $0x80, $0x38;
	[tilespmem:$0x1080] =	vst v63  }
0x1e3: {  	s25 =	sadd.s32 s6, s23;
	s26 =	sand.u32 $0x1FFFFFF0, s24;
	s28 =	spop (v2sf)  }
0x1e4: {  	(v2sf) =	vpush v0, $0xF;
	[tilespmem:s16], [sflag:$0x1] =	stream.linear.gather [hbm4b:s25+s2], $0x80, $0x38;
	[tilespmem:$0x1080] =	vst v63  }
0x1e5: {  	s30 =	sand.u32 $0x1FFFFFF0, s28;
	s31 =	spop (v2sf);
	s29 =	sadd.s32 s6, s26  }
0x1e6: {  	[tilespmem:s15], [sflag:$0x1] =	stream.linear.gather [hbm4b:s29+s2], $0x80, $0x38;
	[tilespmem:$0x1080] =	vst v63  }
0x1e7: {  	s19 =	sadd.s32 s6, s30;
	s20 =	sand.u32 $0x1FFFFFF0, s31;
	s21 =	spop (v2sf)  }
0x1e8: {  	[tilespmem:s14], [sflag:$0x1] =	stream.linear.gather [hbm4b:s19+s2], $0x80, $0x38;
	[tilespmem:$0x1080] =	vst v63  }
0x1e9: {  	s22 =	sadd.s32 s6, s20;
	s23 =	sand.u32 $0x1FFFFFF0, s21;
	s24 =	spop (v2sf)  }
0x1ea: {  	[tilespmem:s13], [sflag:$0x1] =	stream.linear.gather [hbm4b:s22+s2], $0x80, $0x38;
	[tilespmem:$0x1080] =	vst v63  }
0x1eb: {  	s25 =	sadd.s32 s6, s23;
	s26 =	sand.u32 $0x1FFFFFF0, s24;
	s28 =	spop (v2sf)  }
0x1ec: {  	[tilespmem:s12], [sflag:$0x1] =	stream.linear.gather [hbm4b:s25+s2], $0x80, $0x38;
	[tilespmem:$0x1080] =	vst v63  }
0x1ed: {  	s29 =	sadd.s32 s6, s26;
	s30 =	sand.u32 $0x1FFFFFF0, s28;
	s31 =	spop (v2sf)  }
0x1ee: {  	[tilespmem:s11], [sflag:$0x1] =	stream.linear.gather [hbm4b:s29+s2], $0x80, $0x38;
	[tilespmem:$0x1080] =	vst v63  }
0x1ef: {  	s15 =	sadd.s32 s6, s30;
	s16 =	sand.u32 $0x1FFFFFF0, s31;
	s17 =	spop (v2sf)  }
0x1f0: {  	[tilespmem:s10], [sflag:$0x1] =	stream.linear.gather [hbm4b:s15+s2], $0x80, $0x38;
	[tilespmem:$0x1080] =	vst v63  }
0x1f1: {  	s18 =	sadd.s32 s6, s16;
	s19 =	sand.u32 $0x1FFFFFF0, s17;
	s20 =	spop (v2sf)  }
0x1f2: {  	[tilespmem:s9], [sflag:$0x1] =	stream.linear.gather [hbm4b:s18+s2], $0x80, $0x38;
	[tilespmem:$0x1080] =	vst v63  }
0x1f3: {  	s21 =	sadd.s32 s6, s19;
	s22 =	sand.u32 $0x1FFFFFF0, s20;
	s23 =	spop (v2sf)  }
0x1f4: {  	[tilespmem:s8], [sflag:$0x1] =	stream.linear.gather [hbm4b:s21+s2], $0x80, $0x38;
	[tilespmem:$0x1080] =	vst v63  }
0x1f5: {  	s7 =	rddreg [dreg:$0x12];
	s24 =	sadd.s32 s6, s22;
	s25 =	sand.u32 $0x1FFFFFF0, s23  }
0x1f6: {  	[tilespmem:s7], [sflag:$0x1] =	stream.linear.gather [hbm4b:s24+s2], $0x80, $0x38;
	[tilespmem:$0x1080] =	vst v63  }
0x1f7: {  	s26 =	rddreg [dreg:$0x13];
	s28 =	sadd.s32 s6, s25  }
0x1f8: {  	[tilespmem:s26], [sflag:$0x1] =	stream.linear.gather [hbm4b:s28+s2], $0x80, $0x38;
	[tilespmem:$0x1080] =	vst v63  }
0x1f9: {  	v63 =	vld [tilespmem:$0x10];
	_ =	sdelay $0x4  }
0x1fa: {  	v0 =	vshll.u32 v63, $0x4  }
0x1fb: {  	(v2sf) =	vpush v0, $0x0  }
0x1fc: {  	(v2sf) =	vpush v0, $0x1  }
0x1fd: {  	s14 =	rddreg [dreg:$0x1b];
	(v2sf) =	vpush v0, $0x2  }
0x1fe: {  	s13 =	rddreg [dreg:$0x1c]  }
0x1ff: {  	s31 =	rddreg [dreg:$0x15];
	(v2sf) =	vpush v0, $0x3  }
0x200: {  	s12 =	rddreg [dreg:$0x1d]  }
0x201: {  	s16 =	rddreg [dreg:$0x19];
	(v2sf) =	vpush v0, $0x4  }
0x202: {  	s17 =	rddreg [dreg:$0x18]  }
0x203: {  	s19 =	rddreg [dreg:$0x16];
	(v2sf) =	vpush v0, $0x5  }
0x204: {  	s11 =	rddreg [dreg:$0x1e]  }
0x205: {  	s29 =	rddreg [dreg:$0x14];
	(v2sf) =	vpush v0, $0x6  }
0x206: {  	s10 =	rddreg [dreg:$0x1f]  }
0x207: {  	s15 =	rddreg [dreg:$0x1a];
	(v2sf) =	vpush v0, $0x7  }
0x208: {  	s9 =	sld [smem:$0x7FA]  }
0x209: {  	s18 =	rddreg [dreg:$0x17];
	(v2sf) =	vpush v0, $0x8  }
0x20a: {  	s8 =	sld [smem:$0x7FB];
	s30 =	spop (v2sf)  }
0x20b: {  	s7 =	sld [smem:$0x7FC];
	(v2sf) =	vpush v0, $0x9;
	s21 =	sand.u32 $0x1FFFFFF0, s30;
	s24 =	spop (v2sf)  }
0x20c: {  	s21 =	sadd.s32 s6, s21;
	s23 =	sand.u32 $0x1FFFFFF0, s24;
	s24 =	spop (v2sf)  }
0x20d: {  	(v2sf) =	vpush v0, $0xA;
	[tilespmem:s29], [sflag:$0x1] =	stream.linear.gather [hbm4b:s21+s2], $0x80, $0x38;
	[tilespmem:$0x1080] =	vst v63  }
0x20e: {  	s25 =	sadd.s32 s6, s23;
	s26 =	sand.u32 $0x1FFFFFF0, s24;
	s28 =	spop (v2sf)  }
0x20f: {  	(v2sf) =	vpush v0, $0xB;
	[tilespmem:s31], [sflag:$0x1] =	stream.linear.gather [hbm4b:s25+s2], $0x80, $0x38;
	[tilespmem:$0x1080] =	vst v63  }
0x210: {  	s29 =	sadd.s32 s6, s26;
	s30 =	sand.u32 $0x1FFFFFF0, s28;
	s31 =	spop (v2sf)  }
0x211: {  	(v2sf) =	vpush v0, $0xC;
	[tilespmem:s19], [sflag:$0x1] =	stream.linear.gather [hbm4b:s29+s2], $0x80, $0x38;
	[tilespmem:$0x1080] =	vst v63  }
0x212: {  	s21 =	sadd.s32 s6, s30;
	s23 =	sand.u32 $0x1FFFFFF0, s31;
	s24 =	spop (v2sf)  }
0x213: {  	(v2sf) =	vpush v0, $0xD;
	[tilespmem:s18], [sflag:$0x1] =	stream.linear.gather [hbm4b:s21+s2], $0x80, $0x38;
	[tilespmem:$0x1080] =	vst v63  }
0x214: {  	s25 =	sadd.s32 s6, s23;
	s26 =	sand.u32 $0x1FFFFFF0, s24;
	s28 =	spop (v2sf)  }
0x215: {  	(v2sf) =	vpush v0, $0xE;
	[tilespmem:s17], [sflag:$0x1] =	stream.linear.gather [hbm4b:s25+s2], $0x80, $0x38;
	[tilespmem:$0x1080] =	vst v63  }
0x216: {  	s29 =	sadd.s32 s6, s26;
	s30 =	sand.u32 $0x1FFFFFF0, s28;
	s31 =	spop (v2sf)  }
0x217: {  	(v2sf) =	vpush v0, $0xF;
	[tilespmem:s16], [sflag:$0x1] =	stream.linear.gather [hbm4b:s29+s2], $0x80, $0x38;
	[tilespmem:$0x1080] =	vst v63  }
0x218: {  	s18 =	sadd.s32 s6, s30;
	s20 =	sand.u32 $0x1FFFFFF0, s31;
	s21 =	spop (v2sf)  }
0x219: {  	[tilespmem:s15], [sflag:$0x1] =	stream.linear.gather [hbm4b:s18+s2], $0x80, $0x38;
	[tilespmem:$0x1080] =	vst v63  }
0x21a: {  	s22 =	sadd.s32 s6, s20;
	s23 =	sand.u32 $0x1FFFFFF0, s21;
	s24 =	spop (v2sf)  }
0x21b: {  	[tilespmem:s14], [sflag:$0x1] =	stream.linear.gather [hbm4b:s22+s2], $0x80, $0x38;
	[tilespmem:$0x1080] =	vst v63  }
0x21c: {  	s25 =	sadd.s32 s6, s23;
	s26 =	sand.u32 $0x1FFFFFF0, s24;
	s28 =	spop (v2sf)  }
0x21d: {  	[tilespmem:s13], [sflag:$0x1] =	stream.linear.gather [hbm4b:s25+s2], $0x80, $0x38;
	[tilespmem:$0x1080] =	vst v63  }
0x21e: {  	s29 =	sadd.s32 s6, s26;
	s30 =	sand.u32 $0x1FFFFFF0, s28;
	s31 =	spop (v2sf)  }
0x21f: {  	[tilespmem:s12], [sflag:$0x1] =	stream.linear.gather [hbm4b:s29+s2], $0x80, $0x38;
	[tilespmem:$0x1080] =	vst v63  }
0x220: {  	s14 =	sadd.s32 s6, s30;
	s15 =	sand.u32 $0x1FFFFFF0, s31;
	s16 =	spop (v2sf)  }
0x221: {  	[tilespmem:s11], [sflag:$0x1] =	stream.linear.gather [hbm4b:s14+s2], $0x80, $0x38;
	[tilespmem:$0x1080] =	vst v63  }
0x222: {  	s17 =	sadd.s32 s6, s15;
	s18 =	sand.u32 $0x1FFFFFF0, s16;
	s19 =	spop (v2sf)  }
0x223: {  	[tilespmem:s10], [sflag:$0x1] =	stream.linear.gather [hbm4b:s17+s2], $0x80, $0x38;
	[tilespmem:$0x1080] =	vst v63  }
0x224: {  	s20 =	sadd.s32 s6, s18;
	s21 =	sand.u32 $0x1FFFFFF0, s19;
	s22 =	spop (v2sf)  }
0x225: {  	[tilespmem:s9], [sflag:$0x1] =	stream.linear.gather [hbm4b:s20+s2], $0x80, $0x38;
	[tilespmem:$0x1080] =	vst v63  }
0x226: {  	s23 =	sadd.s32 s6, s21;
	s24 =	sand.u32 $0x1FFFFFF0, s22;
	s25 =	spop (v2sf)  }
0x227: {  	[tilespmem:s8], [sflag:$0x1] =	stream.linear.gather [hbm4b:s23+s2], $0x80, $0x38;
	[tilespmem:$0x1080] =	vst v63  }
0x228: {  	s29 =	sld [smem:$0x7FD];
	s26 =	sadd.s32 s6, s24;
	s28 =	sand.u32 $0x1FFFFFF0, s25  }
0x229: {  	[tilespmem:s7], [sflag:$0x1] =	stream.linear.gather [hbm4b:s26+s2], $0x80, $0x38;
	[tilespmem:$0x1080] =	vst v63  }
0x22a: {  	s30 =	sadd.s32 s6, s28  }
0x22b: {  	[tilespmem:s29], [sflag:$0x1] =	stream.linear.gather [hbm4b:s30+s2], $0x80, $0x38;
	[tilespmem:$0x1080] =	vst v63  }
0x22c: {  	_ =	swait.ge [sflag:s5], $0x80  }
0x22d: {  	[sflag:s5] =	ssyncset.done $0x0  }
0x22e: {  	[sflag:s5] =	ssyncadd.s32 $0xFFFFFF80  }
0x22f: {  	_ =	swait.ge [sflag:s5], $0x80  }
0x230: {  	[sflag:s5] =	ssyncset.done $0x0  }
0x231: {  	[sflag:s5] =	ssyncadd.s32 $0xFFFFFF80  }
0x232: {  	_ =	swait.ge [sflag:s5], $0x80  }
0x233: {  	[sflag:s5] =	ssyncset.done $0x0  }
0x234: {  	[sflag:s5] =	ssyncadd.s32 $0xFFFFFF80  }
0x235: {  	_ =	swait.ge [sflag:s5], $0x80  }
0x236: {  	[sflag:s5] =	ssyncset.done $0x0  }
0x237: {  	[sflag:s5] =	ssyncadd.s32 $0xFFFFFF80  }
0x238: {  	_ =	swait.ge [sflag:s5], $0x80  }
0x239: {  	[sflag:s5] =	ssyncset.done $0x0  }
0x23a: {  	[sflag:s5] =	ssyncadd.s32 $0xFFFFFF80  }
0x23b: {  	_ =	swait.ge [sflag:s5], $0x80  }
0x23c: {  	[sflag:s5] =	ssyncset.done $0x0  }
0x23d: {  	[sflag:s5] =	ssyncadd.s32 $0xFFFFFF80  }
0x23e: {  	_ =	swait.ge [sflag:s5], $0x80  }
0x23f: {  	[sflag:s5] =	ssyncset.done $0x0  }
0x240: {  	[sflag:s5] =	ssyncadd.s32 $0xFFFFFF80  }
0x241: {  	_ =	swait.ge [sflag:s5], $0x80  }
0x242: {  	[sflag:s5] =	ssyncset.done $0x0  }
0x243: {  	[sflag:s5] =	ssyncadd.s32 $0xFFFFFF80  }
0x244: {  	_ =	swait.ge [sflag:s5], $0x80  }
0x245: {  	[sflag:s5] =	ssyncset.done $0x0  }
0x246: {  	[sflag:s5] =	ssyncadd.s32 $0xFFFFFF80  }
0x247: {  	_ =	swait.ge [sflag:s5], $0x80  }
0x248: {  	[sflag:s5] =	ssyncset.done $0x0  }
0x249: {  	[sflag:s5] =	ssyncadd.s32 $0xFFFFFF80  }
0x24a: {  	_ =	swait.ge [sflag:s5], $0x80  }
0x24b: {  	[sflag:s5] =	ssyncset.done $0x0  }
0x24c: {  	[sflag:s5] =	ssyncadd.s32 $0xFFFFFF80  }
0x24d: {  	_ =	swait.ge [sflag:s5], $0x80  }
0x24e: {  	[sflag:s5] =	ssyncset.done $0x0  }
0x24f: {  	[sflag:s5] =	ssyncadd.s32 $0xFFFFFF80  }
0x250: {  	_ =	swait.ge [sflag:s5], $0x80  }
0x251: {  	[sflag:s5] =	ssyncset.done $0x0  }
0x252: {  	[sflag:s5] =	ssyncadd.s32 $0xFFFFFF80  }
0x253: {  	_ =	swait.ge [sflag:s5], $0x80  }
0x254: {  	[sflag:s5] =	ssyncset.done $0x0  }
0x255: {  	[sflag:s5] =	ssyncadd.s32 $0xFFFFFF80  }
0x256: {  	_ =	swait.ge [sflag:s5], $0x80  }
0x257: {  	[sflag:s5] =	ssyncset.done $0x0  }
0x258: {  	[sflag:s5] =	ssyncadd.s32 $0xFFFFFF80  }
0x259: {  	_ =	swait.ge [sflag:s5], $0x80  }
0x25a: {  	[sflag:s5] =	ssyncset.done $0x0  }
0x25b: {  	[sflag:s5] =	ssyncadd.s32 $0xFFFFFF80  }
0x25c: {  	_ =	swait.ge [sflag:s5], $0x80  }
0x25d: {  	[sflag:s5] =	ssyncset.done $0x0  }
0x25e: {  	[sflag:s5] =	ssyncadd.s32 $0xFFFFFF80  }
0x25f: {  	_ =	swait.ge [sflag:s5], $0x80  }
0x260: {  	[sflag:s5] =	ssyncset.done $0x0  }
0x261: {  	[sflag:s5] =	ssyncadd.s32 $0xFFFFFF80  }
0x262: {  	_ =	swait.ge [sflag:s5], $0x80  }
0x263: {  	[sflag:s5] =	ssyncset.done $0x0  }
0x264: {  	[sflag:s5] =	ssyncadd.s32 $0xFFFFFF80  }
0x265: {  	_ =	swait.ge [sflag:s5], $0x80  }
0x266: {  	[sflag:s5] =	ssyncset.done $0x0  }
0x267: {  	[sflag:s5] =	ssyncadd.s32 $0xFFFFFF80  }
0x268: {  	_ =	swait.ge [sflag:s5], $0x80  }
0x269: {  	[sflag:s5] =	ssyncset.done $0x0  }
0x26a: {  	[sflag:s5] =	ssyncadd.s32 $0xFFFFFF80  }
0x26b: {  	_ =	swait.ge [sflag:s5], $0x80  }
0x26c: {  	[sflag:s5] =	ssyncset.done $0x0  }
0x26d: {  	[sflag:s5] =	ssyncadd.s32 $0xFFFFFF80  }
0x26e: {  	_ =	swait.ge [sflag:s5], $0x80  }
0x26f: {  	[sflag:s5] =	ssyncset.done $0x0  }
0x270: {  	[sflag:s5] =	ssyncadd.s32 $0xFFFFFF80  }
0x271: {  	_ =	swait.ge [sflag:s5], $0x80  }
0x272: {  	[sflag:s5] =	ssyncset.done $0x0  }
0x273: {  	[sflag:s5] =	ssyncadd.s32 $0xFFFFFF80  }
0x274: {  	_ =	swait.ge [sflag:s5], $0x80  }
0x275: {  	[sflag:s5] =	ssyncset.done $0x0  }
0x276: {  	[sflag:s5] =	ssyncadd.s32 $0xFFFFFF80  }
0x277: {  	_ =	swait.ge [sflag:s5], $0x80  }
0x278: {  	[sflag:s5] =	ssyncset.done $0x0  }
0x279: {  	[sflag:s5] =	ssyncadd.s32 $0xFFFFFF80  }
0x27a: {  	_ =	swait.ge [sflag:s5], $0x80  }
0x27b: {  	[sflag:s5] =	ssyncset.done $0x0  }
0x27c: {  	[sflag:s5] =	ssyncadd.s32 $0xFFFFFF80  }
0x27d: {  	_ =	swait.ge [sflag:s5], $0x80  }
0x27e: {  	[sflag:s5] =	ssyncset.done $0x0  }
0x27f: {  	[sflag:s5] =	ssyncadd.s32 $0xFFFFFF80  }
0x280: {  	_ =	swait.ge [sflag:s5], $0x80  }
0x281: {  	[sflag:s5] =	ssyncset.done $0x0  }
0x282: {  	[sflag:s5] =	ssyncadd.s32 $0xFFFFFF80  }
0x283: {  	_ =	swait.ge [sflag:s5], $0x80  }
0x284: {  	[sflag:s5] =	ssyncset.done $0x0  }
0x285: {  	[sflag:s5] =	ssyncadd.s32 $0xFFFFFF80  }
0x286: {  	_ =	swait.ge [sflag:s5], $0x80  }
0x287: {  	[sflag:s5] =	ssyncset.done $0x0  }
0x288: {  	[sflag:s5] =	ssyncadd.s32 $0xFFFFFF80  }
0x289: {  	_ =	swait.ge [sflag:s5], $0x80  }
0x28a: {  	[sflag:s5] =	ssyncset.done $0x0  }
0x28b: {  	s31 =	rddreg [dreg:$0x4];
	[sflag:s5] =	ssyncadd.s32 $0xFFFFFF80  }
0x28c: {  	[hbm4b:s31+s2] =	stream.linear.scatter [tilespmem:s4], [sflag:$0x2], $0x1000, $0x38;
	[tilespmem:$0x1080] =	vst v63  }
0x28d: {  	_ =	swait.ge [sflag:s3], $0x1000  }
0x28e: {  	[sflag:s3] =	ssyncset.done $0x0  }
0x28f: {  	[sflag:s3] =	ssyncadd.s32 $0xFFFFF000  }
0x290: {  	_ =	sfence.sel $0x180000  }
0x291: {  	[bflag:$0x0] =	sbarrier.arrive $0xFFFF  }
0x292: {  	p0 =	sne.s32 s0, $0x0;
	_ =	strace $0x90000047  }
0x293: {  	s0 =	sadd.s32 @!p0 $0x100000, s1;
	[bflag:$0x2] =	sbarrier.arrive $0xFFFF  }
0x294: {  	[sflag:s0] =	ssyncadd.tile.s32 @!p0 $0x1;
	_ =	shalt  }
.Lfunc_end2:
_tile_overlayer_lowered:
.L_overlay_start_2:
0x295: {  	(tag) =	ssettag $0x2  }
0x296: {  	s0 =	rddreg [dreg:$0x0];
	s2 =	stileid.u32  }
0x297: {  	s1 =	rddreg [dreg:$0x1];
	p0 =	sne.s32 s2, $0x0  }
0x298: {  	s3 =	rddreg [dreg:$0x2];
	[bflag:$0x3] =	sbarrier.arrive $0xFFFF;
	s2 =	simm.s32 @!p0 $0x1C02  }
0x299: {  	[timem:s3], [sflag:s2] =	dma.local @!p0 [hbm:s0], s1  }
0x29a: {  	s0 =	simm.s32 @!p0 $0x2  }
0x29b: {  	_ =	swait.ge @!p0 [sflag:s0], s1  }
0x29c: {  	s1 =	ssub.s32 @!p0 $0x0, s1;
	[sflag:s0] =	ssyncset.done @!p0 $0x0  }
0x29d: {  	[sflag:s0] =	ssyncadd.s32 @!p0 s1  }
0x29e: {  	[bflag:$0x3] =	sbarrier.arrive $0xFFFF  }
0x29f: {  	_ =	shalt  }

// kernel: kernel.8.cloned.1.call-start
scs
__scs_entry_jumppad:
0x0: {  	(pc) =	sbr.rel $0x88, $3  }
0x1: {  	(tag) =	ssettag $0x0;
	lr =	simm.s32 $0x1  }
0x2: {  	[smem:$0x3F9E] =	sst lr;
	_ =	strace $0xD0000000  }
0x3: {  	_ = 	snop  }
0x4: {  	_ = 	snop  }
0x5: {  	_ = 	snop  }
0x6: {  	_ = 	snop  }
0x7: {  	_ = 	snop  }
__scs_overlays_trampoline_lowered:
0x8: {  	[smem:$0x3FAD] =	sst s0  }
0x9: {  	[smem:$0x3FAE] =	sst s1  }
0xa: {  	[smem:$0x3FAF] =	sst s2  }
0xb: {  	[smem:$0x3FB0] =	sst s3  }
0xc: {  	[smem:$0x3FB1] =	sst s4  }
0xd: {  	[smem:$0x3FB2] =	sst s5  }
0xe: {  	[smem:$0x3FB3] =	sst s6  }
0xf: {  	[smem:$0x3FB4] =	sst s7  }
0x10: {  	[smem:$0x3FB5] =	sst s8  }
0x11: {  	[smem:$0x3FB6] =	sst s9;
	s0 =	simm.s32 @!p0 $0x0  }
0x12: {  	s1 =	sld [smem:$0x3F9C];
	s0 =	simm.s32 @p0 $0x1  }
0x13: {  	[smem:$0x3FB7] =	sst s0;
	s0 =	simm.s32 @!p1 $0x0  }
0x14: {  	s2 =	sld [smem:$0x3F9B];
	s0 =	simm.s32 @p1 $0x1  }
0x15: {  	[smem:$0x3FB8] =	sst s0;
	s0 =	simm.s32 @!p2 $0x0  }
0x16: {  	s3 =	sld [smem:$0x3FDB];
	s0 =	simm.s32 @p2 $0x1  }
0x17: {  	s4 =	simm.s32 $0x1BF5;
	[smem:$0x3FBA] =	sst s0  }
0x18: {  	s0 =	sld [smem:$0x3F9D];
	_ =	swait.ge [sflag:s4], $0x0  }
0x19: {  	s7 =	sld [smem:$0x3F9E]  }
0x1a: {  	s8 =	sadd.s32 $0xFFFFE003, lr  }
0x1b: {  	s9 =	sadd.s32 $0xFFFFFEF7, lr;
	s5 =	simm.s32 $0xFFFFFFFF;
	p2 =	slt.u32 s8, $0xFFFFF086  }
0x1c: {  	p1 =	slt.u32 s9, $0xF7A;
	s5 =	simm.s32 @!p2 $0x0  }
0x1d: {  	s5 =	simm.s32 @p1 $0x1;
	p0 =	seq.s32 s7, s2  }
0x1e: {  	s7 =	smul.u32 @!p0 $0xF7A, s2;
	p2 =	seq.s32 @!p0 s5, $0x0  }
0x1f: {  	s9 =	smul.u32 $0xF7A, s1;
	s8 =	simm.s32 @!p0 $0x1BF5;
	p2 =	por !p2, p0  }
0x20: {  	[sflag:s8] =	ssyncset.s32 @!p0 $0xFFFFF086;
	s6 =	sadd.s32 @!p0 s3, s7;
	s7 =	simm.s32 @!p0 $0x108  }
0x21: {  	s3 =	sadd.s32 s3, s9;
	s6 =	sadd.s32 @!p0 $0x88, s6;
	s7 =	simm.s32 @p2 $0x1082  }
0x22: {  	[simem:s7], [sflag:s8] =	dma.local @!p0 [hbm:s6], $0xF7A  }
0x23: {  	s9 =	sor.u32 $0xD0000000, s2;
	s6 =	simm.s32 $0x108;
	_ =	swait.ge @!p0 [sflag:s8], $0x0  }
0x24: {  	s3 =	sadd.s32 $0x88, s3;
	s6 =	simm.s32 @!p1 $0x1082;
	[sflag:s4] =	ssyncset.s32 $0xFFFFF086  }
0x25: {  	[simem:s6], [sflag:s4] =	dma.local [hbm:s3], $0xF7A  }
0x26: {  	[smem:$0x3F9E] =	sst s1;
	(tag) =	ssettag s2;
	_ =	strace s9  }
0x27: {  	s1 =	sld [smem:$0x3FAE]  }
0x28: {  	s2 =	sld [smem:$0x3FAF]  }
0x29: {  	s4 =	sld [smem:$0x3FB1]  }
0x2a: {  	p0 =	seq.s32 s5, $0x0;
	s5 =	sld [smem:$0x3FB2]  }
0x2b: {  	s6 =	sld [smem:$0x3FB3]  }
0x2c: {  	s7 =	sld [smem:$0x3FB4]  }
0x2d: {  	s3 =	simm.s32 $0x108;
	s8 =	sld [smem:$0x3FB5]  }
0x2e: {  	s3 =	simm.s32 @!p0 $0x1082;
	s9 =	sld [smem:$0x3FB6]  }
0x2f: {  	lr =	sadd.s32 s0, s3;
	s0 =	sld [smem:$0x3FAD]  }
0x30: {  	s3 =	sld [smem:$0x3FB0]  }
0x31: {  	[smem:$0x3FB9] =	sst s10  }
0x32: {  	s10 =	sld [smem:$0x3FB7];
	_ =	sdelay $0x3  }
0x33: {  	p0 =	seq.s32 s10, $0x1;
	s10 =	sld [smem:$0x3FB9];
	_ =	sdelay $0x3  }
0x34: {  	[smem:$0x3FB9] =	sst s10  }
0x35: {  	s10 =	sld [smem:$0x3FB8];
	_ =	sdelay $0x3  }
0x36: {  	p1 =	seq.s32 s10, $0x1;
	s10 =	sld [smem:$0x3FB9];
	_ =	sdelay $0x3  }
0x37: {  	[smem:$0x3FB9] =	sst s10  }
0x38: {  	s10 =	sld [smem:$0x3FBA]  }
0x39: {  	_ = 	snop;
	(pc) =	sbr.ind lr, $3  }
0x3a: {  	_ = 	snop  }
0x3b: {  	_ = 	snop  }
0x3c: {  	p2 =	seq.s32 s10, $0x1;
	s10 =	sld [smem:$0x3FB9]  }
0x3d: {  	_ =	shalt  }
0x3e: {  	_ =	shalt  }
0x3f: {  	_ =	shalt  }
0x40: {  	_ =	shalt  }
0x41: {  	_ =	shalt  }
0x42: {  	_ =	shalt  }
0x43: {  	_ =	shalt  }
0x44: {  	_ =	shalt  }
0x45: {  	_ =	shalt  }
0x46: {  	_ =	shalt  }
0x47: {  	_ =	shalt  }
0x48: {  	_ =	shalt  }
0x49: {  	_ =	shalt  }
0x4a: {  	_ =	shalt  }
0x4b: {  	_ =	shalt  }
0x4c: {  	_ =	shalt  }
0x4d: {  	_ =	shalt  }
0x4e: {  	_ =	shalt  }
0x4f: {  	_ =	shalt  }
0x50: {  	_ =	shalt  }
0x51: {  	_ =	shalt  }
0x52: {  	_ =	shalt  }
0x53: {  	_ =	shalt  }
0x54: {  	_ =	shalt  }
0x55: {  	_ =	shalt  }
0x56: {  	_ =	shalt  }
0x57: {  	_ =	shalt  }
0x58: {  	_ =	shalt  }
0x59: {  	_ =	shalt  }
0x5a: {  	_ =	shalt  }
0x5b: {  	_ =	shalt  }
0x5c: {  	_ =	shalt  }
0x5d: {  	_ =	shalt  }
0x5e: {  	_ =	shalt  }
0x5f: {  	_ =	shalt  }
0x60: {  	_ =	shalt  }
0x61: {  	_ =	shalt  }
0x62: {  	_ =	shalt  }
0x63: {  	_ =	shalt  }
0x64: {  	_ =	shalt  }
0x65: {  	_ =	shalt  }
0x66: {  	_ =	shalt  }
0x67: {  	_ =	shalt  }
0x68: {  	_ =	shalt  }
0x69: {  	_ =	shalt  }
0x6a: {  	_ =	shalt  }
0x6b: {  	_ =	shalt  }
0x6c: {  	_ =	shalt  }
0x6d: {  	_ =	shalt  }
0x6e: {  	_ =	shalt  }
0x6f: {  	_ =	shalt  }
0x70: {  	_ =	shalt  }
0x71: {  	_ =	shalt  }
0x72: {  	_ =	shalt  }
0x73: {  	_ =	shalt  }
0x74: {  	_ =	shalt  }
0x75: {  	_ =	shalt  }
0x76: {  	_ =	shalt  }
0x77: {  	_ =	shalt  }
0x78: {  	_ =	shalt  }
0x79: {  	_ =	shalt  }
0x7a: {  	_ =	shalt  }
0x7b: {  	_ =	shalt  }
0x7c: {  	_ =	shalt  }
0x7d: {  	_ =	shalt  }
0x7e: {  	_ =	shalt  }
0x7f: {  	_ =	shalt  }
0x80: {  	_ =	shalt  }
0x81: {  	_ =	shalt  }
0x82: {  	_ =	shalt  }
0x83: {  	_ =	shalt  }
0x84: {  	_ =	shalt  }
0x85: {  	_ =	shalt  }
0x86: {  	_ =	shalt  }
0x87: {  	_ =	shalt  }
.Lfunc_end0:
.L_simem_size_0:
called_computation.1_lowered:
.L_overlay_start_0:
0x88: {  	s2 =	sld [smem:$0x3FD9]  }
0x89: {  	s3 =	sld [smem:$0x3FFE];
	_ =	sdelay $0x1  }
0x8a: {  	s1 =	srdreg.scid  }
0x8b: {  	s0 =	sand.u32 $0x1, s1  }
0x8c: {  	s14 =	sshll.u32 s0, $0xA;
	s2 =	sadd.s32 s3, s2  }
0x8d: {  	s2 =	sadd.s32 s2, s14  }
0x8e: {  	[smem:$0x3FC5] =	sst s2  }
0x8f: {  	_ = 	snop  }
0x90: {  	s2 =	sld [smem:$0x3FD0];
	_ =	sdelay $0x2  }
0x91: {  	s4 =	simm.s32 $0xA;
	s5 =	simm.s32 $0x10;
	s15 =	sld [smem:$0x3FC8]  }
0x92: {  	[smem:s5], [sflag:s4] =	dma.local [hbm:s2], $0x1  }
0x93: {  	_ =	swait.eq [sflag:s4], $0x1  }
0x94: {  	[sflag:s4] =	ssyncset.done $0x0  }
0x95: {  	[sflag:s4] =	ssyncadd.s32 $0xFFFFFFFF  }
0x96: {  	s16 =	sld [smem:$0x11];
	(tm) =	ssettm $0x1  }
0x97: {  	s17 =	sld [smem:$0x3FFB];
	_ =	sdelay $0x3  }
0x98: {  	_ =	strace s17  }
0x99: {  	s4 =	sld [smem:$0x3FFC];
	_ =	sdelay $0x3  }
0x9a: {  	_ =	strace s4  }
0x9b: {  	s4 =	sld [smem:$0x3FFD];
	_ =	sdelay $0x3  }
0x9c: {  	_ =	strace s4  }
0x9d: {  	_ =	strace $0x8FFFFFFF  }
0x9e: {  	s18 =	sld [smem:$0x3FDB];
	_ =	sdelay $0x1  }
0x9f: {  	s19 =	simm.s32 $_scs_section_size  }
0xa0: {  	s6 =	simm.s32 $_size__tile_overlayer_lowered;
	s7 =	simm.s32 $_tile_overlayer_lowered  }
0xa1: {  	s22 =	simm.s32 $0x1BFF;
	s21 =	sshll.u32 s7, $0x1;
	s4 =	sadd.s32 s19, s18  }
0xa2: {  	s8 =	simm.s32 $0x0;
	s20 =	sshll.u32 s6, $0x1;
	s6 =	sadd.s32 s21, s4  }
0xa3: {  	[timem:s8], [sflag:s22] =	dma.local [hbm:s6], s20  }
0xa4: {  	_ =	swait.ge [sflag:s22], s20  }
0xa5: {  	s5 =	ssub.s32 $0x0, s20;
	[sflag:s22] =	ssyncset.done $0x0  }
0xa6: {  	[sflag:s22] =	ssyncadd.s32 s5;
	_ =	sdelay $0x1  }
0xa7: {  	s23 =	simm.s32 $0x1B8B  }
0xa8: {  	_ =	swait.ge [sflag:s23], $0x1  }
0xa9: {  	[sflag:s23] =	ssyncset.done $0x0  }
0xaa: {  	s25 =	simm.s32 $0x1B8E;
	s24 =	sld [smem:$0x3FFE];
	[sflag:s23] =	ssyncadd.s32 $0xFFFFFFFF  }
0xab: {  	s26 =	simm.s32 $execute0_lowered;
	[smem:$0x3FD2] =	sst s25  }
0xac: {  	s6 =	sshll.u32 s26, $0x1;
	_ =	strace $0x80000049;
	[dreg:$0x1] =	wrdreg $0xFFFFFFFF  }
0xad: {  	s28 =	simm.s32 $_size_execute0_lowered;
	s4 =	sadd.s32 s4, s6;
	[dreg:$0x0] =	wrdreg $0x0  }
0xae: {  	s6 =	sshll.u32 s28, $0x1;
	[dreg:$0x2] =	wrdreg s4  }
0xaf: {  	[dreg:$0x3] =	wrdreg s6  }
0xb0: {  	[dreg:$0x4] =	wrdreg $0xC0  }
0xb1: {  	_ =	task [dreg:s8], $0x5FFFF  }
0xb2: {  	[dreg:$0x1] =	wrdreg $0xFFFFFFFF  }
0xb3: {  	[dreg:$0x0] =	wrdreg $0x60  }
0xb4: {  	[dreg:$0x2] =	wrdreg s24  }
0xb5: {  	[dreg:$0x3] =	wrdreg s16  }
0xb6: {  	[dreg:$0x4] =	wrdreg s15  }
0xb7: {  	[dreg:$0x5] =	wrdreg $0x9  }
0xb8: {  	_ =	task.clear_ibuf [dreg:s8], $0x6FFFF;
	_ =	strace $0x90000049  }
0xb9: {  	s29 =	simm.s32 $0x9;
	_ =	strace $0x8000004B  }
0xba: {  	_ =	swait.ge [sflag:s29], $0x1  }
0xbb: {  	[sflag:s29] =	ssyncadd.s32 $0xFFFFFFFF  }
0xbc: {  	_ =	strace $0x9000004B  }
0xbd: {  	_ =	sfence  }
0xbe: {  	s30 =	sld [smem:$0x0];
	_ =	sdelay $0x2  }
0xbf: {  	s31 =	sshll.u32 s1, $0xD;
	s1 =	sshrl.u32 s1, $0x2  }
0xc0: {  	s3 =	sand.u32 $0x4000, s31;
	s1 =	sadd.s32 s1, s30  }
0xc1: {  	s0 =	sor.u32 s3, s0;
	s1 =	sshll.u32 s1, $0x11  }
0xc2: {  	s0 =	sor.u32 s1, s0  }
0xc3: {  	s0 =	sadd.s32 $0x8F2B, s0  }
0xc4: {  	[sflag:s0] =	ssyncadd.remote.s32 $0x1  }
0xc5: {  	_ =	sfence.sel $0xFFFF  }
0xc6: {  	[dreg:$0x0] =	wrdreg $0xFFFFFFFF;
	(pc) =	sbr.abs _section_cstart, $3  }
0xc7: {  	[dreg:$0x1] =	wrdreg $0xFFFFFFFF  }
0xc8: {  	_ =	task.clear_ibuf [dreg:s8], $0x2FFFF;
	_ =	strace $0x9FFFFFFF  }
0xc9: {  	(tm) =	ssettm $0x7FFFFFFF  }
tec
execute0_lowered:
.L_overlay_start_1:
0x0: {  	(tag) =	ssettag $0x1  }
0x1: {  	s0 =	rddreg [dreg:$0x0]  }
0x2: {  	s1 =	rddreg [dreg:$0x1]  }
0x3: {  	s2 =	rddreg [dreg:$0x2]  }
0x4: {  	s14 =	rddreg [dreg:$0x3];
	s3 =	simm.s32 $0x0;
	s4 =	srdreg.scid  }
0x5: {  	s15 =	stileid.u32;
	s31 =	simm.s32 $0x80;
	s23 =	simm.s32 $0x3  }
0x6: {  	s22 =	simm.s32 $0x100;
	s21 =	simm.s32 $0x180;
	s20 =	simm.s32 $0x200  }
0x7: {  	s19 =	simm.s32 $0x280;
	s18 =	simm.s32 $0x300;
	s4 =	sand.u32 $0x1, s4  }
0x8: {  	s16 =	simm.s32 $0x380;
	s17 =	simm.s32 $0x400;
	s7 =	ssub.s32 $0x2, s4  }
0x9: {  	s11 =	simm.s32 $0x580;
	s10 =	sadd.s32 $0x195400, s0;
	s28 =	sshrl.u32 s7, $0x1  }
0xa: {  	s6 =	sshll.u32 s4, $0x2;
	s4 =	sadd.s32 $0xA00, s0;
	s0 =	ssub.s32 s7, s28  }
0xb: {  	s8 =	simm.s32 $0x680;
	p0 =	por $0x0, $0x0;
	s30 =	smax.u32 s0, $0x1  }
0xc: {  	s9 =	simm.s32 $0x1;
	[smem:$0x7FF] =	sst s3;
	p1 =	sne.s32 s30, $0x1  }
.Ltmp0:
0xd: {  	s5 =	sshll.u32 s15, $0x3;
	_ =	strace $0x8000004A;
	(pc) =	sbr.rel @!p1 .LBB2_5-.Ltmp0, $4  }
0xe: {  	[dreg:$0x6] =	wrdreg s31;
	s5 =	sor.u32 s6, s5;
	s6 =	simm.s32 $0x780  }
0xf: {  	s1 =	sadd.s32 s1, s5;
	s29 =	sadd.s32 s2, s5;
	s7 =	simm.s32 $0x700  }
0x10: {  	s5 =	simm.s32 $0x800;
	s2 =	simm.s32 $0x2;
	[dreg:$0x4] =	wrdreg s1  }
0x11: {  	[dreg:$0x5] =	wrdreg s29;
	s0 =	simm.s32 $0x880;
	s12 =	sadd.s32 $0xFFFFFFFF, s30  }
0x12: {  	[dreg:$0x7] =	wrdreg s12  }
0x13: {  	s6 =	rddreg [dreg:$0x4]  }
0x14: {  	[tilespmem:s3], [sflag:$0x3] =	stream.linear.gather [hbm4b:s6+s3], $0x20, $0x38;
	[tilespmem:$0x1100] =	vst v63  }
0x15: {  	_ =	swait.ge [sflag:s23], $0x20  }
0x16: {  	s0 =	rddreg [dreg:$0x5];
	[sflag:s23] =	ssyncset.done $0x0  }
0x17: {  	s7 =	rddreg [dreg:$0x6];
	[sflag:s23] =	ssyncadd.s32 $0xFFFFFFE0  }
0x18: {  	[tilespmem:s7], [sflag:$0x3] =	stream.linear.gather [hbm4b:s0+s3], $0x20, $0x38;
	[tilespmem:$0x1100] =	vst v63  }
0x19: {  	_ =	swait.ge [sflag:s23], $0x20  }
0x1a: {  	[sflag:s23] =	ssyncset.done $0x0  }
0x1b: {  	[sflag:s23] =	ssyncadd.s32 $0xFFFFFFE0  }
0x1c: {  	v0 =	vld [tilespmem:$0x0];
	_ =	sdelay $0x4  }
0x1d: {  	v0 =	vshll.u32 v0, $0x4  }
0x1e: {  	(v2sf) =	vpush v0, $0x0;
	_ =	sdelay $0x1  }
0x1f: {  	(v2sf) =	vpush v0, $0x1;
	_ =	sdelay $0x1  }
0x20: {  	(v2sf) =	vpush v0, $0x2;
	_ =	sdelay $0x2  }
0x21: {  	(v2sf) =	vpush v0, $0x3;
	_ =	sdelay $0x7  }
0x22: {  	s8 =	spop (v2sf);
	(v2sf) =	vpush v0, $0x4;
	_ =	sdelay $0x1  }
0x23: {  	s13 =	spop (v2sf);
	(v2sf) =	vpush v0, $0x5  }
0x24: {  	s12 =	sand.u32 $0x1FFFFFF0, s8  }
0x25: {  	s12 =	sadd.s32 s10, s12;
	s14 =	spop (v2sf);
	(v2sf) =	vpush v0, $0x6  }
0x26: {  	[tilespmem:s22], [sflag:$0x1] =	stream.linear.gather [hbm4b:s12+s3], $0x80, $0x38;
	[tilespmem:$0x1100] =	vst v63  }
0x27: {  	s12 =	sand.u32 $0x1FFFFFF0, s13  }
0x28: {  	s15 =	spop (v2sf);
	(v2sf) =	vpush v0, $0x7;
	s12 =	sadd.s32 s10, s12  }
0x29: {  	[tilespmem:s21], [sflag:$0x1] =	stream.linear.gather [hbm4b:s12+s3], $0x80, $0x38;
	[tilespmem:$0x1100] =	vst v63  }
0x2a: {  	s12 =	sand.u32 $0x1FFFFFF0, s14  }
0x2b: {  	s12 =	sadd.s32 s10, s12  }
0x2c: {  	[tilespmem:s20], [sflag:$0x1] =	stream.linear.gather [hbm4b:s12+s3], $0x80, $0x38;
	[tilespmem:$0x1100] =	vst v63  }
0x2d: {  	s12 =	sand.u32 $0x1FFFFFF0, s15  }
0x2e: {  	s12 =	sadd.s32 s10, s12  }
0x2f: {  	[tilespmem:s19], [sflag:$0x1] =	stream.linear.gather [hbm4b:s12+s3], $0x80, $0x38;
	[tilespmem:$0x1100] =	vst v63  }
0x30: {  	s19 =	spop (v2sf);
	(v2sf) =	vpush v0, $0x8;
	_ =	sdelay $0x1  }
0x31: {  	s20 =	spop (v2sf);
	(v2sf) =	vpush v0, $0x9;
	_ =	sdelay $0x1  }
0x32: {  	s12 =	sand.u32 $0x1FFFFFF0, s19;
	s21 =	spop (v2sf);
	(v2sf) =	vpush v0, $0xA  }
0x33: {  	s12 =	sadd.s32 s10, s12  }
0x34: {  	[tilespmem:s18], [sflag:$0x1] =	stream.linear.gather [hbm4b:s12+s3], $0x80, $0x38;
	[tilespmem:$0x1100] =	vst v63  }
0x35: {  	s22 =	spop (v2sf);
	(v2sf) =	vpush v0, $0xB  }
0x36: {  	s12 =	sand.u32 $0x1FFFFFF0, s20  }
0x37: {  	s12 =	sadd.s32 s10, s12  }
0x38: {  	[tilespmem:s16], [sflag:$0x1] =	stream.linear.gather [hbm4b:s12+s3], $0x80, $0x38;
	[tilespmem:$0x1100] =	vst v63  }
0x39: {  	s12 =	sand.u32 $0x1FFFFFF0, s21  }
0x3a: {  	s12 =	sadd.s32 s10, s12  }
0x3b: {  	[tilespmem:s17], [sflag:$0x1] =	stream.linear.gather [hbm4b:s12+s3], $0x80, $0x38;
	[tilespmem:$0x1100] =	vst v63  }
0x3c: {  	s12 =	sand.u32 $0x1FFFFFF0, s22  }
0x3d: {  	s23 =	simm.s32 $0x480;
	s12 =	sadd.s32 s10, s12;
	s24 =	spop (v2sf);
	(v2sf) =	vpush v0, $0xC  }
0x3e: {  	[tilespmem:s23], [sflag:$0x1] =	stream.linear.gather [hbm4b:s12+s3], $0x80, $0x38;
	[tilespmem:$0x1100] =	vst v63  }
0x3f: {  	s26 =	spop (v2sf);
	(v2sf) =	vpush v0, $0xD  }
0x40: {  	s12 =	sand.u32 $0x1FFFFFF0, s24  }
0x41: {  	s25 =	simm.s32 $0x500;
	s12 =	sadd.s32 s10, s12;
	s0 =	spop (v2sf)  }
0x42: {  	(v2sf) =	vpush v0, $0xE;
	[tilespmem:s25], [sflag:$0x1] =	stream.linear.gather [hbm4b:s12+s3], $0x80, $0x38;
	[tilespmem:$0x1100] =	vst v63  }
0x43: {  	s12 =	sand.u32 $0x1FFFFFF0, s26  }
0x44: {  	s1 =	spop (v2sf);
	s12 =	sadd.s32 s10, s12  }
0x45: {  	(v2sf) =	vpush v0, $0xF;
	[tilespmem:s11], [sflag:$0x1] =	stream.linear.gather [hbm4b:s12+s3], $0x80, $0x38;
	[tilespmem:$0x1100] =	vst v63  }
0x46: {  	s12 =	sand.u32 $0x1FFFFFF0, s0  }
0x47: {  	s7 =	simm.s32 $0x600;
	s12 =	sadd.s32 s10, s12  }
0x48: {  	[tilespmem:s7], [sflag:$0x1] =	stream.linear.gather [hbm4b:s12+s3], $0x80, $0x38;
	[tilespmem:$0x1100] =	vst v63  }
0x49: {  	s12 =	sand.u32 $0x1FFFFFF0, s1  }
0x4a: {  	s6 =	simm.s32 $0x680;
	s12 =	sadd.s32 s10, s12  }
0x4b: {  	[tilespmem:s6], [sflag:$0x1] =	stream.linear.gather [hbm4b:s12+s3], $0x80, $0x38;
	[tilespmem:$0x1100] =	vst v63  }
0x4c: {  	s5 =	spop (v2sf)  }
0x4d: {  	s12 =	sand.u32 $0x1FFFFFF0, s5  }
0x4e: {  	s5 =	simm.s32 $0x700;
	s8 =	spop (v2sf);
	s12 =	sadd.s32 s10, s12  }
0x4f: {  	[tilespmem:s5], [sflag:$0x1] =	stream.linear.gather [hbm4b:s12+s3], $0x80, $0x38;
	[tilespmem:$0x1100] =	vst v63  }
0x50: {  	s12 =	sand.u32 $0x1FFFFFF0, s8  }
0x51: {  	s1 =	simm.s32 $0x780;
	s13 =	spop (v2sf);
	s12 =	sadd.s32 s10, s12  }
0x52: {  	[tilespmem:s1], [sflag:$0x1] =	stream.linear.gather [hbm4b:s12+s3], $0x80, $0x38;
	[tilespmem:$0x1100] =	vst v63  }
0x53: {  	s12 =	sand.u32 $0x1FFFFFF0, s13  }
0x54: {  	s14 =	simm.s32 $0x800;
	s15 =	spop (v2sf);
	s12 =	sadd.s32 s10, s12  }
0x55: {  	[tilespmem:s14], [sflag:$0x1] =	stream.linear.gather [hbm4b:s12+s3], $0x80, $0x38;
	[tilespmem:$0x1100] =	vst v63  }
0x56: {  	s12 =	sand.u32 $0x1FFFFFF0, s15  }
0x57: {  	s16 =	simm.s32 $0x880;
	s12 =	sadd.s32 s10, s12  }
0x58: {  	[tilespmem:s16], [sflag:$0x1] =	stream.linear.gather [hbm4b:s12+s3], $0x80, $0x38;
	[tilespmem:$0x1100] =	vst v63  }
0x59: {  	v61 =	vld [tilespmem:$0x10];
	_ =	sdelay $0x4  }
0x5a: {  	v0 =	vshll.u32 v61, $0x4  }
0x5b: {  	(v2sf) =	vpush v0, $0x0;
	_ =	sdelay $0x3  }
0x5c: {  	(v2sf) =	vpush v0, $0x1;
	_ =	sdelay $0x2  }
0x5d: {  	(v2sf) =	vpush v0, $0x2;
	_ =	sdelay $0x2  }
0x5e: {  	(v2sf) =	vpush v0, $0x3;
	_ =	sdelay $0x4  }
0x5f: {  	s18 =	spop (v2sf);
	(v2sf) =	vpush v0, $0x4;
	_ =	sdelay $0x3  }
0x60: {  	s19 =	spop (v2sf);
	(v2sf) =	vpush v0, $0x5;
	_ =	sdelay $0x2  }
0x61: {  	s20 =	spop (v2sf);
	(v2sf) =	vpush v0, $0x6;
	_ =	sdelay $0x1  }
0x62: {  	s12 =	sand.u32 $0x1FFFFFF0, s18  }
0x63: {  	s31 =	simm.s32 $0x900;
	s12 =	sadd.s32 s10, s12;
	s21 =	spop (v2sf);
	(v2sf) =	vpush v0, $0x7  }
0x64: {  	[tilespmem:s31], [sflag:$0x1] =	stream.linear.gather [hbm4b:s12+s3], $0x80, $0x38;
	[tilespmem:$0x1100] =	vst v63  }
0x65: {  	s12 =	sand.u32 $0x1FFFFFF0, s19  }
0x66: {  	s30 =	simm.s32 $0x980;
	s12 =	sadd.s32 s10, s12  }
0x67: {  	[tilespmem:s30], [sflag:$0x1] =	stream.linear.gather [hbm4b:s12+s3], $0x80, $0x38;
	[tilespmem:$0x1100] =	vst v63  }
0x68: {  	s12 =	sand.u32 $0x1FFFFFF0, s20;
	s22 =	spop (v2sf);
	(v2sf) =	vpush v0, $0x8  }
0x69: {  	s29 =	simm.s32 $0xA00;
	s12 =	sadd.s32 s10, s12  }
0x6a: {  	[tilespmem:s29], [sflag:$0x1] =	stream.linear.gather [hbm4b:s12+s3], $0x80, $0x38;
	[tilespmem:$0x1100] =	vst v63  }
0x6b: {  	s12 =	sand.u32 $0x1FFFFFF0, s21  }
0x6c: {  	s28 =	simm.s32 $0xA80;
	s12 =	sadd.s32 s10, s12;
	s23 =	spop (v2sf);
	(v2sf) =	vpush v0, $0x9  }
0x6d: {  	[tilespmem:s28], [sflag:$0x1] =	stream.linear.gather [hbm4b:s12+s3], $0x80, $0x38;
	[tilespmem:$0x1100] =	vst v63  }
0x6e: {  	s12 =	sand.u32 $0x1FFFFFF0, s22  }
0x6f: {  	s26 =	simm.s32 $0xB00;
	s12 =	sadd.s32 s10, s12;
	s24 =	spop (v2sf);
	(v2sf) =	vpush v0, $0xA  }
0x70: {  	[tilespmem:s26], [sflag:$0x1] =	stream.linear.gather [hbm4b:s12+s3], $0x80, $0x38;
	[tilespmem:$0x1100] =	vst v63  }
0x71: {  	s12 =	sand.u32 $0x1FFFFFF0, s23  }
0x72: {  	s25 =	simm.s32 $0xB80;
	s0 =	spop (v2sf);
	(v2sf) =	vpush v0, $0xB;
	s12 =	sadd.s32 s10, s12  }
0x73: {  	[tilespmem:s25], [sflag:$0x1] =	stream.linear.gather [hbm4b:s12+s3], $0x80, $0x38;
	[tilespmem:$0x1100] =	vst v63  }
0x74: {  	s12 =	sand.u32 $0x1FFFFFF0, s24  }
0x75: {  	s24 =	simm.s32 $0xC00;
	s12 =	sadd.s32 s10, s12  }
0x76: {  	[tilespmem:s24], [sflag:$0x1] =	stream.linear.gather [hbm4b:s12+s3], $0x80, $0x38;
	[tilespmem:$0x1100] =	vst v63  }
0x77: {  	s12 =	sand.u32 $0x1FFFFFF0, s0;
	s13 =	spop (v2sf);
	(v2sf) =	vpush v0, $0xC  }
0x78: {  	s23 =	simm.s32 $0xC80;
	s12 =	sadd.s32 s10, s12  }
0x79: {  	[tilespmem:s23], [sflag:$0x1] =	stream.linear.gather [hbm4b:s12+s3], $0x80, $0x38;
	[tilespmem:$0x1100] =	vst v63  }
0x7a: {  	s12 =	sand.u32 $0x1FFFFFF0, s13  }
0x7b: {  	s22 =	simm.s32 $0xD00;
	s14 =	spop (v2sf);
	(v2sf) =	vpush v0, $0xD;
	s12 =	sadd.s32 s10, s12  }
0x7c: {  	[tilespmem:s22], [sflag:$0x1] =	stream.linear.gather [hbm4b:s12+s3], $0x80, $0x38;
	[tilespmem:$0x1100] =	vst v63  }
0x7d: {  	s12 =	sand.u32 $0x1FFFFFF0, s14  }
0x7e: {  	s21 =	simm.s32 $0xD80;
	s15 =	spop (v2sf);
	s12 =	sadd.s32 s10, s12  }
0x7f: {  	(v2sf) =	vpush v0, $0xE;
	[tilespmem:s21], [sflag:$0x1] =	stream.linear.gather [hbm4b:s12+s3], $0x80, $0x38;
	[tilespmem:$0x1100] =	vst v63  }
0x80: {  	s12 =	sand.u32 $0x1FFFFFF0, s15  }
0x81: {  	s20 =	simm.s32 $0xE00;
	s16 =	spop (v2sf);
	s12 =	sadd.s32 s10, s12  }
0x82: {  	[tilespmem:s20], [sflag:$0x1] =	stream.linear.gather [hbm4b:s12+s3], $0x80, $0x38;
	[tilespmem:$0x1100] =	vst v63  }
0x83: {  	(v2sf) =	vpush v0, $0xF;
	s12 =	sand.u32 $0x1FFFFFF0, s16  }
0x84: {  	s19 =	simm.s32 $0xE80;
	s12 =	sadd.s32 s10, s12  }
0x85: {  	[tilespmem:s19], [sflag:$0x1] =	stream.linear.gather [hbm4b:s12+s3], $0x80, $0x38;
	[tilespmem:$0x1100] =	vst v63  }
0x86: {  	s18 =	spop (v2sf)  }
0x87: {  	s12 =	sand.u32 $0x1FFFFFF0, s18  }
0x88: {  	s0 =	simm.s32 $0xF00;
	s12 =	sadd.s32 s10, s12  }
0x89: {  	[tilespmem:s0], [sflag:$0x1] =	stream.linear.gather [hbm4b:s12+s3], $0x80, $0x38;
	[tilespmem:$0x1100] =	vst v63  }
0x8a: {  	s0 =	spop (v2sf)  }
0x8b: {  	s12 =	sand.u32 $0x1FFFFFF0, s0  }
0x8c: {  	s0 =	simm.s32 $0xF80;
	s12 =	sadd.s32 s10, s12  }
0x8d: {  	[tilespmem:s0], [sflag:$0x1] =	stream.linear.gather [hbm4b:s12+s3], $0x80, $0x38;
	[tilespmem:$0x1100] =	vst v63  }
0x8e: {  	s0 =	spop (v2sf)  }
0x8f: {  	s12 =	sand.u32 $0x1FFFFFF0, s0  }
0x90: {  	s0 =	simm.s32 $0x1000;
	s12 =	sadd.s32 s10, s12  }
0x91: {  	[tilespmem:s0], [sflag:$0x1] =	stream.linear.gather [hbm4b:s12+s3], $0x80, $0x38;
	[tilespmem:$0x1100] =	vst v63  }
0x92: {  	s0 =	spop (v2sf)  }
0x93: {  	s12 =	sand.u32 $0x1FFFFFF0, s0  }
0x94: {  	s8 =	simm.s32 $0x1080;
	s12 =	sadd.s32 s10, s12  }
0x95: {  	[tilespmem:s8], [sflag:$0x1] =	stream.linear.gather [hbm4b:s12+s3], $0x80, $0x38;
	[tilespmem:$0x1100] =	vst v63  }
0x96: {  	_ =	swait.ge [sflag:s9], $0x80  }
0x97: {  	[sflag:s9] =	ssyncset.done $0x0  }
0x98: {  	[sflag:s9] =	ssyncadd.s32 $0xFFFFFF80  }
0x99: {  	_ =	swait.ge [sflag:s9], $0x80  }
0x9a: {  	[sflag:s9] =	ssyncset.done $0x0  }
0x9b: {  	[sflag:s9] =	ssyncadd.s32 $0xFFFFFF80  }
0x9c: {  	_ =	swait.ge [sflag:s9], $0x80  }
0x9d: {  	[sflag:s9] =	ssyncset.done $0x0  }
0x9e: {  	[sflag:s9] =	ssyncadd.s32 $0xFFFFFF80  }
0x9f: {  	_ =	swait.ge [sflag:s9], $0x80  }
0xa0: {  	[sflag:s9] =	ssyncset.done $0x0  }
0xa1: {  	[sflag:s9] =	ssyncadd.s32 $0xFFFFFF80  }
0xa2: {  	_ =	swait.ge [sflag:s9], $0x80  }
0xa3: {  	[sflag:s9] =	ssyncset.done $0x0  }
0xa4: {  	[sflag:s9] =	ssyncadd.s32 $0xFFFFFF80  }
0xa5: {  	_ =	swait.ge [sflag:s9], $0x80  }
0xa6: {  	[sflag:s9] =	ssyncset.done $0x0  }
0xa7: {  	[sflag:s9] =	ssyncadd.s32 $0xFFFFFF80  }
0xa8: {  	_ =	swait.ge [sflag:s9], $0x80  }
0xa9: {  	[sflag:s9] =	ssyncset.done $0x0  }
0xaa: {  	[sflag:s9] =	ssyncadd.s32 $0xFFFFFF80  }
0xab: {  	_ =	swait.ge [sflag:s9], $0x80  }
0xac: {  	[sflag:s9] =	ssyncset.done $0x0  }
0xad: {  	[sflag:s9] =	ssyncadd.s32 $0xFFFFFF80  }
0xae: {  	_ =	swait.ge [sflag:s9], $0x80  }
0xaf: {  	[sflag:s9] =	ssyncset.done $0x0  }
0xb0: {  	[sflag:s9] =	ssyncadd.s32 $0xFFFFFF80  }
0xb1: {  	_ =	swait.ge [sflag:s9], $0x80  }
0xb2: {  	[sflag:s9] =	ssyncset.done $0x0  }
0xb3: {  	[sflag:s9] =	ssyncadd.s32 $0xFFFFFF80  }
0xb4: {  	_ =	swait.ge [sflag:s9], $0x80  }
0xb5: {  	[sflag:s9] =	ssyncset.done $0x0  }
0xb6: {  	[sflag:s9] =	ssyncadd.s32 $0xFFFFFF80  }
0xb7: {  	_ =	swait.ge [sflag:s9], $0x80  }
0xb8: {  	[sflag:s9] =	ssyncset.done $0x0  }
0xb9: {  	[sflag:s9] =	ssyncadd.s32 $0xFFFFFF80  }
0xba: {  	_ =	swait.ge [sflag:s9], $0x80  }
0xbb: {  	[sflag:s9] =	ssyncset.done $0x0  }
0xbc: {  	[sflag:s9] =	ssyncadd.s32 $0xFFFFFF80  }
0xbd: {  	_ =	swait.ge [sflag:s9], $0x80  }
0xbe: {  	[sflag:s9] =	ssyncset.done $0x0  }
0xbf: {  	[sflag:s9] =	ssyncadd.s32 $0xFFFFFF80  }
0xc0: {  	_ =	swait.ge [sflag:s9], $0x80  }
0xc1: {  	[sflag:s9] =	ssyncset.done $0x0  }
0xc2: {  	[sflag:s9] =	ssyncadd.s32 $0xFFFFFF80  }
0xc3: {  	_ =	swait.ge [sflag:s9], $0x80  }
0xc4: {  	[sflag:s9] =	ssyncset.done $0x0  }
0xc5: {  	[sflag:s9] =	ssyncadd.s32 $0xFFFFFF80  }
0xc6: {  	_ =	swait.ge [sflag:s9], $0x80  }
0xc7: {  	[sflag:s9] =	ssyncset.done $0x0  }
0xc8: {  	[sflag:s9] =	ssyncadd.s32 $0xFFFFFF80  }
0xc9: {  	_ =	swait.ge [sflag:s9], $0x80  }
0xca: {  	[sflag:s9] =	ssyncset.done $0x0  }
0xcb: {  	[sflag:s9] =	ssyncadd.s32 $0xFFFFFF80  }
0xcc: {  	_ =	swait.ge [sflag:s9], $0x80  }
0xcd: {  	[sflag:s9] =	ssyncset.done $0x0  }
0xce: {  	[sflag:s9] =	ssyncadd.s32 $0xFFFFFF80  }
0xcf: {  	_ =	swait.ge [sflag:s9], $0x80  }
0xd0: {  	[sflag:s9] =	ssyncset.done $0x0  }
0xd1: {  	[sflag:s9] =	ssyncadd.s32 $0xFFFFFF80  }
0xd2: {  	_ =	swait.ge [sflag:s9], $0x80  }
0xd3: {  	[sflag:s9] =	ssyncset.done $0x0  }
0xd4: {  	[sflag:s9] =	ssyncadd.s32 $0xFFFFFF80  }
0xd5: {  	_ =	swait.ge [sflag:s9], $0x80  }
0xd6: {  	[sflag:s9] =	ssyncset.done $0x0  }
0xd7: {  	[sflag:s9] =	ssyncadd.s32 $0xFFFFFF80  }
0xd8: {  	_ =	swait.ge [sflag:s9], $0x80  }
0xd9: {  	[sflag:s9] =	ssyncset.done $0x0  }
0xda: {  	[sflag:s9] =	ssyncadd.s32 $0xFFFFFF80  }
0xdb: {  	_ =	swait.ge [sflag:s9], $0x80  }
0xdc: {  	[sflag:s9] =	ssyncset.done $0x0  }
0xdd: {  	[sflag:s9] =	ssyncadd.s32 $0xFFFFFF80  }
0xde: {  	_ =	swait.ge [sflag:s9], $0x80  }
0xdf: {  	[sflag:s9] =	ssyncset.done $0x0  }
0xe0: {  	[sflag:s9] =	ssyncadd.s32 $0xFFFFFF80  }
0xe1: {  	_ =	swait.ge [sflag:s9], $0x80  }
0xe2: {  	[sflag:s9] =	ssyncset.done $0x0  }
0xe3: {  	[sflag:s9] =	ssyncadd.s32 $0xFFFFFF80  }
0xe4: {  	_ =	swait.ge [sflag:s9], $0x80  }
0xe5: {  	[sflag:s9] =	ssyncset.done $0x0  }
0xe6: {  	[sflag:s9] =	ssyncadd.s32 $0xFFFFFF80  }
0xe7: {  	_ =	swait.ge [sflag:s9], $0x80  }
0xe8: {  	[sflag:s9] =	ssyncset.done $0x0  }
0xe9: {  	[sflag:s9] =	ssyncadd.s32 $0xFFFFFF80  }
0xea: {  	_ =	swait.ge [sflag:s9], $0x80  }
0xeb: {  	[sflag:s9] =	ssyncset.done $0x0  }
0xec: {  	[sflag:s9] =	ssyncadd.s32 $0xFFFFFF80  }
0xed: {  	_ =	swait.ge [sflag:s9], $0x80  }
0xee: {  	[sflag:s9] =	ssyncset.done $0x0  }
0xef: {  	[sflag:s9] =	ssyncadd.s32 $0xFFFFFF80  }
0xf0: {  	_ =	swait.ge [sflag:s9], $0x80  }
0xf1: {  	[sflag:s9] =	ssyncset.done $0x0  }
0xf2: {  	[sflag:s9] =	ssyncadd.s32 $0xFFFFFF80  }
0xf3: {  	_ =	swait.ge [sflag:s9], $0x80  }
0xf4: {  	[sflag:s9] =	ssyncset.done $0x0  }
0xf5: {  	[sflag:s9] =	ssyncadd.s32 $0xFFFFFF80  }
0xf6: {  	v62 =	vld [tilespmem:$0x80];
	_ =	sdelay $0x4  }
0xf7: {  	v0 =	vshll.u32 v62, $0x4  }
0xf8: {  	(v2sf) =	vpush v0, $0x0;
	_ =	sdelay $0x3  }
0xf9: {  	(v2sf) =	vpush v0, $0x1;
	_ =	sdelay $0x3  }
0xfa: {  	(v2sf) =	vpush v0, $0x2;
	_ =	sdelay $0x3  }
0xfb: {  	(v2sf) =	vpush v0, $0x3;
	_ =	sdelay $0x2  }
0xfc: {  	s8 =	spop (v2sf)  }
0xfd: {  	(v2sf) =	vpush v0, $0x4;
	s12 =	sand.u32 $0x1FFFFFF0, s8  }
0xfe: {  	s13 =	simm.s32 $0x100;
	s12 =	sadd.s32 s4, s12  }
0xff: {  	[hbm4b:s12+s3] =	stream.linear.scatter [tilespmem:s13], [sflag:$0x2], $0x80, $0x38;
	[tilespmem:$0x1100] =	vst v63  }
0x100: {  	s13 =	spop (v2sf)  }
0x101: {  	(v2sf) =	vpush v0, $0x5;
	s12 =	sand.u32 $0x1FFFFFF0, s13  }
0x102: {  	s14 =	simm.s32 $0x180;
	s12 =	sadd.s32 s4, s12  }
0x103: {  	[hbm4b:s12+s3] =	stream.linear.scatter [tilespmem:s14], [sflag:$0x2], $0x80, $0x38;
	[tilespmem:$0x1100] =	vst v63  }
0x104: {  	s14 =	spop (v2sf)  }
0x105: {  	(v2sf) =	vpush v0, $0x6;
	s12 =	sand.u32 $0x1FFFFFF0, s14  }
0x106: {  	s15 =	simm.s32 $0x200;
	s12 =	sadd.s32 s4, s12  }
0x107: {  	[hbm4b:s12+s3] =	stream.linear.scatter [tilespmem:s15], [sflag:$0x2], $0x80, $0x38;
	[tilespmem:$0x1100] =	vst v63  }
0x108: {  	s15 =	spop (v2sf)  }
0x109: {  	(v2sf) =	vpush v0, $0x7;
	s12 =	sand.u32 $0x1FFFFFF0, s15  }
0x10a: {  	s16 =	simm.s32 $0x280;
	s12 =	sadd.s32 s4, s12  }
0x10b: {  	[hbm4b:s12+s3] =	stream.linear.scatter [tilespmem:s16], [sflag:$0x2], $0x80, $0x38;
	[tilespmem:$0x1100] =	vst v63  }
0x10c: {  	s0 =	spop (v2sf)  }
0x10d: {  	(v2sf) =	vpush v0, $0x8;
	s12 =	sand.u32 $0x1FFFFFF0, s0  }
0x10e: {  	s18 =	simm.s32 $0x300;
	s12 =	sadd.s32 s4, s12  }
0x10f: {  	[hbm4b:s12+s3] =	stream.linear.scatter [tilespmem:s18], [sflag:$0x2], $0x80, $0x38;
	[tilespmem:$0x1100] =	vst v63  }
0x110: {  	s8 =	spop (v2sf)  }
0x111: {  	(v2sf) =	vpush v0, $0x9;
	s12 =	sand.u32 $0x1FFFFFF0, s8  }
0x112: {  	s13 =	simm.s32 $0x380;
	s12 =	sadd.s32 s4, s12  }
0x113: {  	[hbm4b:s12+s3] =	stream.linear.scatter [tilespmem:s13], [sflag:$0x2], $0x80, $0x38;
	[tilespmem:$0x1100] =	vst v63  }
0x114: {  	s14 =	spop (v2sf)  }
0x115: {  	(v2sf) =	vpush v0, $0xA;
	s12 =	sand.u32 $0x1FFFFFF0, s14  }
0x116: {  	s12 =	sadd.s32 s4, s12  }
0x117: {  	[hbm4b:s12+s3] =	stream.linear.scatter [tilespmem:s17], [sflag:$0x2], $0x80, $0x38;
	[tilespmem:$0x1100] =	vst v63  }
0x118: {  	s15 =	spop (v2sf)  }
0x119: {  	(v2sf) =	vpush v0, $0xB;
	s12 =	sand.u32 $0x1FFFFFF0, s15  }
0x11a: {  	s16 =	simm.s32 $0x480;
	s12 =	sadd.s32 s4, s12  }
0x11b: {  	[hbm4b:s12+s3] =	stream.linear.scatter [tilespmem:s16], [sflag:$0x2], $0x80, $0x38;
	[tilespmem:$0x1100] =	vst v63  }
0x11c: {  	s17 =	spop (v2sf)  }
0x11d: {  	(v2sf) =	vpush v0, $0xC;
	s12 =	sand.u32 $0x1FFFFFF0, s17  }
0x11e: {  	s18 =	simm.s32 $0x500;
	s12 =	sadd.s32 s4, s12  }
0x11f: {  	[hbm4b:s12+s3] =	stream.linear.scatter [tilespmem:s18], [sflag:$0x2], $0x80, $0x38;
	[tilespmem:$0x1100] =	vst v63  }
0x120: {  	s0 =	spop (v2sf)  }
0x121: {  	(v2sf) =	vpush v0, $0xD;
	s12 =	sand.u32 $0x1FFFFFF0, s0  }
0x122: {  	s12 =	sadd.s32 s4, s12  }
0x123: {  	[hbm4b:s12+s3] =	stream.linear.scatter [tilespmem:s11], [sflag:$0x2], $0x80, $0x38;
	[tilespmem:$0x1100] =	vst v63  }
0x124: {  	s8 =	spop (v2sf)  }
0x125: {  	(v2sf) =	vpush v0, $0xE;
	s12 =	sand.u32 $0x1FFFFFF0, s8  }
0x126: {  	s12 =	sadd.s32 s4, s12  }
0x127: {  	[hbm4b:s12+s3] =	stream.linear.scatter [tilespmem:s7], [sflag:$0x2], $0x80, $0x38;
	[tilespmem:$0x1100] =	vst v63  }
0x128: {  	s13 =	spop (v2sf)  }
0x129: {  	(v2sf) =	vpush v0, $0xF;
	s12 =	sand.u32 $0x1FFFFFF0, s13  }
0x12a: {  	s12 =	sadd.s32 s4, s12  }
0x12b: {  	[hbm4b:s12+s3] =	stream.linear.scatter [tilespmem:s6], [sflag:$0x2], $0x80, $0x38;
	[tilespmem:$0x1100] =	vst v63  }
0x12c: {  	s14 =	spop (v2sf)  }
0x12d: {  	s12 =	sand.u32 $0x1FFFFFF0, s14  }
0x12e: {  	s12 =	sadd.s32 s4, s12  }
0x12f: {  	[hbm4b:s12+s3] =	stream.linear.scatter [tilespmem:s5], [sflag:$0x2], $0x80, $0x38;
	[tilespmem:$0x1100] =	vst v63  }
0x130: {  	s15 =	spop (v2sf)  }
0x131: {  	s12 =	sand.u32 $0x1FFFFFF0, s15  }
0x132: {  	s12 =	sadd.s32 s4, s12  }
0x133: {  	[hbm4b:s12+s3] =	stream.linear.scatter [tilespmem:s1], [sflag:$0x2], $0x80, $0x38;
	[tilespmem:$0x1100] =	vst v63  }
0x134: {  	s16 =	spop (v2sf)  }
0x135: {  	s12 =	sand.u32 $0x1FFFFFF0, s16  }
0x136: {  	s18 =	simm.s32 $0x800;
	s12 =	sadd.s32 s4, s12  }
0x137: {  	[hbm4b:s12+s3] =	stream.linear.scatter [tilespmem:s18], [sflag:$0x2], $0x80, $0x38;
	[tilespmem:$0x1100] =	vst v63  }
0x138: {  	s1 =	spop (v2sf)  }
0x139: {  	s12 =	sand.u32 $0x1FFFFFF0, s1  }
0x13a: {  	s13 =	simm.s32 $0x880;
	s12 =	sadd.s32 s4, s12  }
0x13b: {  	[hbm4b:s12+s3] =	stream.linear.scatter [tilespmem:s13], [sflag:$0x2], $0x80, $0x38;
	[tilespmem:$0x1100] =	vst v63  }
0x13c: {  	v63 =	vld [tilespmem:$0x90];
	_ =	sdelay $0x4  }
0x13d: {  	v0 =	vshll.u32 v63, $0x4  }
0x13e: {  	(v2sf) =	vpush v0, $0x0;
	_ =	sdelay $0x1  }
0x13f: {  	(v2sf) =	vpush v0, $0x1;
	_ =	sdelay $0x1  }
0x140: {  	(v2sf) =	vpush v0, $0x2;
	_ =	sdelay $0x2  }
0x141: {  	(v2sf) =	vpush v0, $0x3;
	_ =	sdelay $0x7  }
0x142: {  	s14 =	spop (v2sf);
	(v2sf) =	vpush v0, $0x4;
	_ =	sdelay $0x1  }
0x143: {  	s15 =	spop (v2sf);
	(v2sf) =	vpush v0, $0x5;
	_ =	sdelay $0x1  }
0x144: {  	s12 =	sand.u32 $0x1FFFFFF0, s14;
	s18 =	spop (v2sf);
	(v2sf) =	vpush v0, $0x6  }
0x145: {  	s12 =	sadd.s32 s4, s12  }
0x146: {  	[hbm4b:s12+s3] =	stream.linear.scatter [tilespmem:s31], [sflag:$0x2], $0x80, $0x38;
	[tilespmem:$0x1100] =	vst v63  }
0x147: {  	s1 =	spop (v2sf);
	(v2sf) =	vpush v0, $0x7  }
0x148: {  	s12 =	sand.u32 $0x1FFFFFF0, s15  }
0x149: {  	s12 =	sadd.s32 s4, s12  }
0x14a: {  	[hbm4b:s12+s3] =	stream.linear.scatter [tilespmem:s30], [sflag:$0x2], $0x80, $0x38;
	[tilespmem:$0x1100] =	vst v63  }
0x14b: {  	s12 =	sand.u32 $0x1FFFFFF0, s18  }
0x14c: {  	s12 =	sadd.s32 s4, s12  }
0x14d: {  	[hbm4b:s12+s3] =	stream.linear.scatter [tilespmem:s29], [sflag:$0x2], $0x80, $0x38;
	[tilespmem:$0x1100] =	vst v63  }
0x14e: {  	s12 =	sand.u32 $0x1FFFFFF0, s1  }
0x14f: {  	s12 =	sadd.s32 s4, s12;
	s13 =	spop (v2sf);
	(v2sf) =	vpush v0, $0x8  }
0x150: {  	[hbm4b:s12+s3] =	stream.linear.scatter [tilespmem:s28], [sflag:$0x2], $0x80, $0x38;
	[tilespmem:$0x1100] =	vst v63  }
0x151: {  	s14 =	spop (v2sf);
	(v2sf) =	vpush v0, $0x9  }
0x152: {  	s12 =	sand.u32 $0x1FFFFFF0, s13  }
0x153: {  	s12 =	sadd.s32 s4, s12;
	s15 =	spop (v2sf);
	(v2sf) =	vpush v0, $0xA  }
0x154: {  	[hbm4b:s12+s3] =	stream.linear.scatter [tilespmem:s26], [sflag:$0x2], $0x80, $0x38;
	[tilespmem:$0x1100] =	vst v63  }
0x155: {  	s12 =	sand.u32 $0x1FFFFFF0, s14  }
0x156: {  	s18 =	spop (v2sf);
	(v2sf) =	vpush v0, $0xB;
	s12 =	sadd.s32 s4, s12  }
0x157: {  	[hbm4b:s12+s3] =	stream.linear.scatter [tilespmem:s25], [sflag:$0x2], $0x80, $0x38;
	[tilespmem:$0x1100] =	vst v63  }
0x158: {  	s12 =	sand.u32 $0x1FFFFFF0, s15  }
0x159: {  	s12 =	sadd.s32 s4, s12  }
0x15a: {  	[hbm4b:s12+s3] =	stream.linear.scatter [tilespmem:s24], [sflag:$0x2], $0x80, $0x38;
	[tilespmem:$0x1100] =	vst v63  }
0x15b: {  	s12 =	sand.u32 $0x1FFFFFF0, s18  }
0x15c: {  	s12 =	sadd.s32 s4, s12  }
0x15d: {  	[hbm4b:s12+s3] =	stream.linear.scatter [tilespmem:s23], [sflag:$0x2], $0x80, $0x38;
	[tilespmem:$0x1100] =	vst v63  }
0x15e: {  	s23 =	spop (v2sf);
	(v2sf) =	vpush v0, $0xC;
	_ =	sdelay $0x1  }
0x15f: {  	s1 =	spop (v2sf);
	(v2sf) =	vpush v0, $0xD  }
0x160: {  	s12 =	sand.u32 $0x1FFFFFF0, s23  }
0x161: {  	s12 =	sadd.s32 s4, s12;
	s13 =	spop (v2sf)  }
0x162: {  	(v2sf) =	vpush v0, $0xE;
	[hbm4b:s12+s3] =	stream.linear.scatter [tilespmem:s22], [sflag:$0x2], $0x80, $0x38;
	[tilespmem:$0x1100] =	vst v63  }
0x163: {  	s12 =	sand.u32 $0x1FFFFFF0, s1  }
0x164: {  	s14 =	spop (v2sf);
	s12 =	sadd.s32 s4, s12  }
0x165: {  	(v2sf) =	vpush v0, $0xF;
	[hbm4b:s12+s3] =	stream.linear.scatter [tilespmem:s21], [sflag:$0x2], $0x80, $0x38;
	[tilespmem:$0x1100] =	vst v63  }
0x166: {  	s12 =	sand.u32 $0x1FFFFFF0, s13  }
0x167: {  	s12 =	sadd.s32 s4, s12  }
0x168: {  	[hbm4b:s12+s3] =	stream.linear.scatter [tilespmem:s20], [sflag:$0x2], $0x80, $0x38;
	[tilespmem:$0x1100] =	vst v63  }
0x169: {  	s12 =	sand.u32 $0x1FFFFFF0, s14  }
0x16a: {  	s12 =	sadd.s32 s4, s12  }
0x16b: {  	[hbm4b:s12+s3] =	stream.linear.scatter [tilespmem:s19], [sflag:$0x2], $0x80, $0x38;
	[tilespmem:$0x1100] =	vst v63  }
0x16c: {  	s15 =	spop (v2sf)  }
0x16d: {  	s12 =	sand.u32 $0x1FFFFFF0, s15  }
0x16e: {  	s18 =	simm.s32 $0xF00;
	s1 =	spop (v2sf);
	s12 =	sadd.s32 s4, s12  }
0x16f: {  	[hbm4b:s12+s3] =	stream.linear.scatter [tilespmem:s18], [sflag:$0x2], $0x80, $0x38;
	[tilespmem:$0x1100] =	vst v63  }
0x170: {  	s12 =	sand.u32 $0x1FFFFFF0, s1  }
0x171: {  	s13 =	simm.s32 $0xF80;
	s14 =	spop (v2sf);
	s12 =	sadd.s32 s4, s12  }
0x172: {  	[hbm4b:s12+s3] =	stream.linear.scatter [tilespmem:s13], [sflag:$0x2], $0x80, $0x38;
	[tilespmem:$0x1100] =	vst v63  }
0x173: {  	s12 =	sand.u32 $0x1FFFFFF0, s14  }
0x174: {  	s15 =	simm.s32 $0x1000;
	s13 =	spop (v2sf);
	s12 =	sadd.s32 s4, s12  }
0x175: {  	[hbm4b:s12+s3] =	stream.linear.scatter [tilespmem:s15], [sflag:$0x2], $0x80, $0x38;
	[tilespmem:$0x1100] =	vst v63  }
0x176: {  	s12 =	sand.u32 $0x1FFFFFF0, s13  }
0x177: {  	s14 =	simm.s32 $0x1080;
	s12 =	sadd.s32 s4, s12  }
0x178: {  	[hbm4b:s12+s3] =	stream.linear.scatter [tilespmem:s14], [sflag:$0x2], $0x80, $0x38;
	[tilespmem:$0x1100] =	vst v63  }
0x179: {  	_ =	swait.ge [sflag:s2], $0x80  }
0x17a: {  	[sflag:s2] =	ssyncset.done $0x0  }
0x17b: {  	[sflag:s2] =	ssyncadd.s32 $0xFFFFFF80  }
0x17c: {  	_ =	swait.ge [sflag:s2], $0x80  }
0x17d: {  	[sflag:s2] =	ssyncset.done $0x0  }
0x17e: {  	[sflag:s2] =	ssyncadd.s32 $0xFFFFFF80  }
0x17f: {  	_ =	swait.ge [sflag:s2], $0x80  }
0x180: {  	[sflag:s2] =	ssyncset.done $0x0  }
0x181: {  	[sflag:s2] =	ssyncadd.s32 $0xFFFFFF80  }
0x182: {  	_ =	swait.ge [sflag:s2], $0x80  }
0x183: {  	[sflag:s2] =	ssyncset.done $0x0  }
0x184: {  	[sflag:s2] =	ssyncadd.s32 $0xFFFFFF80  }
0x185: {  	_ =	swait.ge [sflag:s2], $0x80  }
0x186: {  	[sflag:s2] =	ssyncset.done $0x0  }
0x187: {  	[sflag:s2] =	ssyncadd.s32 $0xFFFFFF80  }
0x188: {  	_ =	swait.ge [sflag:s2], $0x80  }
0x189: {  	[sflag:s2] =	ssyncset.done $0x0  }
0x18a: {  	[sflag:s2] =	ssyncadd.s32 $0xFFFFFF80  }
0x18b: {  	_ =	swait.ge [sflag:s2], $0x80  }
0x18c: {  	[sflag:s2] =	ssyncset.done $0x0  }
0x18d: {  	[sflag:s2] =	ssyncadd.s32 $0xFFFFFF80  }
0x18e: {  	_ =	swait.ge [sflag:s2], $0x80  }
0x18f: {  	[sflag:s2] =	ssyncset.done $0x0  }
0x190: {  	[sflag:s2] =	ssyncadd.s32 $0xFFFFFF80  }
0x191: {  	_ =	swait.ge [sflag:s2], $0x80  }
0x192: {  	[sflag:s2] =	ssyncset.done $0x0  }
0x193: {  	[sflag:s2] =	ssyncadd.s32 $0xFFFFFF80  }
0x194: {  	_ =	swait.ge [sflag:s2], $0x80  }
0x195: {  	[sflag:s2] =	ssyncset.done $0x0  }
0x196: {  	[sflag:s2] =	ssyncadd.s32 $0xFFFFFF80  }
0x197: {  	_ =	swait.ge [sflag:s2], $0x80  }
0x198: {  	[sflag:s2] =	ssyncset.done $0x0  }
0x199: {  	[sflag:s2] =	ssyncadd.s32 $0xFFFFFF80  }
0x19a: {  	_ =	swait.ge [sflag:s2], $0x80  }
0x19b: {  	[sflag:s2] =	ssyncset.done $0x0  }
0x19c: {  	[sflag:s2] =	ssyncadd.s32 $0xFFFFFF80  }
0x19d: {  	_ =	swait.ge [sflag:s2], $0x80  }
0x19e: {  	[sflag:s2] =	ssyncset.done $0x0  }
0x19f: {  	[sflag:s2] =	ssyncadd.s32 $0xFFFFFF80  }
0x1a0: {  	_ =	swait.ge [sflag:s2], $0x80  }
0x1a1: {  	[sflag:s2] =	ssyncset.done $0x0  }
0x1a2: {  	[sflag:s2] =	ssyncadd.s32 $0xFFFFFF80  }
0x1a3: {  	_ =	swait.ge [sflag:s2], $0x80  }
0x1a4: {  	[sflag:s2] =	ssyncset.done $0x0  }
0x1a5: {  	[sflag:s2] =	ssyncadd.s32 $0xFFFFFF80  }
0x1a6: {  	_ =	swait.ge [sflag:s2], $0x80  }
0x1a7: {  	[sflag:s2] =	ssyncset.done $0x0  }
0x1a8: {  	[sflag:s2] =	ssyncadd.s32 $0xFFFFFF80  }
0x1a9: {  	_ =	swait.ge [sflag:s2], $0x80  }
0x1aa: {  	[sflag:s2] =	ssyncset.done $0x0  }
0x1ab: {  	[sflag:s2] =	ssyncadd.s32 $0xFFFFFF80  }
0x1ac: {  	_ =	swait.ge [sflag:s2], $0x80  }
0x1ad: {  	[sflag:s2] =	ssyncset.done $0x0  }
0x1ae: {  	[sflag:s2] =	ssyncadd.s32 $0xFFFFFF80  }
0x1af: {  	_ =	swait.ge [sflag:s2], $0x80  }
0x1b0: {  	[sflag:s2] =	ssyncset.done $0x0  }
0x1b1: {  	[sflag:s2] =	ssyncadd.s32 $0xFFFFFF80  }
0x1b2: {  	_ =	swait.ge [sflag:s2], $0x80  }
0x1b3: {  	[sflag:s2] =	ssyncset.done $0x0  }
0x1b4: {  	[sflag:s2] =	ssyncadd.s32 $0xFFFFFF80  }
0x1b5: {  	_ =	swait.ge [sflag:s2], $0x80  }
0x1b6: {  	[sflag:s2] =	ssyncset.done $0x0  }
0x1b7: {  	[sflag:s2] =	ssyncadd.s32 $0xFFFFFF80  }
0x1b8: {  	_ =	swait.ge [sflag:s2], $0x80  }
0x1b9: {  	[sflag:s2] =	ssyncset.done $0x0  }
0x1ba: {  	[sflag:s2] =	ssyncadd.s32 $0xFFFFFF80  }
0x1bb: {  	_ =	swait.ge [sflag:s2], $0x80  }
0x1bc: {  	[sflag:s2] =	ssyncset.done $0x0  }
0x1bd: {  	[sflag:s2] =	ssyncadd.s32 $0xFFFFFF80  }
0x1be: {  	_ =	swait.ge [sflag:s2], $0x80  }
0x1bf: {  	[sflag:s2] =	ssyncset.done $0x0  }
0x1c0: {  	[sflag:s2] =	ssyncadd.s32 $0xFFFFFF80  }
0x1c1: {  	_ =	swait.ge [sflag:s2], $0x80  }
0x1c2: {  	[sflag:s2] =	ssyncset.done $0x0  }
0x1c3: {  	[sflag:s2] =	ssyncadd.s32 $0xFFFFFF80  }
0x1c4: {  	_ =	swait.ge [sflag:s2], $0x80  }
0x1c5: {  	[sflag:s2] =	ssyncset.done $0x0  }
0x1c6: {  	[sflag:s2] =	ssyncadd.s32 $0xFFFFFF80  }
0x1c7: {  	_ =	swait.ge [sflag:s2], $0x80  }
0x1c8: {  	[sflag:s2] =	ssyncset.done $0x0  }
0x1c9: {  	[sflag:s2] =	ssyncadd.s32 $0xFFFFFF80  }
0x1ca: {  	_ =	swait.ge [sflag:s2], $0x80  }
0x1cb: {  	[sflag:s2] =	ssyncset.done $0x0  }
0x1cc: {  	[sflag:s2] =	ssyncadd.s32 $0xFFFFFF80  }
0x1cd: {  	_ =	swait.ge [sflag:s2], $0x80  }
0x1ce: {  	[sflag:s2] =	ssyncset.done $0x0  }
0x1cf: {  	[sflag:s2] =	ssyncadd.s32 $0xFFFFFF80  }
0x1d0: {  	p0 =	por $0x1, $0x1;
	_ =	swait.ge [sflag:s2], $0x80  }
0x1d1: {  	s17 =	simm.s32 $0x500;
	s0 =	simm.s32 $0x880;
	[sflag:s2] =	ssyncset.done $0x0  }
0x1d2: {  	s8 =	simm.s32 $0x680;
	s7 =	simm.s32 $0x700;
	[sflag:s2] =	ssyncadd.s32 $0xFFFFFF80  }
0x1d3: {  	s6 =	simm.s32 $0x780;
	s5 =	simm.s32 $0x800;
	_ =	swait.ge [sflag:s2], $0x80  }
0x1d4: {  	s16 =	simm.s32 $0x900;
	s31 =	simm.s32 $0x980;
	s15 =	rddreg [dreg:$0x7]  }
0x1d5: {  	s30 =	simm.s32 $0xA00;
	s29 =	simm.s32 $0xA80;
	p1 =	sne.s32 s15, $0x1  }
.Ltmp1:
0x1d6: {  	s28 =	simm.s32 $0xB00;
	s26 =	simm.s32 $0xB80;
	(pc) =	sbr.rel @!p1 .LBB2_2-.Ltmp1, $4  }
0x1d7: {  	s25 =	simm.s32 $0xC00;
	s24 =	simm.s32 $0xC80;
	s23 =	simm.s32 $0xD00  }
0x1d8: {  	s22 =	simm.s32 $0xD80;
	s21 =	simm.s32 $0xE00;
	[sflag:s2] =	ssyncset.done $0x0  }
0x1d9: {  	s20 =	simm.s32 $0xE80;
	s19 =	simm.s32 $0xF00;
	[sflag:s2] =	ssyncadd.s32 $0xFFFFFF80  }
0x1da: {  	s18 =	simm.s32 $0xF80;
	s12 =	sadd.s32 $0xFFFFFFFF, s15;
	_ =	swait.ge [sflag:s2], $0x80  }
.LBB2_3:
0x1db: {  	[sflag:s2] =	ssyncset.done $0x0  }
0x1dc: {  	s13 =	rddreg [dreg:$0x4];
	s15 =	simm.s32 $0x3;
	[sflag:s2] =	ssyncadd.s32 $0xFFFFFF80  }
0x1dd: {  	[tilespmem:s3], [sflag:$0x3] =	stream.linear.gather [hbm4b:s13+s3], $0x20, $0x38;
	[tilespmem:$0x1100] =	vst v63  }
0x1de: {  	_ =	swait.ge [sflag:s15], $0x20  }
0x1df: {  	s1 =	rddreg [dreg:$0x5];
	[sflag:s15] =	ssyncset.done $0x0  }
0x1e0: {  	s14 =	rddreg [dreg:$0x6];
	[sflag:s15] =	ssyncadd.s32 $0xFFFFFFE0  }
0x1e1: {  	[tilespmem:s14], [sflag:$0x3] =	stream.linear.gather [hbm4b:s1+s3], $0x20, $0x38;
	[tilespmem:$0x1100] =	vst v63  }
0x1e2: {  	_ =	swait.ge [sflag:s15], $0x20  }
0x1e3: {  	[sflag:s15] =	ssyncset.done $0x0  }
0x1e4: {  	[sflag:s15] =	ssyncadd.s32 $0xFFFFFFE0  }
0x1e5: {  	v0 =	vld [tilespmem:$0x0];
	_ =	sdelay $0x4  }
0x1e6: {  	v0 =	vshll.u32 v0, $0x4  }
0x1e7: {  	(v2sf) =	vpush v0, $0x0  }
0x1e8: {  	(v2sf) =	vpush v0, $0x1;
	_ =	sdelay $0x2  }
0x1e9: {  	(v2sf) =	vpush v0, $0x2  }
0x1ea: {  	(v2sf) =	vpush v0, $0x3;
	_ =	sdelay $0x3  }
0x1eb: {  	(v2sf) =	vpush v0, $0x4  }
0x1ec: {  	(v2sf) =	vpush v0, $0x5;
	_ =	sdelay $0x3  }
0x1ed: {  	(v2sf) =	vpush v0, $0x6  }
0x1ee: {  	(v2sf) =	vpush v0, $0x7;
	s15 =	spop (v2sf)  }
0x1ef: {  	s13 =	sand.u32 $0x1FFFFFF0, s15;
	s1 =	spop (v2sf)  }
0x1f0: {  	s13 =	sadd.s32 s10, s13;
	s14 =	sand.u32 $0x1FFFFFF0, s1;
	s1 =	simm.s32 $0x100  }
0x1f1: {  	[tilespmem:s1], [sflag:$0x1] =	stream.linear.gather [hbm4b:s13+s3], $0x80, $0x38;
	[tilespmem:$0x1100] =	vst v63  }
0x1f2: {  	(v2sf) =	vpush v0, $0x8;
	s15 =	spop (v2sf);
	s13 =	sadd.s32 s10, s14  }
0x1f3: {  	(v2sf) =	vpush v0, $0x9;
	s14 =	sand.u32 $0x1FFFFFF0, s15;
	s15 =	spop (v2sf);
	s1 =	simm.s32 $0x180  }
0x1f4: {  	[tilespmem:s1], [sflag:$0x1] =	stream.linear.gather [hbm4b:s13+s3], $0x80, $0x38;
	[tilespmem:$0x1100] =	vst v63  }
0x1f5: {  	(v2sf) =	vpush v0, $0xA;
	s13 =	sadd.s32 s10, s14;
	s14 =	sand.u32 $0x1FFFFFF0, s15;
	s1 =	simm.s32 $0x200  }
0x1f6: {  	[tilespmem:s1], [sflag:$0x1] =	stream.linear.gather [hbm4b:s13+s3], $0x80, $0x38;
	[tilespmem:$0x1100] =	vst v63  }
0x1f7: {  	(v2sf) =	vpush v0, $0xB;
	s15 =	spop (v2sf);
	s13 =	sadd.s32 s10, s14  }
0x1f8: {  	(v2sf) =	vpush v0, $0xC;
	s14 =	sand.u32 $0x1FFFFFF0, s15;
	s15 =	spop (v2sf);
	s1 =	simm.s32 $0x280  }
0x1f9: {  	[tilespmem:s1], [sflag:$0x1] =	stream.linear.gather [hbm4b:s13+s3], $0x80, $0x38;
	[tilespmem:$0x1100] =	vst v63  }
0x1fa: {  	s13 =	sadd.s32 s10, s14;
	s14 =	sand.u32 $0x1FFFFFF0, s15;
	s1 =	simm.s32 $0x300  }
0x1fb: {  	[tilespmem:s1], [sflag:$0x1] =	stream.linear.gather [hbm4b:s13+s3], $0x80, $0x38;
	[tilespmem:$0x1100] =	vst v63  }
0x1fc: {  	(v2sf) =	vpush v0, $0xD;
	s15 =	spop (v2sf);
	s13 =	sadd.s32 s10, s14  }
0x1fd: {  	s14 =	sand.u32 $0x1FFFFFF0, s15;
	s15 =	spop (v2sf);
	s1 =	simm.s32 $0x380  }
0x1fe: {  	(v2sf) =	vpush v0, $0xE;
	[tilespmem:s1], [sflag:$0x1] =	stream.linear.gather [hbm4b:s13+s3], $0x80, $0x38;
	[tilespmem:$0x1100] =	vst v63  }
0x1ff: {  	s13 =	sadd.s32 s10, s14;
	s14 =	sand.u32 $0x1FFFFFF0, s15;
	s1 =	simm.s32 $0x400  }
0x200: {  	(v2sf) =	vpush v0, $0xF;
	[tilespmem:s1], [sflag:$0x1] =	stream.linear.gather [hbm4b:s13+s3], $0x80, $0x38;
	[tilespmem:$0x1100] =	vst v63  }
0x201: {  	s15 =	spop (v2sf);
	s13 =	sadd.s32 s10, s14  }
0x202: {  	s14 =	sand.u32 $0x1FFFFFF0, s15;
	s1 =	simm.s32 $0x480;
	s15 =	spop (v2sf)  }
0x203: {  	[tilespmem:s1], [sflag:$0x1] =	stream.linear.gather [hbm4b:s13+s3], $0x80, $0x38;
	[tilespmem:$0x1100] =	vst v63  }
0x204: {  	s14 =	sadd.s32 s10, s14;
	s1 =	spop (v2sf)  }
0x205: {  	[tilespmem:s17], [sflag:$0x1] =	stream.linear.gather [hbm4b:s14+s3], $0x80, $0x38;
	[tilespmem:$0x1100] =	vst v63  }
0x206: {  	s15 =	sand.u32 $0x1FFFFFF0, s15;
	s17 =	sand.u32 $0x1FFFFFF0, s1;
	s1 =	spop (v2sf)  }
0x207: {  	s14 =	sadd.s32 s10, s15;
	s15 =	spop (v2sf)  }
0x208: {  	[tilespmem:s11], [sflag:$0x1] =	stream.linear.gather [hbm4b:s14+s3], $0x80, $0x38;
	[tilespmem:$0x1100] =	vst v63  }
0x209: {  	s14 =	sadd.s32 s10, s17;
	s17 =	sand.u32 $0x1FFFFFF0, s1;
	s11 =	simm.s32 $0x600  }
0x20a: {  	[tilespmem:s11], [sflag:$0x1] =	stream.linear.gather [hbm4b:s14+s3], $0x80, $0x38;
	[tilespmem:$0x1100] =	vst v63  }
0x20b: {  	s1 =	sand.u32 $0x1FFFFFF0, s15;
	s17 =	sadd.s32 s10, s17;
	s11 =	spop (v2sf)  }
0x20c: {  	[tilespmem:s8], [sflag:$0x1] =	stream.linear.gather [hbm4b:s17+s3], $0x80, $0x38;
	[tilespmem:$0x1100] =	vst v63  }
0x20d: {  	s14 =	sadd.s32 s10, s1;
	s1 =	spop (v2sf);
	s17 =	sand.u32 $0x1FFFFFF0, s11  }
0x20e: {  	[tilespmem:s7], [sflag:$0x1] =	stream.linear.gather [hbm4b:s14+s3], $0x80, $0x38;
	[tilespmem:$0x1100] =	vst v63  }
0x20f: {  	s8 =	sand.u32 $0x1FFFFFF0, s1;
	s11 =	spop (v2sf);
	s7 =	sadd.s32 s10, s17  }
0x210: {  	[tilespmem:s6], [sflag:$0x1] =	stream.linear.gather [hbm4b:s7+s3], $0x80, $0x38;
	[tilespmem:$0x1100] =	vst v63  }
0x211: {  	s14 =	sadd.s32 s10, s8;
	s15 =	sand.u32 $0x1FFFFFF0, s11  }
0x212: {  	[tilespmem:s5], [sflag:$0x1] =	stream.linear.gather [hbm4b:s14+s3], $0x80, $0x38;
	[tilespmem:$0x1100] =	vst v63  }
0x213: {  	s17 =	sadd.s32 s10, s15  }
0x214: {  	[tilespmem:s0], [sflag:$0x1] =	stream.linear.gather [hbm4b:s17+s3], $0x80, $0x38;
	[tilespmem:$0x1100] =	vst v63  }
0x215: {  	v61 =	vld [tilespmem:$0x10];
	_ =	sdelay $0x4  }
0x216: {  	v0 =	vshll.u32 v61, $0x4  }
0x217: {  	(v2sf) =	vpush v0, $0x0  }
0x218: {  	(v2sf) =	vpush v0, $0x1  }
0x219: {  	(v2sf) =	vpush v0, $0x2;
	_ =	sdelay $0x1  }
0x21a: {  	(v2sf) =	vpush v0, $0x3;
	_ =	sdelay $0x1  }
0x21b: {  	(v2sf) =	vpush v0, $0x4;
	_ =	sdelay $0x1  }
0x21c: {  	(v2sf) =	vpush v0, $0x5;
	_ =	sdelay $0x1  }
0x21d: {  	(v2sf) =	vpush v0, $0x6;
	_ =	sdelay $0x1  }
0x21e: {  	(v2sf) =	vpush v0, $0x7;
	_ =	sdelay $0x1  }
0x21f: {  	(v2sf) =	vpush v0, $0x8  }
0x220: {  	s1 =	spop (v2sf)  }
0x221: {  	s13 =	sand.u32 $0x1FFFFFF0, s1;
	s5 =	spop (v2sf);
	(v2sf) =	vpush v0, $0x9  }
0x222: {  	s13 =	sadd.s32 s10, s13;
	s14 =	sand.u32 $0x1FFFFFF0, s5;
	s6 =	spop (v2sf)  }
0x223: {  	(v2sf) =	vpush v0, $0xA;
	[tilespmem:s16], [sflag:$0x1] =	stream.linear.gather [hbm4b:s13+s3], $0x80, $0x38;
	[tilespmem:$0x1100] =	vst v63  }
0x224: {  	s7 =	sadd.s32 s10, s14;
	s8 =	sand.u32 $0x1FFFFFF0, s6;
	s11 =	spop (v2sf)  }
0x225: {  	(v2sf) =	vpush v0, $0xB;
	[tilespmem:s31], [sflag:$0x1] =	stream.linear.gather [hbm4b:s7+s3], $0x80, $0x38;
	[tilespmem:$0x1100] =	vst v63  }
0x226: {  	s16 =	sadd.s32 s10, s8;
	s17 =	sand.u32 $0x1FFFFFF0, s11;
	s0 =	spop (v2sf)  }
0x227: {  	(v2sf) =	vpush v0, $0xC;
	[tilespmem:s30], [sflag:$0x1] =	stream.linear.gather [hbm4b:s16+s3], $0x80, $0x38;
	[tilespmem:$0x1100] =	vst v63  }
0x228: {  	s1 =	sadd.s32 s10, s17;
	s5 =	sand.u32 $0x1FFFFFF0, s0;
	s6 =	spop (v2sf)  }
0x229: {  	(v2sf) =	vpush v0, $0xD;
	[tilespmem:s29], [sflag:$0x1] =	stream.linear.gather [hbm4b:s1+s3], $0x80, $0x38;
	[tilespmem:$0x1100] =	vst v63  }
0x22a: {  	s7 =	sadd.s32 s10, s5;
	s8 =	sand.u32 $0x1FFFFFF0, s6;
	s11 =	spop (v2sf)  }
0x22b: {  	(v2sf) =	vpush v0, $0xE;
	[tilespmem:s28], [sflag:$0x1] =	stream.linear.gather [hbm4b:s7+s3], $0x80, $0x38;
	[tilespmem:$0x1100] =	vst v63  }
0x22c: {  	s14 =	sadd.s32 s10, s8;
	s15 =	sand.u32 $0x1FFFFFF0, s11;
	s16 =	spop (v2sf)  }
0x22d: {  	(v2sf) =	vpush v0, $0xF;
	[tilespmem:s26], [sflag:$0x1] =	stream.linear.gather [hbm4b:s14+s3], $0x80, $0x38;
	[tilespmem:$0x1100] =	vst v63  }
0x22e: {  	s17 =	sadd.s32 s10, s15;
	s0 =	spop (v2sf);
	s26 =	sand.u32 $0x1FFFFFF0, s16  }
0x22f: {  	[tilespmem:s25], [sflag:$0x1] =	stream.linear.gather [hbm4b:s17+s3], $0x80, $0x38;
	[tilespmem:$0x1100] =	vst v63  }
0x230: {  	s5 =	sand.u32 $0x1FFFFFF0, s0;
	s1 =	sadd.s32 s10, s26;
	s6 =	spop (v2sf)  }
0x231: {  	[tilespmem:s24], [sflag:$0x1] =	stream.linear.gather [hbm4b:s1+s3], $0x80, $0x38;
	[tilespmem:$0x1100] =	vst v63  }
0x232: {  	s7 =	sadd.s32 s10, s5;
	s8 =	sand.u32 $0x1FFFFFF0, s6;
	s11 =	spop (v2sf)  }
0x233: {  	[tilespmem:s23], [sflag:$0x1] =	stream.linear.gather [hbm4b:s7+s3], $0x80, $0x38;
	[tilespmem:$0x1100] =	vst v63  }
0x234: {  	s14 =	sadd.s32 s10, s8;
	s16 =	sand.u32 $0x1FFFFFF0, s11;
	s17 =	spop (v2sf)  }
0x235: {  	[tilespmem:s22], [sflag:$0x1] =	stream.linear.gather [hbm4b:s14+s3], $0x80, $0x38;
	[tilespmem:$0x1100] =	vst v63  }
0x236: {  	s23 =	sand.u32 $0x1FFFFFF0, s17;
	s24 =	spop (v2sf);
	s22 =	sadd.s32 s10, s16  }
0x237: {  	[tilespmem:s21], [sflag:$0x1] =	stream.linear.gather [hbm4b:s22+s3], $0x80, $0x38;
	[tilespmem:$0x1100] =	vst v63  }
0x238: {  	s25 =	sadd.s32 s10, s23;
	s26 =	sand.u32 $0x1FFFFFF0, s24;
	s0 =	spop (v2sf)  }
0x239: {  	[tilespmem:s20], [sflag:$0x1] =	stream.linear.gather [hbm4b:s25+s3], $0x80, $0x38;
	[tilespmem:$0x1100] =	vst v63  }
0x23a: {  	s1 =	sadd.s32 s10, s26;
	s5 =	sand.u32 $0x1FFFFFF0, s0;
	s6 =	spop (v2sf)  }
0x23b: {  	[tilespmem:s19], [sflag:$0x1] =	stream.linear.gather [hbm4b:s1+s3], $0x80, $0x38;
	[tilespmem:$0x1100] =	vst v63  }
0x23c: {  	s7 =	sadd.s32 s10, s5;
	s8 =	sand.u32 $0x1FFFFFF0, s6;
	s11 =	spop (v2sf)  }
0x23d: {  	[tilespmem:s18], [sflag:$0x1] =	stream.linear.gather [hbm4b:s7+s3], $0x80, $0x38;
	[tilespmem:$0x1100] =	vst v63  }
0x23e: {  	s14 =	sadd.s32 s10, s8;
	s17 =	sand.u32 $0x1FFFFFF0, s11;
	s18 =	simm.s32 $0x1000  }
0x23f: {  	[tilespmem:s18], [sflag:$0x1] =	stream.linear.gather [hbm4b:s14+s3], $0x80, $0x38;
	[tilespmem:$0x1100] =	vst v63  }
0x240: {  	s15 =	sadd.s32 s10, s17;
	s17 =	simm.s32 $0x1080  }
0x241: {  	[tilespmem:s17], [sflag:$0x1] =	stream.linear.gather [hbm4b:s15+s3], $0x80, $0x38;
	[tilespmem:$0x1100] =	vst v63  }
0x242: {  	_ =	swait.ge [sflag:s9], $0x80  }
0x243: {  	[sflag:s9] =	ssyncset.done $0x0  }
0x244: {  	[sflag:s9] =	ssyncadd.s32 $0xFFFFFF80  }
0x245: {  	_ =	swait.ge [sflag:s9], $0x80  }
0x246: {  	[sflag:s9] =	ssyncset.done $0x0  }
0x247: {  	[sflag:s9] =	ssyncadd.s32 $0xFFFFFF80  }
0x248: {  	_ =	swait.ge [sflag:s9], $0x80  }
0x249: {  	[sflag:s9] =	ssyncset.done $0x0  }
0x24a: {  	[sflag:s9] =	ssyncadd.s32 $0xFFFFFF80  }
0x24b: {  	_ =	swait.ge [sflag:s9], $0x80  }
0x24c: {  	[sflag:s9] =	ssyncset.done $0x0  }
0x24d: {  	[sflag:s9] =	ssyncadd.s32 $0xFFFFFF80  }
0x24e: {  	_ =	swait.ge [sflag:s9], $0x80  }
0x24f: {  	[sflag:s9] =	ssyncset.done $0x0  }
0x250: {  	[sflag:s9] =	ssyncadd.s32 $0xFFFFFF80  }
0x251: {  	_ =	swait.ge [sflag:s9], $0x80  }
0x252: {  	[sflag:s9] =	ssyncset.done $0x0  }
0x253: {  	[sflag:s9] =	ssyncadd.s32 $0xFFFFFF80  }
0x254: {  	_ =	swait.ge [sflag:s9], $0x80  }
0x255: {  	[sflag:s9] =	ssyncset.done $0x0  }
0x256: {  	[sflag:s9] =	ssyncadd.s32 $0xFFFFFF80  }
0x257: {  	_ =	swait.ge [sflag:s9], $0x80  }
0x258: {  	[sflag:s9] =	ssyncset.done $0x0  }
0x259: {  	[sflag:s9] =	ssyncadd.s32 $0xFFFFFF80  }
0x25a: {  	_ =	swait.ge [sflag:s9], $0x80  }
0x25b: {  	[sflag:s9] =	ssyncset.done $0x0  }
0x25c: {  	[sflag:s9] =	ssyncadd.s32 $0xFFFFFF80  }
0x25d: {  	_ =	swait.ge [sflag:s9], $0x80  }
0x25e: {  	[sflag:s9] =	ssyncset.done $0x0  }
0x25f: {  	[sflag:s9] =	ssyncadd.s32 $0xFFFFFF80  }
0x260: {  	_ =	swait.ge [sflag:s9], $0x80  }
0x261: {  	[sflag:s9] =	ssyncset.done $0x0  }
0x262: {  	[sflag:s9] =	ssyncadd.s32 $0xFFFFFF80  }
0x263: {  	_ =	swait.ge [sflag:s9], $0x80  }
0x264: {  	[sflag:s9] =	ssyncset.done $0x0  }
0x265: {  	[sflag:s9] =	ssyncadd.s32 $0xFFFFFF80  }
0x266: {  	_ =	swait.ge [sflag:s9], $0x80  }
0x267: {  	[sflag:s9] =	ssyncset.done $0x0  }
0x268: {  	[sflag:s9] =	ssyncadd.s32 $0xFFFFFF80  }
0x269: {  	_ =	swait.ge [sflag:s9], $0x80  }
0x26a: {  	[sflag:s9] =	ssyncset.done $0x0  }
0x26b: {  	[sflag:s9] =	ssyncadd.s32 $0xFFFFFF80  }
0x26c: {  	_ =	swait.ge [sflag:s9], $0x80  }
0x26d: {  	[sflag:s9] =	ssyncset.done $0x0  }
0x26e: {  	[sflag:s9] =	ssyncadd.s32 $0xFFFFFF80  }
0x26f: {  	_ =	swait.ge [sflag:s9], $0x80  }
0x270: {  	[sflag:s9] =	ssyncset.done $0x0  }
0x271: {  	[sflag:s9] =	ssyncadd.s32 $0xFFFFFF80  }
0x272: {  	_ =	swait.ge [sflag:s9], $0x80  }
0x273: {  	[sflag:s9] =	ssyncset.done $0x0  }
0x274: {  	[sflag:s9] =	ssyncadd.s32 $0xFFFFFF80  }
0x275: {  	_ =	swait.ge [sflag:s9], $0x80  }
0x276: {  	[sflag:s9] =	ssyncset.done $0x0  }
0x277: {  	[sflag:s9] =	ssyncadd.s32 $0xFFFFFF80  }
0x278: {  	_ =	swait.ge [sflag:s9], $0x80  }
0x279: {  	[sflag:s9] =	ssyncset.done $0x0  }
0x27a: {  	[sflag:s9] =	ssyncadd.s32 $0xFFFFFF80  }
0x27b: {  	_ =	swait.ge [sflag:s9], $0x80  }
0x27c: {  	[sflag:s9] =	ssyncset.done $0x0  }
0x27d: {  	[sflag:s9] =	ssyncadd.s32 $0xFFFFFF80  }
0x27e: {  	_ =	swait.ge [sflag:s9], $0x80  }
0x27f: {  	[sflag:s9] =	ssyncset.done $0x0  }
0x280: {  	[sflag:s9] =	ssyncadd.s32 $0xFFFFFF80  }
0x281: {  	_ =	swait.ge [sflag:s9], $0x80  }
0x282: {  	[sflag:s9] =	ssyncset.done $0x0  }
0x283: {  	[sflag:s9] =	ssyncadd.s32 $0xFFFFFF80  }
0x284: {  	_ =	swait.ge [sflag:s9], $0x80  }
0x285: {  	[sflag:s9] =	ssyncset.done $0x0  }
0x286: {  	[sflag:s9] =	ssyncadd.s32 $0xFFFFFF80  }
0x287: {  	_ =	swait.ge [sflag:s9], $0x80  }
0x288: {  	[sflag:s9] =	ssyncset.done $0x0  }
0x289: {  	[sflag:s9] =	ssyncadd.s32 $0xFFFFFF80  }
0x28a: {  	_ =	swait.ge [sflag:s9], $0x80  }
0x28b: {  	[sflag:s9] =	ssyncset.done $0x0  }
0x28c: {  	[sflag:s9] =	ssyncadd.s32 $0xFFFFFF80  }
0x28d: {  	_ =	swait.ge [sflag:s9], $0x80  }
0x28e: {  	[sflag:s9] =	ssyncset.done $0x0  }
0x28f: {  	[sflag:s9] =	ssyncadd.s32 $0xFFFFFF80  }
0x290: {  	_ =	swait.ge [sflag:s9], $0x80  }
0x291: {  	[sflag:s9] =	ssyncset.done $0x0  }
0x292: {  	[sflag:s9] =	ssyncadd.s32 $0xFFFFFF80  }
0x293: {  	_ =	swait.ge [sflag:s9], $0x80  }
0x294: {  	[sflag:s9] =	ssyncset.done $0x0  }
0x295: {  	[sflag:s9] =	ssyncadd.s32 $0xFFFFFF80  }
0x296: {  	_ =	swait.ge [sflag:s9], $0x80  }
0x297: {  	[sflag:s9] =	ssyncset.done $0x0  }
0x298: {  	[sflag:s9] =	ssyncadd.s32 $0xFFFFFF80  }
0x299: {  	_ =	swait.ge [sflag:s9], $0x80  }
0x29a: {  	[sflag:s9] =	ssyncset.done $0x0  }
0x29b: {  	[sflag:s9] =	ssyncadd.s32 $0xFFFFFF80  }
0x29c: {  	_ =	swait.ge [sflag:s9], $0x80  }
0x29d: {  	[sflag:s9] =	ssyncset.done $0x0  }
0x29e: {  	[sflag:s9] =	ssyncadd.s32 $0xFFFFFF80  }
0x29f: {  	_ =	swait.ge [sflag:s9], $0x80  }
0x2a0: {  	[sflag:s9] =	ssyncset.done $0x0  }
0x2a1: {  	[sflag:s9] =	ssyncadd.s32 $0xFFFFFF80  }
0x2a2: {  	v62 =	vld [tilespmem:$0x80];
	_ =	sdelay $0x4  }
0x2a3: {  	v0 =	vshll.u32 v62, $0x4  }
0x2a4: {  	(v2sf) =	vpush v0, $0x0  }
0x2a5: {  	(v2sf) =	vpush v0, $0x1;
	_ =	sdelay $0x2  }
0x2a6: {  	(v2sf) =	vpush v0, $0x2  }
0x2a7: {  	(v2sf) =	vpush v0, $0x3;
	_ =	sdelay $0x3  }
0x2a8: {  	(v2sf) =	vpush v0, $0x4  }
0x2a9: {  	(v2sf) =	vpush v0, $0x5;
	_ =	sdelay $0x3  }
0x2aa: {  	(v2sf) =	vpush v0, $0x6  }
0x2ab: {  	s0 =	simm.s32 $0x500;
	(v2sf) =	vpush v0, $0x7;
	s15 =	spop (v2sf)  }
0x2ac: {  	s16 =	simm.s32 $0x580;
	s13 =	sand.u32 $0x1FFFFFF0, s15;
	s17 =	spop (v2sf)  }
0x2ad: {  	s13 =	sadd.s32 s4, s13;
	s14 =	sand.u32 $0x1FFFFFF0, s17;
	s17 =	simm.s32 $0x100  }
0x2ae: {  	[hbm4b:s13+s3] =	stream.linear.scatter [tilespmem:s17], [sflag:$0x2], $0x80, $0x38;
	[tilespmem:$0x1100] =	vst v63  }
0x2af: {  	s6 =	simm.s32 $0x780;
	(v2sf) =	vpush v0, $0x8;
	s15 =	spop (v2sf);
	s13 =	sadd.s32 s4, s14  }
0x2b0: {  	(v2sf) =	vpush v0, $0x9;
	s14 =	sand.u32 $0x1FFFFFF0, s15;
	s15 =	spop (v2sf);
	s17 =	simm.s32 $0x180  }
0x2b1: {  	[hbm4b:s13+s3] =	stream.linear.scatter [tilespmem:s17], [sflag:$0x2], $0x80, $0x38;
	[tilespmem:$0x1100] =	vst v63  }
0x2b2: {  	(v2sf) =	vpush v0, $0xA;
	s13 =	sadd.s32 s4, s14;
	s14 =	sand.u32 $0x1FFFFFF0, s15;
	s17 =	simm.s32 $0x200  }
0x2b3: {  	[hbm4b:s13+s3] =	stream.linear.scatter [tilespmem:s17], [sflag:$0x2], $0x80, $0x38;
	[tilespmem:$0x1100] =	vst v63  }
0x2b4: {  	s11 =	simm.s32 $0x600;
	(v2sf) =	vpush v0, $0xB;
	s15 =	spop (v2sf);
	s13 =	sadd.s32 s4, s14  }
0x2b5: {  	s14 =	sand.u32 $0x1FFFFFF0, s15;
	s15 =	spop (v2sf);
	s17 =	simm.s32 $0x280  }
0x2b6: {  	(v2sf) =	vpush v0, $0xC;
	[hbm4b:s13+s3] =	stream.linear.scatter [tilespmem:s17], [sflag:$0x2], $0x80, $0x38;
	[tilespmem:$0x1100] =	vst v63  }
0x2b7: {  	s13 =	sadd.s32 s4, s14;
	s14 =	sand.u32 $0x1FFFFFF0, s15;
	s17 =	simm.s32 $0x300  }
0x2b8: {  	(v2sf) =	vpush v0, $0xD;
	[hbm4b:s13+s3] =	stream.linear.scatter [tilespmem:s17], [sflag:$0x2], $0x80, $0x38;
	[tilespmem:$0x1100] =	vst v63  }
0x2b9: {  	s8 =	simm.s32 $0x680;
	s15 =	spop (v2sf);
	s13 =	sadd.s32 s4, s14  }
0x2ba: {  	(v2sf) =	vpush v0, $0xE;
	s14 =	sand.u32 $0x1FFFFFF0, s15;
	s15 =	spop (v2sf);
	s17 =	simm.s32 $0x380  }
0x2bb: {  	[hbm4b:s13+s3] =	stream.linear.scatter [tilespmem:s17], [sflag:$0x2], $0x80, $0x38;
	[tilespmem:$0x1100] =	vst v63  }
0x2bc: {  	(v2sf) =	vpush v0, $0xF;
	s13 =	sadd.s32 s4, s14;
	s14 =	sand.u32 $0x1FFFFFF0, s15;
	s17 =	simm.s32 $0x400  }
0x2bd: {  	[hbm4b:s13+s3] =	stream.linear.scatter [tilespmem:s17], [sflag:$0x2], $0x80, $0x38;
	[tilespmem:$0x1100] =	vst v63  }
0x2be: {  	s7 =	simm.s32 $0x700;
	s15 =	spop (v2sf);
	s13 =	sadd.s32 s4, s14  }
0x2bf: {  	s14 =	sand.u32 $0x1FFFFFF0, s15;
	s17 =	simm.s32 $0x480;
	s15 =	spop (v2sf)  }
0x2c0: {  	[hbm4b:s13+s3] =	stream.linear.scatter [tilespmem:s17], [sflag:$0x2], $0x80, $0x38;
	[tilespmem:$0x1100] =	vst v63  }
0x2c1: {  	s14 =	sadd.s32 s4, s14;
	s15 =	sand.u32 $0x1FFFFFF0, s15;
	s17 =	spop (v2sf)  }
0x2c2: {  	[hbm4b:s14+s3] =	stream.linear.scatter [tilespmem:s0], [sflag:$0x2], $0x80, $0x38;
	[tilespmem:$0x1100] =	vst v63  }
0x2c3: {  	s14 =	sadd.s32 s4, s15;
	s15 =	sand.u32 $0x1FFFFFF0, s17;
	s0 =	spop (v2sf)  }
0x2c4: {  	[hbm4b:s14+s3] =	stream.linear.scatter [tilespmem:s16], [sflag:$0x2], $0x80, $0x38;
	[tilespmem:$0x1100] =	vst v63  }
0x2c5: {  	s14 =	sadd.s32 s4, s15;
	s16 =	sand.u32 $0x1FFFFFF0, s0;
	s0 =	spop (v2sf)  }
0x2c6: {  	[hbm4b:s14+s3] =	stream.linear.scatter [tilespmem:s11], [sflag:$0x2], $0x80, $0x38;
	[tilespmem:$0x1100] =	vst v63  }
0x2c7: {  	s16 =	sadd.s32 s4, s16;
	s0 =	sand.u32 $0x1FFFFFF0, s0;
	s11 =	spop (v2sf)  }
0x2c8: {  	[hbm4b:s16+s3] =	stream.linear.scatter [tilespmem:s8], [sflag:$0x2], $0x80, $0x38;
	[tilespmem:$0x1100] =	vst v63  }
0x2c9: {  	s16 =	sadd.s32 s4, s0;
	s0 =	sand.u32 $0x1FFFFFF0, s11;
	s11 =	spop (v2sf)  }
0x2ca: {  	[hbm4b:s16+s3] =	stream.linear.scatter [tilespmem:s7], [sflag:$0x2], $0x80, $0x38;
	[tilespmem:$0x1100] =	vst v63  }
0x2cb: {  	s16 =	sadd.s32 s4, s0;
	s0 =	sand.u32 $0x1FFFFFF0, s11;
	s11 =	spop (v2sf)  }
0x2cc: {  	[hbm4b:s16+s3] =	stream.linear.scatter [tilespmem:s6], [sflag:$0x2], $0x80, $0x38;
	[tilespmem:$0x1100] =	vst v63  }
0x2cd: {  	s5 =	simm.s32 $0x800;
	s16 =	sadd.s32 s4, s0;
	s0 =	sand.u32 $0x1FFFFFF0, s11  }
0x2ce: {  	[hbm4b:s16+s3] =	stream.linear.scatter [tilespmem:s5], [sflag:$0x2], $0x80, $0x38;
	[tilespmem:$0x1100] =	vst v63  }
0x2cf: {  	s1 =	simm.s32 $0x880;
	s11 =	sadd.s32 s4, s0  }
0x2d0: {  	[hbm4b:s11+s3] =	stream.linear.scatter [tilespmem:s1], [sflag:$0x2], $0x80, $0x38;
	[tilespmem:$0x1100] =	vst v63  }
0x2d1: {  	v63 =	vld [tilespmem:$0x90];
	_ =	sdelay $0x4  }
0x2d2: {  	v0 =	vshll.u32 v63, $0x4  }
0x2d3: {  	(v2sf) =	vpush v0, $0x0  }
0x2d4: {  	(v2sf) =	vpush v0, $0x1  }
0x2d5: {  	(v2sf) =	vpush v0, $0x2;
	_ =	sdelay $0x1  }
0x2d6: {  	(v2sf) =	vpush v0, $0x3;
	_ =	sdelay $0x1  }
0x2d7: {  	(v2sf) =	vpush v0, $0x4;
	_ =	sdelay $0x1  }
0x2d8: {  	(v2sf) =	vpush v0, $0x5;
	_ =	sdelay $0x1  }
0x2d9: {  	(v2sf) =	vpush v0, $0x6;
	_ =	sdelay $0x1  }
0x2da: {  	s31 =	simm.s32 $0x980;
	s30 =	simm.s32 $0xA00;
	s29 =	simm.s32 $0xA80;
	(v2sf) =	vpush v0, $0x7  }
0x2db: {  	s28 =	simm.s32 $0xB00;
	s24 =	simm.s32 $0xC80;
	s23 =	simm.s32 $0xD00  }
0x2dc: {  	s26 =	simm.s32 $0xB80;
	s22 =	simm.s32 $0xD80;
	s21 =	simm.s32 $0xE00;
	(v2sf) =	vpush v0, $0x8  }
0x2dd: {  	s25 =	simm.s32 $0xC00;
	s20 =	simm.s32 $0xE80;
	s14 =	spop (v2sf)  }
0x2de: {  	s19 =	simm.s32 $0x900;
	s13 =	sand.u32 $0x1FFFFFF0, s14;
	s15 =	spop (v2sf);
	(v2sf) =	vpush v0, $0x9  }
0x2df: {  	s13 =	sadd.s32 s4, s13;
	s14 =	sand.u32 $0x1FFFFFF0, s15;
	s16 =	spop (v2sf)  }
0x2e0: {  	(v2sf) =	vpush v0, $0xA;
	[hbm4b:s13+s3] =	stream.linear.scatter [tilespmem:s19], [sflag:$0x2], $0x80, $0x38;
	[tilespmem:$0x1100] =	vst v63  }
0x2e1: {  	s19 =	sadd.s32 s4, s14;
	s1 =	sand.u32 $0x1FFFFFF0, s16;
	s11 =	spop (v2sf)  }
0x2e2: {  	(v2sf) =	vpush v0, $0xB;
	[hbm4b:s19+s3] =	stream.linear.scatter [tilespmem:s31], [sflag:$0x2], $0x80, $0x38;
	[tilespmem:$0x1100] =	vst v63  }
0x2e3: {  	s19 =	sadd.s32 s4, s1;
	s1 =	sand.u32 $0x1FFFFFF0, s11;
	s11 =	spop (v2sf)  }
0x2e4: {  	(v2sf) =	vpush v0, $0xC;
	[hbm4b:s19+s3] =	stream.linear.scatter [tilespmem:s30], [sflag:$0x2], $0x80, $0x38;
	[tilespmem:$0x1100] =	vst v63  }
0x2e5: {  	s19 =	sadd.s32 s4, s1;
	s1 =	sand.u32 $0x1FFFFFF0, s11;
	s11 =	spop (v2sf)  }
0x2e6: {  	(v2sf) =	vpush v0, $0xD;
	[hbm4b:s19+s3] =	stream.linear.scatter [tilespmem:s29], [sflag:$0x2], $0x80, $0x38;
	[tilespmem:$0x1100] =	vst v63  }
0x2e7: {  	s19 =	sadd.s32 s4, s1;
	s1 =	sand.u32 $0x1FFFFFF0, s11;
	s11 =	spop (v2sf)  }
0x2e8: {  	[hbm4b:s19+s3] =	stream.linear.scatter [tilespmem:s28], [sflag:$0x2], $0x80, $0x38;
	[tilespmem:$0x1100] =	vst v63  }
0x2e9: {  	s19 =	sadd.s32 s4, s1;
	s1 =	sand.u32 $0x1FFFFFF0, s11;
	s11 =	spop (v2sf)  }
0x2ea: {  	(v2sf) =	vpush v0, $0xE;
	[hbm4b:s19+s3] =	stream.linear.scatter [tilespmem:s26], [sflag:$0x2], $0x80, $0x38;
	[tilespmem:$0x1100] =	vst v63  }
0x2eb: {  	(v2sf) =	vpush v0, $0xF;
	s14 =	sadd.s32 s4, s1;
	s15 =	sand.u32 $0x1FFFFFF0, s11;
	s19 =	spop (v2sf)  }
0x2ec: {  	[hbm4b:s14+s3] =	stream.linear.scatter [tilespmem:s25], [sflag:$0x2], $0x80, $0x38;
	[tilespmem:$0x1100] =	vst v63  }
0x2ed: {  	s1 =	sand.u32 $0x1FFFFFF0, s19;
	s25 =	sadd.s32 s4, s15;
	s11 =	spop (v2sf)  }
0x2ee: {  	[hbm4b:s25+s3] =	stream.linear.scatter [tilespmem:s24], [sflag:$0x2], $0x80, $0x38;
	[tilespmem:$0x1100] =	vst v63  }
0x2ef: {  	s14 =	sadd.s32 s4, s1;
	s15 =	sand.u32 $0x1FFFFFF0, s11;
	s19 =	spop (v2sf)  }
0x2f0: {  	[hbm4b:s14+s3] =	stream.linear.scatter [tilespmem:s23], [sflag:$0x2], $0x80, $0x38;
	[tilespmem:$0x1100] =	vst v63  }
0x2f1: {  	s1 =	sand.u32 $0x1FFFFFF0, s19;
	s11 =	spop (v2sf);
	s23 =	sadd.s32 s4, s15  }
0x2f2: {  	[hbm4b:s23+s3] =	stream.linear.scatter [tilespmem:s22], [sflag:$0x2], $0x80, $0x38;
	[tilespmem:$0x1100] =	vst v63  }
0x2f3: {  	s14 =	sadd.s32 s4, s1;
	s15 =	sand.u32 $0x1FFFFFF0, s11;
	s19 =	spop (v2sf)  }
0x2f4: {  	[hbm4b:s14+s3] =	stream.linear.scatter [tilespmem:s21], [sflag:$0x2], $0x80, $0x38;
	[tilespmem:$0x1100] =	vst v63  }
0x2f5: {  	s1 =	sand.u32 $0x1FFFFFF0, s19;
	s11 =	spop (v2sf);
	s21 =	sadd.s32 s4, s15  }
0x2f6: {  	[hbm4b:s21+s3] =	stream.linear.scatter [tilespmem:s20], [sflag:$0x2], $0x80, $0x38;
	[tilespmem:$0x1100] =	vst v63  }
0x2f7: {  	s14 =	sadd.s32 s4, s1;
	s15 =	sand.u32 $0x1FFFFFF0, s11;
	s1 =	simm.s32 $0xF00  }
0x2f8: {  	[hbm4b:s14+s3] =	stream.linear.scatter [tilespmem:s1], [sflag:$0x2], $0x80, $0x38;
	[tilespmem:$0x1100] =	vst v63  }
0x2f9: {  	s19 =	spop (v2sf);
	s14 =	sadd.s32 s4, s15  }
0x2fa: {  	s1 =	sand.u32 $0x1FFFFFF0, s19;
	s15 =	spop (v2sf);
	s19 =	simm.s32 $0xF80  }
0x2fb: {  	[hbm4b:s14+s3] =	stream.linear.scatter [tilespmem:s19], [sflag:$0x2], $0x80, $0x38;
	[tilespmem:$0x1100] =	vst v63  }
0x2fc: {  	s1 =	sadd.s32 s4, s1;
	s11 =	sand.u32 $0x1FFFFFF0, s15  }
0x2fd: {  	[hbm4b:s1+s3] =	stream.linear.scatter [tilespmem:s18], [sflag:$0x2], $0x80, $0x38;
	[tilespmem:$0x1100] =	vst v63  }
0x2fe: {  	s15 =	simm.s32 $0x1080;
	s14 =	sadd.s32 s4, s11  }
0x2ff: {  	[hbm4b:s14+s3] =	stream.linear.scatter [tilespmem:s15], [sflag:$0x2], $0x80, $0x38;
	[tilespmem:$0x1100] =	vst v63  }
0x300: {  	_ =	swait.ge [sflag:s2], $0x80  }
0x301: {  	[sflag:s2] =	ssyncset.done $0x0  }
0x302: {  	[sflag:s2] =	ssyncadd.s32 $0xFFFFFF80  }
0x303: {  	_ =	swait.ge [sflag:s2], $0x80  }
0x304: {  	[sflag:s2] =	ssyncset.done $0x0  }
0x305: {  	[sflag:s2] =	ssyncadd.s32 $0xFFFFFF80  }
0x306: {  	_ =	swait.ge [sflag:s2], $0x80  }
0x307: {  	[sflag:s2] =	ssyncset.done $0x0  }
0x308: {  	[sflag:s2] =	ssyncadd.s32 $0xFFFFFF80  }
0x309: {  	_ =	swait.ge [sflag:s2], $0x80  }
0x30a: {  	[sflag:s2] =	ssyncset.done $0x0  }
0x30b: {  	[sflag:s2] =	ssyncadd.s32 $0xFFFFFF80  }
0x30c: {  	_ =	swait.ge [sflag:s2], $0x80  }
0x30d: {  	[sflag:s2] =	ssyncset.done $0x0  }
0x30e: {  	[sflag:s2] =	ssyncadd.s32 $0xFFFFFF80  }
0x30f: {  	_ =	swait.ge [sflag:s2], $0x80  }
0x310: {  	[sflag:s2] =	ssyncset.done $0x0  }
0x311: {  	[sflag:s2] =	ssyncadd.s32 $0xFFFFFF80  }
0x312: {  	_ =	swait.ge [sflag:s2], $0x80  }
0x313: {  	[sflag:s2] =	ssyncset.done $0x0  }
0x314: {  	[sflag:s2] =	ssyncadd.s32 $0xFFFFFF80  }
0x315: {  	_ =	swait.ge [sflag:s2], $0x80  }
0x316: {  	[sflag:s2] =	ssyncset.done $0x0  }
0x317: {  	[sflag:s2] =	ssyncadd.s32 $0xFFFFFF80  }
0x318: {  	_ =	swait.ge [sflag:s2], $0x80  }
0x319: {  	[sflag:s2] =	ssyncset.done $0x0  }
0x31a: {  	[sflag:s2] =	ssyncadd.s32 $0xFFFFFF80  }
0x31b: {  	_ =	swait.ge [sflag:s2], $0x80  }
0x31c: {  	[sflag:s2] =	ssyncset.done $0x0  }
0x31d: {  	[sflag:s2] =	ssyncadd.s32 $0xFFFFFF80  }
0x31e: {  	_ =	swait.ge [sflag:s2], $0x80  }
0x31f: {  	[sflag:s2] =	ssyncset.done $0x0  }
0x320: {  	[sflag:s2] =	ssyncadd.s32 $0xFFFFFF80  }
0x321: {  	_ =	swait.ge [sflag:s2], $0x80  }
0x322: {  	[sflag:s2] =	ssyncset.done $0x0  }
0x323: {  	[sflag:s2] =	ssyncadd.s32 $0xFFFFFF80  }
0x324: {  	_ =	swait.ge [sflag:s2], $0x80  }
0x325: {  	[sflag:s2] =	ssyncset.done $0x0  }
0x326: {  	[sflag:s2] =	ssyncadd.s32 $0xFFFFFF80  }
0x327: {  	_ =	swait.ge [sflag:s2], $0x80  }
0x328: {  	[sflag:s2] =	ssyncset.done $0x0  }
0x329: {  	[sflag:s2] =	ssyncadd.s32 $0xFFFFFF80  }
0x32a: {  	_ =	swait.ge [sflag:s2], $0x80  }
0x32b: {  	[sflag:s2] =	ssyncset.done $0x0  }
0x32c: {  	[sflag:s2] =	ssyncadd.s32 $0xFFFFFF80  }
0x32d: {  	_ =	swait.ge [sflag:s2], $0x80  }
0x32e: {  	[sflag:s2] =	ssyncset.done $0x0  }
0x32f: {  	[sflag:s2] =	ssyncadd.s32 $0xFFFFFF80  }
0x330: {  	_ =	swait.ge [sflag:s2], $0x80  }
0x331: {  	[sflag:s2] =	ssyncset.done $0x0  }
0x332: {  	[sflag:s2] =	ssyncadd.s32 $0xFFFFFF80  }
0x333: {  	_ =	swait.ge [sflag:s2], $0x80  }
0x334: {  	[sflag:s2] =	ssyncset.done $0x0  }
0x335: {  	[sflag:s2] =	ssyncadd.s32 $0xFFFFFF80  }
0x336: {  	_ =	swait.ge [sflag:s2], $0x80  }
0x337: {  	[sflag:s2] =	ssyncset.done $0x0  }
0x338: {  	[sflag:s2] =	ssyncadd.s32 $0xFFFFFF80  }
0x339: {  	_ =	swait.ge [sflag:s2], $0x80  }
0x33a: {  	[sflag:s2] =	ssyncset.done $0x0  }
0x33b: {  	[sflag:s2] =	ssyncadd.s32 $0xFFFFFF80  }
0x33c: {  	_ =	swait.ge [sflag:s2], $0x80  }
0x33d: {  	[sflag:s2] =	ssyncset.done $0x0  }
0x33e: {  	[sflag:s2] =	ssyncadd.s32 $0xFFFFFF80  }
0x33f: {  	_ =	swait.ge [sflag:s2], $0x80  }
0x340: {  	[sflag:s2] =	ssyncset.done $0x0  }
0x341: {  	[sflag:s2] =	ssyncadd.s32 $0xFFFFFF80  }
0x342: {  	_ =	swait.ge [sflag:s2], $0x80  }
0x343: {  	[sflag:s2] =	ssyncset.done $0x0  }
0x344: {  	[sflag:s2] =	ssyncadd.s32 $0xFFFFFF80  }
0x345: {  	_ =	swait.ge [sflag:s2], $0x80  }
0x346: {  	[sflag:s2] =	ssyncset.done $0x0  }
0x347: {  	[sflag:s2] =	ssyncadd.s32 $0xFFFFFF80  }
0x348: {  	_ =	swait.ge [sflag:s2], $0x80  }
0x349: {  	[sflag:s2] =	ssyncset.done $0x0  }
0x34a: {  	[sflag:s2] =	ssyncadd.s32 $0xFFFFFF80  }
0x34b: {  	_ =	swait.ge [sflag:s2], $0x80  }
0x34c: {  	[sflag:s2] =	ssyncset.done $0x0  }
0x34d: {  	[sflag:s2] =	ssyncadd.s32 $0xFFFFFF80  }
0x34e: {  	_ =	swait.ge [sflag:s2], $0x80  }
0x34f: {  	[sflag:s2] =	ssyncset.done $0x0  }
0x350: {  	[sflag:s2] =	ssyncadd.s32 $0xFFFFFF80  }
0x351: {  	_ =	swait.ge [sflag:s2], $0x80  }
0x352: {  	p1 =	sne.s32 s12, $0x1;
	s12 =	sadd.s32 $0xFFFFFFFF, s12;
	[sflag:s2] =	ssyncset.done $0x0  }
0x353: {  	s17 =	simm.s32 $0x500;
	s8 =	simm.s32 $0x680;
	[sflag:s2] =	ssyncadd.s32 $0xFFFFFF80  }
0x354: {  	s7 =	simm.s32 $0x700;
	s6 =	simm.s32 $0x780;
	_ =	swait.ge [sflag:s2], $0x80  }
0x355: {  	s0 =	simm.s32 $0x880;
	s5 =	simm.s32 $0x800;
	[sflag:s2] =	ssyncset.done $0x0  }
0x356: {  	s16 =	simm.s32 $0x900;
	s31 =	simm.s32 $0x980;
	[sflag:s2] =	ssyncadd.s32 $0xFFFFFF80  }
0x357: {  	s30 =	simm.s32 $0xA00;
	s29 =	simm.s32 $0xA80;
	_ =	swait.ge [sflag:s2], $0x80  }
0x358: {  	s28 =	simm.s32 $0xB00;
	s26 =	simm.s32 $0xB80;
	[sflag:s2] =	ssyncset.done $0x0  }
.Ltmp2:
0x359: {  	s25 =	simm.s32 $0xC00;
	[sflag:s2] =	ssyncadd.s32 $0xFFFFFF80;
	(pc) =	sbr.rel @p1 .LBB2_3-.Ltmp2, $4  }
0x35a: {  	s24 =	simm.s32 $0xC80;
	s23 =	simm.s32 $0xD00;
	_ =	swait.ge [sflag:s2], $0x80  }
0x35b: {  	s22 =	simm.s32 $0xD80;
	s21 =	simm.s32 $0xE00;
	[sflag:s2] =	ssyncset.done $0x0  }
0x35c: {  	s20 =	simm.s32 $0xE80;
	s19 =	simm.s32 $0xF00;
	[sflag:s2] =	ssyncadd.s32 $0xFFFFFF80  }
0x35d: {  	s11 =	simm.s32 $0x580;
	s18 =	simm.s32 $0xF80;
	_ =	swait.ge [sflag:s2], $0x80  }
0x35e: {  	s14 =	rddreg [dreg:$0x3]  }
0x35f: {  	s15 =	stileid.u32;
	s17 =	simm.s32 $0x400;
	s16 =	simm.s32 $0x380  }
0x360: {  	s18 =	simm.s32 $0x300;
	s19 =	simm.s32 $0x280;
	s20 =	simm.s32 $0x200  }
0x361: {  	s21 =	simm.s32 $0x180;
	s22 =	simm.s32 $0x100;
	s23 =	simm.s32 $0x3  }
.LBB2_5:
0x362: {  	[sflag:s2] =	ssyncset.done @p0 $0x0  }
0x363: {  	s12 =	rddreg [dreg:$0x4];
	[sflag:s2] =	ssyncadd.s32 @p0 $0xFFFFFF80  }
0x364: {  	[tilespmem:s3], [sflag:$0x3] =	stream.linear.gather [hbm4b:s12+s3], $0x20, $0x38;
	[tilespmem:$0x1100] =	vst v63  }
0x365: {  	_ =	swait.ge [sflag:s23], $0x20  }
0x366: {  	s30 =	rddreg [dreg:$0x5];
	[sflag:s23] =	ssyncset.done $0x0  }
0x367: {  	s13 =	rddreg [dreg:$0x6];
	[sflag:s23] =	ssyncadd.s32 $0xFFFFFFE0  }
0x368: {  	[tilespmem:s13], [sflag:$0x3] =	stream.linear.gather [hbm4b:s30+s3], $0x20, $0x38;
	[tilespmem:$0x1100] =	vst v63  }
0x369: {  	_ =	swait.ge [sflag:s23], $0x20  }
0x36a: {  	[sflag:s23] =	ssyncset.done $0x0  }
0x36b: {  	[sflag:s23] =	ssyncadd.s32 $0xFFFFFFE0  }
0x36c: {  	v0 =	vld [tilespmem:$0x0];
	_ =	sdelay $0x4  }
0x36d: {  	v0 =	vshll.u32 v0, $0x4  }
0x36e: {  	(v2sf) =	vpush v0, $0x0;
	_ =	sdelay $0x1  }
0x36f: {  	(v2sf) =	vpush v0, $0x1;
	_ =	sdelay $0x1  }
0x370: {  	(v2sf) =	vpush v0, $0x2;
	_ =	sdelay $0x2  }
0x371: {  	(v2sf) =	vpush v0, $0x3;
	_ =	sdelay $0x7  }
0x372: {  	s11 =	spop (v2sf);
	(v2sf) =	vpush v0, $0x4;
	_ =	sdelay $0x1  }
0x373: {  	s31 =	spop (v2sf);
	(v2sf) =	vpush v0, $0x5  }
0x374: {  	s11 =	sand.u32 $0x1FFFFFF0, s11  }
0x375: {  	s11 =	sadd.s32 s10, s11;
	s12 =	spop (v2sf);
	(v2sf) =	vpush v0, $0x6  }
0x376: {  	[tilespmem:s22], [sflag:$0x1] =	stream.linear.gather [hbm4b:s11+s3], $0x80, $0x38;
	[tilespmem:$0x1100] =	vst v63  }
0x377: {  	s11 =	sand.u32 $0x1FFFFFF0, s31  }
0x378: {  	s13 =	spop (v2sf);
	(v2sf) =	vpush v0, $0x7;
	s11 =	sadd.s32 s10, s11  }
0x379: {  	[tilespmem:s21], [sflag:$0x1] =	stream.linear.gather [hbm4b:s11+s3], $0x80, $0x38;
	[tilespmem:$0x1100] =	vst v63  }
0x37a: {  	s11 =	sand.u32 $0x1FFFFFF0, s12  }
0x37b: {  	s11 =	sadd.s32 s10, s11  }
0x37c: {  	[tilespmem:s20], [sflag:$0x1] =	stream.linear.gather [hbm4b:s11+s3], $0x80, $0x38;
	[tilespmem:$0x1100] =	vst v63  }
0x37d: {  	s11 =	sand.u32 $0x1FFFFFF0, s13  }
0x37e: {  	s11 =	sadd.s32 s10, s11  }
0x37f: {  	[tilespmem:s19], [sflag:$0x1] =	stream.linear.gather [hbm4b:s11+s3], $0x80, $0x38;
	[tilespmem:$0x1100] =	vst v63  }
0x380: {  	s19 =	spop (v2sf);
	(v2sf) =	vpush v0, $0x8;
	_ =	sdelay $0x1  }
0x381: {  	s20 =	spop (v2sf);
	(v2sf) =	vpush v0, $0x9;
	_ =	sdelay $0x1  }
0x382: {  	s11 =	sand.u32 $0x1FFFFFF0, s19;
	s21 =	spop (v2sf);
	(v2sf) =	vpush v0, $0xA  }
0x383: {  	s11 =	sadd.s32 s10, s11  }
0x384: {  	[tilespmem:s18], [sflag:$0x1] =	stream.linear.gather [hbm4b:s11+s3], $0x80, $0x38;
	[tilespmem:$0x1100] =	vst v63  }
0x385: {  	s22 =	spop (v2sf);
	(v2sf) =	vpush v0, $0xB  }
0x386: {  	s11 =	sand.u32 $0x1FFFFFF0, s20  }
0x387: {  	s11 =	sadd.s32 s10, s11  }
0x388: {  	[tilespmem:s16], [sflag:$0x1] =	stream.linear.gather [hbm4b:s11+s3], $0x80, $0x38;
	[tilespmem:$0x1100] =	vst v63  }
0x389: {  	s11 =	sand.u32 $0x1FFFFFF0, s21  }
0x38a: {  	s11 =	sadd.s32 s10, s11  }
0x38b: {  	[tilespmem:s17], [sflag:$0x1] =	stream.linear.gather [hbm4b:s11+s3], $0x80, $0x38;
	[tilespmem:$0x1100] =	vst v63  }
0x38c: {  	s11 =	sand.u32 $0x1FFFFFF0, s22  }
0x38d: {  	s16 =	simm.s32 $0x480;
	s11 =	sadd.s32 s10, s11;
	s23 =	spop (v2sf);
	(v2sf) =	vpush v0, $0xC  }
0x38e: {  	[tilespmem:s16], [sflag:$0x1] =	stream.linear.gather [hbm4b:s11+s3], $0x80, $0x38;
	[tilespmem:$0x1100] =	vst v63  }
0x38f: {  	s24 =	spop (v2sf);
	(v2sf) =	vpush v0, $0xD  }
0x390: {  	s11 =	sand.u32 $0x1FFFFFF0, s23  }
0x391: {  	s31 =	simm.s32 $0x500;
	s11 =	sadd.s32 s10, s11;
	s25 =	spop (v2sf)  }
0x392: {  	(v2sf) =	vpush v0, $0xE;
	[tilespmem:s31], [sflag:$0x1] =	stream.linear.gather [hbm4b:s11+s3], $0x80, $0x38;
	[tilespmem:$0x1100] =	vst v63  }
0x393: {  	s11 =	sand.u32 $0x1FFFFFF0, s24  }
0x394: {  	s1 =	simm.s32 $0x580;
	s28 =	spop (v2sf);
	s11 =	sadd.s32 s10, s11  }
0x395: {  	(v2sf) =	vpush v0, $0xF;
	[tilespmem:s1], [sflag:$0x1] =	stream.linear.gather [hbm4b:s11+s3], $0x80, $0x38;
	[tilespmem:$0x1100] =	vst v63  }
0x396: {  	s11 =	sand.u32 $0x1FFFFFF0, s25  }
0x397: {  	s26 =	simm.s32 $0x600;
	s11 =	sadd.s32 s10, s11  }
0x398: {  	[tilespmem:s26], [sflag:$0x1] =	stream.linear.gather [hbm4b:s11+s3], $0x80, $0x38;
	[tilespmem:$0x1100] =	vst v63  }
0x399: {  	s11 =	sand.u32 $0x1FFFFFF0, s28  }
0x39a: {  	s11 =	sadd.s32 s10, s11  }
0x39b: {  	[tilespmem:s8], [sflag:$0x1] =	stream.linear.gather [hbm4b:s11+s3], $0x80, $0x38;
	[tilespmem:$0x1100] =	vst v63  }
0x39c: {  	s29 =	spop (v2sf)  }
0x39d: {  	s11 =	sand.u32 $0x1FFFFFF0, s29  }
0x39e: {  	s30 =	spop (v2sf);
	s11 =	sadd.s32 s10, s11  }
0x39f: {  	[tilespmem:s7], [sflag:$0x1] =	stream.linear.gather [hbm4b:s11+s3], $0x80, $0x38;
	[tilespmem:$0x1100] =	vst v63  }
0x3a0: {  	s11 =	sand.u32 $0x1FFFFFF0, s30  }
0x3a1: {  	s1 =	spop (v2sf);
	s11 =	sadd.s32 s10, s11  }
0x3a2: {  	[tilespmem:s6], [sflag:$0x1] =	stream.linear.gather [hbm4b:s11+s3], $0x80, $0x38;
	[tilespmem:$0x1100] =	vst v63  }
0x3a3: {  	s11 =	sand.u32 $0x1FFFFFF0, s1  }
0x3a4: {  	s6 =	spop (v2sf);
	s11 =	sadd.s32 s10, s11  }
0x3a5: {  	[tilespmem:s5], [sflag:$0x1] =	stream.linear.gather [hbm4b:s11+s3], $0x80, $0x38;
	[tilespmem:$0x1100] =	vst v63  }
0x3a6: {  	s11 =	sand.u32 $0x1FFFFFF0, s6  }
0x3a7: {  	s11 =	sadd.s32 s10, s11  }
0x3a8: {  	[tilespmem:s0], [sflag:$0x1] =	stream.linear.gather [hbm4b:s11+s3], $0x80, $0x38;
	[tilespmem:$0x1100] =	vst v63  }
0x3a9: {  	v61 =	vld [tilespmem:$0x10];
	_ =	sdelay $0x4  }
0x3aa: {  	v0 =	vshll.u32 v61, $0x4  }
0x3ab: {  	(v2sf) =	vpush v0, $0x0;
	_ =	sdelay $0x1  }
0x3ac: {  	(v2sf) =	vpush v0, $0x1;
	_ =	sdelay $0x1  }
0x3ad: {  	(v2sf) =	vpush v0, $0x2;
	_ =	sdelay $0x4  }
0x3ae: {  	(v2sf) =	vpush v0, $0x3;
	_ =	sdelay $0x5  }
0x3af: {  	s7 =	spop (v2sf);
	(v2sf) =	vpush v0, $0x4;
	_ =	sdelay $0x1  }
0x3b0: {  	s8 =	spop (v2sf);
	(v2sf) =	vpush v0, $0x5;
	_ =	sdelay $0x1  }
0x3b1: {  	s12 =	spop (v2sf);
	(v2sf) =	vpush v0, $0x6;
	_ =	sdelay $0x1  }
0x3b2: {  	s11 =	sand.u32 $0x1FFFFFF0, s7  }
0x3b3: {  	s30 =	simm.s32 $0x900;
	s11 =	sadd.s32 s10, s11  }
0x3b4: {  	[tilespmem:s30], [sflag:$0x1] =	stream.linear.gather [hbm4b:s11+s3], $0x80, $0x38;
	[tilespmem:$0x1100] =	vst v63  }
0x3b5: {  	s11 =	sand.u32 $0x1FFFFFF0, s8;
	s13 =	spop (v2sf);
	(v2sf) =	vpush v0, $0x7  }
0x3b6: {  	s29 =	simm.s32 $0x980;
	s11 =	sadd.s32 s10, s11  }
0x3b7: {  	[tilespmem:s29], [sflag:$0x1] =	stream.linear.gather [hbm4b:s11+s3], $0x80, $0x38;
	[tilespmem:$0x1100] =	vst v63  }
0x3b8: {  	s11 =	sand.u32 $0x1FFFFFF0, s12  }
0x3b9: {  	s28 =	simm.s32 $0xA00;
	s11 =	sadd.s32 s10, s11  }
0x3ba: {  	[tilespmem:s28], [sflag:$0x1] =	stream.linear.gather [hbm4b:s11+s3], $0x80, $0x38;
	[tilespmem:$0x1100] =	vst v63  }
0x3bb: {  	s17 =	spop (v2sf);
	(v2sf) =	vpush v0, $0x8  }
0x3bc: {  	s11 =	sand.u32 $0x1FFFFFF0, s13  }
0x3bd: {  	s26 =	simm.s32 $0xA80;
	s11 =	sadd.s32 s10, s11;
	s18 =	spop (v2sf);
	(v2sf) =	vpush v0, $0x9  }
0x3be: {  	[tilespmem:s26], [sflag:$0x1] =	stream.linear.gather [hbm4b:s11+s3], $0x80, $0x38;
	[tilespmem:$0x1100] =	vst v63  }
0x3bf: {  	s19 =	spop (v2sf);
	(v2sf) =	vpush v0, $0xA  }
0x3c0: {  	s11 =	sand.u32 $0x1FFFFFF0, s17  }
0x3c1: {  	s25 =	simm.s32 $0xB00;
	s11 =	sadd.s32 s10, s11  }
0x3c2: {  	[tilespmem:s25], [sflag:$0x1] =	stream.linear.gather [hbm4b:s11+s3], $0x80, $0x38;
	[tilespmem:$0x1100] =	vst v63  }
0x3c3: {  	s11 =	sand.u32 $0x1FFFFFF0, s18  }
0x3c4: {  	s24 =	simm.s32 $0xB80;
	s20 =	spop (v2sf);
	s11 =	sadd.s32 s10, s11  }
0x3c5: {  	(v2sf) =	vpush v0, $0xB;
	[tilespmem:s24], [sflag:$0x1] =	stream.linear.gather [hbm4b:s11+s3], $0x80, $0x38;
	[tilespmem:$0x1100] =	vst v63  }
0x3c6: {  	s11 =	sand.u32 $0x1FFFFFF0, s19  }
0x3c7: {  	s23 =	simm.s32 $0xC00;
	s11 =	sadd.s32 s10, s11  }
0x3c8: {  	[tilespmem:s23], [sflag:$0x1] =	stream.linear.gather [hbm4b:s11+s3], $0x80, $0x38;
	[tilespmem:$0x1100] =	vst v63  }
0x3c9: {  	s11 =	sand.u32 $0x1FFFFFF0, s20  }
0x3ca: {  	s22 =	simm.s32 $0xC80;
	s11 =	sadd.s32 s10, s11;
	s21 =	spop (v2sf);
	(v2sf) =	vpush v0, $0xC  }
0x3cb: {  	[tilespmem:s22], [sflag:$0x1] =	stream.linear.gather [hbm4b:s11+s3], $0x80, $0x38;
	[tilespmem:$0x1100] =	vst v63  }
0x3cc: {  	s0 =	spop (v2sf);
	(v2sf) =	vpush v0, $0xD  }
0x3cd: {  	s11 =	sand.u32 $0x1FFFFFF0, s21  }
0x3ce: {  	s21 =	simm.s32 $0xD00;
	s11 =	sadd.s32 s10, s11;
	s1 =	spop (v2sf)  }
0x3cf: {  	(v2sf) =	vpush v0, $0xE;
	[tilespmem:s21], [sflag:$0x1] =	stream.linear.gather [hbm4b:s11+s3], $0x80, $0x38;
	[tilespmem:$0x1100] =	vst v63  }
0x3d0: {  	s11 =	sand.u32 $0x1FFFFFF0, s0  }
0x3d1: {  	s20 =	simm.s32 $0xD80;
	s11 =	sadd.s32 s10, s11  }
0x3d2: {  	[tilespmem:s20], [sflag:$0x1] =	stream.linear.gather [hbm4b:s11+s3], $0x80, $0x38;
	[tilespmem:$0x1100] =	vst v63  }
0x3d3: {  	s11 =	sand.u32 $0x1FFFFFF0, s1  }
0x3d4: {  	s19 =	simm.s32 $0xE00;
	s8 =	spop (v2sf);
	(v2sf) =	vpush v0, $0xF;
	s11 =	sadd.s32 s10, s11  }
0x3d5: {  	[tilespmem:s19], [sflag:$0x1] =	stream.linear.gather [hbm4b:s11+s3], $0x80, $0x38;
	[tilespmem:$0x1100] =	vst v63  }
0x3d6: {  	s11 =	sand.u32 $0x1FFFFFF0, s8  }
0x3d7: {  	s18 =	simm.s32 $0xE80;
	s11 =	sadd.s32 s10, s11  }
0x3d8: {  	[tilespmem:s18], [sflag:$0x1] =	stream.linear.gather [hbm4b:s11+s3], $0x80, $0x38;
	[tilespmem:$0x1100] =	vst v63  }
0x3d9: {  	s12 =	spop (v2sf)  }
0x3da: {  	s11 =	sand.u32 $0x1FFFFFF0, s12  }
0x3db: {  	s17 =	simm.s32 $0xF00;
	s13 =	spop (v2sf);
	s11 =	sadd.s32 s10, s11  }
0x3dc: {  	[tilespmem:s17], [sflag:$0x1] =	stream.linear.gather [hbm4b:s11+s3], $0x80, $0x38;
	[tilespmem:$0x1100] =	vst v63  }
0x3dd: {  	s11 =	sand.u32 $0x1FFFFFF0, s13  }
0x3de: {  	s8 =	spop (v2sf);
	s13 =	simm.s32 $0xF80;
	s11 =	sadd.s32 s10, s11  }
0x3df: {  	[tilespmem:s13], [sflag:$0x1] =	stream.linear.gather [hbm4b:s11+s3], $0x80, $0x38;
	[tilespmem:$0x1100] =	vst v63  }
0x3e0: {  	s11 =	sand.u32 $0x1FFFFFF0, s8  }
0x3e1: {  	s8 =	simm.s32 $0x1000;
	s11 =	sadd.s32 s10, s11  }
0x3e2: {  	[tilespmem:s8], [sflag:$0x1] =	stream.linear.gather [hbm4b:s11+s3], $0x80, $0x38;
	[tilespmem:$0x1100] =	vst v63  }
0x3e3: {  	s8 =	spop (v2sf)  }
0x3e4: {  	s11 =	sand.u32 $0x1FFFFFF0, s8  }
0x3e5: {  	s8 =	sadd.s32 s10, s11;
	s11 =	simm.s32 $0x1080  }
0x3e6: {  	[tilespmem:s11], [sflag:$0x1] =	stream.linear.gather [hbm4b:s8+s3], $0x80, $0x38;
	[tilespmem:$0x1100] =	vst v63  }
0x3e7: {  	_ =	swait.ge [sflag:s9], $0x80  }
0x3e8: {  	[sflag:s9] =	ssyncset.done $0x0  }
0x3e9: {  	[sflag:s9] =	ssyncadd.s32 $0xFFFFFF80  }
0x3ea: {  	_ =	swait.ge [sflag:s9], $0x80  }
0x3eb: {  	[sflag:s9] =	ssyncset.done $0x0  }
0x3ec: {  	[sflag:s9] =	ssyncadd.s32 $0xFFFFFF80  }
0x3ed: {  	_ =	swait.ge [sflag:s9], $0x80  }
0x3ee: {  	[sflag:s9] =	ssyncset.done $0x0  }
0x3ef: {  	[sflag:s9] =	ssyncadd.s32 $0xFFFFFF80  }
0x3f0: {  	_ =	swait.ge [sflag:s9], $0x80  }
0x3f1: {  	[sflag:s9] =	ssyncset.done $0x0  }
0x3f2: {  	[sflag:s9] =	ssyncadd.s32 $0xFFFFFF80  }
0x3f3: {  	_ =	swait.ge [sflag:s9], $0x80  }
0x3f4: {  	[sflag:s9] =	ssyncset.done $0x0  }
0x3f5: {  	[sflag:s9] =	ssyncadd.s32 $0xFFFFFF80  }
0x3f6: {  	_ =	swait.ge [sflag:s9], $0x80  }
0x3f7: {  	[sflag:s9] =	ssyncset.done $0x0  }
0x3f8: {  	[sflag:s9] =	ssyncadd.s32 $0xFFFFFF80  }
0x3f9: {  	_ =	swait.ge [sflag:s9], $0x80  }
0x3fa: {  	[sflag:s9] =	ssyncset.done $0x0  }
0x3fb: {  	[sflag:s9] =	ssyncadd.s32 $0xFFFFFF80  }
0x3fc: {  	_ =	swait.ge [sflag:s9], $0x80  }
0x3fd: {  	[sflag:s9] =	ssyncset.done $0x0  }
0x3fe: {  	[sflag:s9] =	ssyncadd.s32 $0xFFFFFF80  }
0x3ff: {  	_ =	swait.ge [sflag:s9], $0x80  }
0x400: {  	[sflag:s9] =	ssyncset.done $0x0  }
0x401: {  	[sflag:s9] =	ssyncadd.s32 $0xFFFFFF80  }
0x402: {  	_ =	swait.ge [sflag:s9], $0x80  }
0x403: {  	[sflag:s9] =	ssyncset.done $0x0  }
0x404: {  	[sflag:s9] =	ssyncadd.s32 $0xFFFFFF80  }
0x405: {  	_ =	swait.ge [sflag:s9], $0x80  }
0x406: {  	[sflag:s9] =	ssyncset.done $0x0  }
0x407: {  	[sflag:s9] =	ssyncadd.s32 $0xFFFFFF80  }
0x408: {  	_ =	swait.ge [sflag:s9], $0x80  }
0x409: {  	[sflag:s9] =	ssyncset.done $0x0  }
0x40a: {  	[sflag:s9] =	ssyncadd.s32 $0xFFFFFF80  }
0x40b: {  	_ =	swait.ge [sflag:s9], $0x80  }
0x40c: {  	[sflag:s9] =	ssyncset.done $0x0  }
0x40d: {  	[sflag:s9] =	ssyncadd.s32 $0xFFFFFF80  }
0x40e: {  	_ =	swait.ge [sflag:s9], $0x80  }
0x40f: {  	[sflag:s9] =	ssyncset.done $0x0  }
0x410: {  	[sflag:s9] =	ssyncadd.s32 $0xFFFFFF80  }
0x411: {  	_ =	swait.ge [sflag:s9], $0x80  }
0x412: {  	[sflag:s9] =	ssyncset.done $0x0  }
0x413: {  	[sflag:s9] =	ssyncadd.s32 $0xFFFFFF80  }
0x414: {  	_ =	swait.ge [sflag:s9], $0x80  }
0x415: {  	[sflag:s9] =	ssyncset.done $0x0  }
0x416: {  	[sflag:s9] =	ssyncadd.s32 $0xFFFFFF80  }
0x417: {  	_ =	swait.ge [sflag:s9], $0x80  }
0x418: {  	[sflag:s9] =	ssyncset.done $0x0  }
0x419: {  	[sflag:s9] =	ssyncadd.s32 $0xFFFFFF80  }
0x41a: {  	_ =	swait.ge [sflag:s9], $0x80  }
0x41b: {  	[sflag:s9] =	ssyncset.done $0x0  }
0x41c: {  	[sflag:s9] =	ssyncadd.s32 $0xFFFFFF80  }
0x41d: {  	_ =	swait.ge [sflag:s9], $0x80  }
0x41e: {  	[sflag:s9] =	ssyncset.done $0x0  }
0x41f: {  	[sflag:s9] =	ssyncadd.s32 $0xFFFFFF80  }
0x420: {  	_ =	swait.ge [sflag:s9], $0x80  }
0x421: {  	[sflag:s9] =	ssyncset.done $0x0  }
0x422: {  	[sflag:s9] =	ssyncadd.s32 $0xFFFFFF80  }
0x423: {  	_ =	swait.ge [sflag:s9], $0x80  }
0x424: {  	[sflag:s9] =	ssyncset.done $0x0  }
0x425: {  	[sflag:s9] =	ssyncadd.s32 $0xFFFFFF80  }
0x426: {  	_ =	swait.ge [sflag:s9], $0x80  }
0x427: {  	[sflag:s9] =	ssyncset.done $0x0  }
0x428: {  	[sflag:s9] =	ssyncadd.s32 $0xFFFFFF80  }
0x429: {  	_ =	swait.ge [sflag:s9], $0x80  }
0x42a: {  	[sflag:s9] =	ssyncset.done $0x0  }
0x42b: {  	[sflag:s9] =	ssyncadd.s32 $0xFFFFFF80  }
0x42c: {  	_ =	swait.ge [sflag:s9], $0x80  }
0x42d: {  	[sflag:s9] =	ssyncset.done $0x0  }
0x42e: {  	[sflag:s9] =	ssyncadd.s32 $0xFFFFFF80  }
0x42f: {  	_ =	swait.ge [sflag:s9], $0x80  }
0x430: {  	[sflag:s9] =	ssyncset.done $0x0  }
0x431: {  	[sflag:s9] =	ssyncadd.s32 $0xFFFFFF80  }
0x432: {  	_ =	swait.ge [sflag:s9], $0x80  }
0x433: {  	[sflag:s9] =	ssyncset.done $0x0  }
0x434: {  	[sflag:s9] =	ssyncadd.s32 $0xFFFFFF80  }
0x435: {  	_ =	swait.ge [sflag:s9], $0x80  }
0x436: {  	[sflag:s9] =	ssyncset.done $0x0  }
0x437: {  	[sflag:s9] =	ssyncadd.s32 $0xFFFFFF80  }
0x438: {  	_ =	swait.ge [sflag:s9], $0x80  }
0x439: {  	[sflag:s9] =	ssyncset.done $0x0  }
0x43a: {  	[sflag:s9] =	ssyncadd.s32 $0xFFFFFF80  }
0x43b: {  	_ =	swait.ge [sflag:s9], $0x80  }
0x43c: {  	[sflag:s9] =	ssyncset.done $0x0  }
0x43d: {  	[sflag:s9] =	ssyncadd.s32 $0xFFFFFF80  }
0x43e: {  	_ =	swait.ge [sflag:s9], $0x80  }
0x43f: {  	[sflag:s9] =	ssyncset.done $0x0  }
0x440: {  	[sflag:s9] =	ssyncadd.s32 $0xFFFFFF80  }
0x441: {  	_ =	swait.ge [sflag:s9], $0x80  }
0x442: {  	[sflag:s9] =	ssyncset.done $0x0  }
0x443: {  	[sflag:s9] =	ssyncadd.s32 $0xFFFFFF80  }
0x444: {  	_ =	swait.ge [sflag:s9], $0x80  }
0x445: {  	[sflag:s9] =	ssyncset.done $0x0  }
0x446: {  	[sflag:s9] =	ssyncadd.s32 $0xFFFFFF80  }
0x447: {  	v62 =	vld [tilespmem:$0x80];
	_ =	sdelay $0x4  }
0x448: {  	v0 =	vshll.u32 v62, $0x4  }
0x449: {  	(v2sf) =	vpush v0, $0x0;
	_ =	sdelay $0x3  }
0x44a: {  	(v2sf) =	vpush v0, $0x1;
	_ =	sdelay $0x1  }
0x44b: {  	(v2sf) =	vpush v0, $0x2;
	_ =	sdelay $0x4  }
0x44c: {  	(v2sf) =	vpush v0, $0x3;
	_ =	sdelay $0x3  }
0x44d: {  	s10 =	spop (v2sf);
	(v2sf) =	vpush v0, $0x4  }
0x44e: {  	s9 =	sand.u32 $0x1FFFFFF0, s10  }
0x44f: {  	s7 =	simm.s32 $0x100;
	s9 =	sadd.s32 s4, s9  }
0x450: {  	[hbm4b:s9+s3] =	stream.linear.scatter [tilespmem:s7], [sflag:$0x2], $0x80, $0x38;
	[tilespmem:$0x1100] =	vst v63  }
0x451: {  	s7 =	spop (v2sf);
	(v2sf) =	vpush v0, $0x5;
	_ =	sdelay $0x1  }
0x452: {  	s8 =	sand.u32 $0x1FFFFFF0, s7;
	s10 =	spop (v2sf)  }
0x453: {  	s6 =	simm.s32 $0x180;
	s8 =	sadd.s32 s4, s8;
	s7 =	sand.u32 $0x1FFFFFF0, s10  }
0x454: {  	(v2sf) =	vpush v0, $0x6;
	[hbm4b:s8+s3] =	stream.linear.scatter [tilespmem:s6], [sflag:$0x2], $0x80, $0x38;
	[tilespmem:$0x1100] =	vst v63  }
0x455: {  	s5 =	simm.s32 $0x200;
	s7 =	sadd.s32 s4, s7  }
0x456: {  	[hbm4b:s7+s3] =	stream.linear.scatter [tilespmem:s5], [sflag:$0x2], $0x80, $0x38;
	[tilespmem:$0x1100] =	vst v63  }
0x457: {  	s5 =	spop (v2sf)  }
0x458: {  	(v2sf) =	vpush v0, $0x7;
	s6 =	sand.u32 $0x1FFFFFF0, s5  }
0x459: {  	s1 =	simm.s32 $0x280;
	s6 =	sadd.s32 s4, s6  }
0x45a: {  	[hbm4b:s6+s3] =	stream.linear.scatter [tilespmem:s1], [sflag:$0x2], $0x80, $0x38;
	[tilespmem:$0x1100] =	vst v63  }
0x45b: {  	s10 =	spop (v2sf)  }
0x45c: {  	(v2sf) =	vpush v0, $0x8;
	s5 =	sand.u32 $0x1FFFFFF0, s10  }
0x45d: {  	s0 =	simm.s32 $0x300;
	s5 =	sadd.s32 s4, s5  }
0x45e: {  	[hbm4b:s5+s3] =	stream.linear.scatter [tilespmem:s0], [sflag:$0x2], $0x80, $0x38;
	[tilespmem:$0x1100] =	vst v63  }
0x45f: {  	s0 =	spop (v2sf)  }
0x460: {  	(v2sf) =	vpush v0, $0x9;
	s1 =	sand.u32 $0x1FFFFFF0, s0  }
0x461: {  	s10 =	simm.s32 $0x380;
	s1 =	sadd.s32 s4, s1  }
0x462: {  	[hbm4b:s1+s3] =	stream.linear.scatter [tilespmem:s10], [sflag:$0x2], $0x80, $0x38;
	[tilespmem:$0x1100] =	vst v63  }
0x463: {  	s10 =	spop (v2sf)  }
0x464: {  	(v2sf) =	vpush v0, $0xA;
	s0 =	sand.u32 $0x1FFFFFF0, s10  }
0x465: {  	s12 =	simm.s32 $0x400;
	s0 =	sadd.s32 s4, s0  }
0x466: {  	[hbm4b:s0+s3] =	stream.linear.scatter [tilespmem:s12], [sflag:$0x2], $0x80, $0x38;
	[tilespmem:$0x1100] =	vst v63  }
0x467: {  	s12 =	spop (v2sf)  }
0x468: {  	(v2sf) =	vpush v0, $0xB;
	s0 =	sand.u32 $0x1FFFFFF0, s12  }
0x469: {  	s0 =	sadd.s32 s4, s0  }
0x46a: {  	[hbm4b:s0+s3] =	stream.linear.scatter [tilespmem:s16], [sflag:$0x2], $0x80, $0x38;
	[tilespmem:$0x1100] =	vst v63  }
0x46b: {  	s10 =	spop (v2sf)  }
0x46c: {  	(v2sf) =	vpush v0, $0xC;
	s0 =	sand.u32 $0x1FFFFFF0, s10  }
0x46d: {  	s0 =	sadd.s32 s4, s0  }
0x46e: {  	[hbm4b:s0+s3] =	stream.linear.scatter [tilespmem:s31], [sflag:$0x2], $0x80, $0x38;
	[tilespmem:$0x1100] =	vst v63  }
0x46f: {  	s12 =	spop (v2sf)  }
0x470: {  	(v2sf) =	vpush v0, $0xD;
	s0 =	sand.u32 $0x1FFFFFF0, s12  }
0x471: {  	s16 =	simm.s32 $0x580;
	s0 =	sadd.s32 s4, s0  }
0x472: {  	[hbm4b:s0+s3] =	stream.linear.scatter [tilespmem:s16], [sflag:$0x2], $0x80, $0x38;
	[tilespmem:$0x1100] =	vst v63  }
0x473: {  	s31 =	spop (v2sf)  }
0x474: {  	(v2sf) =	vpush v0, $0xE;
	s0 =	sand.u32 $0x1FFFFFF0, s31  }
0x475: {  	s9 =	simm.s32 $0x600;
	s0 =	sadd.s32 s4, s0  }
0x476: {  	[hbm4b:s0+s3] =	stream.linear.scatter [tilespmem:s9], [sflag:$0x2], $0x80, $0x38;
	[tilespmem:$0x1100] =	vst v63  }
0x477: {  	s9 =	spop (v2sf)  }
0x478: {  	(v2sf) =	vpush v0, $0xF;
	s0 =	sand.u32 $0x1FFFFFF0, s9  }
0x479: {  	s8 =	simm.s32 $0x680;
	s0 =	sadd.s32 s4, s0  }
0x47a: {  	[hbm4b:s0+s3] =	stream.linear.scatter [tilespmem:s8], [sflag:$0x2], $0x80, $0x38;
	[tilespmem:$0x1100] =	vst v63  }
0x47b: {  	s10 =	spop (v2sf)  }
0x47c: {  	s0 =	sand.u32 $0x1FFFFFF0, s10  }
0x47d: {  	s7 =	simm.s32 $0x700;
	s0 =	sadd.s32 s4, s0  }
0x47e: {  	[hbm4b:s0+s3] =	stream.linear.scatter [tilespmem:s7], [sflag:$0x2], $0x80, $0x38;
	[tilespmem:$0x1100] =	vst v63  }
0x47f: {  	s12 =	spop (v2sf)  }
0x480: {  	s0 =	sand.u32 $0x1FFFFFF0, s12  }
0x481: {  	s6 =	simm.s32 $0x780;
	s0 =	sadd.s32 s4, s0  }
0x482: {  	[hbm4b:s0+s3] =	stream.linear.scatter [tilespmem:s6], [sflag:$0x2], $0x80, $0x38;
	[tilespmem:$0x1100] =	vst v63  }
0x483: {  	s16 =	spop (v2sf)  }
0x484: {  	s0 =	sand.u32 $0x1FFFFFF0, s16  }
0x485: {  	s5 =	simm.s32 $0x800;
	s0 =	sadd.s32 s4, s0  }
0x486: {  	[hbm4b:s0+s3] =	stream.linear.scatter [tilespmem:s5], [sflag:$0x2], $0x80, $0x38;
	[tilespmem:$0x1100] =	vst v63  }
0x487: {  	s31 =	spop (v2sf)  }
0x488: {  	s0 =	sand.u32 $0x1FFFFFF0, s31  }
0x489: {  	s1 =	simm.s32 $0x880;
	s0 =	sadd.s32 s4, s0  }
0x48a: {  	[hbm4b:s0+s3] =	stream.linear.scatter [tilespmem:s1], [sflag:$0x2], $0x80, $0x38;
	[tilespmem:$0x1100] =	vst v63  }
0x48b: {  	v63 =	vld [tilespmem:$0x90];
	_ =	sdelay $0x4  }
0x48c: {  	v0 =	vshll.u32 v63, $0x4  }
0x48d: {  	(v2sf) =	vpush v0, $0x0;
	_ =	sdelay $0x1  }
0x48e: {  	(v2sf) =	vpush v0, $0x1;
	_ =	sdelay $0x1  }
0x48f: {  	(v2sf) =	vpush v0, $0x2;
	_ =	sdelay $0x2  }
0x490: {  	(v2sf) =	vpush v0, $0x3;
	_ =	sdelay $0x7  }
0x491: {  	s5 =	spop (v2sf);
	(v2sf) =	vpush v0, $0x4;
	_ =	sdelay $0x1  }
0x492: {  	s6 =	spop (v2sf);
	(v2sf) =	vpush v0, $0x5;
	_ =	sdelay $0x1  }
0x493: {  	s0 =	sand.u32 $0x1FFFFFF0, s5;
	s7 =	spop (v2sf);
	(v2sf) =	vpush v0, $0x6  }
0x494: {  	s0 =	sadd.s32 s4, s0  }
0x495: {  	[hbm4b:s0+s3] =	stream.linear.scatter [tilespmem:s30], [sflag:$0x2], $0x80, $0x38;
	[tilespmem:$0x1100] =	vst v63  }
0x496: {  	s8 =	spop (v2sf);
	(v2sf) =	vpush v0, $0x7  }
0x497: {  	s0 =	sand.u32 $0x1FFFFFF0, s6  }
0x498: {  	s0 =	sadd.s32 s4, s0  }
0x499: {  	[hbm4b:s0+s3] =	stream.linear.scatter [tilespmem:s29], [sflag:$0x2], $0x80, $0x38;
	[tilespmem:$0x1100] =	vst v63  }
0x49a: {  	s0 =	sand.u32 $0x1FFFFFF0, s7  }
0x49b: {  	s0 =	sadd.s32 s4, s0  }
0x49c: {  	[hbm4b:s0+s3] =	stream.linear.scatter [tilespmem:s28], [sflag:$0x2], $0x80, $0x38;
	[tilespmem:$0x1100] =	vst v63  }
0x49d: {  	s0 =	sand.u32 $0x1FFFFFF0, s8  }
0x49e: {  	s0 =	sadd.s32 s4, s0;
	s9 =	spop (v2sf);
	(v2sf) =	vpush v0, $0x8  }
0x49f: {  	[hbm4b:s0+s3] =	stream.linear.scatter [tilespmem:s26], [sflag:$0x2], $0x80, $0x38;
	[tilespmem:$0x1100] =	vst v63  }
0x4a0: {  	s10 =	spop (v2sf);
	(v2sf) =	vpush v0, $0x9  }
0x4a1: {  	s0 =	sand.u32 $0x1FFFFFF0, s9  }
0x4a2: {  	s0 =	sadd.s32 s4, s0;
	s12 =	spop (v2sf);
	(v2sf) =	vpush v0, $0xA  }
0x4a3: {  	[hbm4b:s0+s3] =	stream.linear.scatter [tilespmem:s25], [sflag:$0x2], $0x80, $0x38;
	[tilespmem:$0x1100] =	vst v63  }
0x4a4: {  	s0 =	sand.u32 $0x1FFFFFF0, s10  }
0x4a5: {  	s16 =	spop (v2sf);
	(v2sf) =	vpush v0, $0xB;
	s0 =	sadd.s32 s4, s0  }
0x4a6: {  	[hbm4b:s0+s3] =	stream.linear.scatter [tilespmem:s24], [sflag:$0x2], $0x80, $0x38;
	[tilespmem:$0x1100] =	vst v63  }
0x4a7: {  	s0 =	sand.u32 $0x1FFFFFF0, s12  }
0x4a8: {  	s0 =	sadd.s32 s4, s0  }
0x4a9: {  	[hbm4b:s0+s3] =	stream.linear.scatter [tilespmem:s23], [sflag:$0x2], $0x80, $0x38;
	[tilespmem:$0x1100] =	vst v63  }
0x4aa: {  	s0 =	sand.u32 $0x1FFFFFF0, s16  }
0x4ab: {  	s0 =	sadd.s32 s4, s0  }
0x4ac: {  	[hbm4b:s0+s3] =	stream.linear.scatter [tilespmem:s22], [sflag:$0x2], $0x80, $0x38;
	[tilespmem:$0x1100] =	vst v63  }
0x4ad: {  	s22 =	spop (v2sf);
	(v2sf) =	vpush v0, $0xC;
	_ =	sdelay $0x1  }
0x4ae: {  	s23 =	spop (v2sf);
	(v2sf) =	vpush v0, $0xD  }
0x4af: {  	s0 =	sand.u32 $0x1FFFFFF0, s22  }
0x4b0: {  	s0 =	sadd.s32 s4, s0;
	s24 =	spop (v2sf)  }
0x4b1: {  	(v2sf) =	vpush v0, $0xE;
	[hbm4b:s0+s3] =	stream.linear.scatter [tilespmem:s21], [sflag:$0x2], $0x80, $0x38;
	[tilespmem:$0x1100] =	vst v63  }
0x4b2: {  	s0 =	sand.u32 $0x1FFFFFF0, s23  }
0x4b3: {  	s25 =	spop (v2sf);
	s0 =	sadd.s32 s4, s0  }
0x4b4: {  	(v2sf) =	vpush v0, $0xF;
	[hbm4b:s0+s3] =	stream.linear.scatter [tilespmem:s20], [sflag:$0x2], $0x80, $0x38;
	[tilespmem:$0x1100] =	vst v63  }
0x4b5: {  	s0 =	sand.u32 $0x1FFFFFF0, s24  }
0x4b6: {  	s0 =	sadd.s32 s4, s0  }
0x4b7: {  	[hbm4b:s0+s3] =	stream.linear.scatter [tilespmem:s19], [sflag:$0x2], $0x80, $0x38;
	[tilespmem:$0x1100] =	vst v63  }
0x4b8: {  	s0 =	sand.u32 $0x1FFFFFF0, s25  }
0x4b9: {  	s0 =	sadd.s32 s4, s0  }
0x4ba: {  	[hbm4b:s0+s3] =	stream.linear.scatter [tilespmem:s18], [sflag:$0x2], $0x80, $0x38;
	[tilespmem:$0x1100] =	vst v63  }
0x4bb: {  	s26 =	spop (v2sf)  }
0x4bc: {  	s0 =	sand.u32 $0x1FFFFFF0, s26  }
0x4bd: {  	s28 =	spop (v2sf);
	s0 =	sadd.s32 s4, s0  }
0x4be: {  	[hbm4b:s0+s3] =	stream.linear.scatter [tilespmem:s17], [sflag:$0x2], $0x80, $0x38;
	[tilespmem:$0x1100] =	vst v63  }
0x4bf: {  	s0 =	sand.u32 $0x1FFFFFF0, s28  }
0x4c0: {  	s29 =	spop (v2sf);
	s0 =	sadd.s32 s4, s0  }
0x4c1: {  	[hbm4b:s0+s3] =	stream.linear.scatter [tilespmem:s13], [sflag:$0x2], $0x80, $0x38;
	[tilespmem:$0x1100] =	vst v63  }
0x4c2: {  	s0 =	sand.u32 $0x1FFFFFF0, s29  }
0x4c3: {  	s30 =	simm.s32 $0x1000;
	s31 =	spop (v2sf);
	s0 =	sadd.s32 s4, s0  }
0x4c4: {  	[hbm4b:s0+s3] =	stream.linear.scatter [tilespmem:s30], [sflag:$0x2], $0x80, $0x38;
	[tilespmem:$0x1100] =	vst v63  }
0x4c5: {  	s0 =	sand.u32 $0x1FFFFFF0, s31  }
0x4c6: {  	s0 =	sadd.s32 s4, s0  }
0x4c7: {  	[hbm4b:s0+s3] =	stream.linear.scatter [tilespmem:s11], [sflag:$0x2], $0x80, $0x38;
	[tilespmem:$0x1100] =	vst v63  }
0x4c8: {  	_ =	swait.ge [sflag:s2], $0x80  }
0x4c9: {  	[sflag:s2] =	ssyncset.done $0x0  }
0x4ca: {  	[sflag:s2] =	ssyncadd.s32 $0xFFFFFF80  }
0x4cb: {  	_ =	swait.ge [sflag:s2], $0x80  }
0x4cc: {  	[sflag:s2] =	ssyncset.done $0x0  }
0x4cd: {  	[sflag:s2] =	ssyncadd.s32 $0xFFFFFF80  }
0x4ce: {  	_ =	swait.ge [sflag:s2], $0x80  }
0x4cf: {  	[sflag:s2] =	ssyncset.done $0x0  }
0x4d0: {  	[sflag:s2] =	ssyncadd.s32 $0xFFFFFF80  }
0x4d1: {  	_ =	swait.ge [sflag:s2], $0x80  }
0x4d2: {  	[sflag:s2] =	ssyncset.done $0x0  }
0x4d3: {  	[sflag:s2] =	ssyncadd.s32 $0xFFFFFF80  }
0x4d4: {  	_ =	swait.ge [sflag:s2], $0x80  }
0x4d5: {  	[sflag:s2] =	ssyncset.done $0x0  }
0x4d6: {  	[sflag:s2] =	ssyncadd.s32 $0xFFFFFF80  }
0x4d7: {  	_ =	swait.ge [sflag:s2], $0x80  }
0x4d8: {  	[sflag:s2] =	ssyncset.done $0x0  }
0x4d9: {  	[sflag:s2] =	ssyncadd.s32 $0xFFFFFF80  }
0x4da: {  	_ =	swait.ge [sflag:s2], $0x80  }
0x4db: {  	[sflag:s2] =	ssyncset.done $0x0  }
0x4dc: {  	[sflag:s2] =	ssyncadd.s32 $0xFFFFFF80  }
0x4dd: {  	_ =	swait.ge [sflag:s2], $0x80  }
0x4de: {  	[sflag:s2] =	ssyncset.done $0x0  }
0x4df: {  	[sflag:s2] =	ssyncadd.s32 $0xFFFFFF80  }
0x4e0: {  	_ =	swait.ge [sflag:s2], $0x80  }
0x4e1: {  	[sflag:s2] =	ssyncset.done $0x0  }
0x4e2: {  	[sflag:s2] =	ssyncadd.s32 $0xFFFFFF80  }
0x4e3: {  	_ =	swait.ge [sflag:s2], $0x80  }
0x4e4: {  	[sflag:s2] =	ssyncset.done $0x0  }
0x4e5: {  	[sflag:s2] =	ssyncadd.s32 $0xFFFFFF80  }
0x4e6: {  	_ =	swait.ge [sflag:s2], $0x80  }
0x4e7: {  	[sflag:s2] =	ssyncset.done $0x0  }
0x4e8: {  	[sflag:s2] =	ssyncadd.s32 $0xFFFFFF80  }
0x4e9: {  	_ =	swait.ge [sflag:s2], $0x80  }
0x4ea: {  	[sflag:s2] =	ssyncset.done $0x0  }
0x4eb: {  	[sflag:s2] =	ssyncadd.s32 $0xFFFFFF80  }
0x4ec: {  	_ =	swait.ge [sflag:s2], $0x80  }
0x4ed: {  	[sflag:s2] =	ssyncset.done $0x0  }
0x4ee: {  	[sflag:s2] =	ssyncadd.s32 $0xFFFFFF80  }
0x4ef: {  	_ =	swait.ge [sflag:s2], $0x80  }
0x4f0: {  	[sflag:s2] =	ssyncset.done $0x0  }
0x4f1: {  	[sflag:s2] =	ssyncadd.s32 $0xFFFFFF80  }
0x4f2: {  	_ =	swait.ge [sflag:s2], $0x80  }
0x4f3: {  	[sflag:s2] =	ssyncset.done $0x0  }
0x4f4: {  	[sflag:s2] =	ssyncadd.s32 $0xFFFFFF80  }
0x4f5: {  	_ =	swait.ge [sflag:s2], $0x80  }
0x4f6: {  	[sflag:s2] =	ssyncset.done $0x0  }
0x4f7: {  	[sflag:s2] =	ssyncadd.s32 $0xFFFFFF80  }
0x4f8: {  	_ =	swait.ge [sflag:s2], $0x80  }
0x4f9: {  	[sflag:s2] =	ssyncset.done $0x0  }
0x4fa: {  	[sflag:s2] =	ssyncadd.s32 $0xFFFFFF80  }
0x4fb: {  	_ =	swait.ge [sflag:s2], $0x80  }
0x4fc: {  	[sflag:s2] =	ssyncset.done $0x0  }
0x4fd: {  	[sflag:s2] =	ssyncadd.s32 $0xFFFFFF80  }
0x4fe: {  	_ =	swait.ge [sflag:s2], $0x80  }
0x4ff: {  	[sflag:s2] =	ssyncset.done $0x0  }
0x500: {  	[sflag:s2] =	ssyncadd.s32 $0xFFFFFF80  }
0x501: {  	_ =	swait.ge [sflag:s2], $0x80  }
0x502: {  	[sflag:s2] =	ssyncset.done $0x0  }
0x503: {  	[sflag:s2] =	ssyncadd.s32 $0xFFFFFF80  }
0x504: {  	_ =	swait.ge [sflag:s2], $0x80  }
0x505: {  	[sflag:s2] =	ssyncset.done $0x0  }
0x506: {  	[sflag:s2] =	ssyncadd.s32 $0xFFFFFF80  }
0x507: {  	_ =	swait.ge [sflag:s2], $0x80  }
0x508: {  	[sflag:s2] =	ssyncset.done $0x0  }
0x509: {  	[sflag:s2] =	ssyncadd.s32 $0xFFFFFF80  }
0x50a: {  	_ =	swait.ge [sflag:s2], $0x80  }
0x50b: {  	[sflag:s2] =	ssyncset.done $0x0  }
0x50c: {  	[sflag:s2] =	ssyncadd.s32 $0xFFFFFF80  }
0x50d: {  	_ =	swait.ge [sflag:s2], $0x80  }
0x50e: {  	[sflag:s2] =	ssyncset.done $0x0  }
0x50f: {  	[sflag:s2] =	ssyncadd.s32 $0xFFFFFF80  }
0x510: {  	_ =	swait.ge [sflag:s2], $0x80  }
0x511: {  	[sflag:s2] =	ssyncset.done $0x0  }
0x512: {  	[sflag:s2] =	ssyncadd.s32 $0xFFFFFF80  }
0x513: {  	_ =	swait.ge [sflag:s2], $0x80  }
0x514: {  	[sflag:s2] =	ssyncset.done $0x0  }
0x515: {  	[sflag:s2] =	ssyncadd.s32 $0xFFFFFF80  }
0x516: {  	_ =	swait.ge [sflag:s2], $0x80  }
0x517: {  	[sflag:s2] =	ssyncset.done $0x0  }
0x518: {  	[sflag:s2] =	ssyncadd.s32 $0xFFFFFF80  }
0x519: {  	_ =	swait.ge [sflag:s2], $0x80  }
0x51a: {  	[sflag:s2] =	ssyncset.done $0x0  }
0x51b: {  	[sflag:s2] =	ssyncadd.s32 $0xFFFFFF80  }
0x51c: {  	_ =	swait.ge [sflag:s2], $0x80  }
0x51d: {  	[sflag:s2] =	ssyncset.done $0x0  }
0x51e: {  	[sflag:s2] =	ssyncadd.s32 $0xFFFFFF80  }
0x51f: {  	_ =	swait.ge [sflag:s2], $0x80  }
0x520: {  	[sflag:s2] =	ssyncset.done $0x0  }
0x521: {  	[sflag:s2] =	ssyncadd.s32 $0xFFFFFF80  }
0x522: {  	_ =	swait.ge [sflag:s2], $0x80  }
0x523: {  	[sflag:s2] =	ssyncset.done $0x0  }
0x524: {  	[sflag:s2] =	ssyncadd.s32 $0xFFFFFF80  }
0x525: {  	_ =	swait.ge [sflag:s2], $0x80  }
0x526: {  	[sflag:s2] =	ssyncset.done $0x0  }
0x527: {  	[sflag:s2] =	ssyncadd.s32 $0xFFFFFF80  }
0x528: {  	_ =	sfence.sel $0x180000  }
0x529: {  	[bflag:$0x0] =	sbarrier.arrive $0xFFFF  }
0x52a: {  	p0 =	sne.s32 s15, $0x0;
	_ =	strace $0x9000004A  }
0x52b: {  	s0 =	sadd.s32 @!p0 $0x100000, s14;
	[bflag:$0x2] =	sbarrier.arrive $0xFFFF  }
0x52c: {  	[sflag:s0] =	ssyncadd.tile.s32 @!p0 $0x1;
	_ =	shalt  }
.LBB2_2:
.Ltmp3:
0x52d: {  	(pc) =	sbr.rel .LBB2_5-.Ltmp3, $4  }
0x52e: {  	s14 =	rddreg [dreg:$0x3]  }
0x52f: {  	s15 =	stileid.u32;
	s17 =	simm.s32 $0x400;
	s16 =	simm.s32 $0x380  }
0x530: {  	s18 =	simm.s32 $0x300;
	s19 =	simm.s32 $0x280;
	s20 =	simm.s32 $0x200  }
0x531: {  	s21 =	simm.s32 $0x180;
	s22 =	simm.s32 $0x100;
	s23 =	simm.s32 $0x3  }
.Lfunc_end2:
_tile_overlayer_lowered:
.L_overlay_start_2:
0x532: {  	(tag) =	ssettag $0x2  }
0x533: {  	s0 =	rddreg [dreg:$0x0];
	s2 =	stileid.u32  }
0x534: {  	s1 =	rddreg [dreg:$0x1];
	p0 =	sne.s32 s2, $0x0  }
0x535: {  	s3 =	rddreg [dreg:$0x2];
	[bflag:$0x3] =	sbarrier.arrive $0xFFFF;
	s2 =	simm.s32 @!p0 $0x1C03  }
0x536: {  	[timem:s3], [sflag:s2] =	dma.local @!p0 [hbm:s0], s1  }
0x537: {  	s0 =	simm.s32 @!p0 $0x3  }
0x538: {  	_ =	swait.ge @!p0 [sflag:s0], s1  }
0x539: {  	s1 =	ssub.s32 @!p0 $0x0, s1;
	[sflag:s0] =	ssyncset.done @!p0 $0x0  }
0x53a: {  	[sflag:s0] =	ssyncadd.s32 @!p0 s1  }
0x53b: {  	[bflag:$0x3] =	sbarrier.arrive $0xFFFF  }
0x53c: {  	_ =	shalt  }

</sc_bundles>
